<compile_context>
chip_gen: v7x
topology: tpu7x:2x2x1
jax: 0.10.2.dev20260603
libtpu: 0.0.44.dev20260713+nightly
codegen_flags: <defaults>
</compile_context>

<pallas_src>
import jax
import jax.numpy as jnp
from jax import lax
from jax.experimental import pallas as pl
from jax.experimental.pallas import tpu as pltpu
from jax.experimental.pallas import tpu_sc as plsc

N = 10000
E = 320000
D = 128
S = 2048
DG = 8
DE = D + DG

NC = 2
NS = 16
NW = NC * NS
EW = E // NW
K = 80
CPS = 25
NSUPER = EW // (K * CPS)
ROWS_T = N // NS
SW = S // NW
LANES = 16

ROW_OFFS = tuple(range(0, D, LANES)) + (DE - LANES,)


def _encode_body(src_h, dst_h, typ_h, nodep_h, relnp_h,
                 agg0_h, agg1_h,
                 agg_sh, rel_sh, sidx, didx, tidx,
                 br0, br1, br2,
                 semb0, semb1, semb2, semc0, semc1, semc2,
                 semd0, semd1, semd2):
    c = lax.axis_index("c")
    s = lax.axis_index("s")
    wid = s * NC + c
    br = [br0, br1, br2]
    semb = [semb0, semb1, semb2]
    semc = [semc0, semc1, semc2]
    semd = [semd0, semd1, semd2]
    zero = jnp.zeros((LANES,), jnp.float32)
    zeroi = jnp.zeros((LANES,), jnp.int32)

    def zb_body(j, carry):
        for off in ROW_OFFS:
            br0[j, pl.ds(off, LANES)] = zero
        return carry

    lax.fori_loop(0, K, zb_body, None)

    def didx_body(j, carry):
        for i in range(K // LANES):
            didx[j, pl.ds(i * LANES, LANES)] = zeroi
        return carry

    lax.fori_loop(0, CPS, didx_body, None)

    for q in range(7):
        pltpu.sync_copy(br0, agg_sh.at[pl.ds(s * ROWS_T + q * K, K)])
    pltpu.sync_copy(br0.at[pl.ds(0, 65)],
                    agg_sh.at[pl.ds(s * ROWS_T + 7 * K, 65)])

    @pl.when(s == 0)
    def _():
        pltpu.sync_copy(relnp_h, rel_sh)
    plsc.subcore_barrier()

    def block(g, carry):
        rbase = wid * (EW // K) + g * CPS
        pltpu.sync_copy(src_h.at[pl.ds(rbase, CPS)], sidx)
        pltpu.sync_copy(typ_h.at[pl.ds(rbase, CPS)], tidx)
        pltpu.sync_copy(dst_h.at[pl.ds(rbase, CPS)], didx)
        cpn = [None, None, None]
        cpc = [None, None, None]
        cpn[0] = pltpu.async_copy(nodep_h.at[sidx.at[0]], br[0], semb[0])
        for q in range(CPS):
            p = q % 3
            if q >= 1:
                pl_ = (q - 1) % 3
                cpc[pl_].wait()
                pltpu.async_copy(br[pl_], agg_sh.at[didx.at[q - 1]],
                                 semd[pl_], add=True)
            if q >= 2:
                pp = (q - 2) % 3
                pltpu.make_async_copy(
                    br0, agg_sh.at[didx.at[0]], semd[pp]).wait()
            if q + 1 < CPS:
                pn = (q + 1) % 3
                cpn[pn] = pltpu.async_copy(nodep_h.at[sidx.at[q + 1]],
                                           br[pn], semb[pn])
            cpn[p].wait()
            cpc[p] = pltpu.async_copy(rel_sh.at[tidx.at[q]], br[p],
                                      semc[p], add=True)
        pl_ = (CPS - 1) % 3
        cpc[pl_].wait()
        pltpu.async_copy(br[pl_], agg_sh.at[didx.at[CPS - 1]],
                         semd[pl_], add=True)
        for pp in ((CPS - 2) % 3, (CPS - 1) % 3):
            pltpu.make_async_copy(br0, agg_sh.at[didx.at[0]], semd[pp]).wait()
        return carry

    lax.fori_loop(0, NSUPER, block, None)
    plsc.subcore_barrier()

    @pl.when(c == 0)
    def _():
        pltpu.sync_copy(agg_sh.at[pl.ds(s * ROWS_T, ROWS_T)],
                        agg0_h.at[pl.ds(s * ROWS_T, ROWS_T)])

    @pl.when(c == 1)
    def _():
        pltpu.sync_copy(agg_sh.at[pl.ds(s * ROWS_T, ROWS_T)],
                        agg1_h.at[pl.ds(s * ROWS_T, ROWS_T)])


def _extract_body(sub_h, a0_h, a1_h, node_h, x_h,
                  idx, g0, g1, gn, xb, sem):
    c = lax.axis_index("c")
    s = lax.axis_index("s")
    wid = s * NC + c
    base = wid * SW
    pltpu.sync_copy(sub_h.at[pl.ds(base, SW)], idx)
    cps = [pltpu.async_copy(a0_h.at[idx], g0, sem),
           pltpu.async_copy(a1_h.at[idx], g1, sem),
           pltpu.async_copy(node_h.at[idx], gn, sem)]
    for cp in cps:
        cp.wait()

    def row(j, carry):
        dpos = jnp.full((LANES,), D, jnp.int32)
        jv = jnp.full((LANES,), j, jnp.int32)
        deg = (plsc.load_gather(g0, [jv, dpos]) +
               plsc.load_gather(g1, [jv, dpos]))
        rcp = 1.0 / jnp.maximum(deg, 1.0)
        for i in range(D // LANES):
            sl = pl.ds(i * LANES, LANES)
            xb[j, sl] = (g0[j, sl] + g1[j, sl]) * rcp + gn[j, sl]
        return carry

    lax.fori_loop(0, SW, row, None)
    pltpu.sync_copy(xb, x_h.at[pl.ds(base, SW)])


def _matmul_body(x_ref, w_ref, o_ref):
    o_ref[...] = jnp.tanh(
        jnp.dot(x_ref[...], w_ref[...], preferred_element_type=jnp.float32))


@jax.jit
def kernel(edge_index, edge_type, subgraph_nodes, node_emb, rel_emb, W):
    src = edge_index[0].reshape(E // K, K)
    dst = edge_index[1].reshape(E // K, K)
    etype = edge_type.reshape(E // K, K)
    node_pad = jnp.concatenate(
        [node_emb, jnp.ones((N, DG), jnp.float32)], axis=1)
    reln_pad = jnp.concatenate(
        [-rel_emb, jnp.zeros((rel_emb.shape[0], DG), jnp.float32)], axis=1)

    mesh = plsc.VectorSubcoreMesh(core_axis_name="c", subcore_axis_name="s")
    encode = pl.kernel(
        _encode_body,
        out_type=[jax.ShapeDtypeStruct((N, DE), jnp.float32),
                  jax.ShapeDtypeStruct((N, DE), jnp.float32)],
        mesh=mesh,
        scratch_types=[
            pltpu.VMEM_SHARED((N, DE), jnp.float32),
            pltpu.VMEM_SHARED((200, DE), jnp.float32),
            pltpu.VMEM((CPS, K), jnp.int32),
            pltpu.VMEM((CPS, K), jnp.int32),
            pltpu.VMEM((CPS, K), jnp.int32),
            pltpu.VMEM((K, DE), jnp.float32),
            pltpu.VMEM((K, DE), jnp.float32),
            pltpu.VMEM((K, DE), jnp.float32),
        ] + [pltpu.SemaphoreType.DMA] * 9,
        compiler_params=pltpu.CompilerParams(use_tc_tiling_on_sc=False),
    )
    agg0, agg1 = encode(src, dst, etype, node_pad, reln_pad)

    extract = pl.kernel(
        _extract_body,
        out_type=jax.ShapeDtypeStruct((S, D), jnp.float32),
        mesh=plsc.VectorSubcoreMesh(core_axis_name="c", subcore_axis_name="s"),
        scratch_types=[
            pltpu.VMEM((SW,), jnp.int32),
            pltpu.VMEM((SW, DE), jnp.float32),
            pltpu.VMEM((SW, DE), jnp.float32),
            pltpu.VMEM((SW, D), jnp.float32),
            pltpu.VMEM((SW, D), jnp.float32),
            pltpu.SemaphoreType.DMA,
        ],
        compiler_params=pltpu.CompilerParams(use_tc_tiling_on_sc=False,
                                             needs_layout_passes=False),
    )
    x = extract(subgraph_nodes, agg0, agg1, node_emb)

    return pl.pallas_call(
        _matmul_body,
        out_shape=jax.ShapeDtypeStruct((S, D), jnp.float32),
    )(x, W)

# --- scband reference (transcript-rebuilt; emitter-appended) ---
"""Pipeline reference for scband-comp-gcnfeature-extractor-50414326120577 (READ-ONLY COPY).

The authoritative reference and input builder live on the scoring server;
editing this copy changes nothing except your own understanding.
"""

import jax, jax.numpy as jnp
import numpy as np

N = 10000
E = 320000
D = 128
R = 200
S = 2048


def setup_inputs(seed: int = 0) -> dict:
    key = jax.random.key(seed)
    ks = jax.random.split(key, 6)
    edge_index = jax.random.randint(ks[0], (2, E), 0, N, dtype=jnp.int32)
    edge_type = jax.random.randint(ks[1], (E,), 0, R, dtype=jnp.int32)
    subgraph_nodes = jax.random.randint(ks[2], (S,), 0, N, dtype=jnp.int32)
    node_emb = jax.random.normal(ks[3], (N, D), dtype=jnp.float32) * 0.02
    rel_emb = jax.random.normal(ks[4], (R, D), dtype=jnp.float32) * 0.02
    W = jax.random.normal(ks[5], (D, D), dtype=jnp.float32) / np.sqrt(D)
    return {
        "edge_index": edge_index,
        "edge_type": edge_type,
        "subgraph_nodes": subgraph_nodes,
        "node_emb": node_emb,
        "rel_emb": rel_emb,
        "W": W,
    }


def reference(edge_index, edge_type, subgraph_nodes, node_emb, rel_emb, W):
    # CompGCN-style encode: composition (subtraction) of neighbor node and
    # relation embeddings, scatter-add aggregation by destination node,
    # degree normalization, linear transform + self-loop, nonlinearity.
    src = edge_index[0]
    dst = edge_index[1]
    # gather (SparseCore): neighbor node embeddings and relation embeddings
    msg = node_emb[src] - rel_emb[edge_type]
    # scatter-add aggregation per destination node
    agg = jnp.zeros_like(node_emb).at[dst].add(msg)
    deg = jnp.zeros((node_emb.shape[0],), dtype=node_emb.dtype).at[dst].add(1.0)
    agg = agg / jnp.maximum(deg, 1.0)[:, None]
    h = jnp.tanh(agg @ W + node_emb @ W)
    # extract_subgraph_features: gather subgraph node rows
    sub_feat = h[subgraph_nodes]
    return sub_feat

if __name__ == "__main__":
    import jax
    _d = setup_inputs()
    print(jax.jit(kernel)(*tuple(_d.values())))

</pallas_src>

<mosaic_0001>
#map = affine_map<(d0, d1) -> (0)>
#map1 = affine_map<(d0, d1) -> (0, 0)>
module attributes {stable_mosaic.version = 14 : i64} {
  func.func @_extract_body(%arg0: i32, %arg1: i32, %arg2: memref<2048xi32, #tpu.memory_space<hbm>>, %arg3: memref<10000x136xf32, #tpu.memory_space<hbm>>, %arg4: memref<10000x136xf32, #tpu.memory_space<hbm>>, %arg5: memref<10000x128xf32, #tpu.memory_space<hbm>>, %arg6: memref<2048x128xf32, #tpu.memory_space<hbm>>, %arg7: memref<64xi32, #tpu.memory_space<vmem>>, %arg8: memref<64x136xf32, #tpu.memory_space<vmem>>, %arg9: memref<64x136xf32, #tpu.memory_space<vmem>>, %arg10: memref<64x128xf32, #tpu.memory_space<vmem>>, %arg11: memref<64x128xf32, #tpu.memory_space<vmem>>, %arg12: memref<!tpu.dma_semaphore, #tpu.memory_space<semaphore_mem>>) attributes {dimension_semantics = [#tpu.dimension_semantics<core_parallel>, #tpu.dimension_semantics<subcore_parallel>], iteration_bounds = array<i64: 2, 16>, scalar_prefetch = 0 : i64, scratch_operands = 6 : i64, tpu.core_type = #tpu.core_type<sc_vector_subcore>, window_params = [{transform_indices = #map}, {transform_indices = #map1}, {transform_indices = #map1}, {transform_indices = #map1}, {transform_indices = #map1}]} {
    %mul3A = arith.constant 2 : i32
    %mul3A_0 = arith.muli %arg1, %mul3A : i32
    %add3A = arith.addi %mul3A_0, %arg0 : i32
    %mul3A_1 = arith.constant 64 : i32
    %mul3A_2 = arith.muli %add3A, %mul3A_1 : i32
    "tpu.region"() ({
      %run_scoped3A = tpu.sem_alloc : memref<!tpu.dma_semaphore, #tpu.memory_space<semaphore_mem>>
      %dma_start3A_23 = tpu.memref_slice %arg2[%mul3A_2] : memref<2048xi32, #tpu.memory_space<hbm>> -> memref<64xi32, #tpu.memory_space<hbm>>
      %dma_start3A_24 = tpu.memref_slice %arg2[%mul3A_2] : memref<2048xi32, #tpu.memory_space<hbm>> -> memref<64xi32, #tpu.memory_space<hbm>>
      tpu.enqueue_dma source(%dma_start3A_24 : memref<64xi32, #tpu.memory_space<hbm>>) target(%arg7 : memref<64xi32, #tpu.memory_space<vmem>>) target_semaphore(%run_scoped3A : memref<!tpu.dma_semaphore, #tpu.memory_space<semaphore_mem>>)
      %dma_wait3A_25 = tpu.memref_slice %arg2[%mul3A_2] : memref<2048xi32, #tpu.memory_space<hbm>> -> memref<64xi32, #tpu.memory_space<hbm>>
      %dma_wait3A_26 = tpu.memref_slice %arg2[%mul3A_2] : memref<2048xi32, #tpu.memory_space<hbm>> -> memref<64xi32, #tpu.memory_space<hbm>>
      tpu.wait_dma2 semaphore(%run_scoped3A : memref<!tpu.dma_semaphore, #tpu.memory_space<semaphore_mem>>) src(%dma_wait3A_26 : memref<64xi32, #tpu.memory_space<hbm>>) dst(%arg7 : memref<64xi32, #tpu.memory_space<vmem>>)
      tpu.yield
    }) : () -> ()
    %dma_start3A = arith.constant 0 : i32
    %dma_start3A_3 = arith.constant 0 : i32
    %dma_start3A_4 = tpu.memref_slice %arg3[%dma_start3A, %dma_start3A_3] : memref<10000x136xf32, #tpu.memory_space<hbm>> -> memref<10000x136xf32, #tpu.memory_space<hbm>>
    tpu.enqueue_indirect_dma source(%dma_start3A_4 : memref<10000x136xf32, #tpu.memory_space<hbm>>) target(%arg8 : memref<64x136xf32, #tpu.memory_space<vmem>>) offsets(%arg7 : memref<64xi32, #tpu.memory_space<vmem>>) semaphore(%arg12 : memref<!tpu.dma_semaphore, #tpu.memory_space<semaphore_mem>>)
    %dma_start3A_5 = arith.constant 0 : i32
    %dma_start3A_6 = arith.constant 0 : i32
    %dma_start3A_7 = tpu.memref_slice %arg4[%dma_start3A_5, %dma_start3A_6] : memref<10000x136xf32, #tpu.memory_space<hbm>> -> memref<10000x136xf32, #tpu.memory_space<hbm>>
    tpu.enqueue_indirect_dma source(%dma_start3A_7 : memref<10000x136xf32, #tpu.memory_space<hbm>>) target(%arg9 : memref<64x136xf32, #tpu.memory_space<vmem>>) offsets(%arg7 : memref<64xi32, #tpu.memory_space<vmem>>) semaphore(%arg12 : memref<!tpu.dma_semaphore, #tpu.memory_space<semaphore_mem>>)
    %dma_start3A_8 = arith.constant 0 : i32
    %dma_start3A_9 = arith.constant 0 : i32
    %dma_start3A_10 = tpu.memref_slice %arg5[%dma_start3A_8, %dma_start3A_9] : memref<10000x128xf32, #tpu.memory_space<hbm>> -> memref<10000x128xf32, #tpu.memory_space<hbm>>
    tpu.enqueue_indirect_dma source(%dma_start3A_10 : memref<10000x128xf32, #tpu.memory_space<hbm>>) target(%arg10 : memref<64x128xf32, #tpu.memory_space<vmem>>) offsets(%arg7 : memref<64xi32, #tpu.memory_space<vmem>>) semaphore(%arg12 : memref<!tpu.dma_semaphore, #tpu.memory_space<semaphore_mem>>)
    %dma_wait3A = arith.constant 0 : i32
    %dma_wait3A_11 = arith.constant 0 : i32
    %dma_wait3A_12 = tpu.memref_slice %arg3[%dma_wait3A, %dma_wait3A_11] : memref<10000x136xf32, #tpu.memory_space<hbm>> -> memref<10000x136xf32, #tpu.memory_space<hbm>>
    tpu.wait_indirect_dma semaphore(%arg12 : memref<!tpu.dma_semaphore, #tpu.memory_space<semaphore_mem>>) src(%dma_wait3A_12 : memref<10000x136xf32, #tpu.memory_space<hbm>>) dst(%arg8 : memref<64x136xf32, #tpu.memory_space<vmem>>)
    %dma_wait3A_13 = arith.constant 0 : i32
    %dma_wait3A_14 = arith.constant 0 : i32
    %dma_wait3A_15 = tpu.memref_slice %arg4[%dma_wait3A_13, %dma_wait3A_14] : memref<10000x136xf32, #tpu.memory_space<hbm>> -> memref<10000x136xf32, #tpu.memory_space<hbm>>
    tpu.wait_indirect_dma semaphore(%arg12 : memref<!tpu.dma_semaphore, #tpu.memory_space<semaphore_mem>>) src(%dma_wait3A_15 : memref<10000x136xf32, #tpu.memory_space<hbm>>) dst(%arg9 : memref<64x136xf32, #tpu.memory_space<vmem>>)
    %dma_wait3A_16 = arith.constant 0 : i32
    %dma_wait3A_17 = arith.constant 0 : i32
    %dma_wait3A_18 = tpu.memref_slice %arg5[%dma_wait3A_16, %dma_wait3A_17] : memref<10000x128xf32, #tpu.memory_space<hbm>> -> memref<10000x128xf32, #tpu.memory_space<hbm>>
    tpu.wait_indirect_dma semaphore(%arg12 : memref<!tpu.dma_semaphore, #tpu.memory_space<semaphore_mem>>) src(%dma_wait3A_18 : memref<10000x128xf32, #tpu.memory_space<hbm>>) dst(%arg10 : memref<64x128xf32, #tpu.memory_space<vmem>>)
    %scan3A = arith.constant 0 : i32
    %scan3A_19 = arith.constant 64 : i32
    %scan3A_20 = arith.addi %scan3A, %scan3A_19 : i32
    %scan3A_21 = arith.constant 1 : i32
    scf.for %scan3A_23 = %scan3A to %scan3A_20 step %scan3A_21  : i32 {
      %broadcast_in_dim3A = arith.constant 128 : i32
      %broadcast_in_dim3A_24 = vector.broadcast %broadcast_in_dim3A : i32 to vector<16xi32>
      %broadcast_in_dim3A_25 = vector.broadcast %scan3A_23 : i32 to vector<16xi32>
      %gather3A = tpu.vector_load_idx %arg8[%broadcast_in_dim3A_25, %broadcast_in_dim3A_24] : memref<64x136xf32, #tpu.memory_space<vmem>>[vector<16xi32>, vector<16xi32>], vector<16xf32>,
      %gather3A_26 = tpu.vector_load_idx %arg9[%broadcast_in_dim3A_25, %broadcast_in_dim3A_24] : memref<64x136xf32, #tpu.memory_space<vmem>>[vector<16xi32>, vector<16xi32>], vector<16xf32>,
      %add3A_27 = arith.addf %gather3A, %gather3A_26 : vector<16xf32>
      %max3A = arith.constant 1.000000e+00 : f32
      %max3A_28 = vector.broadcast %max3A : f32 to vector<16xf32>
      %max3A_29 = arith.maximumf %add3A_27, %max3A_28 : vector<16xf32>
      %div3A = arith.constant 1.000000e+00 : f32
      %div3A_30 = vector.broadcast %div3A : f32 to vector<16xf32>
      %div3A_31 = arith.divf %div3A_30, %max3A_29 : vector<16xf32>
      %get3A = arith.index_cast %scan3A_23 : i32 to index
      %get3A_32 = arith.constant 0 : index
      %get3A_33 = tpu.vector_load %arg8[%get3A, %get3A_32] {strides = array<i32>} : memref<64x136xf32, #tpu.memory_space<vmem>>, vector<16xf32>,
      %get3A_34 = arith.index_cast %scan3A_23 : i32 to index
      %get3A_35 = arith.constant 0 : index
      %get3A_36 = tpu.vector_load %arg9[%get3A_34, %get3A_35] {strides = array<i32>} : memref<64x136xf32, #tpu.memory_space<vmem>>, vector<16xf32>,
      %add3A_37 = arith.addf %get3A_33, %get3A_36 : vector<16xf32>
      %mul3A_38 = arith.mulf %add3A_37, %div3A_31 : vector<16xf32>
      %get3A_39 = arith.index_cast %scan3A_23 : i32 to index
      %get3A_40 = arith.constant 0 : index
      %get3A_41 = tpu.vector_load %arg10[%get3A_39, %get3A_40] {strides = array<i32>} : memref<64x128xf32, #tpu.memory_space<vmem>>, vector<16xf32>,
      %add3A_42 = arith.addf %mul3A_38, %get3A_41 : vector<16xf32>
      %swap3A = arith.index_cast %scan3A_23 : i32 to index
      %swap3A_43 = arith.constant 0 : index
      %swap3A_44 = tpu.vector_load %arg11[%swap3A, %swap3A_43] {strides = array<i32>} : memref<64x128xf32, #tpu.memory_space<vmem>>, vector<16xf32>,
      tpu.vector_store %arg11[%swap3A, %swap3A_43], %add3A_42 {strides = array<i32>} : memref<64x128xf32, #tpu.memory_space<vmem>>, vector<16xf32>,
      %get3A_45 = arith.index_cast %scan3A_23 : i32 to index
      %get3A_46 = arith.constant 16 : index
      %get3A_47 = tpu.vector_load %arg8[%get3A_45, %get3A_46] {strides = array<i32>} : memref<64x136xf32, #tpu.memory_space<vmem>>, vector<16xf32>,
      %get3A_48 = arith.index_cast %scan3A_23 : i32 to index
      %get3A_49 = arith.constant 16 : index
      %get3A_50 = tpu.vector_load %arg9[%get3A_48, %get3A_49] {strides = array<i32>} : memref<64x136xf32, #tpu.memory_space<vmem>>, vector<16xf32>,
      %add3A_51 = arith.addf %get3A_47, %get3A_50 : vector<16xf32>
      %mul3A_52 = arith.mulf %add3A_51, %div3A_31 : vector<16xf32>
      %get3A_53 = arith.index_cast %scan3A_23 : i32 to index
      %get3A_54 = arith.constant 16 : index
      %get3A_55 = tpu.vector_load %arg10[%get3A_53, %get3A_54] {strides = array<i32>} : memref<64x128xf32, #tpu.memory_space<vmem>>, vector<16xf32>,
      %add3A_56 = arith.addf %mul3A_52, %get3A_55 : vector<16xf32>
      %swap3A_57 = arith.index_cast %scan3A_23 : i32 to index
      %swap3A_58 = arith.constant 16 : index
      %swap3A_59 = tpu.vector_load %arg11[%swap3A_57, %swap3A_58] {strides = array<i32>} : memref<64x128xf32, #tpu.memory_space<vmem>>, vector<16xf32>,
      tpu.vector_store %arg11[%swap3A_57, %swap3A_58], %add3A_56 {strides = array<i32>} : memref<64x128xf32, #tpu.memory_space<vmem>>, vector<16xf32>,
      %get3A_60 = arith.index_cast %scan3A_23 : i32 to index
      %get3A_61 = arith.constant 32 : index
      %get3A_62 = tpu.vector_load %arg8[%get3A_60, %get3A_61] {strides = array<i32>} : memref<64x136xf32, #tpu.memory_space<vmem>>, vector<16xf32>,
      %get3A_63 = arith.index_cast %scan3A_23 : i32 to index
      %get3A_64 = arith.constant 32 : index
      %get3A_65 = tpu.vector_load %arg9[%get3A_63, %get3A_64] {strides = array<i32>} : memref<64x136xf32, #tpu.memory_space<vmem>>, vector<16xf32>,
      %add3A_66 = arith.addf %get3A_62, %get3A_65 : vector<16xf32>
      %mul3A_67 = arith.mulf %add3A_66, %div3A_31 : vector<16xf32>
      %get3A_68 = arith.index_cast %scan3A_23 : i32 to index
      %get3A_69 = arith.constant 32 : index
      %get3A_70 = tpu.vector_load %arg10[%get3A_68, %get3A_69] {strides = array<i32>} : memref<64x128xf32, #tpu.memory_space<vmem>>, vector<16xf32>,
      %add3A_71 = arith.addf %mul3A_67, %get3A_70 : vector<16xf32>
      %swap3A_72 = arith.index_cast %scan3A_23 : i32 to index
      %swap3A_73 = arith.constant 32 : index
      %swap3A_74 = tpu.vector_load %arg11[%swap3A_72, %swap3A_73] {strides = array<i32>} : memref<64x128xf32, #tpu.memory_space<vmem>>, vector<16xf32>,
      tpu.vector_store %arg11[%swap3A_72, %swap3A_73], %add3A_71 {strides = array<i32>} : memref<64x128xf32, #tpu.memory_space<vmem>>, vector<16xf32>,
      %get3A_75 = arith.index_cast %scan3A_23 : i32 to index
      %get3A_76 = arith.constant 48 : index
      %get3A_77 = tpu.vector_load %arg8[%get3A_75, %get3A_76] {strides = array<i32>} : memref<64x136xf32, #tpu.memory_space<vmem>>, vector<16xf32>,
      %get3A_78 = arith.index_cast %scan3A_23 : i32 to index
      %get3A_79 = arith.constant 48 : index
      %get3A_80 = tpu.vector_load %arg9[%get3A_78, %get3A_79] {strides = array<i32>} : memref<64x136xf32, #tpu.memory_space<vmem>>, vector<16xf32>,
      %add3A_81 = arith.addf %get3A_77, %get3A_80 : vector<16xf32>
      %mul3A_82 = arith.mulf %add3A_81, %div3A_31 : vector<16xf32>
      %get3A_83 = arith.index_cast %scan3A_23 : i32 to index
      %get3A_84 = arith.constant 48 : index
      %get3A_85 = tpu.vector_load %arg10[%get3A_83, %get3A_84] {strides = array<i32>} : memref<64x128xf32, #tpu.memory_space<vmem>>, vector<16xf32>,
      %add3A_86 = arith.addf %mul3A_82, %get3A_85 : vector<16xf32>
      %swap3A_87 = arith.index_cast %scan3A_23 : i32 to index
      %swap3A_88 = arith.constant 48 : index
      %swap3A_89 = tpu.vector_load %arg11[%swap3A_87, %swap3A_88] {strides = array<i32>} : memref<64x128xf32, #tpu.memory_space<vmem>>, vector<16xf32>,
      tpu.vector_store %arg11[%swap3A_87, %swap3A_88], %add3A_86 {strides = array<i32>} : memref<64x128xf32, #tpu.memory_space<vmem>>, vector<16xf32>,
      %get3A_90 = arith.index_cast %scan3A_23 : i32 to index
      %get3A_91 = arith.constant 64 : index
      %get3A_92 = tpu.vector_load %arg8[%get3A_90, %get3A_91] {strides = array<i32>} : memref<64x136xf32, #tpu.memory_space<vmem>>, vector<16xf32>,
      %get3A_93 = arith.index_cast %scan3A_23 : i32 to index
      %get3A_94 = arith.constant 64 : index
      %get3A_95 = tpu.vector_load %arg9[%get3A_93, %get3A_94] {strides = array<i32>} : memref<64x136xf32, #tpu.memory_space<vmem>>, vector<16xf32>,
      %add3A_96 = arith.addf %get3A_92, %get3A_95 : vector<16xf32>
      %mul3A_97 = arith.mulf %add3A_96, %div3A_31 : vector<16xf32>
      %get3A_98 = arith.index_cast %scan3A_23 : i32 to index
      %get3A_99 = arith.constant 64 : index
      %get3A_100 = tpu.vector_load %arg10[%get3A_98, %get3A_99] {strides = array<i32>} : memref<64x128xf32, #tpu.memory_space<vmem>>, vector<16xf32>,
      %add3A_101 = arith.addf %mul3A_97, %get3A_100 : vector<16xf32>
      %swap3A_102 = arith.index_cast %scan3A_23 : i32 to index
      %swap3A_103 = arith.constant 64 : index
      %swap3A_104 = tpu.vector_load %arg11[%swap3A_102, %swap3A_103] {strides = array<i32>} : memref<64x128xf32, #tpu.memory_space<vmem>>, vector<16xf32>,
      tpu.vector_store %arg11[%swap3A_102, %swap3A_103], %add3A_101 {strides = array<i32>} : memref<64x128xf32, #tpu.memory_space<vmem>>, vector<16xf32>,
      %get3A_105 = arith.index_cast %scan3A_23 : i32 to index
      %get3A_106 = arith.constant 80 : index
      %get3A_107 = tpu.vector_load %arg8[%get3A_105, %get3A_106] {strides = array<i32>} : memref<64x136xf32, #tpu.memory_space<vmem>>, vector<16xf32>,
      %get3A_108 = arith.index_cast %scan3A_23 : i32 to index
      %get3A_109 = arith.constant 80 : index
      %get3A_110 = tpu.vector_load %arg9[%get3A_108, %get3A_109] {strides = array<i32>} : memref<64x136xf32, #tpu.memory_space<vmem>>, vector<16xf32>,
      %add3A_111 = arith.addf %get3A_107, %get3A_110 : vector<16xf32>
      %mul3A_112 = arith.mulf %add3A_111, %div3A_31 : vector<16xf32>
      %get3A_113 = arith.index_cast %scan3A_23 : i32 to index
      %get3A_114 = arith.constant 80 : index
      %get3A_115 = tpu.vector_load %arg10[%get3A_113, %get3A_114] {strides = array<i32>} : memref<64x128xf32, #tpu.memory_space<vmem>>, vector<16xf32>,
      %add3A_116 = arith.addf %mul3A_112, %get3A_115 : vector<16xf32>
      %swap3A_117 = arith.index_cast %scan3A_23 : i32 to index
      %swap3A_118 = arith.constant 80 : index
      %swap3A_119 = tpu.vector_load %arg11[%swap3A_117, %swap3A_118] {strides = array<i32>} : memref<64x128xf32, #tpu.memory_space<vmem>>, vector<16xf32>,
      tpu.vector_store %arg11[%swap3A_117, %swap3A_118], %add3A_116 {strides = array<i32>} : memref<64x128xf32, #tpu.memory_space<vmem>>, vector<16xf32>,
      %get3A_120 = arith.index_cast %scan3A_23 : i32 to index
      %get3A_121 = arith.constant 96 : index
      %get3A_122 = tpu.vector_load %arg8[%get3A_120, %get3A_121] {strides = array<i32>} : memref<64x136xf32, #tpu.memory_space<vmem>>, vector<16xf32>,
      %get3A_123 = arith.index_cast %scan3A_23 : i32 to index
      %get3A_124 = arith.constant 96 : index
      %get3A_125 = tpu.vector_load %arg9[%get3A_123, %get3A_124] {strides = array<i32>} : memref<64x136xf32, #tpu.memory_space<vmem>>, vector<16xf32>,
      %add3A_126 = arith.addf %get3A_122, %get3A_125 : vector<16xf32>
      %mul3A_127 = arith.mulf %add3A_126, %div3A_31 : vector<16xf32>
      %get3A_128 = arith.index_cast %scan3A_23 : i32 to index
      %get3A_129 = arith.constant 96 : index
      %get3A_130 = tpu.vector_load %arg10[%get3A_128, %get3A_129] {strides = array<i32>} : memref<64x128xf32, #tpu.memory_space<vmem>>, vector<16xf32>,
      %add3A_131 = arith.addf %mul3A_127, %get3A_130 : vector<16xf32>
      %swap3A_132 = arith.index_cast %scan3A_23 : i32 to index
      %swap3A_133 = arith.constant 96 : index
      %swap3A_134 = tpu.vector_load %arg11[%swap3A_132, %swap3A_133] {strides = array<i32>} : memref<64x128xf32, #tpu.memory_space<vmem>>, vector<16xf32>,
      tpu.vector_store %arg11[%swap3A_132, %swap3A_133], %add3A_131 {strides = array<i32>} : memref<64x128xf32, #tpu.memory_space<vmem>>, vector<16xf32>,
      %get3A_135 = arith.index_cast %scan3A_23 : i32 to index
      %get3A_136 = arith.constant 112 : index
      %get3A_137 = tpu.vector_load %arg8[%get3A_135, %get3A_136] {strides = array<i32>} : memref<64x136xf32, #tpu.memory_space<vmem>>, vector<16xf32>,
      %get3A_138 = arith.index_cast %scan3A_23 : i32 to index
      %get3A_139 = arith.constant 112 : index
      %get3A_140 = tpu.vector_load %arg9[%get3A_138, %get3A_139] {strides = array<i32>} : memref<64x136xf32, #tpu.memory_space<vmem>>, vector<16xf32>,
      %add3A_141 = arith.addf %get3A_137, %get3A_140 : vector<16xf32>
      %mul3A_142 = arith.mulf %add3A_141, %div3A_31 : vector<16xf32>
      %get3A_143 = arith.index_cast %scan3A_23 : i32 to index
      %get3A_144 = arith.constant 112 : index
      %get3A_145 = tpu.vector_load %arg10[%get3A_143, %get3A_144] {strides = array<i32>} : memref<64x128xf32, #tpu.memory_space<vmem>>, vector<16xf32>,
      %add3A_146 = arith.addf %mul3A_142, %get3A_145 : vector<16xf32>
      %swap3A_147 = arith.index_cast %scan3A_23 : i32 to index
      %swap3A_148 = arith.constant 112 : index
      %swap3A_149 = tpu.vector_load %arg11[%swap3A_147, %swap3A_148] {strides = array<i32>} : memref<64x128xf32, #tpu.memory_space<vmem>>, vector<16xf32>,
      tpu.vector_store %arg11[%swap3A_147, %swap3A_148], %add3A_146 {strides = array<i32>} : memref<64x128xf32, #tpu.memory_space<vmem>>, vector<16xf32>,
    }
    %scan3A_22 = arith.constant 64 : i32
    "tpu.region"() ({
      %run_scoped3A = tpu.sem_alloc : memref<!tpu.dma_semaphore, #tpu.memory_space<semaphore_mem>>
      %dma_start3A_23 = arith.constant 0 : i32
      %dma_start3A_24 = tpu.memref_slice %arg6[%mul3A_2, %dma_start3A_23] : memref<2048x128xf32, #tpu.memory_space<hbm>> -> memref<64x128xf32, #tpu.memory_space<hbm>>
      %dma_start3A_25 = arith.constant 0 : i32
      %dma_start3A_26 = tpu.memref_slice %arg6[%mul3A_2, %dma_start3A_25] : memref<2048x128xf32, #tpu.memory_space<hbm>> -> memref<64x128xf32, #tpu.memory_space<hbm>>
      tpu.enqueue_dma source(%arg11 : memref<64x128xf32, #tpu.memory_space<vmem>>) target(%dma_start3A_26 : memref<64x128xf32, #tpu.memory_space<hbm>>) target_semaphore(%run_scoped3A : memref<!tpu.dma_semaphore, #tpu.memory_space<semaphore_mem>>)
      %dma_wait3A_27 = arith.constant 0 : i32
      %dma_wait3A_28 = tpu.memref_slice %arg6[%mul3A_2, %dma_wait3A_27] : memref<2048x128xf32, #tpu.memory_space<hbm>> -> memref<64x128xf32, #tpu.memory_space<hbm>>
      %dma_wait3A_29 = arith.constant 0 : i32
      %dma_wait3A_30 = tpu.memref_slice %arg6[%mul3A_2, %dma_wait3A_29] : memref<2048x128xf32, #tpu.memory_space<hbm>> -> memref<64x128xf32, #tpu.memory_space<hbm>>
      tpu.wait_dma2 semaphore(%run_scoped3A : memref<!tpu.dma_semaphore, #tpu.memory_space<semaphore_mem>>) src(%arg11 : memref<64x128xf32, #tpu.memory_space<vmem>>) dst(%dma_wait3A_30 : memref<64x128xf32, #tpu.memory_space<hbm>>)
      tpu.yield
    }) : () -> ()
    return
  }
}

#map = affine_map<(d0, d1) -> (0, 0)>
module attributes {stable_mosaic.version = 14 : i64} {
  func.func @_encode_body(%arg0: i32, %arg1: i32, %arg2: memref<4000x80xi32, #tpu.memory_space<hbm>>, %arg3: memref<4000x80xi32, #tpu.memory_space<hbm>>, %arg4: memref<4000x80xi32, #tpu.memory_space<hbm>>, %arg5: memref<10000x136xf32, #tpu.memory_space<hbm>>, %arg6: memref<200x136xf32, #tpu.memory_space<hbm>>, %arg7: memref<10000x136xf32, #tpu.memory_space<hbm>>, %arg8: memref<10000x136xf32, #tpu.memory_space<hbm>>, %arg9: memref<10000x136xf32, #tpu.memory_space<vmem_shared>>, %arg10: memref<200x136xf32, #tpu.memory_space<vmem_shared>>, %arg11: memref<25x80xi32, #tpu.memory_space<vmem>>, %arg12: memref<25x80xi32, #tpu.memory_space<vmem>>, %arg13: memref<25x80xi32, #tpu.memory_space<vmem>>, %arg14: memref<80x136xf32, #tpu.memory_space<vmem>>, %arg15: memref<80x136xf32, #tpu.memory_space<vmem>>, %arg16: memref<80x136xf32, #tpu.memory_space<vmem>>, %arg17: memref<!tpu.dma_semaphore, #tpu.memory_space<semaphore_mem>>, %arg18: memref<!tpu.dma_semaphore, #tpu.memory_space<semaphore_mem>>, %arg19: memref<!tpu.dma_semaphore, #tpu.memory_space<semaphore_mem>>, %arg20: memref<!tpu.dma_semaphore, #tpu.memory_space<semaphore_mem>>, %arg21: memref<!tpu.dma_semaphore, #tpu.memory_space<semaphore_mem>>, %arg22: memref<!tpu.dma_semaphore, #tpu.memory_space<semaphore_mem>>, %arg23: memref<!tpu.dma_semaphore, #tpu.memory_space<semaphore_mem>>, %arg24: memref<!tpu.dma_semaphore, #tpu.memory_space<semaphore_mem>>, %arg25: memref<!tpu.dma_semaphore, #tpu.memory_space<semaphore_mem>>) attributes {dimension_semantics = [#tpu.dimension_semantics<core_parallel>, #tpu.dimension_semantics<subcore_parallel>], iteration_bounds = array<i64: 2, 16>, scalar_prefetch = 0 : i64, scratch_operands = 17 : i64, tpu.core_type = #tpu.core_type<sc_vector_subcore>, window_params = [{transform_indices = #map}, {transform_indices = #map}, {transform_indices = #map}, {transform_indices = #map}, {transform_indices = #map}, {transform_indices = #map}, {transform_indices = #map}]} {
    %mul3A = arith.constant 2 : i32
    %mul3A_0 = arith.muli %arg1, %mul3A : i32
    %add3A = arith.addi %mul3A_0, %arg0 : i32
    %broadcast_in_dim3A = arith.constant 0.000000e+00 : f32
    %broadcast_in_dim3A_1 = vector.broadcast %broadcast_in_dim3A : f32 to vector<16xf32>
    %broadcast_in_dim3A_2 = arith.constant 0 : i32
    %broadcast_in_dim3A_3 = vector.broadcast %broadcast_in_dim3A_2 : i32 to vector<16xi32>
    %scan3A = arith.constant 0 : i32
    %scan3A_4 = arith.constant 80 : i32
    %scan3A_5 = arith.addi %scan3A, %scan3A_4 : i32
    %scan3A_6 = arith.constant 1 : i32
    scf.for %scan3A_63 = %scan3A to %scan3A_5 step %scan3A_6  : i32 {
      %swap3A = arith.index_cast %scan3A_63 : i32 to index
      %swap3A_64 = arith.constant 0 : index
      %swap3A_65 = tpu.vector_load %arg14[%swap3A, %swap3A_64] {strides = array<i32>} : memref<80x136xf32, #tpu.memory_space<vmem>>, vector<1x16xf32>,
      %swap3A_66 = vector.shape_cast %swap3A_65 : vector<1x16xf32> to vector<16xf32>
      %swap3A_67 = vector.shape_cast %broadcast_in_dim3A_1 : vector<16xf32> to vector<1x16xf32>
      tpu.vector_store %arg14[%swap3A, %swap3A_64], %swap3A_67 {strides = array<i32>} : memref<80x136xf32, #tpu.memory_space<vmem>>, vector<1x16xf32>,
      %swap3A_68 = arith.index_cast %scan3A_63 : i32 to index
      %swap3A_69 = arith.constant 16 : index
      %swap3A_70 = tpu.vector_load %arg14[%swap3A_68, %swap3A_69] {strides = array<i32>} : memref<80x136xf32, #tpu.memory_space<vmem>>, vector<1x16xf32>,
      %swap3A_71 = vector.shape_cast %swap3A_70 : vector<1x16xf32> to vector<16xf32>
      %swap3A_72 = vector.shape_cast %broadcast_in_dim3A_1 : vector<16xf32> to vector<1x16xf32>
      tpu.vector_store %arg14[%swap3A_68, %swap3A_69], %swap3A_72 {strides = array<i32>} : memref<80x136xf32, #tpu.memory_space<vmem>>, vector<1x16xf32>,
      %swap3A_73 = arith.index_cast %scan3A_63 : i32 to index
      %swap3A_74 = arith.constant 32 : index
      %swap3A_75 = tpu.vector_load %arg14[%swap3A_73, %swap3A_74] {strides = array<i32>} : memref<80x136xf32, #tpu.memory_space<vmem>>, vector<1x16xf32>,
      %swap3A_76 = vector.shape_cast %swap3A_75 : vector<1x16xf32> to vector<16xf32>
      %swap3A_77 = vector.shape_cast %broadcast_in_dim3A_1 : vector<16xf32> to vector<1x16xf32>
      tpu.vector_store %arg14[%swap3A_73, %swap3A_74], %swap3A_77 {strides = array<i32>} : memref<80x136xf32, #tpu.memory_space<vmem>>, vector<1x16xf32>,
      %swap3A_78 = arith.index_cast %scan3A_63 : i32 to index
      %swap3A_79 = arith.constant 48 : index
      %swap3A_80 = tpu.vector_load %arg14[%swap3A_78, %swap3A_79] {strides = array<i32>} : memref<80x136xf32, #tpu.memory_space<vmem>>, vector<1x16xf32>,
      %swap3A_81 = vector.shape_cast %swap3A_80 : vector<1x16xf32> to vector<16xf32>
      %swap3A_82 = vector.shape_cast %broadcast_in_dim3A_1 : vector<16xf32> to vector<1x16xf32>
      tpu.vector_store %arg14[%swap3A_78, %swap3A_79], %swap3A_82 {strides = array<i32>} : memref<80x136xf32, #tpu.memory_space<vmem>>, vector<1x16xf32>,
      %swap3A_83 = arith.index_cast %scan3A_63 : i32 to index
      %swap3A_84 = arith.constant 64 : index
      %swap3A_85 = tpu.vector_load %arg14[%swap3A_83, %swap3A_84] {strides = array<i32>} : memref<80x136xf32, #tpu.memory_space<vmem>>, vector<1x16xf32>,
      %swap3A_86 = vector.shape_cast %swap3A_85 : vector<1x16xf32> to vector<16xf32>
      %swap3A_87 = vector.shape_cast %broadcast_in_dim3A_1 : vector<16xf32> to vector<1x16xf32>
      tpu.vector_store %arg14[%swap3A_83, %swap3A_84], %swap3A_87 {strides = array<i32>} : memref<80x136xf32, #tpu.memory_space<vmem>>, vector<1x16xf32>,
      %swap3A_88 = arith.index_cast %scan3A_63 : i32 to index
      %swap3A_89 = arith.constant 80 : index
      %swap3A_90 = tpu.vector_load %arg14[%swap3A_88, %swap3A_89] {strides = array<i32>} : memref<80x136xf32, #tpu.memory_space<vmem>>, vector<1x16xf32>,
      %swap3A_91 = vector.shape_cast %swap3A_90 : vector<1x16xf32> to vector<16xf32>
      %swap3A_92 = vector.shape_cast %broadcast_in_dim3A_1 : vector<16xf32> to vector<1x16xf32>
      tpu.vector_store %arg14[%swap3A_88, %swap3A_89], %swap3A_92 {strides = array<i32>} : memref<80x136xf32, #tpu.memory_space<vmem>>, vector<1x16xf32>,
      %swap3A_93 = arith.index_cast %scan3A_63 : i32 to index
      %swap3A_94 = arith.constant 96 : index
      %swap3A_95 = tpu.vector_load %arg14[%swap3A_93, %swap3A_94] {strides = array<i32>} : memref<80x136xf32, #tpu.memory_space<vmem>>, vector<1x16xf32>,
      %swap3A_96 = vector.shape_cast %swap3A_95 : vector<1x16xf32> to vector<16xf32>
      %swap3A_97 = vector.shape_cast %broadcast_in_dim3A_1 : vector<16xf32> to vector<1x16xf32>
      tpu.vector_store %arg14[%swap3A_93, %swap3A_94], %swap3A_97 {strides = array<i32>} : memref<80x136xf32, #tpu.memory_space<vmem>>, vector<1x16xf32>,
      %swap3A_98 = arith.index_cast %scan3A_63 : i32 to index
      %swap3A_99 = arith.constant 112 : index
      %swap3A_100 = tpu.vector_load %arg14[%swap3A_98, %swap3A_99] {strides = array<i32>} : memref<80x136xf32, #tpu.memory_space<vmem>>, vector<1x16xf32>,
      %swap3A_101 = vector.shape_cast %swap3A_100 : vector<1x16xf32> to vector<16xf32>
      %swap3A_102 = vector.shape_cast %broadcast_in_dim3A_1 : vector<16xf32> to vector<1x16xf32>
      tpu.vector_store %arg14[%swap3A_98, %swap3A_99], %swap3A_102 {strides = array<i32>} : memref<80x136xf32, #tpu.memory_space<vmem>>, vector<1x16xf32>,
      %swap3A_103 = arith.index_cast %scan3A_63 : i32 to index
      %swap3A_104 = arith.constant 120 : index
      %swap3A_105 = tpu.vector_load %arg14[%swap3A_103, %swap3A_104] {strides = array<i32>} : memref<80x136xf32, #tpu.memory_space<vmem>>, vector<1x16xf32>,
      %swap3A_106 = vector.shape_cast %swap3A_105 : vector<1x16xf32> to vector<16xf32>
      %swap3A_107 = vector.shape_cast %broadcast_in_dim3A_1 : vector<16xf32> to vector<1x16xf32>
      tpu.vector_store %arg14[%swap3A_103, %swap3A_104], %swap3A_107 {strides = array<i32>} : memref<80x136xf32, #tpu.memory_space<vmem>>, vector<1x16xf32>,
    }
    %scan3A_7 = arith.constant 80 : i32
    %scan3A_8 = arith.constant 0 : i32
    %scan3A_9 = arith.constant 25 : i32
    %scan3A_10 = arith.addi %scan3A_8, %scan3A_9 : i32
    %scan3A_11 = arith.constant 1 : i32
    scf.for %scan3A_63 = %scan3A_8 to %scan3A_10 step %scan3A_11  : i32 {
      %swap3A = arith.index_cast %scan3A_63 : i32 to index
      %swap3A_64 = arith.constant 0 : index
      %swap3A_65 = tpu.vector_load %arg12[%swap3A, %swap3A_64] {strides = array<i32>} : memref<25x80xi32, #tpu.memory_space<vmem>>, vector<1x16xi32>,
      %swap3A_66 = vector.shape_cast %swap3A_65 : vector<1x16xi32> to vector<16xi32>
      %swap3A_67 = vector.shape_cast %broadcast_in_dim3A_3 : vector<16xi32> to vector<1x16xi32>
      tpu.vector_store %arg12[%swap3A, %swap3A_64], %swap3A_67 {strides = array<i32>} : memref<25x80xi32, #tpu.memory_space<vmem>>, vector<1x16xi32>,
      %swap3A_68 = arith.index_cast %scan3A_63 : i32 to index
      %swap3A_69 = arith.constant 16 : index
      %swap3A_70 = tpu.vector_load %arg12[%swap3A_68, %swap3A_69] {strides = array<i32>} : memref<25x80xi32, #tpu.memory_space<vmem>>, vector<1x16xi32>,
      %swap3A_71 = vector.shape_cast %swap3A_70 : vector<1x16xi32> to vector<16xi32>
      %swap3A_72 = vector.shape_cast %broadcast_in_dim3A_3 : vector<16xi32> to vector<1x16xi32>
      tpu.vector_store %arg12[%swap3A_68, %swap3A_69], %swap3A_72 {strides = array<i32>} : memref<25x80xi32, #tpu.memory_space<vmem>>, vector<1x16xi32>,
      %swap3A_73 = arith.index_cast %scan3A_63 : i32 to index
      %swap3A_74 = arith.constant 32 : index
      %swap3A_75 = tpu.vector_load %arg12[%swap3A_73, %swap3A_74] {strides = array<i32>} : memref<25x80xi32, #tpu.memory_space<vmem>>, vector<1x16xi32>,
      %swap3A_76 = vector.shape_cast %swap3A_75 : vector<1x16xi32> to vector<16xi32>
      %swap3A_77 = vector.shape_cast %broadcast_in_dim3A_3 : vector<16xi32> to vector<1x16xi32>
      tpu.vector_store %arg12[%swap3A_73, %swap3A_74], %swap3A_77 {strides = array<i32>} : memref<25x80xi32, #tpu.memory_space<vmem>>, vector<1x16xi32>,
      %swap3A_78 = arith.index_cast %scan3A_63 : i32 to index
      %swap3A_79 = arith.constant 48 : index
      %swap3A_80 = tpu.vector_load %arg12[%swap3A_78, %swap3A_79] {strides = array<i32>} : memref<25x80xi32, #tpu.memory_space<vmem>>, vector<1x16xi32>,
      %swap3A_81 = vector.shape_cast %swap3A_80 : vector<1x16xi32> to vector<16xi32>
      %swap3A_82 = vector.shape_cast %broadcast_in_dim3A_3 : vector<16xi32> to vector<1x16xi32>
      tpu.vector_store %arg12[%swap3A_78, %swap3A_79], %swap3A_82 {strides = array<i32>} : memref<25x80xi32, #tpu.memory_space<vmem>>, vector<1x16xi32>,
      %swap3A_83 = arith.index_cast %scan3A_63 : i32 to index
      %swap3A_84 = arith.constant 64 : index
      %swap3A_85 = tpu.vector_load %arg12[%swap3A_83, %swap3A_84] {strides = array<i32>} : memref<25x80xi32, #tpu.memory_space<vmem>>, vector<1x16xi32>,
      %swap3A_86 = vector.shape_cast %swap3A_85 : vector<1x16xi32> to vector<16xi32>
      %swap3A_87 = vector.shape_cast %broadcast_in_dim3A_3 : vector<16xi32> to vector<1x16xi32>
      tpu.vector_store %arg12[%swap3A_83, %swap3A_84], %swap3A_87 {strides = array<i32>} : memref<25x80xi32, #tpu.memory_space<vmem>>, vector<1x16xi32>,
    }
    %scan3A_12 = arith.constant 25 : i32
    %mul3A_13 = arith.constant 625 : i32
    %mul3A_14 = arith.muli %arg1, %mul3A_13 : i32
    %add3A_15 = arith.constant 0 : i32
    %add3A_16 = arith.addi %mul3A_14, %add3A_15 : i32
    "tpu.region"() ({
      %run_scoped3A = tpu.sem_alloc : memref<!tpu.dma_semaphore, #tpu.memory_space<semaphore_mem>>
      %dma_start3A = arith.constant 0 : i32
      %dma_start3A_63 = tpu.memref_slice %arg9[%add3A_16, %dma_start3A] : memref<10000x136xf32, #tpu.memory_space<vmem_shared>> -> memref<80x136xf32, #tpu.memory_space<vmem_shared>>
      %dma_start3A_64 = arith.constant 0 : i32
      %dma_start3A_65 = tpu.memref_slice %arg9[%add3A_16, %dma_start3A_64] : memref<10000x136xf32, #tpu.memory_space<vmem_shared>> -> memref<80x136xf32, #tpu.memory_space<vmem_shared>>
      tpu.enqueue_dma source(%arg14 : memref<80x136xf32, #tpu.memory_space<vmem>>) target(%dma_start3A_65 : memref<80x136xf32, #tpu.memory_space<vmem_shared>>) target_semaphore(%run_scoped3A : memref<!tpu.dma_semaphore, #tpu.memory_space<semaphore_mem>>)
      %dma_wait3A = arith.constant 0 : i32
      %dma_wait3A_66 = tpu.memref_slice %arg9[%add3A_16, %dma_wait3A] : memref<10000x136xf32, #tpu.memory_space<vmem_shared>> -> memref<80x136xf32, #tpu.memory_space<vmem_shared>>
      %dma_wait3A_67 = arith.constant 0 : i32
      %dma_wait3A_68 = tpu.memref_slice %arg9[%add3A_16, %dma_wait3A_67] : memref<10000x136xf32, #tpu.memory_space<vmem_shared>> -> memref<80x136xf32, #tpu.memory_space<vmem_shared>>
      tpu.wait_dma2 semaphore(%run_scoped3A : memref<!tpu.dma_semaphore, #tpu.memory_space<semaphore_mem>>) src(%arg14 : memref<80x136xf32, #tpu.memory_space<vmem>>) dst(%dma_wait3A_68 : memref<80x136xf32, #tpu.memory_space<vmem_shared>>)
      tpu.yield
    }) : () -> ()
    %mul3A_17 = arith.constant 625 : i32
    %mul3A_18 = arith.muli %arg1, %mul3A_17 : i32
    %add3A_19 = arith.constant 80 : i32
    %add3A_20 = arith.addi %mul3A_18, %add3A_19 : i32
    "tpu.region"() ({
      %run_scoped3A = tpu.sem_alloc : memref<!tpu.dma_semaphore, #tpu.memory_space<semaphore_mem>>
      %dma_start3A = arith.constant 0 : i32
      %dma_start3A_63 = tpu.memref_slice %arg9[%add3A_20, %dma_start3A] : memref<10000x136xf32, #tpu.memory_space<vmem_shared>> -> memref<80x136xf32, #tpu.memory_space<vmem_shared>>
      %dma_start3A_64 = arith.constant 0 : i32
      %dma_start3A_65 = tpu.memref_slice %arg9[%add3A_20, %dma_start3A_64] : memref<10000x136xf32, #tpu.memory_space<vmem_shared>> -> memref<80x136xf32, #tpu.memory_space<vmem_shared>>
      tpu.enqueue_dma source(%arg14 : memref<80x136xf32, #tpu.memory_space<vmem>>) target(%dma_start3A_65 : memref<80x136xf32, #tpu.memory_space<vmem_shared>>) target_semaphore(%run_scoped3A : memref<!tpu.dma_semaphore, #tpu.memory_space<semaphore_mem>>)
      %dma_wait3A = arith.constant 0 : i32
      %dma_wait3A_66 = tpu.memref_slice %arg9[%add3A_20, %dma_wait3A] : memref<10000x136xf32, #tpu.memory_space<vmem_shared>> -> memref<80x136xf32, #tpu.memory_space<vmem_shared>>
      %dma_wait3A_67 = arith.constant 0 : i32
      %dma_wait3A_68 = tpu.memref_slice %arg9[%add3A_20, %dma_wait3A_67] : memref<10000x136xf32, #tpu.memory_space<vmem_shared>> -> memref<80x136xf32, #tpu.memory_space<vmem_shared>>
      tpu.wait_dma2 semaphore(%run_scoped3A : memref<!tpu.dma_semaphore, #tpu.memory_space<semaphore_mem>>) src(%arg14 : memref<80x136xf32, #tpu.memory_space<vmem>>) dst(%dma_wait3A_68 : memref<80x136xf32, #tpu.memory_space<vmem_shared>>)
      tpu.yield
    }) : () -> ()
    %mul3A_21 = arith.constant 625 : i32
    %mul3A_22 = arith.muli %arg1, %mul3A_21 : i32
    %add3A_23 = arith.constant 160 : i32
    %add3A_24 = arith.addi %mul3A_22, %add3A_23 : i32
    "tpu.region"() ({
      %run_scoped3A = tpu.sem_alloc : memref<!tpu.dma_semaphore, #tpu.memory_space<semaphore_mem>>
      %dma_start3A = arith.constant 0 : i32
      %dma_start3A_63 = tpu.memref_slice %arg9[%add3A_24, %dma_start3A] : memref<10000x136xf32, #tpu.memory_space<vmem_shared>> -> memref<80x136xf32, #tpu.memory_space<vmem_shared>>
      %dma_start3A_64 = arith.constant 0 : i32
      %dma_start3A_65 = tpu.memref_slice %arg9[%add3A_24, %dma_start3A_64] : memref<10000x136xf32, #tpu.memory_space<vmem_shared>> -> memref<80x136xf32, #tpu.memory_space<vmem_shared>>
      tpu.enqueue_dma source(%arg14 : memref<80x136xf32, #tpu.memory_space<vmem>>) target(%dma_start3A_65 : memref<80x136xf32, #tpu.memory_space<vmem_shared>>) target_semaphore(%run_scoped3A : memref<!tpu.dma_semaphore, #tpu.memory_space<semaphore_mem>>)
      %dma_wait3A = arith.constant 0 : i32
      %dma_wait3A_66 = tpu.memref_slice %arg9[%add3A_24, %dma_wait3A] : memref<10000x136xf32, #tpu.memory_space<vmem_shared>> -> memref<80x136xf32, #tpu.memory_space<vmem_shared>>
      %dma_wait3A_67 = arith.constant 0 : i32
      %dma_wait3A_68 = tpu.memref_slice %arg9[%add3A_24, %dma_wait3A_67] : memref<10000x136xf32, #tpu.memory_space<vmem_shared>> -> memref<80x136xf32, #tpu.memory_space<vmem_shared>>
      tpu.wait_dma2 semaphore(%run_scoped3A : memref<!tpu.dma_semaphore, #tpu.memory_space<semaphore_mem>>) src(%arg14 : memref<80x136xf32, #tpu.memory_space<vmem>>) dst(%dma_wait3A_68 : memref<80x136xf32, #tpu.memory_space<vmem_shared>>)
      tpu.yield
    }) : () -> ()
    %mul3A_25 = arith.constant 625 : i32
    %mul3A_26 = arith.muli %arg1, %mul3A_25 : i32
    %add3A_27 = arith.constant 240 : i32
    %add3A_28 = arith.addi %mul3A_26, %add3A_27 : i32
    "tpu.region"() ({
      %run_scoped3A = tpu.sem_alloc : memref<!tpu.dma_semaphore, #tpu.memory_space<semaphore_mem>>
      %dma_start3A = arith.constant 0 : i32
      %dma_start3A_63 = tpu.memref_slice %arg9[%add3A_28, %dma_start3A] : memref<10000x136xf32, #tpu.memory_space<vmem_shared>> -> memref<80x136xf32, #tpu.memory_space<vmem_shared>>
      %dma_start3A_64 = arith.constant 0 : i32
      %dma_start3A_65 = tpu.memref_slice %arg9[%add3A_28, %dma_start3A_64] : memref<10000x136xf32, #tpu.memory_space<vmem_shared>> -> memref<80x136xf32, #tpu.memory_space<vmem_shared>>
      tpu.enqueue_dma source(%arg14 : memref<80x136xf32, #tpu.memory_space<vmem>>) target(%dma_start3A_65 : memref<80x136xf32, #tpu.memory_space<vmem_shared>>) target_semaphore(%run_scoped3A : memref<!tpu.dma_semaphore, #tpu.memory_space<semaphore_mem>>)
      %dma_wait3A = arith.constant 0 : i32
      %dma_wait3A_66 = tpu.memref_slice %arg9[%add3A_28, %dma_wait3A] : memref<10000x136xf32, #tpu.memory_space<vmem_shared>> -> memref<80x136xf32, #tpu.memory_space<vmem_shared>>
      %dma_wait3A_67 = arith.constant 0 : i32
      %dma_wait3A_68 = tpu.memref_slice %arg9[%add3A_28, %dma_wait3A_67] : memref<10000x136xf32, #tpu.memory_space<vmem_shared>> -> memref<80x136xf32, #tpu.memory_space<vmem_shared>>
      tpu.wait_dma2 semaphore(%run_scoped3A : memref<!tpu.dma_semaphore, #tpu.memory_space<semaphore_mem>>) src(%arg14 : memref<80x136xf32, #tpu.memory_space<vmem>>) dst(%dma_wait3A_68 : memref<80x136xf32, #tpu.memory_space<vmem_shared>>)
      tpu.yield
    }) : () -> ()
    %mul3A_29 = arith.constant 625 : i32
    %mul3A_30 = arith.muli %arg1, %mul3A_29 : i32
    %add3A_31 = arith.constant 320 : i32
    %add3A_32 = arith.addi %mul3A_30, %add3A_31 : i32
    "tpu.region"() ({
      %run_scoped3A = tpu.sem_alloc : memref<!tpu.dma_semaphore, #tpu.memory_space<semaphore_mem>>
      %dma_start3A = arith.constant 0 : i32
      %dma_start3A_63 = tpu.memref_slice %arg9[%add3A_32, %dma_start3A] : memref<10000x136xf32, #tpu.memory_space<vmem_shared>> -> memref<80x136xf32, #tpu.memory_space<vmem_shared>>
      %dma_start3A_64 = arith.constant 0 : i32
      %dma_start3A_65 = tpu.memref_slice %arg9[%add3A_32, %dma_start3A_64] : memref<10000x136xf32, #tpu.memory_space<vmem_shared>> -> memref<80x136xf32, #tpu.memory_space<vmem_shared>>
      tpu.enqueue_dma source(%arg14 : memref<80x136xf32, #tpu.memory_space<vmem>>) target(%dma_start3A_65 : memref<80x136xf32, #tpu.memory_space<vmem_shared>>) target_semaphore(%run_scoped3A : memref<!tpu.dma_semaphore, #tpu.memory_space<semaphore_mem>>)
      %dma_wait3A = arith.constant 0 : i32
      %dma_wait3A_66 = tpu.memref_slice %arg9[%add3A_32, %dma_wait3A] : memref<10000x136xf32, #tpu.memory_space<vmem_shared>> -> memref<80x136xf32, #tpu.memory_space<vmem_shared>>
      %dma_wait3A_67 = arith.constant 0 : i32
      %dma_wait3A_68 = tpu.memref_slice %arg9[%add3A_32, %dma_wait3A_67] : memref<10000x136xf32, #tpu.memory_space<vmem_shared>> -> memref<80x136xf32, #tpu.memory_space<vmem_shared>>
      tpu.wait_dma2 semaphore(%run_scoped3A : memref<!tpu.dma_semaphore, #tpu.memory_space<semaphore_mem>>) src(%arg14 : memref<80x136xf32, #tpu.memory_space<vmem>>) dst(%dma_wait3A_68 : memref<80x136xf32, #tpu.memory_space<vmem_shared>>)
      tpu.yield
    }) : () -> ()
    %mul3A_33 = arith.constant 625 : i32
    %mul3A_34 = arith.muli %arg1, %mul3A_33 : i32
    %add3A_35 = arith.constant 400 : i32
    %add3A_36 = arith.addi %mul3A_34, %add3A_35 : i32
    "tpu.region"() ({
      %run_scoped3A = tpu.sem_alloc : memref<!tpu.dma_semaphore, #tpu.memory_space<semaphore_mem>>
      %dma_start3A = arith.constant 0 : i32
      %dma_start3A_63 = tpu.memref_slice %arg9[%add3A_36, %dma_start3A] : memref<10000x136xf32, #tpu.memory_space<vmem_shared>> -> memref<80x136xf32, #tpu.memory_space<vmem_shared>>
      %dma_start3A_64 = arith.constant 0 : i32
      %dma_start3A_65 = tpu.memref_slice %arg9[%add3A_36, %dma_start3A_64] : memref<10000x136xf32, #tpu.memory_space<vmem_shared>> -> memref<80x136xf32, #tpu.memory_space<vmem_shared>>
      tpu.enqueue_dma source(%arg14 : memref<80x136xf32, #tpu.memory_space<vmem>>) target(%dma_start3A_65 : memref<80x136xf32, #tpu.memory_space<vmem_shared>>) target_semaphore(%run_scoped3A : memref<!tpu.dma_semaphore, #tpu.memory_space<semaphore_mem>>)
      %dma_wait3A = arith.constant 0 : i32
      %dma_wait3A_66 = tpu.memref_slice %arg9[%add3A_36, %dma_wait3A] : memref<10000x136xf32, #tpu.memory_space<vmem_shared>> -> memref<80x136xf32, #tpu.memory_space<vmem_shared>>
      %dma_wait3A_67 = arith.constant 0 : i32
      %dma_wait3A_68 = tpu.memref_slice %arg9[%add3A_36, %dma_wait3A_67] : memref<10000x136xf32, #tpu.memory_space<vmem_shared>> -> memref<80x136xf32, #tpu.memory_space<vmem_shared>>
      tpu.wait_dma2 semaphore(%run_scoped3A : memref<!tpu.dma_semaphore, #tpu.memory_space<semaphore_mem>>) src(%arg14 : memref<80x136xf32, #tpu.memory_space<vmem>>) dst(%dma_wait3A_68 : memref<80x136xf32, #tpu.memory_space<vmem_shared>>)
      tpu.yield
    }) : () -> ()
    %mul3A_37 = arith.constant 625 : i32
    %mul3A_38 = arith.muli %arg1, %mul3A_37 : i32
    %add3A_39 = arith.constant 480 : i32
    %add3A_40 = arith.addi %mul3A_38, %add3A_39 : i32
    "tpu.region"() ({
      %run_scoped3A = tpu.sem_alloc : memref<!tpu.dma_semaphore, #tpu.memory_space<semaphore_mem>>
      %dma_start3A = arith.constant 0 : i32
      %dma_start3A_63 = tpu.memref_slice %arg9[%add3A_40, %dma_start3A] : memref<10000x136xf32, #tpu.memory_space<vmem_shared>> -> memref<80x136xf32, #tpu.memory_space<vmem_shared>>
      %dma_start3A_64 = arith.constant 0 : i32
      %dma_start3A_65 = tpu.memref_slice %arg9[%add3A_40, %dma_start3A_64] : memref<10000x136xf32, #tpu.memory_space<vmem_shared>> -> memref<80x136xf32, #tpu.memory_space<vmem_shared>>
      tpu.enqueue_dma source(%arg14 : memref<80x136xf32, #tpu.memory_space<vmem>>) target(%dma_start3A_65 : memref<80x136xf32, #tpu.memory_space<vmem_shared>>) target_semaphore(%run_scoped3A : memref<!tpu.dma_semaphore, #tpu.memory_space<semaphore_mem>>)
      %dma_wait3A = arith.constant 0 : i32
      %dma_wait3A_66 = tpu.memref_slice %arg9[%add3A_40, %dma_wait3A] : memref<10000x136xf32, #tpu.memory_space<vmem_shared>> -> memref<80x136xf32, #tpu.memory_space<vmem_shared>>
      %dma_wait3A_67 = arith.constant 0 : i32
      %dma_wait3A_68 = tpu.memref_slice %arg9[%add3A_40, %dma_wait3A_67] : memref<10000x136xf32, #tpu.memory_space<vmem_shared>> -> memref<80x136xf32, #tpu.memory_space<vmem_shared>>
      tpu.wait_dma2 semaphore(%run_scoped3A : memref<!tpu.dma_semaphore, #tpu.memory_space<semaphore_mem>>) src(%arg14 : memref<80x136xf32, #tpu.memory_space<vmem>>) dst(%dma_wait3A_68 : memref<80x136xf32, #tpu.memory_space<vmem_shared>>)
      tpu.yield
    }) : () -> ()
    %mul3A_41 = arith.constant 625 : i32
    %mul3A_42 = arith.muli %arg1, %mul3A_41 : i32
    %add3A_43 = arith.constant 560 : i32
    %add3A_44 = arith.addi %mul3A_42, %add3A_43 : i32
    "tpu.region"() ({
      %run_scoped3A = tpu.sem_alloc : memref<!tpu.dma_semaphore, #tpu.memory_space<semaphore_mem>>
      %dma_start3A = arith.constant 0 : i32
      %dma_start3A_63 = arith.constant 0 : i32
      %dma_start3A_64 = tpu.memref_slice %arg14[%dma_start3A, %dma_start3A_63] : memref<80x136xf32, #tpu.memory_space<vmem>> -> memref<65x136xf32, #tpu.memory_space<vmem>>
      %dma_start3A_65 = arith.constant 0 : i32
      %dma_start3A_66 = tpu.memref_slice %arg9[%add3A_44, %dma_start3A_65] : memref<10000x136xf32, #tpu.memory_space<vmem_shared>> -> memref<65x136xf32, #tpu.memory_space<vmem_shared>>
      %dma_start3A_67 = arith.constant 0 : i32
      %dma_start3A_68 = tpu.memref_slice %arg9[%add3A_44, %dma_start3A_67] : memref<10000x136xf32, #tpu.memory_space<vmem_shared>> -> memref<65x136xf32, #tpu.memory_space<vmem_shared>>
      %dma_start3A_69 = arith.constant 0 : i32
      %dma_start3A_70 = arith.constant 0 : i32
      %dma_start3A_71 = tpu.memref_slice %arg14[%dma_start3A_69, %dma_start3A_70] : memref<80x136xf32, #tpu.memory_space<vmem>> -> memref<65x136xf32, #tpu.memory_space<vmem>>
      tpu.enqueue_dma source(%dma_start3A_71 : memref<65x136xf32, #tpu.memory_space<vmem>>) target(%dma_start3A_68 : memref<65x136xf32, #tpu.memory_space<vmem_shared>>) target_semaphore(%run_scoped3A : memref<!tpu.dma_semaphore, #tpu.memory_space<semaphore_mem>>)
      %dma_wait3A = arith.constant 0 : i32
      %dma_wait3A_72 = arith.constant 0 : i32
      %dma_wait3A_73 = tpu.memref_slice %arg14[%dma_wait3A, %dma_wait3A_72] : memref<80x136xf32, #tpu.memory_space<vmem>> -> memref<65x136xf32, #tpu.memory_space<vmem>>
      %dma_wait3A_74 = arith.constant 0 : i32
      %dma_wait3A_75 = tpu.memref_slice %arg9[%add3A_44, %dma_wait3A_74] : memref<10000x136xf32, #tpu.memory_space<vmem_shared>> -> memref<65x136xf32, #tpu.memory_space<vmem_shared>>
      %dma_wait3A_76 = arith.constant 0 : i32
      %dma_wait3A_77 = tpu.memref_slice %arg9[%add3A_44, %dma_wait3A_76] : memref<10000x136xf32, #tpu.memory_space<vmem_shared>> -> memref<65x136xf32, #tpu.memory_space<vmem_shared>>
      %dma_wait3A_78 = arith.constant 0 : i32
      %dma_wait3A_79 = arith.constant 0 : i32
      %dma_wait3A_80 = tpu.memref_slice %arg14[%dma_wait3A_78, %dma_wait3A_79] : memref<80x136xf32, #tpu.memory_space<vmem>> -> memref<65x136xf32, #tpu.memory_space<vmem>>
      tpu.wait_dma2 semaphore(%run_scoped3A : memref<!tpu.dma_semaphore, #tpu.memory_space<semaphore_mem>>) src(%dma_wait3A_80 : memref<65x136xf32, #tpu.memory_space<vmem>>) dst(%dma_wait3A_77 : memref<65x136xf32, #tpu.memory_space<vmem_shared>>)
      tpu.yield
    }) : () -> ()
    %eq3A = arith.constant 0 : i32
    %eq3A_45 = arith.cmpi eq, %arg1, %eq3A : i32
    %convert_element_type3A = arith.extui %eq3A_45 : i1 to i32
    %cond3A = arith.constant 0 : i32
    %cond3A_46 = arith.cmpi ne, %convert_element_type3A, %cond3A : i32
    scf.if %cond3A_46 {
      "tpu.region"() ({
        %run_scoped3A = tpu.sem_alloc : memref<!tpu.dma_semaphore, #tpu.memory_space<semaphore_mem>>
        tpu.enqueue_dma source(%arg6 : memref<200x136xf32, #tpu.memory_space<hbm>>) target(%arg10 : memref<200x136xf32, #tpu.memory_space<vmem_shared>>) target_semaphore(%run_scoped3A : memref<!tpu.dma_semaphore, #tpu.memory_space<semaphore_mem>>)
        tpu.wait_dma2 semaphore(%run_scoped3A : memref<!tpu.dma_semaphore, #tpu.memory_space<semaphore_mem>>) src(%arg6 : memref<200x136xf32, #tpu.memory_space<hbm>>) dst(%arg10 : memref<200x136xf32, #tpu.memory_space<vmem_shared>>)
        tpu.yield
      }) : () -> ()
    } else {
    }
    %barrier3A = arith.constant 0 : index
    tpu.barrier barrier_id(%barrier3A)
    %scan3A_47 = arith.constant 0 : i32
    %scan3A_48 = arith.constant 5 : i32
    %scan3A_49 = arith.addi %scan3A_47, %scan3A_48 : i32
    %scan3A_50 = arith.constant 1 : i32
    scf.for %scan3A_63 = %scan3A_47 to %scan3A_49 step %scan3A_50  : i32 {
      %mul3A_64 = arith.constant 125 : i32
      %mul3A_65 = arith.muli %add3A, %mul3A_64 : i32
      %mul3A_66 = arith.constant 25 : i32
      %mul3A_67 = arith.muli %scan3A_63, %mul3A_66 : i32
      %add3A_68 = arith.addi %mul3A_65, %mul3A_67 : i32
      "tpu.region"() ({
        %run_scoped3A = tpu.sem_alloc : memref<!tpu.dma_semaphore, #tpu.memory_space<semaphore_mem>>
        %dma_start3A_1117 = arith.constant 0 : i32
        %dma_start3A_1118 = tpu.memref_slice %arg2[%add3A_68, %dma_start3A_1117] : memref<4000x80xi32, #tpu.memory_space<hbm>> -> memref<25x80xi32, #tpu.memory_space<hbm>>
        %dma_start3A_1119 = arith.constant 0 : i32
        %dma_start3A_1120 = tpu.memref_slice %arg2[%add3A_68, %dma_start3A_1119] : memref<4000x80xi32, #tpu.memory_space<hbm>> -> memref<25x80xi32, #tpu.memory_space<hbm>>
        tpu.enqueue_dma source(%dma_start3A_1120 : memref<25x80xi32, #tpu.memory_space<hbm>>) target(%arg11 : memref<25x80xi32, #tpu.memory_space<vmem>>) target_semaphore(%run_scoped3A : memref<!tpu.dma_semaphore, #tpu.memory_space<semaphore_mem>>)
        %dma_wait3A_1121 = arith.constant 0 : i32
        %dma_wait3A_1122 = tpu.memref_slice %arg2[%add3A_68, %dma_wait3A_1121] : memref<4000x80xi32, #tpu.memory_space<hbm>> -> memref<25x80xi32, #tpu.memory_space<hbm>>
        %dma_wait3A_1123 = arith.constant 0 : i32
        %dma_wait3A_1124 = tpu.memref_slice %arg2[%add3A_68, %dma_wait3A_1123] : memref<4000x80xi32, #tpu.memory_space<hbm>> -> memref<25x80xi32, #tpu.memory_space<hbm>>
        tpu.wait_dma2 semaphore(%run_scoped3A : memref<!tpu.dma_semaphore, #tpu.memory_space<semaphore_mem>>) src(%dma_wait3A_1124 : memref<25x80xi32, #tpu.memory_space<hbm>>) dst(%arg11 : memref<25x80xi32, #tpu.memory_space<vmem>>)
        tpu.yield
      }) : () -> ()
      "tpu.region"() ({
        %run_scoped3A = tpu.sem_alloc : memref<!tpu.dma_semaphore, #tpu.memory_space<semaphore_mem>>
        %dma_start3A_1117 = arith.constant 0 : i32
        %dma_start3A_1118 = tpu.memref_slice %arg4[%add3A_68, %dma_start3A_1117] : memref<4000x80xi32, #tpu.memory_space<hbm>> -> memref<25x80xi32, #tpu.memory_space<hbm>>
        %dma_start3A_1119 = arith.constant 0 : i32
        %dma_start3A_1120 = tpu.memref_slice %arg4[%add3A_68, %dma_start3A_1119] : memref<4000x80xi32, #tpu.memory_space<hbm>> -> memref<25x80xi32, #tpu.memory_space<hbm>>
        tpu.enqueue_dma source(%dma_start3A_1120 : memref<25x80xi32, #tpu.memory_space<hbm>>) target(%arg13 : memref<25x80xi32, #tpu.memory_space<vmem>>) target_semaphore(%run_scoped3A : memref<!tpu.dma_semaphore, #tpu.memory_space<semaphore_mem>>)
        %dma_wait3A_1121 = arith.constant 0 : i32
        %dma_wait3A_1122 = tpu.memref_slice %arg4[%add3A_68, %dma_wait3A_1121] : memref<4000x80xi32, #tpu.memory_space<hbm>> -> memref<25x80xi32, #tpu.memory_space<hbm>>
        %dma_wait3A_1123 = arith.constant 0 : i32
        %dma_wait3A_1124 = tpu.memref_slice %arg4[%add3A_68, %dma_wait3A_1123] : memref<4000x80xi32, #tpu.memory_space<hbm>> -> memref<25x80xi32, #tpu.memory_space<hbm>>
        tpu.wait_dma2 semaphore(%run_scoped3A : memref<!tpu.dma_semaphore, #tpu.memory_space<semaphore_mem>>) src(%dma_wait3A_1124 : memref<25x80xi32, #tpu.memory_space<hbm>>) dst(%arg13 : memref<25x80xi32, #tpu.memory_space<vmem>>)
        tpu.yield
      }) : () -> ()
      "tpu.region"() ({
        %run_scoped3A = tpu.sem_alloc : memref<!tpu.dma_semaphore, #tpu.memory_space<semaphore_mem>>
        %dma_start3A_1117 = arith.constant 0 : i32
        %dma_start3A_1118 = tpu.memref_slice %arg3[%add3A_68, %dma_start3A_1117] : memref<4000x80xi32, #tpu.memory_space<hbm>> -> memref<25x80xi32, #tpu.memory_space<hbm>>
        %dma_start3A_1119 = arith.constant 0 : i32
        %dma_start3A_1120 = tpu.memref_slice %arg3[%add3A_68, %dma_start3A_1119] : memref<4000x80xi32, #tpu.memory_space<hbm>> -> memref<25x80xi32, #tpu.memory_space<hbm>>
        tpu.enqueue_dma source(%dma_start3A_1120 : memref<25x80xi32, #tpu.memory_space<hbm>>) target(%arg12 : memref<25x80xi32, #tpu.memory_space<vmem>>) target_semaphore(%run_scoped3A : memref<!tpu.dma_semaphore, #tpu.memory_space<semaphore_mem>>)
        %dma_wait3A_1121 = arith.constant 0 : i32
        %dma_wait3A_1122 = tpu.memref_slice %arg3[%add3A_68, %dma_wait3A_1121] : memref<4000x80xi32, #tpu.memory_space<hbm>> -> memref<25x80xi32, #tpu.memory_space<hbm>>
        %dma_wait3A_1123 = arith.constant 0 : i32
        %dma_wait3A_1124 = tpu.memref_slice %arg3[%add3A_68, %dma_wait3A_1123] : memref<4000x80xi32, #tpu.memory_space<hbm>> -> memref<25x80xi32, #tpu.memory_space<hbm>>
        tpu.wait_dma2 semaphore(%run_scoped3A : memref<!tpu.dma_semaphore, #tpu.memory_space<semaphore_mem>>) src(%dma_wait3A_1124 : memref<25x80xi32, #tpu.memory_space<hbm>>) dst(%arg12 : memref<25x80xi32, #tpu.memory_space<vmem>>)
        tpu.yield
      }) : () -> ()
      %dma_start3A = arith.constant 0 : i32
      %dma_start3A_69 = arith.constant 0 : i32
      %dma_start3A_70 = tpu.memref_slice %arg11[%dma_start3A, %dma_start3A_69] : memref<25x80xi32, #tpu.memory_space<vmem>> -> memref<1x80xi32, #tpu.memory_space<vmem>>
      %dma_start3A_71 = tpu.memref_squeeze %dma_start3A_70 : memref<1x80xi32, #tpu.memory_space<vmem>> -> memref<80xi32, #tpu.memory_space<vmem>>
      %dma_start3A_72 = arith.constant 0 : i32
      %dma_start3A_73 = arith.constant 0 : i32
      %dma_start3A_74 = tpu.memref_slice %arg5[%dma_start3A_72, %dma_start3A_73] : memref<10000x136xf32, #tpu.memory_space<hbm>> -> memref<10000x136xf32, #tpu.memory_space<hbm>>
      tpu.enqueue_indirect_dma source(%dma_start3A_74 : memref<10000x136xf32, #tpu.memory_space<hbm>>) target(%arg14 : memref<80x136xf32, #tpu.memory_space<vmem>>) offsets(%dma_start3A_71 : memref<80xi32, #tpu.memory_space<vmem>>) semaphore(%arg17 : memref<!tpu.dma_semaphore, #tpu.memory_space<semaphore_mem>>)
      %dma_start3A_75 = arith.constant 1 : i32
      %dma_start3A_76 = arith.constant 0 : i32
      %dma_start3A_77 = tpu.memref_slice %arg11[%dma_start3A_75, %dma_start3A_76] : memref<25x80xi32, #tpu.memory_space<vmem>> -> memref<1x80xi32, #tpu.memory_space<vmem>>
      %dma_start3A_78 = tpu.memref_squeeze %dma_start3A_77 : memref<1x80xi32, #tpu.memory_space<vmem>> -> memref<80xi32, #tpu.memory_space<vmem>>
      %dma_start3A_79 = arith.constant 0 : i32
      %dma_start3A_80 = arith.constant 0 : i32
      %dma_start3A_81 = tpu.memref_slice %arg5[%dma_start3A_79, %dma_start3A_80] : memref<10000x136xf32, #tpu.memory_space<hbm>> -> memref<10000x136xf32, #tpu.memory_space<hbm>>
      tpu.enqueue_indirect_dma source(%dma_start3A_81 : memref<10000x136xf32, #tpu.memory_space<hbm>>) target(%arg15 : memref<80x136xf32, #tpu.memory_space<vmem>>) offsets(%dma_start3A_78 : memref<80xi32, #tpu.memory_space<vmem>>) semaphore(%arg18 : memref<!tpu.dma_semaphore, #tpu.memory_space<semaphore_mem>>)
      %dma_wait3A = arith.constant 0 : i32
      %dma_wait3A_82 = arith.constant 0 : i32
      %dma_wait3A_83 = tpu.memref_slice %arg11[%dma_wait3A, %dma_wait3A_82] : memref<25x80xi32, #tpu.memory_space<vmem>> -> memref<1x80xi32, #tpu.memory_space<vmem>>
      %dma_wait3A_84 = tpu.memref_squeeze %dma_wait3A_83 : memref<1x80xi32, #tpu.memory_space<vmem>> -> memref<80xi32, #tpu.memory_space<vmem>>
      %dma_wait3A_85 = arith.constant 0 : i32
      %dma_wait3A_86 = arith.constant 0 : i32
      %dma_wait3A_87 = tpu.memref_slice %arg5[%dma_wait3A_85, %dma_wait3A_86] : memref<10000x136xf32, #tpu.memory_space<hbm>> -> memref<10000x136xf32, #tpu.memory_space<hbm>>
      tpu.wait_indirect_dma semaphore(%arg17 : memref<!tpu.dma_semaphore, #tpu.memory_space<semaphore_mem>>) src(%dma_wait3A_87 : memref<10000x136xf32, #tpu.memory_space<hbm>>) dst(%arg14 : memref<80x136xf32, #tpu.memory_space<vmem>>)
      %dma_start3A_88 = arith.constant 0 : i32
      %dma_start3A_89 = arith.constant 0 : i32
      %dma_start3A_90 = tpu.memref_slice %arg13[%dma_start3A_88, %dma_start3A_89] : memref<25x80xi32, #tpu.memory_space<vmem>> -> memref<1x80xi32, #tpu.memory_space<vmem>>
      %dma_start3A_91 = tpu.memref_squeeze %dma_start3A_90 : memref<1x80xi32, #tpu.memory_space<vmem>> -> memref<80xi32, #tpu.memory_space<vmem>>
      %dma_start3A_92 = arith.constant 0 : i32
      %dma_start3A_93 = arith.constant 0 : i32
      %dma_start3A_94 = tpu.memref_slice %arg10[%dma_start3A_92, %dma_start3A_93] : memref<200x136xf32, #tpu.memory_space<vmem_shared>> -> memref<200x136xf32, #tpu.memory_space<vmem_shared>>
      tpu.enqueue_indirect_dma source(%dma_start3A_94 : memref<200x136xf32, #tpu.memory_space<vmem_shared>>) target(%arg14 : memref<80x136xf32, #tpu.memory_space<vmem>>) offsets(%dma_start3A_91 : memref<80xi32, #tpu.memory_space<vmem>>) semaphore(%arg20 : memref<!tpu.dma_semaphore, #tpu.memory_space<semaphore_mem>>) {add = true}
      %dma_wait3A_95 = arith.constant 0 : i32
      %dma_wait3A_96 = arith.constant 0 : i32
      %dma_wait3A_97 = tpu.memref_slice %arg13[%dma_wait3A_95, %dma_wait3A_96] : memref<25x80xi32, #tpu.memory_space<vmem>> -> memref<1x80xi32, #tpu.memory_space<vmem>>
      %dma_wait3A_98 = tpu.memref_squeeze %dma_wait3A_97 : memref<1x80xi32, #tpu.memory_space<vmem>> -> memref<80xi32, #tpu.memory_space<vmem>>
      %dma_wait3A_99 = arith.constant 0 : i32
      %dma_wait3A_100 = arith.constant 0 : i32
      %dma_wait3A_101 = tpu.memref_slice %arg10[%dma_wait3A_99, %dma_wait3A_100] : memref<200x136xf32, #tpu.memory_space<vmem_shared>> -> memref<200x136xf32, #tpu.memory_space<vmem_shared>>
      tpu.wait_indirect_dma semaphore(%arg20 : memref<!tpu.dma_semaphore, #tpu.memory_space<semaphore_mem>>) src(%dma_wait3A_101 : memref<200x136xf32, #tpu.memory_space<vmem_shared>>) dst(%arg14 : memref<80x136xf32, #tpu.memory_space<vmem>>)
      %dma_start3A_102 = arith.constant 0 : i32
      %dma_start3A_103 = arith.constant 0 : i32
      %dma_start3A_104 = tpu.memref_slice %arg12[%dma_start3A_102, %dma_start3A_103] : memref<25x80xi32, #tpu.memory_space<vmem>> -> memref<1x80xi32, #tpu.memory_space<vmem>>
      %dma_start3A_105 = tpu.memref_squeeze %dma_start3A_104 : memref<1x80xi32, #tpu.memory_space<vmem>> -> memref<80xi32, #tpu.memory_space<vmem>>
      %dma_start3A_106 = arith.constant 0 : i32
      %dma_start3A_107 = arith.constant 0 : i32
      %dma_start3A_108 = tpu.memref_slice %arg9[%dma_start3A_106, %dma_start3A_107] : memref<10000x136xf32, #tpu.memory_space<vmem_shared>> -> memref<10000x136xf32, #tpu.memory_space<vmem_shared>>
      tpu.enqueue_indirect_dma source(%arg14 : memref<80x136xf32, #tpu.memory_space<vmem>>) target(%dma_start3A_108 : memref<10000x136xf32, #tpu.memory_space<vmem_shared>>) offsets(%dma_start3A_105 : memref<80xi32, #tpu.memory_space<vmem>>) semaphore(%arg23 : memref<!tpu.dma_semaphore, #tpu.memory_space<semaphore_mem>>) {add = true}
      %dma_start3A_109 = arith.constant 2 : i32
      %dma_start3A_110 = arith.constant 0 : i32
      %dma_start3A_111 = tpu.memref_slice %arg11[%dma_start3A_109, %dma_start3A_110] : memref<25x80xi32, #tpu.memory_space<vmem>> -> memref<1x80xi32, #tpu.memory_space<vmem>>
      %dma_start3A_112 = tpu.memref_squeeze %dma_start3A_111 : memref<1x80xi32, #tpu.memory_space<vmem>> -> memref<80xi32, #tpu.memory_space<vmem>>
      %dma_start3A_113 = arith.constant 0 : i32
      %dma_start3A_114 = arith.constant 0 : i32
      %dma_start3A_115 = tpu.memref_slice %arg5[%dma_start3A_113, %dma_start3A_114] : memref<10000x136xf32, #tpu.memory_space<hbm>> -> memref<10000x136xf32, #tpu.memory_space<hbm>>
      tpu.enqueue_indirect_dma source(%dma_start3A_115 : memref<10000x136xf32, #tpu.memory_space<hbm>>) target(%arg16 : memref<80x136xf32, #tpu.memory_space<vmem>>) offsets(%dma_start3A_112 : memref<80xi32, #tpu.memory_space<vmem>>) semaphore(%arg19 : memref<!tpu.dma_semaphore, #tpu.memory_space<semaphore_mem>>)
      %dma_wait3A_116 = arith.constant 1 : i32
      %dma_wait3A_117 = arith.constant 0 : i32
      %dma_wait3A_118 = tpu.memref_slice %arg11[%dma_wait3A_116, %dma_wait3A_117] : memref<25x80xi32, #tpu.memory_space<vmem>> -> memref<1x80xi32, #tpu.memory_space<vmem>>
      %dma_wait3A_119 = tpu.memref_squeeze %dma_wait3A_118 : memref<1x80xi32, #tpu.memory_space<vmem>> -> memref<80xi32, #tpu.memory_space<vmem>>
      %dma_wait3A_120 = arith.constant 0 : i32
      %dma_wait3A_121 = arith.constant 0 : i32
      %dma_wait3A_122 = tpu.memref_slice %arg5[%dma_wait3A_120, %dma_wait3A_121] : memref<10000x136xf32, #tpu.memory_space<hbm>> -> memref<10000x136xf32, #tpu.memory_space<hbm>>
      tpu.wait_indirect_dma semaphore(%arg18 : memref<!tpu.dma_semaphore, #tpu.memory_space<semaphore_mem>>) src(%dma_wait3A_122 : memref<10000x136xf32, #tpu.memory_space<hbm>>) dst(%arg15 : memref<80x136xf32, #tpu.memory_space<vmem>>)
      %dma_start3A_123 = arith.constant 1 : i32
      %dma_start3A_124 = arith.constant 0 : i32
      %dma_start3A_125 = tpu.memref_slice %arg13[%dma_start3A_123, %dma_start3A_124] : memref<25x80xi32, #tpu.memory_space<vmem>> -> memref<1x80xi32, #tpu.memory_space<vmem>>
      %dma_start3A_126 = tpu.memref_squeeze %dma_start3A_125 : memref<1x80xi32, #tpu.memory_space<vmem>> -> memref<80xi32, #tpu.memory_space<vmem>>
      %dma_start3A_127 = arith.constant 0 : i32
      %dma_start3A_128 = arith.constant 0 : i32
      %dma_start3A_129 = tpu.memref_slice %arg10[%dma_start3A_127, %dma_start3A_128] : memref<200x136xf32, #tpu.memory_space<vmem_shared>> -> memref<200x136xf32, #tpu.memory_space<vmem_shared>>
      tpu.enqueue_indirect_dma source(%dma_start3A_129 : memref<200x136xf32, #tpu.memory_space<vmem_shared>>) target(%arg15 : memref<80x136xf32, #tpu.memory_space<vmem>>) offsets(%dma_start3A_126 : memref<80xi32, #tpu.memory_space<vmem>>) semaphore(%arg21 : memref<!tpu.dma_semaphore, #tpu.memory_space<semaphore_mem>>) {add = true}
      %dma_wait3A_130 = arith.constant 1 : i32
      %dma_wait3A_131 = arith.constant 0 : i32
      %dma_wait3A_132 = tpu.memref_slice %arg13[%dma_wait3A_130, %dma_wait3A_131] : memref<25x80xi32, #tpu.memory_space<vmem>> -> memref<1x80xi32, #tpu.memory_space<vmem>>
      %dma_wait3A_133 = tpu.memref_squeeze %dma_wait3A_132 : memref<1x80xi32, #tpu.memory_space<vmem>> -> memref<80xi32, #tpu.memory_space<vmem>>
      %dma_wait3A_134 = arith.constant 0 : i32
      %dma_wait3A_135 = arith.constant 0 : i32
      %dma_wait3A_136 = tpu.memref_slice %arg10[%dma_wait3A_134, %dma_wait3A_135] : memref<200x136xf32, #tpu.memory_space<vmem_shared>> -> memref<200x136xf32, #tpu.memory_space<vmem_shared>>
      tpu.wait_indirect_dma semaphore(%arg21 : memref<!tpu.dma_semaphore, #tpu.memory_space<semaphore_mem>>) src(%dma_wait3A_136 : memref<200x136xf32, #tpu.memory_space<vmem_shared>>) dst(%arg15 : memref<80x136xf32, #tpu.memory_space<vmem>>)
      %dma_start3A_137 = arith.constant 1 : i32
      %dma_start3A_138 = arith.constant 0 : i32
      %dma_start3A_139 = tpu.memref_slice %arg12[%dma_start3A_137, %dma_start3A_138] : memref<25x80xi32, #tpu.memory_space<vmem>> -> memref<1x80xi32, #tpu.memory_space<vmem>>
      %dma_start3A_140 = tpu.memref_squeeze %dma_start3A_139 : memref<1x80xi32, #tpu.memory_space<vmem>> -> memref<80xi32, #tpu.memory_space<vmem>>
      %dma_start3A_141 = arith.constant 0 : i32
      %dma_start3A_142 = arith.constant 0 : i32
      %dma_start3A_143 = tpu.memref_slice %arg9[%dma_start3A_141, %dma_start3A_142] : memref<10000x136xf32, #tpu.memory_space<vmem_shared>> -> memref<10000x136xf32, #tpu.memory_space<vmem_shared>>
      tpu.enqueue_indirect_dma source(%arg15 : memref<80x136xf32, #tpu.memory_space<vmem>>) target(%dma_start3A_143 : memref<10000x136xf32, #tpu.memory_space<vmem_shared>>) offsets(%dma_start3A_140 : memref<80xi32, #tpu.memory_space<vmem>>) semaphore(%arg24 : memref<!tpu.dma_semaphore, #tpu.memory_space<semaphore_mem>>) {add = true}
      %dma_wait3A_144 = arith.constant 0 : i32
      %dma_wait3A_145 = arith.constant 0 : i32
      %dma_wait3A_146 = tpu.memref_slice %arg12[%dma_wait3A_144, %dma_wait3A_145] : memref<25x80xi32, #tpu.memory_space<vmem>> -> memref<1x80xi32, #tpu.memory_space<vmem>>
      %dma_wait3A_147 = tpu.memref_squeeze %dma_wait3A_146 : memref<1x80xi32, #tpu.memory_space<vmem>> -> memref<80xi32, #tpu.memory_space<vmem>>
      %dma_wait3A_148 = arith.constant 0 : i32
      %dma_wait3A_149 = arith.constant 0 : i32
      %dma_wait3A_150 = tpu.memref_slice %arg9[%dma_wait3A_148, %dma_wait3A_149] : memref<10000x136xf32, #tpu.memory_space<vmem_shared>> -> memref<10000x136xf32, #tpu.memory_space<vmem_shared>>
      tpu.wait_indirect_dma semaphore(%arg23 : memref<!tpu.dma_semaphore, #tpu.memory_space<semaphore_mem>>) src(%arg14 : memref<80x136xf32, #tpu.memory_space<vmem>>) dst(%dma_wait3A_150 : memref<10000x136xf32, #tpu.memory_space<vmem_shared>>)
      %dma_start3A_151 = arith.constant 3 : i32
      %dma_start3A_152 = arith.constant 0 : i32
      %dma_start3A_153 = tpu.memref_slice %arg11[%dma_start3A_151, %dma_start3A_152] : memref<25x80xi32, #tpu.memory_space<vmem>> -> memref<1x80xi32, #tpu.memory_space<vmem>>
      %dma_start3A_154 = tpu.memref_squeeze %dma_start3A_153 : memref<1x80xi32, #tpu.memory_space<vmem>> -> memref<80xi32, #tpu.memory_space<vmem>>
      %dma_start3A_155 = arith.constant 0 : i32
      %dma_start3A_156 = arith.constant 0 : i32
      %dma_start3A_157 = tpu.memref_slice %arg5[%dma_start3A_155, %dma_start3A_156] : memref<10000x136xf32, #tpu.memory_space<hbm>> -> memref<10000x136xf32, #tpu.memory_space<hbm>>
      tpu.enqueue_indirect_dma source(%dma_start3A_157 : memref<10000x136xf32, #tpu.memory_space<hbm>>) target(%arg14 : memref<80x136xf32, #tpu.memory_space<vmem>>) offsets(%dma_start3A_154 : memref<80xi32, #tpu.memory_space<vmem>>) semaphore(%arg17 : memref<!tpu.dma_semaphore, #tpu.memory_space<semaphore_mem>>)
      %dma_wait3A_158 = arith.constant 2 : i32
      %dma_wait3A_159 = arith.constant 0 : i32
      %dma_wait3A_160 = tpu.memref_slice %arg11[%dma_wait3A_158, %dma_wait3A_159] : memref<25x80xi32, #tpu.memory_space<vmem>> -> memref<1x80xi32, #tpu.memory_space<vmem>>
      %dma_wait3A_161 = tpu.memref_squeeze %dma_wait3A_160 : memref<1x80xi32, #tpu.memory_space<vmem>> -> memref<80xi32, #tpu.memory_space<vmem>>
      %dma_wait3A_162 = arith.constant 0 : i32
      %dma_wait3A_163 = arith.constant 0 : i32
      %dma_wait3A_164 = tpu.memref_slice %arg5[%dma_wait3A_162, %dma_wait3A_163] : memref<10000x136xf32, #tpu.memory_space<hbm>> -> memref<10000x136xf32, #tpu.memory_space<hbm>>
      tpu.wait_indirect_dma semaphore(%arg19 : memref<!tpu.dma_semaphore, #tpu.memory_space<semaphore_mem>>) src(%dma_wait3A_164 : memref<10000x136xf32, #tpu.memory_space<hbm>>) dst(%arg16 : memref<80x136xf32, #tpu.memory_space<vmem>>)
      %dma_start3A_165 = arith.constant 2 : i32
      %dma_start3A_166 = arith.constant 0 : i32
      %dma_start3A_167 = tpu.memref_slice %arg13[%dma_start3A_165, %dma_start3A_166] : memref<25x80xi32, #tpu.memory_space<vmem>> -> memref<1x80xi32, #tpu.memory_space<vmem>>
      %dma_start3A_168 = tpu.memref_squeeze %dma_start3A_167 : memref<1x80xi32, #tpu.memory_space<vmem>> -> memref<80xi32, #tpu.memory_space<vmem>>
      %dma_start3A_169 = arith.constant 0 : i32
      %dma_start3A_170 = arith.constant 0 : i32
      %dma_start3A_171 = tpu.memref_slice %arg10[%dma_start3A_169, %dma_start3A_170] : memref<200x136xf32, #tpu.memory_space<vmem_shared>> -> memref<200x136xf32, #tpu.memory_space<vmem_shared>>
      tpu.enqueue_indirect_dma source(%dma_start3A_171 : memref<200x136xf32, #tpu.memory_space<vmem_shared>>) target(%arg16 : memref<80x136xf32, #tpu.memory_space<vmem>>) offsets(%dma_start3A_168 : memref<80xi32, #tpu.memory_space<vmem>>) semaphore(%arg22 : memref<!tpu.dma_semaphore, #tpu.memory_space<semaphore_mem>>) {add = true}
      %dma_wait3A_172 = arith.constant 2 : i32
      %dma_wait3A_173 = arith.constant 0 : i32
      %dma_wait3A_174 = tpu.memref_slice %arg13[%dma_wait3A_172, %dma_wait3A_173] : memref<25x80xi32, #tpu.memory_space<vmem>> -> memref<1x80xi32, #tpu.memory_space<vmem>>
      %dma_wait3A_175 = tpu.memref_squeeze %dma_wait3A_174 : memref<1x80xi32, #tpu.memory_space<vmem>> -> memref<80xi32, #tpu.memory_space<vmem>>
      %dma_wait3A_176 = arith.constant 0 : i32
      %dma_wait3A_177 = arith.constant 0 : i32
      %dma_wait3A_178 = tpu.memref_slice %arg10[%dma_wait3A_176, %dma_wait3A_177] : memref<200x136xf32, #tpu.memory_space<vmem_shared>> -> memref<200x136xf32, #tpu.memory_space<vmem_shared>>
      tpu.wait_indirect_dma semaphore(%arg22 : memref<!tpu.dma_semaphore, #tpu.memory_space<semaphore_mem>>) src(%dma_wait3A_178 : memref<200x136xf32, #tpu.memory_space<vmem_shared>>) dst(%arg16 : memref<80x136xf32, #tpu.memory_space<vmem>>)
      %dma_start3A_179 = arith.constant 2 : i32
      %dma_start3A_180 = arith.constant 0 : i32
      %dma_start3A_181 = tpu.memref_slice %arg12[%dma_start3A_179, %dma_start3A_180] : memref<25x80xi32, #tpu.memory_space<vmem>> -> memref<1x80xi32, #tpu.memory_space<vmem>>
      %dma_start3A_182 = tpu.memref_squeeze %dma_start3A_181 : memref<1x80xi32, #tpu.memory_space<vmem>> -> memref<80xi32, #tpu.memory_space<vmem>>
      %dma_start3A_183 = arith.constant 0 : i32
      %dma_start3A_184 = arith.constant 0 : i32
      %dma_start3A_185 = tpu.memref_slice %arg9[%dma_start3A_183, %dma_start3A_184] : memref<10000x136xf32, #tpu.memory_space<vmem_shared>> -> memref<10000x136xf32, #tpu.memory_space<vmem_shared>>
      tpu.enqueue_indirect_dma source(%arg16 : memref<80x136xf32, #tpu.memory_space<vmem>>) target(%dma_start3A_185 : memref<10000x136xf32, #tpu.memory_space<vmem_shared>>) offsets(%dma_start3A_182 : memref<80xi32, #tpu.memory_space<vmem>>) semaphore(%arg25 : memref<!tpu.dma_semaphore, #tpu.memory_space<semaphore_mem>>) {add = true}
      %dma_wait3A_186 = arith.constant 0 : i32
      %dma_wait3A_187 = arith.constant 0 : i32
      %dma_wait3A_188 = tpu.memref_slice %arg12[%dma_wait3A_186, %dma_wait3A_187] : memref<25x80xi32, #tpu.memory_space<vmem>> -> memref<1x80xi32, #tpu.memory_space<vmem>>
      %dma_wait3A_189 = tpu.memref_squeeze %dma_wait3A_188 : memref<1x80xi32, #tpu.memory_space<vmem>> -> memref<80xi32, #tpu.memory_space<vmem>>
      %dma_wait3A_190 = arith.constant 0 : i32
      %dma_wait3A_191 = arith.constant 0 : i32
      %dma_wait3A_192 = tpu.memref_slice %arg9[%dma_wait3A_190, %dma_wait3A_191] : memref<10000x136xf32, #tpu.memory_space<vmem_shared>> -> memref<10000x136xf32, #tpu.memory_space<vmem_shared>>
      tpu.wait_indirect_dma semaphore(%arg24 : memref<!tpu.dma_semaphore, #tpu.memory_space<semaphore_mem>>) src(%arg14 : memref<80x136xf32, #tpu.memory_space<vmem>>) dst(%dma_wait3A_192 : memref<10000x136xf32, #tpu.memory_space<vmem_shared>>)
      %dma_start3A_193 = arith.constant 4 : i32
      %dma_start3A_194 = arith.constant 0 : i32
      %dma_start3A_195 = tpu.memref_slice %arg11[%dma_start3A_193, %dma_start3A_194] : memref<25x80xi32, #tpu.memory_space<vmem>> -> memref<1x80xi32, #tpu.memory_space<vmem>>
      %dma_start3A_196 = tpu.memref_squeeze %dma_start3A_195 : memref<1x80xi32, #tpu.memory_space<vmem>> -> memref<80xi32, #tpu.memory_space<vmem>>
      %dma_start3A_197 = arith.constant 0 : i32
      %dma_start3A_198 = arith.constant 0 : i32
      %dma_start3A_199 = tpu.memref_slice %arg5[%dma_start3A_197, %dma_start3A_198] : memref<10000x136xf32, #tpu.memory_space<hbm>> -> memref<10000x136xf32, #tpu.memory_space<hbm>>
      tpu.enqueue_indirect_dma source(%dma_start3A_199 : memref<10000x136xf32, #tpu.memory_space<hbm>>) target(%arg15 : memref<80x136xf32, #tpu.memory_space<vmem>>) offsets(%dma_start3A_196 : memref<80xi32, #tpu.memory_space<vmem>>) semaphore(%arg18 : memref<!tpu.dma_semaphore, #tpu.memory_space<semaphore_mem>>)
      %dma_wait3A_200 = arith.constant 3 : i32
      %dma_wait3A_201 = arith.constant 0 : i32
      %dma_wait3A_202 = tpu.memref_slice %arg11[%dma_wait3A_200, %dma_wait3A_201] : memref<25x80xi32, #tpu.memory_space<vmem>> -> memref<1x80xi32, #tpu.memory_space<vmem>>
      %dma_wait3A_203 = tpu.memref_squeeze %dma_wait3A_202 : memref<1x80xi32, #tpu.memory_space<vmem>> -> memref<80xi32, #tpu.memory_space<vmem>>
      %dma_wait3A_204 = arith.constant 0 : i32
      %dma_wait3A_205 = arith.constant 0 : i32
      %dma_wait3A_206 = tpu.memref_slice %arg5[%dma_wait3A_204, %dma_wait3A_205] : memref<10000x136xf32, #tpu.memory_space<hbm>> -> memref<10000x136xf32, #tpu.memory_space<hbm>>
      tpu.wait_indirect_dma semaphore(%arg17 : memref<!tpu.dma_semaphore, #tpu.memory_space<semaphore_mem>>) src(%dma_wait3A_206 : memref<10000x136xf32, #tpu.memory_space<hbm>>) dst(%arg14 : memref<80x136xf32, #tpu.memory_space<vmem>>)
      %dma_start3A_207 = arith.constant 3 : i32
      %dma_start3A_208 = arith.constant 0 : i32
      %dma_start3A_209 = tpu.memref_slice %arg13[%dma_start3A_207, %dma_start3A_208] : memref<25x80xi32, #tpu.memory_space<vmem>> -> memref<1x80xi32, #tpu.memory_space<vmem>>
      %dma_start3A_210 = tpu.memref_squeeze %dma_start3A_209 : memref<1x80xi32, #tpu.memory_space<vmem>> -> memref<80xi32, #tpu.memory_space<vmem>>
      %dma_start3A_211 = arith.constant 0 : i32
      %dma_start3A_212 = arith.constant 0 : i32
      %dma_start3A_213 = tpu.memref_slice %arg10[%dma_start3A_211, %dma_start3A_212] : memref<200x136xf32, #tpu.memory_space<vmem_shared>> -> memref<200x136xf32, #tpu.memory_space<vmem_shared>>
      tpu.enqueue_indirect_dma source(%dma_start3A_213 : memref<200x136xf32, #tpu.memory_space<vmem_shared>>) target(%arg14 : memref<80x136xf32, #tpu.memory_space<vmem>>) offsets(%dma_start3A_210 : memref<80xi32, #tpu.memory_space<vmem>>) semaphore(%arg20 : memref<!tpu.dma_semaphore, #tpu.memory_space<semaphore_mem>>) {add = true}
      %dma_wait3A_214 = arith.constant 3 : i32
      %dma_wait3A_215 = arith.constant 0 : i32
      %dma_wait3A_216 = tpu.memref_slice %arg13[%dma_wait3A_214, %dma_wait3A_215] : memref<25x80xi32, #tpu.memory_space<vmem>> -> memref<1x80xi32, #tpu.memory_space<vmem>>
      %dma_wait3A_217 = tpu.memref_squeeze %dma_wait3A_216 : memref<1x80xi32, #tpu.memory_space<vmem>> -> memref<80xi32, #tpu.memory_space<vmem>>
      %dma_wait3A_218 = arith.constant 0 : i32
      %dma_wait3A_219 = arith.constant 0 : i32
      %dma_wait3A_220 = tpu.memref_slice %arg10[%dma_wait3A_218, %dma_wait3A_219] : memref<200x136xf32, #tpu.memory_space<vmem_shared>> -> memref<200x136xf32, #tpu.memory_space<vmem_shared>>
      tpu.wait_indirect_dma semaphore(%arg20 : memref<!tpu.dma_semaphore, #tpu.memory_space<semaphore_mem>>) src(%dma_wait3A_220 : memref<200x136xf32, #tpu.memory_space<vmem_shared>>) dst(%arg14 : memref<80x136xf32, #tpu.memory_space<vmem>>)
      %dma_start3A_221 = arith.constant 3 : i32
      %dma_start3A_222 = arith.constant 0 : i32
      %dma_start3A_223 = tpu.memref_slice %arg12[%dma_start3A_221, %dma_start3A_222] : memref<25x80xi32, #tpu.memory_space<vmem>> -> memref<1x80xi32, #tpu.memory_space<vmem>>
      %dma_start3A_224 = tpu.memref_squeeze %dma_start3A_223 : memref<1x80xi32, #tpu.memory_space<vmem>> -> memref<80xi32, #tpu.memory_space<vmem>>
      %dma_start3A_225 = arith.constant 0 : i32
      %dma_start3A_226 = arith.constant 0 : i32
      %dma_start3A_227 = tpu.memref_slice %arg9[%dma_start3A_225, %dma_start3A_226] : memref<10000x136xf32, #tpu.memory_space<vmem_shared>> -> memref<10000x136xf32, #tpu.memory_space<vmem_shared>>
      tpu.enqueue_indirect_dma source(%arg14 : memref<80x136xf32, #tpu.memory_space<vmem>>) target(%dma_start3A_227 : memref<10000x136xf32, #tpu.memory_space<vmem_shared>>) offsets(%dma_start3A_224 : memref<80xi32, #tpu.memory_space<vmem>>) semaphore(%arg23 : memref<!tpu.dma_semaphore, #tpu.memory_space<semaphore_mem>>) {add = true}
      %dma_wait3A_228 = arith.constant 0 : i32
      %dma_wait3A_229 = arith.constant 0 : i32
      %dma_wait3A_230 = tpu.memref_slice %arg12[%dma_wait3A_228, %dma_wait3A_229] : memref<25x80xi32, #tpu.memory_space<vmem>> -> memref<1x80xi32, #tpu.memory_space<vmem>>
      %dma_wait3A_231 = tpu.memref_squeeze %dma_wait3A_230 : memref<1x80xi32, #tpu.memory_space<vmem>> -> memref<80xi32, #tpu.memory_space<vmem>>
      %dma_wait3A_232 = arith.constant 0 : i32
      %dma_wait3A_233 = arith.constant 0 : i32
      %dma_wait3A_234 = tpu.memref_slice %arg9[%dma_wait3A_232, %dma_wait3A_233] : memref<10000x136xf32, #tpu.memory_space<vmem_shared>> -> memref<10000x136xf32, #tpu.memory_space<vmem_shared>>
      tpu.wait_indirect_dma semaphore(%arg25 : memref<!tpu.dma_semaphore, #tpu.memory_space<semaphore_mem>>) src(%arg14 : memref<80x136xf32, #tpu.memory_space<vmem>>) dst(%dma_wait3A_234 : memref<10000x136xf32, #tpu.memory_space<vmem_shared>>)
      %dma_start3A_235 = arith.constant 5 : i32
      %dma_start3A_236 = arith.constant 0 : i32
      %dma_start3A_237 = tpu.memref_slice %arg11[%dma_start3A_235, %dma_start3A_236] : memref<25x80xi32, #tpu.memory_space<vmem>> -> memref<1x80xi32, #tpu.memory_space<vmem>>
      %dma_start3A_238 = tpu.memref_squeeze %dma_start3A_237 : memref<1x80xi32, #tpu.memory_space<vmem>> -> memref<80xi32, #tpu.memory_space<vmem>>
      %dma_start3A_239 = arith.constant 0 : i32
      %dma_start3A_240 = arith.constant 0 : i32
      %dma_start3A_241 = tpu.memref_slice %arg5[%dma_start3A_239, %dma_start3A_240] : memref<10000x136xf32, #tpu.memory_space<hbm>> -> memref<10000x136xf32, #tpu.memory_space<hbm>>
      tpu.enqueue_indirect_dma source(%dma_start3A_241 : memref<10000x136xf32, #tpu.memory_space<hbm>>) target(%arg16 : memref<80x136xf32, #tpu.memory_space<vmem>>) offsets(%dma_start3A_238 : memref<80xi32, #tpu.memory_space<vmem>>) semaphore(%arg19 : memref<!tpu.dma_semaphore, #tpu.memory_space<semaphore_mem>>)
      %dma_wait3A_242 = arith.constant 4 : i32
      %dma_wait3A_243 = arith.constant 0 : i32
      %dma_wait3A_244 = tpu.memref_slice %arg11[%dma_wait3A_242, %dma_wait3A_243] : memref<25x80xi32, #tpu.memory_space<vmem>> -> memref<1x80xi32, #tpu.memory_space<vmem>>
      %dma_wait3A_245 = tpu.memref_squeeze %dma_wait3A_244 : memref<1x80xi32, #tpu.memory_space<vmem>> -> memref<80xi32, #tpu.memory_space<vmem>>
      %dma_wait3A_246 = arith.constant 0 : i32
      %dma_wait3A_247 = arith.constant 0 : i32
      %dma_wait3A_248 = tpu.memref_slice %arg5[%dma_wait3A_246, %dma_wait3A_247] : memref<10000x136xf32, #tpu.memory_space<hbm>> -> memref<10000x136xf32, #tpu.memory_space<hbm>>
      tpu.wait_indirect_dma semaphore(%arg18 : memref<!tpu.dma_semaphore, #tpu.memory_space<semaphore_mem>>) src(%dma_wait3A_248 : memref<10000x136xf32, #tpu.memory_space<hbm>>) dst(%arg15 : memref<80x136xf32, #tpu.memory_space<vmem>>)
      %dma_start3A_249 = arith.constant 4 : i32
      %dma_start3A_250 = arith.constant 0 : i32
      %dma_start3A_251 = tpu.memref_slice %arg13[%dma_start3A_249, %dma_start3A_250] : memref<25x80xi32, #tpu.memory_space<vmem>> -> memref<1x80xi32, #tpu.memory_space<vmem>>
      %dma_start3A_252 = tpu.memref_squeeze %dma_start3A_251 : memref<1x80xi32, #tpu.memory_space<vmem>> -> memref<80xi32, #tpu.memory_space<vmem>>
      %dma_start3A_253 = arith.constant 0 : i32
      %dma_start3A_254 = arith.constant 0 : i32
      %dma_start3A_255 = tpu.memref_slice %arg10[%dma_start3A_253, %dma_start3A_254] : memref<200x136xf32, #tpu.memory_space<vmem_shared>> -> memref<200x136xf32, #tpu.memory_space<vmem_shared>>
      tpu.enqueue_indirect_dma source(%dma_start3A_255 : memref<200x136xf32, #tpu.memory_space<vmem_shared>>) target(%arg15 : memref<80x136xf32, #tpu.memory_space<vmem>>) offsets(%dma_start3A_252 : memref<80xi32, #tpu.memory_space<vmem>>) semaphore(%arg21 : memref<!tpu.dma_semaphore, #tpu.memory_space<semaphore_mem>>) {add = true}
      %dma_wait3A_256 = arith.constant 4 : i32
      %dma_wait3A_257 = arith.constant 0 : i32
      %dma_wait3A_258 = tpu.memref_slice %arg13[%dma_wait3A_256, %dma_wait3A_257] : memref<25x80xi32, #tpu.memory_space<vmem>> -> memref<1x80xi32, #tpu.memory_space<vmem>>
      %dma_wait3A_259 = tpu.memref_squeeze %dma_wait3A_258 : memref<1x80xi32, #tpu.memory_space<vmem>> -> memref<80xi32, #tpu.memory_space<vmem>>
      %dma_wait3A_260 = arith.constant 0 : i32
      %dma_wait3A_261 = arith.constant 0 : i32
      %dma_wait3A_262 = tpu.memref_slice %arg10[%dma_wait3A_260, %dma_wait3A_261] : memref<200x136xf32, #tpu.memory_space<vmem_shared>> -> memref<200x136xf32, #tpu.memory_space<vmem_shared>>
      tpu.wait_indirect_dma semaphore(%arg21 : memref<!tpu.dma_semaphore, #tpu.memory_space<semaphore_mem>>) src(%dma_wait3A_262 : memref<200x136xf32, #tpu.memory_space<vmem_shared>>) dst(%arg15 : memref<80x136xf32, #tpu.memory_space<vmem>>)
      %dma_start3A_263 = arith.constant 4 : i32
      %dma_start3A_264 = arith.constant 0 : i32
      %dma_start3A_265 = tpu.memref_slice %arg12[%dma_start3A_263, %dma_start3A_264] : memref<25x80xi32, #tpu.memory_space<vmem>> -> memref<1x80xi32, #tpu.memory_space<vmem>>
      %dma_start3A_266 = tpu.memref_squeeze %dma_start3A_265 : memref<1x80xi32, #tpu.memory_space<vmem>> -> memref<80xi32, #tpu.memory_space<vmem>>
      %dma_start3A_267 = arith.constant 0 : i32
      %dma_start3A_268 = arith.constant 0 : i32
      %dma_start3A_269 = tpu.memref_slice %arg9[%dma_start3A_267, %dma_start3A_268] : memref<10000x136xf32, #tpu.memory_space<vmem_shared>> -> memref<10000x136xf32, #tpu.memory_space<vmem_shared>>
      tpu.enqueue_indirect_dma source(%arg15 : memref<80x136xf32, #tpu.memory_space<vmem>>) target(%dma_start3A_269 : memref<10000x136xf32, #tpu.memory_space<vmem_shared>>) offsets(%dma_start3A_266 : memref<80xi32, #tpu.memory_space<vmem>>) semaphore(%arg24 : memref<!tpu.dma_semaphore, #tpu.memory_space<semaphore_mem>>) {add = true}
      %dma_wait3A_270 = arith.constant 0 : i32
      %dma_wait3A_271 = arith.constant 0 : i32
      %dma_wait3A_272 = tpu.memref_slice %arg12[%dma_wait3A_270, %dma_wait3A_271] : memref<25x80xi32, #tpu.memory_space<vmem>> -> memref<1x80xi32, #tpu.memory_space<vmem>>
      %dma_wait3A_273 = tpu.memref_squeeze %dma_wait3A_272 : memref<1x80xi32, #tpu.memory_space<vmem>> -> memref<80xi32, #tpu.memory_space<vmem>>
      %dma_wait3A_274 = arith.constant 0 : i32
      %dma_wait3A_275 = arith.constant 0 : i32
      %dma_wait3A_276 = tpu.memref_slice %arg9[%dma_wait3A_274, %dma_wait3A_275] : memref<10000x136xf32, #tpu.memory_space<vmem_shared>> -> memref<10000x136xf32, #tpu.memory_space<vmem_shared>>
      tpu.wait_indirect_dma semaphore(%arg23 : memref<!tpu.dma_semaphore, #tpu.memory_space<semaphore_mem>>) src(%arg14 : memref<80x136xf32, #tpu.memory_space<vmem>>) dst(%dma_wait3A_276 : memref<10000x136xf32, #tpu.memory_space<vmem_shared>>)
      %dma_start3A_277 = arith.constant 6 : i32
      %dma_start3A_278 = arith.constant 0 : i32
      %dma_start3A_279 = tpu.memref_slice %arg11[%dma_start3A_277, %dma_start3A_278] : memref<25x80xi32, #tpu.memory_space<vmem>> -> memref<1x80xi32, #tpu.memory_space<vmem>>
      %dma_start3A_280 = tpu.memref_squeeze %dma_start3A_279 : memref<1x80xi32, #tpu.memory_space<vmem>> -> memref<80xi32, #tpu.memory_space<vmem>>
      %dma_start3A_281 = arith.constant 0 : i32
      %dma_start3A_282 = arith.constant 0 : i32
      %dma_start3A_283 = tpu.memref_slice %arg5[%dma_start3A_281, %dma_start3A_282] : memref<10000x136xf32, #tpu.memory_space<hbm>> -> memref<10000x136xf32, #tpu.memory_space<hbm>>
      tpu.enqueue_indirect_dma source(%dma_start3A_283 : memref<10000x136xf32, #tpu.memory_space<hbm>>) target(%arg14 : memref<80x136xf32, #tpu.memory_space<vmem>>) offsets(%dma_start3A_280 : memref<80xi32, #tpu.memory_space<vmem>>) semaphore(%arg17 : memref<!tpu.dma_semaphore, #tpu.memory_space<semaphore_mem>>)
      %dma_wait3A_284 = arith.constant 5 : i32
      %dma_wait3A_285 = arith.constant 0 : i32
      %dma_wait3A_286 = tpu.memref_slice %arg11[%dma_wait3A_284, %dma_wait3A_285] : memref<25x80xi32, #tpu.memory_space<vmem>> -> memref<1x80xi32, #tpu.memory_space<vmem>>
      %dma_wait3A_287 = tpu.memref_squeeze %dma_wait3A_286 : memref<1x80xi32, #tpu.memory_space<vmem>> -> memref<80xi32, #tpu.memory_space<vmem>>
      %dma_wait3A_288 = arith.constant 0 : i32
      %dma_wait3A_289 = arith.constant 0 : i32
      %dma_wait3A_290 = tpu.memref_slice %arg5[%dma_wait3A_288, %dma_wait3A_289] : memref<10000x136xf32, #tpu.memory_space<hbm>> -> memref<10000x136xf32, #tpu.memory_space<hbm>>
      tpu.wait_indirect_dma semaphore(%arg19 : memref<!tpu.dma_semaphore, #tpu.memory_space<semaphore_mem>>) src(%dma_wait3A_290 : memref<10000x136xf32, #tpu.memory_space<hbm>>) dst(%arg16 : memref<80x136xf32, #tpu.memory_space<vmem>>)
      %dma_start3A_291 = arith.constant 5 : i32
      %dma_start3A_292 = arith.constant 0 : i32
      %dma_start3A_293 = tpu.memref_slice %arg13[%dma_start3A_291, %dma_start3A_292] : memref<25x80xi32, #tpu.memory_space<vmem>> -> memref<1x80xi32, #tpu.memory_space<vmem>>
      %dma_start3A_294 = tpu.memref_squeeze %dma_start3A_293 : memref<1x80xi32, #tpu.memory_space<vmem>> -> memref<80xi32, #tpu.memory_space<vmem>>
      %dma_start3A_295 = arith.constant 0 : i32
      %dma_start3A_296 = arith.constant 0 : i32
      %dma_start3A_297 = tpu.memref_slice %arg10[%dma_start3A_295, %dma_start3A_296] : memref<200x136xf32, #tpu.memory_space<vmem_shared>> -> memref<200x136xf32, #tpu.memory_space<vmem_shared>>
      tpu.enqueue_indirect_dma source(%dma_start3A_297 : memref<200x136xf32, #tpu.memory_space<vmem_shared>>) target(%arg16 : memref<80x136xf32, #tpu.memory_space<vmem>>) offsets(%dma_start3A_294 : memref<80xi32, #tpu.memory_space<vmem>>) semaphore(%arg22 : memref<!tpu.dma_semaphore, #tpu.memory_space<semaphore_mem>>) {add = true}
      %dma_wait3A_298 = arith.constant 5 : i32
      %dma_wait3A_299 = arith.constant 0 : i32
      %dma_wait3A_300 = tpu.memref_slice %arg13[%dma_wait3A_298, %dma_wait3A_299] : memref<25x80xi32, #tpu.memory_space<vmem>> -> memref<1x80xi32, #tpu.memory_space<vmem>>
      %dma_wait3A_301 = tpu.memref_squeeze %dma_wait3A_300 : memref<1x80xi32, #tpu.memory_space<vmem>> -> memref<80xi32, #tpu.memory_space<vmem>>
      %dma_wait3A_302 = arith.constant 0 : i32
      %dma_wait3A_303 = arith.constant 0 : i32
      %dma_wait3A_304 = tpu.memref_slice %arg10[%dma_wait3A_302, %dma_wait3A_303] : memref<200x136xf32, #tpu.memory_space<vmem_shared>> -> memref<200x136xf32, #tpu.memory_space<vmem_shared>>
      tpu.wait_indirect_dma semaphore(%arg22 : memref<!tpu.dma_semaphore, #tpu.memory_space<semaphore_mem>>) src(%dma_wait3A_304 : memref<200x136xf32, #tpu.memory_space<vmem_shared>>) dst(%arg16 : memref<80x136xf32, #tpu.memory_space<vmem>>)
      %dma_start3A_305 = arith.constant 5 : i32
      %dma_start3A_306 = arith.constant 0 : i32
      %dma_start3A_307 = tpu.memref_slice %arg12[%dma_start3A_305, %dma_start3A_306] : memref<25x80xi32, #tpu.memory_space<vmem>> -> memref<1x80xi32, #tpu.memory_space<vmem>>
      %dma_start3A_308 = tpu.memref_squeeze %dma_start3A_307 : memref<1x80xi32, #tpu.memory_space<vmem>> -> memref<80xi32, #tpu.memory_space<vmem>>
      %dma_start3A_309 = arith.constant 0 : i32
      %dma_start3A_310 = arith.constant 0 : i32
      %dma_start3A_311 = tpu.memref_slice %arg9[%dma_start3A_309, %dma_start3A_310] : memref<10000x136xf32, #tpu.memory_space<vmem_shared>> -> memref<10000x136xf32, #tpu.memory_space<vmem_shared>>
      tpu.enqueue_indirect_dma source(%arg16 : memref<80x136xf32, #tpu.memory_space<vmem>>) target(%dma_start3A_311 : memref<10000x136xf32, #tpu.memory_space<vmem_shared>>) offsets(%dma_start3A_308 : memref<80xi32, #tpu.memory_space<vmem>>) semaphore(%arg25 : memref<!tpu.dma_semaphore, #tpu.memory_space<semaphore_mem>>) {add = true}
      %dma_wait3A_312 = arith.constant 0 : i32
      %dma_wait3A_313 = arith.constant 0 : i32
      %dma_wait3A_314 = tpu.memref_slice %arg12[%dma_wait3A_312, %dma_wait3A_313] : memref<25x80xi32, #tpu.memory_space<vmem>> -> memref<1x80xi32, #tpu.memory_space<vmem>>
      %dma_wait3A_315 = tpu.memref_squeeze %dma_wait3A_314 : memref<1x80xi32, #tpu.memory_space<vmem>> -> memref<80xi32, #tpu.memory_space<vmem>>
      %dma_wait3A_316 = arith.constant 0 : i32
      %dma_wait3A_317 = arith.constant 0 : i32
      %dma_wait3A_318 = tpu.memref_slice %arg9[%dma_wait3A_316, %dma_wait3A_317] : memref<10000x136xf32, #tpu.memory_space<vmem_shared>> -> memref<10000x136xf32, #tpu.memory_space<vmem_shared>>
      tpu.wait_indirect_dma semaphore(%arg24 : memref<!tpu.dma_semaphore, #tpu.memory_space<semaphore_mem>>) src(%arg14 : memref<80x136xf32, #tpu.memory_space<vmem>>) dst(%dma_wait3A_318 : memref<10000x136xf32, #tpu.memory_space<vmem_shared>>)
      %dma_start3A_319 = arith.constant 7 : i32
      %dma_start3A_320 = arith.constant 0 : i32
      %dma_start3A_321 = tpu.memref_slice %arg11[%dma_start3A_319, %dma_start3A_320] : memref<25x80xi32, #tpu.memory_space<vmem>> -> memref<1x80xi32, #tpu.memory_space<vmem>>
      %dma_start3A_322 = tpu.memref_squeeze %dma_start3A_321 : memref<1x80xi32, #tpu.memory_space<vmem>> -> memref<80xi32, #tpu.memory_space<vmem>>
      %dma_start3A_323 = arith.constant 0 : i32
      %dma_start3A_324 = arith.constant 0 : i32
      %dma_start3A_325 = tpu.memref_slice %arg5[%dma_start3A_323, %dma_start3A_324] : memref<10000x136xf32, #tpu.memory_space<hbm>> -> memref<10000x136xf32, #tpu.memory_space<hbm>>
      tpu.enqueue_indirect_dma source(%dma_start3A_325 : memref<10000x136xf32, #tpu.memory_space<hbm>>) target(%arg15 : memref<80x136xf32, #tpu.memory_space<vmem>>) offsets(%dma_start3A_322 : memref<80xi32, #tpu.memory_space<vmem>>) semaphore(%arg18 : memref<!tpu.dma_semaphore, #tpu.memory_space<semaphore_mem>>)
      %dma_wait3A_326 = arith.constant 6 : i32
      %dma_wait3A_327 = arith.constant 0 : i32
      %dma_wait3A_328 = tpu.memref_slice %arg11[%dma_wait3A_326, %dma_wait3A_327] : memref<25x80xi32, #tpu.memory_space<vmem>> -> memref<1x80xi32, #tpu.memory_space<vmem>>
      %dma_wait3A_329 = tpu.memref_squeeze %dma_wait3A_328 : memref<1x80xi32, #tpu.memory_space<vmem>> -> memref<80xi32, #tpu.memory_space<vmem>>
      %dma_wait3A_330 = arith.constant 0 : i32
      %dma_wait3A_331 = arith.constant 0 : i32
      %dma_wait3A_332 = tpu.memref_slice %arg5[%dma_wait3A_330, %dma_wait3A_331] : memref<10000x136xf32, #tpu.memory_space<hbm>> -> memref<10000x136xf32, #tpu.memory_space<hbm>>
      tpu.wait_indirect_dma semaphore(%arg17 : memref<!tpu.dma_semaphore, #tpu.memory_space<semaphore_mem>>) src(%dma_wait3A_332 : memref<10000x136xf32, #tpu.memory_space<hbm>>) dst(%arg14 : memref<80x136xf32, #tpu.memory_space<vmem>>)
      %dma_start3A_333 = arith.constant 6 : i32
      %dma_start3A_334 = arith.constant 0 : i32
      %dma_start3A_335 = tpu.memref_slice %arg13[%dma_start3A_333, %dma_start3A_334] : memref<25x80xi32, #tpu.memory_space<vmem>> -> memref<1x80xi32, #tpu.memory_space<vmem>>
      %dma_start3A_336 = tpu.memref_squeeze %dma_start3A_335 : memref<1x80xi32, #tpu.memory_space<vmem>> -> memref<80xi32, #tpu.memory_space<vmem>>
      %dma_start3A_337 = arith.constant 0 : i32
      %dma_start3A_338 = arith.constant 0 : i32
      %dma_start3A_339 = tpu.memref_slice %arg10[%dma_start3A_337, %dma_start3A_338] : memref<200x136xf32, #tpu.memory_space<vmem_shared>> -> memref<200x136xf32, #tpu.memory_space<vmem_shared>>
      tpu.enqueue_indirect_dma source(%dma_start3A_339 : memref<200x136xf32, #tpu.memory_space<vmem_shared>>) target(%arg14 : memref<80x136xf32, #tpu.memory_space<vmem>>) offsets(%dma_start3A_336 : memref<80xi32, #tpu.memory_space<vmem>>) semaphore(%arg20 : memref<!tpu.dma_semaphore, #tpu.memory_space<semaphore_mem>>) {add = true}
      %dma_wait3A_340 = arith.constant 6 : i32
      %dma_wait3A_341 = arith.constant 0 : i32
      %dma_wait3A_342 = tpu.memref_slice %arg13[%dma_wait3A_340, %dma_wait3A_341] : memref<25x80xi32, #tpu.memory_space<vmem>> -> memref<1x80xi32, #tpu.memory_space<vmem>>
      %dma_wait3A_343 = tpu.memref_squeeze %dma_wait3A_342 : memref<1x80xi32, #tpu.memory_space<vmem>> -> memref<80xi32, #tpu.memory_space<vmem>>
      %dma_wait3A_344 = arith.constant 0 : i32
      %dma_wait3A_345 = arith.constant 0 : i32
      %dma_wait3A_346 = tpu.memref_slice %arg10[%dma_wait3A_344, %dma_wait3A_345] : memref<200x136xf32, #tpu.memory_space<vmem_shared>> -> memref<200x136xf32, #tpu.memory_space<vmem_shared>>
      tpu.wait_indirect_dma semaphore(%arg20 : memref<!tpu.dma_semaphore, #tpu.memory_space<semaphore_mem>>) src(%dma_wait3A_346 : memref<200x136xf32, #tpu.memory_space<vmem_shared>>) dst(%arg14 : memref<80x136xf32, #tpu.memory_space<vmem>>)
      %dma_start3A_347 = arith.constant 6 : i32
      %dma_start3A_348 = arith.constant 0 : i32
      %dma_start3A_349 = tpu.memref_slice %arg12[%dma_start3A_347, %dma_start3A_348] : memref<25x80xi32, #tpu.memory_space<vmem>> -> memref<1x80xi32, #tpu.memory_space<vmem>>
      %dma_start3A_350 = tpu.memref_squeeze %dma_start3A_349 : memref<1x80xi32, #tpu.memory_space<vmem>> -> memref<80xi32, #tpu.memory_space<vmem>>
      %dma_start3A_351 = arith.constant 0 : i32
      %dma_start3A_352 = arith.constant 0 : i32
      %dma_start3A_353 = tpu.memref_slice %arg9[%dma_start3A_351, %dma_start3A_352] : memref<10000x136xf32, #tpu.memory_space<vmem_shared>> -> memref<10000x136xf32, #tpu.memory_space<vmem_shared>>
      tpu.enqueue_indirect_dma source(%arg14 : memref<80x136xf32, #tpu.memory_space<vmem>>) target(%dma_start3A_353 : memref<10000x136xf32, #tpu.memory_space<vmem_shared>>) offsets(%dma_start3A_350 : memref<80xi32, #tpu.memory_space<vmem>>) semaphore(%arg23 : memref<!tpu.dma_semaphore, #tpu.memory_space<semaphore_mem>>) {add = true}
      %dma_wait3A_354 = arith.constant 0 : i32
      %dma_wait3A_355 = arith.constant 0 : i32
      %dma_wait3A_356 = tpu.memref_slice %arg12[%dma_wait3A_354, %dma_wait3A_355] : memref<25x80xi32, #tpu.memory_space<vmem>> -> memref<1x80xi32, #tpu.memory_space<vmem>>
      %dma_wait3A_357 = tpu.memref_squeeze %dma_wait3A_356 : memref<1x80xi32, #tpu.memory_space<vmem>> -> memref<80xi32, #tpu.memory_space<vmem>>
      %dma_wait3A_358 = arith.constant 0 : i32
      %dma_wait3A_359 = arith.constant 0 : i32
      %dma_wait3A_360 = tpu.memref_slice %arg9[%dma_wait3A_358, %dma_wait3A_359] : memref<10000x136xf32, #tpu.memory_space<vmem_shared>> -> memref<10000x136xf32, #tpu.memory_space<vmem_shared>>
      tpu.wait_indirect_dma semaphore(%arg25 : memref<!tpu.dma_semaphore, #tpu.memory_space<semaphore_mem>>) src(%arg14 : memref<80x136xf32, #tpu.memory_space<vmem>>) dst(%dma_wait3A_360 : memref<10000x136xf32, #tpu.memory_space<vmem_shared>>)
      %dma_start3A_361 = arith.constant 8 : i32
      %dma_start3A_362 = arith.constant 0 : i32
      %dma_start3A_363 = tpu.memref_slice %arg11[%dma_start3A_361, %dma_start3A_362] : memref<25x80xi32, #tpu.memory_space<vmem>> -> memref<1x80xi32, #tpu.memory_space<vmem>>
      %dma_start3A_364 = tpu.memref_squeeze %dma_start3A_363 : memref<1x80xi32, #tpu.memory_space<vmem>> -> memref<80xi32, #tpu.memory_space<vmem>>
      %dma_start3A_365 = arith.constant 0 : i32
      %dma_start3A_366 = arith.constant 0 : i32
      %dma_start3A_367 = tpu.memref_slice %arg5[%dma_start3A_365, %dma_start3A_366] : memref<10000x136xf32, #tpu.memory_space<hbm>> -> memref<10000x136xf32, #tpu.memory_space<hbm>>
      tpu.enqueue_indirect_dma source(%dma_start3A_367 : memref<10000x136xf32, #tpu.memory_space<hbm>>) target(%arg16 : memref<80x136xf32, #tpu.memory_space<vmem>>) offsets(%dma_start3A_364 : memref<80xi32, #tpu.memory_space<vmem>>) semaphore(%arg19 : memref<!tpu.dma_semaphore, #tpu.memory_space<semaphore_mem>>)
      %dma_wait3A_368 = arith.constant 7 : i32
      %dma_wait3A_369 = arith.constant 0 : i32
      %dma_wait3A_370 = tpu.memref_slice %arg11[%dma_wait3A_368, %dma_wait3A_369] : memref<25x80xi32, #tpu.memory_space<vmem>> -> memref<1x80xi32, #tpu.memory_space<vmem>>
      %dma_wait3A_371 = tpu.memref_squeeze %dma_wait3A_370 : memref<1x80xi32, #tpu.memory_space<vmem>> -> memref<80xi32, #tpu.memory_space<vmem>>
      %dma_wait3A_372 = arith.constant 0 : i32
      %dma_wait3A_373 = arith.constant 0 : i32
      %dma_wait3A_374 = tpu.memref_slice %arg5[%dma_wait3A_372, %dma_wait3A_373] : memref<10000x136xf32, #tpu.memory_space<hbm>> -> memref<10000x136xf32, #tpu.memory_space<hbm>>
      tpu.wait_indirect_dma semaphore(%arg18 : memref<!tpu.dma_semaphore, #tpu.memory_space<semaphore_mem>>) src(%dma_wait3A_374 : memref<10000x136xf32, #tpu.memory_space<hbm>>) dst(%arg15 : memref<80x136xf32, #tpu.memory_space<vmem>>)
      %dma_start3A_375 = arith.constant 7 : i32
      %dma_start3A_376 = arith.constant 0 : i32
      %dma_start3A_377 = tpu.memref_slice %arg13[%dma_start3A_375, %dma_start3A_376] : memref<25x80xi32, #tpu.memory_space<vmem>> -> memref<1x80xi32, #tpu.memory_space<vmem>>
      %dma_start3A_378 = tpu.memref_squeeze %dma_start3A_377 : memref<1x80xi32, #tpu.memory_space<vmem>> -> memref<80xi32, #tpu.memory_space<vmem>>
      %dma_start3A_379 = arith.constant 0 : i32
      %dma_start3A_380 = arith.constant 0 : i32
      %dma_start3A_381 = tpu.memref_slice %arg10[%dma_start3A_379, %dma_start3A_380] : memref<200x136xf32, #tpu.memory_space<vmem_shared>> -> memref<200x136xf32, #tpu.memory_space<vmem_shared>>
      tpu.enqueue_indirect_dma source(%dma_start3A_381 : memref<200x136xf32, #tpu.memory_space<vmem_shared>>) target(%arg15 : memref<80x136xf32, #tpu.memory_space<vmem>>) offsets(%dma_start3A_378 : memref<80xi32, #tpu.memory_space<vmem>>) semaphore(%arg21 : memref<!tpu.dma_semaphore, #tpu.memory_space<semaphore_mem>>) {add = true}
      %dma_wait3A_382 = arith.constant 7 : i32
      %dma_wait3A_383 = arith.constant 0 : i32
      %dma_wait3A_384 = tpu.memref_slice %arg13[%dma_wait3A_382, %dma_wait3A_383] : memref<25x80xi32, #tpu.memory_space<vmem>> -> memref<1x80xi32, #tpu.memory_space<vmem>>
      %dma_wait3A_385 = tpu.memref_squeeze %dma_wait3A_384 : memref<1x80xi32, #tpu.memory_space<vmem>> -> memref<80xi32, #tpu.memory_space<vmem>>
      %dma_wait3A_386 = arith.constant 0 : i32
      %dma_wait3A_387 = arith.constant 0 : i32
      %dma_wait3A_388 = tpu.memref_slice %arg10[%dma_wait3A_386, %dma_wait3A_387] : memref<200x136xf32, #tpu.memory_space<vmem_shared>> -> memref<200x136xf32, #tpu.memory_space<vmem_shared>>
      tpu.wait_indirect_dma semaphore(%arg21 : memref<!tpu.dma_semaphore, #tpu.memory_space<semaphore_mem>>) src(%dma_wait3A_388 : memref<200x136xf32, #tpu.memory_space<vmem_shared>>) dst(%arg15 : memref<80x136xf32, #tpu.memory_space<vmem>>)
      %dma_start3A_389 = arith.constant 7 : i32
      %dma_start3A_390 = arith.constant 0 : i32
      %dma_start3A_391 = tpu.memref_slice %arg12[%dma_start3A_389, %dma_start3A_390] : memref<25x80xi32, #tpu.memory_space<vmem>> -> memref<1x80xi32, #tpu.memory_space<vmem>>
      %dma_start3A_392 = tpu.memref_squeeze %dma_start3A_391 : memref<1x80xi32, #tpu.memory_space<vmem>> -> memref<80xi32, #tpu.memory_space<vmem>>
      %dma_start3A_393 = arith.constant 0 : i32
      %dma_start3A_394 = arith.constant 0 : i32
      %dma_start3A_395 = tpu.memref_slice %arg9[%dma_start3A_393, %dma_start3A_394] : memref<10000x136xf32, #tpu.memory_space<vmem_shared>> -> memref<10000x136xf32, #tpu.memory_space<vmem_shared>>
      tpu.enqueue_indirect_dma source(%arg15 : memref<80x136xf32, #tpu.memory_space<vmem>>) target(%dma_start3A_395 : memref<10000x136xf32, #tpu.memory_space<vmem_shared>>) offsets(%dma_start3A_392 : memref<80xi32, #tpu.memory_space<vmem>>) semaphore(%arg24 : memref<!tpu.dma_semaphore, #tpu.memory_space<semaphore_mem>>) {add = true}
      %dma_wait3A_396 = arith.constant 0 : i32
      %dma_wait3A_397 = arith.constant 0 : i32
      %dma_wait3A_398 = tpu.memref_slice %arg12[%dma_wait3A_396, %dma_wait3A_397] : memref<25x80xi32, #tpu.memory_space<vmem>> -> memref<1x80xi32, #tpu.memory_space<vmem>>
      %dma_wait3A_399 = tpu.memref_squeeze %dma_wait3A_398 : memref<1x80xi32, #tpu.memory_space<vmem>> -> memref<80xi32, #tpu.memory_space<vmem>>
      %dma_wait3A_400 = arith.constant 0 : i32
      %dma_wait3A_401 = arith.constant 0 : i32
      %dma_wait3A_402 = tpu.memref_slice %arg9[%dma_wait3A_400, %dma_wait3A_401] : memref<10000x136xf32, #tpu.memory_space<vmem_shared>> -> memref<10000x136xf32, #tpu.memory_space<vmem_shared>>
      tpu.wait_indirect_dma semaphore(%arg23 : memref<!tpu.dma_semaphore, #tpu.memory_space<semaphore_mem>>) src(%arg14 : memref<80x136xf32, #tpu.memory_space<vmem>>) dst(%dma_wait3A_402 : memref<10000x136xf32, #tpu.memory_space<vmem_shared>>)
      %dma_start3A_403 = arith.constant 9 : i32
      %dma_start3A_404 = arith.constant 0 : i32
      %dma_start3A_405 = tpu.memref_slice %arg11[%dma_start3A_403, %dma_start3A_404] : memref<25x80xi32, #tpu.memory_space<vmem>> -> memref<1x80xi32, #tpu.memory_space<vmem>>
      %dma_start3A_406 = tpu.memref_squeeze %dma_start3A_405 : memref<1x80xi32, #tpu.memory_space<vmem>> -> memref<80xi32, #tpu.memory_space<vmem>>
      %dma_start3A_407 = arith.constant 0 : i32
      %dma_start3A_408 = arith.constant 0 : i32
      %dma_start3A_409 = tpu.memref_slice %arg5[%dma_start3A_407, %dma_start3A_408] : memref<10000x136xf32, #tpu.memory_space<hbm>> -> memref<10000x136xf32, #tpu.memory_space<hbm>>
      tpu.enqueue_indirect_dma source(%dma_start3A_409 : memref<10000x136xf32, #tpu.memory_space<hbm>>) target(%arg14 : memref<80x136xf32, #tpu.memory_space<vmem>>) offsets(%dma_start3A_406 : memref<80xi32, #tpu.memory_space<vmem>>) semaphore(%arg17 : memref<!tpu.dma_semaphore, #tpu.memory_space<semaphore_mem>>)
      %dma_wait3A_410 = arith.constant 8 : i32
      %dma_wait3A_411 = arith.constant 0 : i32
      %dma_wait3A_412 = tpu.memref_slice %arg11[%dma_wait3A_410, %dma_wait3A_411] : memref<25x80xi32, #tpu.memory_space<vmem>> -> memref<1x80xi32, #tpu.memory_space<vmem>>
      %dma_wait3A_413 = tpu.memref_squeeze %dma_wait3A_412 : memref<1x80xi32, #tpu.memory_space<vmem>> -> memref<80xi32, #tpu.memory_space<vmem>>
      %dma_wait3A_414 = arith.constant 0 : i32
      %dma_wait3A_415 = arith.constant 0 : i32
      %dma_wait3A_416 = tpu.memref_slice %arg5[%dma_wait3A_414, %dma_wait3A_415] : memref<10000x136xf32, #tpu.memory_space<hbm>> -> memref<10000x136xf32, #tpu.memory_space<hbm>>
      tpu.wait_indirect_dma semaphore(%arg19 : memref<!tpu.dma_semaphore, #tpu.memory_space<semaphore_mem>>) src(%dma_wait3A_416 : memref<10000x136xf32, #tpu.memory_space<hbm>>) dst(%arg16 : memref<80x136xf32, #tpu.memory_space<vmem>>)
      %dma_start3A_417 = arith.constant 8 : i32
      %dma_start3A_418 = arith.constant 0 : i32
      %dma_start3A_419 = tpu.memref_slice %arg13[%dma_start3A_417, %dma_start3A_418] : memref<25x80xi32, #tpu.memory_space<vmem>> -> memref<1x80xi32, #tpu.memory_space<vmem>>
      %dma_start3A_420 = tpu.memref_squeeze %dma_start3A_419 : memref<1x80xi32, #tpu.memory_space<vmem>> -> memref<80xi32, #tpu.memory_space<vmem>>
      %dma_start3A_421 = arith.constant 0 : i32
      %dma_start3A_422 = arith.constant 0 : i32
      %dma_start3A_423 = tpu.memref_slice %arg10[%dma_start3A_421, %dma_start3A_422] : memref<200x136xf32, #tpu.memory_space<vmem_shared>> -> memref<200x136xf32, #tpu.memory_space<vmem_shared>>
      tpu.enqueue_indirect_dma source(%dma_start3A_423 : memref<200x136xf32, #tpu.memory_space<vmem_shared>>) target(%arg16 : memref<80x136xf32, #tpu.memory_space<vmem>>) offsets(%dma_start3A_420 : memref<80xi32, #tpu.memory_space<vmem>>) semaphore(%arg22 : memref<!tpu.dma_semaphore, #tpu.memory_space<semaphore_mem>>) {add = true}
      %dma_wait3A_424 = arith.constant 8 : i32
      %dma_wait3A_425 = arith.constant 0 : i32
      %dma_wait3A_426 = tpu.memref_slice %arg13[%dma_wait3A_424, %dma_wait3A_425] : memref<25x80xi32, #tpu.memory_space<vmem>> -> memref<1x80xi32, #tpu.memory_space<vmem>>
      %dma_wait3A_427 = tpu.memref_squeeze %dma_wait3A_426 : memref<1x80xi32, #tpu.memory_space<vmem>> -> memref<80xi32, #tpu.memory_space<vmem>>
      %dma_wait3A_428 = arith.constant 0 : i32
      %dma_wait3A_429 = arith.constant 0 : i32
      %dma_wait3A_430 = tpu.memref_slice %arg10[%dma_wait3A_428, %dma_wait3A_429] : memref<200x136xf32, #tpu.memory_space<vmem_shared>> -> memref<200x136xf32, #tpu.memory_space<vmem_shared>>
      tpu.wait_indirect_dma semaphore(%arg22 : memref<!tpu.dma_semaphore, #tpu.memory_space<semaphore_mem>>) src(%dma_wait3A_430 : memref<200x136xf32, #tpu.memory_space<vmem_shared>>) dst(%arg16 : memref<80x136xf32, #tpu.memory_space<vmem>>)
      %dma_start3A_431 = arith.constant 8 : i32
      %dma_start3A_432 = arith.constant 0 : i32
      %dma_start3A_433 = tpu.memref_slice %arg12[%dma_start3A_431, %dma_start3A_432] : memref<25x80xi32, #tpu.memory_space<vmem>> -> memref<1x80xi32, #tpu.memory_space<vmem>>
      %dma_start3A_434 = tpu.memref_squeeze %dma_start3A_433 : memref<1x80xi32, #tpu.memory_space<vmem>> -> memref<80xi32, #tpu.memory_space<vmem>>
      %dma_start3A_435 = arith.constant 0 : i32
      %dma_start3A_436 = arith.constant 0 : i32
      %dma_start3A_437 = tpu.memref_slice %arg9[%dma_start3A_435, %dma_start3A_436] : memref<10000x136xf32, #tpu.memory_space<vmem_shared>> -> memref<10000x136xf32, #tpu.memory_space<vmem_shared>>
      tpu.enqueue_indirect_dma source(%arg16 : memref<80x136xf32, #tpu.memory_space<vmem>>) target(%dma_start3A_437 : memref<10000x136xf32, #tpu.memory_space<vmem_shared>>) offsets(%dma_start3A_434 : memref<80xi32, #tpu.memory_space<vmem>>) semaphore(%arg25 : memref<!tpu.dma_semaphore, #tpu.memory_space<semaphore_mem>>) {add = true}
      %dma_wait3A_438 = arith.constant 0 : i32
      %dma_wait3A_439 = arith.constant 0 : i32
      %dma_wait3A_440 = tpu.memref_slice %arg12[%dma_wait3A_438, %dma_wait3A_439] : memref<25x80xi32, #tpu.memory_space<vmem>> -> memref<1x80xi32, #tpu.memory_space<vmem>>
      %dma_wait3A_441 = tpu.memref_squeeze %dma_wait3A_440 : memref<1x80xi32, #tpu.memory_space<vmem>> -> memref<80xi32, #tpu.memory_space<vmem>>
      %dma_wait3A_442 = arith.constant 0 : i32
      %dma_wait3A_443 = arith.constant 0 : i32
      %dma_wait3A_444 = tpu.memref_slice %arg9[%dma_wait3A_442, %dma_wait3A_443] : memref<10000x136xf32, #tpu.memory_space<vmem_shared>> -> memref<10000x136xf32, #tpu.memory_space<vmem_shared>>
      tpu.wait_indirect_dma semaphore(%arg24 : memref<!tpu.dma_semaphore, #tpu.memory_space<semaphore_mem>>) src(%arg14 : memref<80x136xf32, #tpu.memory_space<vmem>>) dst(%dma_wait3A_444 : memref<10000x136xf32, #tpu.memory_space<vmem_shared>>)
      %dma_start3A_445 = arith.constant 10 : i32
      %dma_start3A_446 = arith.constant 0 : i32
      %dma_start3A_447 = tpu.memref_slice %arg11[%dma_start3A_445, %dma_start3A_446] : memref<25x80xi32, #tpu.memory_space<vmem>> -> memref<1x80xi32, #tpu.memory_space<vmem>>
      %dma_start3A_448 = tpu.memref_squeeze %dma_start3A_447 : memref<1x80xi32, #tpu.memory_space<vmem>> -> memref<80xi32, #tpu.memory_space<vmem>>
      %dma_start3A_449 = arith.constant 0 : i32
      %dma_start3A_450 = arith.constant 0 : i32
      %dma_start3A_451 = tpu.memref_slice %arg5[%dma_start3A_449, %dma_start3A_450] : memref<10000x136xf32, #tpu.memory_space<hbm>> -> memref<10000x136xf32, #tpu.memory_space<hbm>>
      tpu.enqueue_indirect_dma source(%dma_start3A_451 : memref<10000x136xf32, #tpu.memory_space<hbm>>) target(%arg15 : memref<80x136xf32, #tpu.memory_space<vmem>>) offsets(%dma_start3A_448 : memref<80xi32, #tpu.memory_space<vmem>>) semaphore(%arg18 : memref<!tpu.dma_semaphore, #tpu.memory_space<semaphore_mem>>)
      %dma_wait3A_452 = arith.constant 9 : i32
      %dma_wait3A_453 = arith.constant 0 : i32
      %dma_wait3A_454 = tpu.memref_slice %arg11[%dma_wait3A_452, %dma_wait3A_453] : memref<25x80xi32, #tpu.memory_space<vmem>> -> memref<1x80xi32, #tpu.memory_space<vmem>>
      %dma_wait3A_455 = tpu.memref_squeeze %dma_wait3A_454 : memref<1x80xi32, #tpu.memory_space<vmem>> -> memref<80xi32, #tpu.memory_space<vmem>>
      %dma_wait3A_456 = arith.constant 0 : i32
      %dma_wait3A_457 = arith.constant 0 : i32
      %dma_wait3A_458 = tpu.memref_slice %arg5[%dma_wait3A_456, %dma_wait3A_457] : memref<10000x136xf32, #tpu.memory_space<hbm>> -> memref<10000x136xf32, #tpu.memory_space<hbm>>
      tpu.wait_indirect_dma semaphore(%arg17 : memref<!tpu.dma_semaphore, #tpu.memory_space<semaphore_mem>>) src(%dma_wait3A_458 : memref<10000x136xf32, #tpu.memory_space<hbm>>) dst(%arg14 : memref<80x136xf32, #tpu.memory_space<vmem>>)
      %dma_start3A_459 = arith.constant 9 : i32
      %dma_start3A_460 = arith.constant 0 : i32
      %dma_start3A_461 = tpu.memref_slice %arg13[%dma_start3A_459, %dma_start3A_460] : memref<25x80xi32, #tpu.memory_space<vmem>> -> memref<1x80xi32, #tpu.memory_space<vmem>>
      %dma_start3A_462 = tpu.memref_squeeze %dma_start3A_461 : memref<1x80xi32, #tpu.memory_space<vmem>> -> memref<80xi32, #tpu.memory_space<vmem>>
      %dma_start3A_463 = arith.constant 0 : i32
      %dma_start3A_464 = arith.constant 0 : i32
      %dma_start3A_465 = tpu.memref_slice %arg10[%dma_start3A_463, %dma_start3A_464] : memref<200x136xf32, #tpu.memory_space<vmem_shared>> -> memref<200x136xf32, #tpu.memory_space<vmem_shared>>
      tpu.enqueue_indirect_dma source(%dma_start3A_465 : memref<200x136xf32, #tpu.memory_space<vmem_shared>>) target(%arg14 : memref<80x136xf32, #tpu.memory_space<vmem>>) offsets(%dma_start3A_462 : memref<80xi32, #tpu.memory_space<vmem>>) semaphore(%arg20 : memref<!tpu.dma_semaphore, #tpu.memory_space<semaphore_mem>>) {add = true}
      %dma_wait3A_466 = arith.constant 9 : i32
      %dma_wait3A_467 = arith.constant 0 : i32
      %dma_wait3A_468 = tpu.memref_slice %arg13[%dma_wait3A_466, %dma_wait3A_467] : memref<25x80xi32, #tpu.memory_space<vmem>> -> memref<1x80xi32, #tpu.memory_space<vmem>>
      %dma_wait3A_469 = tpu.memref_squeeze %dma_wait3A_468 : memref<1x80xi32, #tpu.memory_space<vmem>> -> memref<80xi32, #tpu.memory_space<vmem>>
      %dma_wait3A_470 = arith.constant 0 : i32
      %dma_wait3A_471 = arith.constant 0 : i32
      %dma_wait3A_472 = tpu.memref_slice %arg10[%dma_wait3A_470, %dma_wait3A_471] : memref<200x136xf32, #tpu.memory_space<vmem_shared>> -> memref<200x136xf32, #tpu.memory_space<vmem_shared>>
      tpu.wait_indirect_dma semaphore(%arg20 : memref<!tpu.dma_semaphore, #tpu.memory_space<semaphore_mem>>) src(%dma_wait3A_472 : memref<200x136xf32, #tpu.memory_space<vmem_shared>>) dst(%arg14 : memref<80x136xf32, #tpu.memory_space<vmem>>)
      %dma_start3A_473 = arith.constant 9 : i32
      %dma_start3A_474 = arith.constant 0 : i32
      %dma_start3A_475 = tpu.memref_slice %arg12[%dma_start3A_473, %dma_start3A_474] : memref<25x80xi32, #tpu.memory_space<vmem>> -> memref<1x80xi32, #tpu.memory_space<vmem>>
      %dma_start3A_476 = tpu.memref_squeeze %dma_start3A_475 : memref<1x80xi32, #tpu.memory_space<vmem>> -> memref<80xi32, #tpu.memory_space<vmem>>
      %dma_start3A_477 = arith.constant 0 : i32
      %dma_start3A_478 = arith.constant 0 : i32
      %dma_start3A_479 = tpu.memref_slice %arg9[%dma_start3A_477, %dma_start3A_478] : memref<10000x136xf32, #tpu.memory_space<vmem_shared>> -> memref<10000x136xf32, #tpu.memory_space<vmem_shared>>
      tpu.enqueue_indirect_dma source(%arg14 : memref<80x136xf32, #tpu.memory_space<vmem>>) target(%dma_start3A_479 : memref<10000x136xf32, #tpu.memory_space<vmem_shared>>) offsets(%dma_start3A_476 : memref<80xi32, #tpu.memory_space<vmem>>) semaphore(%arg23 : memref<!tpu.dma_semaphore, #tpu.memory_space<semaphore_mem>>) {add = true}
      %dma_wait3A_480 = arith.constant 0 : i32
      %dma_wait3A_481 = arith.constant 0 : i32
      %dma_wait3A_482 = tpu.memref_slice %arg12[%dma_wait3A_480, %dma_wait3A_481] : memref<25x80xi32, #tpu.memory_space<vmem>> -> memref<1x80xi32, #tpu.memory_space<vmem>>
      %dma_wait3A_483 = tpu.memref_squeeze %dma_wait3A_482 : memref<1x80xi32, #tpu.memory_space<vmem>> -> memref<80xi32, #tpu.memory_space<vmem>>
      %dma_wait3A_484 = arith.constant 0 : i32
      %dma_wait3A_485 = arith.constant 0 : i32
      %dma_wait3A_486 = tpu.memref_slice %arg9[%dma_wait3A_484, %dma_wait3A_485] : memref<10000x136xf32, #tpu.memory_space<vmem_shared>> -> memref<10000x136xf32, #tpu.memory_space<vmem_shared>>
      tpu.wait_indirect_dma semaphore(%arg25 : memref<!tpu.dma_semaphore, #tpu.memory_space<semaphore_mem>>) src(%arg14 : memref<80x136xf32, #tpu.memory_space<vmem>>) dst(%dma_wait3A_486 : memref<10000x136xf32, #tpu.memory_space<vmem_shared>>)
      %dma_start3A_487 = arith.constant 11 : i32
      %dma_start3A_488 = arith.constant 0 : i32
      %dma_start3A_489 = tpu.memref_slice %arg11[%dma_start3A_487, %dma_start3A_488] : memref<25x80xi32, #tpu.memory_space<vmem>> -> memref<1x80xi32, #tpu.memory_space<vmem>>
      %dma_start3A_490 = tpu.memref_squeeze %dma_start3A_489 : memref<1x80xi32, #tpu.memory_space<vmem>> -> memref<80xi32, #tpu.memory_space<vmem>>
      %dma_start3A_491 = arith.constant 0 : i32
      %dma_start3A_492 = arith.constant 0 : i32
      %dma_start3A_493 = tpu.memref_slice %arg5[%dma_start3A_491, %dma_start3A_492] : memref<10000x136xf32, #tpu.memory_space<hbm>> -> memref<10000x136xf32, #tpu.memory_space<hbm>>
      tpu.enqueue_indirect_dma source(%dma_start3A_493 : memref<10000x136xf32, #tpu.memory_space<hbm>>) target(%arg16 : memref<80x136xf32, #tpu.memory_space<vmem>>) offsets(%dma_start3A_490 : memref<80xi32, #tpu.memory_space<vmem>>) semaphore(%arg19 : memref<!tpu.dma_semaphore, #tpu.memory_space<semaphore_mem>>)
      %dma_wait3A_494 = arith.constant 10 : i32
      %dma_wait3A_495 = arith.constant 0 : i32
      %dma_wait3A_496 = tpu.memref_slice %arg11[%dma_wait3A_494, %dma_wait3A_495] : memref<25x80xi32, #tpu.memory_space<vmem>> -> memref<1x80xi32, #tpu.memory_space<vmem>>
      %dma_wait3A_497 = tpu.memref_squeeze %dma_wait3A_496 : memref<1x80xi32, #tpu.memory_space<vmem>> -> memref<80xi32, #tpu.memory_space<vmem>>
      %dma_wait3A_498 = arith.constant 0 : i32
      %dma_wait3A_499 = arith.constant 0 : i32
      %dma_wait3A_500 = tpu.memref_slice %arg5[%dma_wait3A_498, %dma_wait3A_499] : memref<10000x136xf32, #tpu.memory_space<hbm>> -> memref<10000x136xf32, #tpu.memory_space<hbm>>
      tpu.wait_indirect_dma semaphore(%arg18 : memref<!tpu.dma_semaphore, #tpu.memory_space<semaphore_mem>>) src(%dma_wait3A_500 : memref<10000x136xf32, #tpu.memory_space<hbm>>) dst(%arg15 : memref<80x136xf32, #tpu.memory_space<vmem>>)
      %dma_start3A_501 = arith.constant 10 : i32
      %dma_start3A_502 = arith.constant 0 : i32
      %dma_start3A_503 = tpu.memref_slice %arg13[%dma_start3A_501, %dma_start3A_502] : memref<25x80xi32, #tpu.memory_space<vmem>> -> memref<1x80xi32, #tpu.memory_space<vmem>>
      %dma_start3A_504 = tpu.memref_squeeze %dma_start3A_503 : memref<1x80xi32, #tpu.memory_space<vmem>> -> memref<80xi32, #tpu.memory_space<vmem>>
      %dma_start3A_505 = arith.constant 0 : i32
      %dma_start3A_506 = arith.constant 0 : i32
      %dma_start3A_507 = tpu.memref_slice %arg10[%dma_start3A_505, %dma_start3A_506] : memref<200x136xf32, #tpu.memory_space<vmem_shared>> -> memref<200x136xf32, #tpu.memory_space<vmem_shared>>
      tpu.enqueue_indirect_dma source(%dma_start3A_507 : memref<200x136xf32, #tpu.memory_space<vmem_shared>>) target(%arg15 : memref<80x136xf32, #tpu.memory_space<vmem>>) offsets(%dma_start3A_504 : memref<80xi32, #tpu.memory_space<vmem>>) semaphore(%arg21 : memref<!tpu.dma_semaphore, #tpu.memory_space<semaphore_mem>>) {add = true}
      %dma_wait3A_508 = arith.constant 10 : i32
      %dma_wait3A_509 = arith.constant 0 : i32
      %dma_wait3A_510 = tpu.memref_slice %arg13[%dma_wait3A_508, %dma_wait3A_509] : memref<25x80xi32, #tpu.memory_space<vmem>> -> memref<1x80xi32, #tpu.memory_space<vmem>>
      %dma_wait3A_511 = tpu.memref_squeeze %dma_wait3A_510 : memref<1x80xi32, #tpu.memory_space<vmem>> -> memref<80xi32, #tpu.memory_space<vmem>>
      %dma_wait3A_512 = arith.constant 0 : i32
      %dma_wait3A_513 = arith.constant 0 : i32
      %dma_wait3A_514 = tpu.memref_slice %arg10[%dma_wait3A_512, %dma_wait3A_513] : memref<200x136xf32, #tpu.memory_space<vmem_shared>> -> memref<200x136xf32, #tpu.memory_space<vmem_shared>>
      tpu.wait_indirect_dma semaphore(%arg21 : memref<!tpu.dma_semaphore, #tpu.memory_space<semaphore_mem>>) src(%dma_wait3A_514 : memref<200x136xf32, #tpu.memory_space<vmem_shared>>) dst(%arg15 : memref<80x136xf32, #tpu.memory_space<vmem>>)
      %dma_start3A_515 = arith.constant 10 : i32
      %dma_start3A_516 = arith.constant 0 : i32
      %dma_start3A_517 = tpu.memref_slice %arg12[%dma_start3A_515, %dma_start3A_516] : memref<25x80xi32, #tpu.memory_space<vmem>> -> memref<1x80xi32, #tpu.memory_space<vmem>>
      %dma_start3A_518 = tpu.memref_squeeze %dma_start3A_517 : memref<1x80xi32, #tpu.memory_space<vmem>> -> memref<80xi32, #tpu.memory_space<vmem>>
      %dma_start3A_519 = arith.constant 0 : i32
      %dma_start3A_520 = arith.constant 0 : i32
      %dma_start3A_521 = tpu.memref_slice %arg9[%dma_start3A_519, %dma_start3A_520] : memref<10000x136xf32, #tpu.memory_space<vmem_shared>> -> memref<10000x136xf32, #tpu.memory_space<vmem_shared>>
      tpu.enqueue_indirect_dma source(%arg15 : memref<80x136xf32, #tpu.memory_space<vmem>>) target(%dma_start3A_521 : memref<10000x136xf32, #tpu.memory_space<vmem_shared>>) offsets(%dma_start3A_518 : memref<80xi32, #tpu.memory_space<vmem>>) semaphore(%arg24 : memref<!tpu.dma_semaphore, #tpu.memory_space<semaphore_mem>>) {add = true}
      %dma_wait3A_522 = arith.constant 0 : i32
      %dma_wait3A_523 = arith.constant 0 : i32
      %dma_wait3A_524 = tpu.memref_slice %arg12[%dma_wait3A_522, %dma_wait3A_523] : memref<25x80xi32, #tpu.memory_space<vmem>> -> memref<1x80xi32, #tpu.memory_space<vmem>>
      %dma_wait3A_525 = tpu.memref_squeeze %dma_wait3A_524 : memref<1x80xi32, #tpu.memory_space<vmem>> -> memref<80xi32, #tpu.memory_space<vmem>>
      %dma_wait3A_526 = arith.constant 0 : i32
      %dma_wait3A_527 = arith.constant 0 : i32
      %dma_wait3A_528 = tpu.memref_slice %arg9[%dma_wait3A_526, %dma_wait3A_527] : memref<10000x136xf32, #tpu.memory_space<vmem_shared>> -> memref<10000x136xf32, #tpu.memory_space<vmem_shared>>
      tpu.wait_indirect_dma semaphore(%arg23 : memref<!tpu.dma_semaphore, #tpu.memory_space<semaphore_mem>>) src(%arg14 : memref<80x136xf32, #tpu.memory_space<vmem>>) dst(%dma_wait3A_528 : memref<10000x136xf32, #tpu.memory_space<vmem_shared>>)
      %dma_start3A_529 = arith.constant 12 : i32
      %dma_start3A_530 = arith.constant 0 : i32
      %dma_start3A_531 = tpu.memref_slice %arg11[%dma_start3A_529, %dma_start3A_530] : memref<25x80xi32, #tpu.memory_space<vmem>> -> memref<1x80xi32, #tpu.memory_space<vmem>>
      %dma_start3A_532 = tpu.memref_squeeze %dma_start3A_531 : memref<1x80xi32, #tpu.memory_space<vmem>> -> memref<80xi32, #tpu.memory_space<vmem>>
      %dma_start3A_533 = arith.constant 0 : i32
      %dma_start3A_534 = arith.constant 0 : i32
      %dma_start3A_535 = tpu.memref_slice %arg5[%dma_start3A_533, %dma_start3A_534] : memref<10000x136xf32, #tpu.memory_space<hbm>> -> memref<10000x136xf32, #tpu.memory_space<hbm>>
      tpu.enqueue_indirect_dma source(%dma_start3A_535 : memref<10000x136xf32, #tpu.memory_space<hbm>>) target(%arg14 : memref<80x136xf32, #tpu.memory_space<vmem>>) offsets(%dma_start3A_532 : memref<80xi32, #tpu.memory_space<vmem>>) semaphore(%arg17 : memref<!tpu.dma_semaphore, #tpu.memory_space<semaphore_mem>>)
      %dma_wait3A_536 = arith.constant 11 : i32
      %dma_wait3A_537 = arith.constant 0 : i32
      %dma_wait3A_538 = tpu.memref_slice %arg11[%dma_wait3A_536, %dma_wait3A_537] : memref<25x80xi32, #tpu.memory_space<vmem>> -> memref<1x80xi32, #tpu.memory_space<vmem>>
      %dma_wait3A_539 = tpu.memref_squeeze %dma_wait3A_538 : memref<1x80xi32, #tpu.memory_space<vmem>> -> memref<80xi32, #tpu.memory_space<vmem>>
      %dma_wait3A_540 = arith.constant 0 : i32
      %dma_wait3A_541 = arith.constant 0 : i32
      %dma_wait3A_542 = tpu.memref_slice %arg5[%dma_wait3A_540, %dma_wait3A_541] : memref<10000x136xf32, #tpu.memory_space<hbm>> -> memref<10000x136xf32, #tpu.memory_space<hbm>>
      tpu.wait_indirect_dma semaphore(%arg19 : memref<!tpu.dma_semaphore, #tpu.memory_space<semaphore_mem>>) src(%dma_wait3A_542 : memref<10000x136xf32, #tpu.memory_space<hbm>>) dst(%arg16 : memref<80x136xf32, #tpu.memory_space<vmem>>)
      %dma_start3A_543 = arith.constant 11 : i32
      %dma_start3A_544 = arith.constant 0 : i32
      %dma_start3A_545 = tpu.memref_slice %arg13[%dma_start3A_543, %dma_start3A_544] : memref<25x80xi32, #tpu.memory_space<vmem>> -> memref<1x80xi32, #tpu.memory_space<vmem>>
      %dma_start3A_546 = tpu.memref_squeeze %dma_start3A_545 : memref<1x80xi32, #tpu.memory_space<vmem>> -> memref<80xi32, #tpu.memory_space<vmem>>
      %dma_start3A_547 = arith.constant 0 : i32
      %dma_start3A_548 = arith.constant 0 : i32
      %dma_start3A_549 = tpu.memref_slice %arg10[%dma_start3A_547, %dma_start3A_548] : memref<200x136xf32, #tpu.memory_space<vmem_shared>> -> memref<200x136xf32, #tpu.memory_space<vmem_shared>>
      tpu.enqueue_indirect_dma source(%dma_start3A_549 : memref<200x136xf32, #tpu.memory_space<vmem_shared>>) target(%arg16 : memref<80x136xf32, #tpu.memory_space<vmem>>) offsets(%dma_start3A_546 : memref<80xi32, #tpu.memory_space<vmem>>) semaphore(%arg22 : memref<!tpu.dma_semaphore, #tpu.memory_space<semaphore_mem>>) {add = true}
      %dma_wait3A_550 = arith.constant 11 : i32
      %dma_wait3A_551 = arith.constant 0 : i32
      %dma_wait3A_552 = tpu.memref_slice %arg13[%dma_wait3A_550, %dma_wait3A_551] : memref<25x80xi32, #tpu.memory_space<vmem>> -> memref<1x80xi32, #tpu.memory_space<vmem>>
      %dma_wait3A_553 = tpu.memref_squeeze %dma_wait3A_552 : memref<1x80xi32, #tpu.memory_space<vmem>> -> memref<80xi32, #tpu.memory_space<vmem>>
      %dma_wait3A_554 = arith.constant 0 : i32
      %dma_wait3A_555 = arith.constant 0 : i32
      %dma_wait3A_556 = tpu.memref_slice %arg10[%dma_wait3A_554, %dma_wait3A_555] : memref<200x136xf32, #tpu.memory_space<vmem_shared>> -> memref<200x136xf32, #tpu.memory_space<vmem_shared>>
      tpu.wait_indirect_dma semaphore(%arg22 : memref<!tpu.dma_semaphore, #tpu.memory_space<semaphore_mem>>) src(%dma_wait3A_556 : memref<200x136xf32, #tpu.memory_space<vmem_shared>>) dst(%arg16 : memref<80x136xf32, #tpu.memory_space<vmem>>)
      %dma_start3A_557 = arith.constant 11 : i32
      %dma_start3A_558 = arith.constant 0 : i32
      %dma_start3A_559 = tpu.memref_slice %arg12[%dma_start3A_557, %dma_start3A_558] : memref<25x80xi32, #tpu.memory_space<vmem>> -> memref<1x80xi32, #tpu.memory_space<vmem>>
      %dma_start3A_560 = tpu.memref_squeeze %dma_start3A_559 : memref<1x80xi32, #tpu.memory_space<vmem>> -> memref<80xi32, #tpu.memory_space<vmem>>
      %dma_start3A_561 = arith.constant 0 : i32
      %dma_start3A_562 = arith.constant 0 : i32
      %dma_start3A_563 = tpu.memref_slice %arg9[%dma_start3A_561, %dma_start3A_562] : memref<10000x136xf32, #tpu.memory_space<vmem_shared>> -> memref<10000x136xf32, #tpu.memory_space<vmem_shared>>
      tpu.enqueue_indirect_dma source(%arg16 : memref<80x136xf32, #tpu.memory_space<vmem>>) target(%dma_start3A_563 : memref<10000x136xf32, #tpu.memory_space<vmem_shared>>) offsets(%dma_start3A_560 : memref<80xi32, #tpu.memory_space<vmem>>) semaphore(%arg25 : memref<!tpu.dma_semaphore, #tpu.memory_space<semaphore_mem>>) {add = true}
      %dma_wait3A_564 = arith.constant 0 : i32
      %dma_wait3A_565 = arith.constant 0 : i32
      %dma_wait3A_566 = tpu.memref_slice %arg12[%dma_wait3A_564, %dma_wait3A_565] : memref<25x80xi32, #tpu.memory_space<vmem>> -> memref<1x80xi32, #tpu.memory_space<vmem>>
      %dma_wait3A_567 = tpu.memref_squeeze %dma_wait3A_566 : memref<1x80xi32, #tpu.memory_space<vmem>> -> memref<80xi32, #tpu.memory_space<vmem>>
      %dma_wait3A_568 = arith.constant 0 : i32
      %dma_wait3A_569 = arith.constant 0 : i32
      %dma_wait3A_570 = tpu.memref_slice %arg9[%dma_wait3A_568, %dma_wait3A_569] : memref<10000x136xf32, #tpu.memory_space<vmem_shared>> -> memref<10000x136xf32, #tpu.memory_space<vmem_shared>>
      tpu.wait_indirect_dma semaphore(%arg24 : memref<!tpu.dma_semaphore, #tpu.memory_space<semaphore_mem>>) src(%arg14 : memref<80x136xf32, #tpu.memory_space<vmem>>) dst(%dma_wait3A_570 : memref<10000x136xf32, #tpu.memory_space<vmem_shared>>)
      %dma_start3A_571 = arith.constant 13 : i32
      %dma_start3A_572 = arith.constant 0 : i32
      %dma_start3A_573 = tpu.memref_slice %arg11[%dma_start3A_571, %dma_start3A_572] : memref<25x80xi32, #tpu.memory_space<vmem>> -> memref<1x80xi32, #tpu.memory_space<vmem>>
      %dma_start3A_574 = tpu.memref_squeeze %dma_start3A_573 : memref<1x80xi32, #tpu.memory_space<vmem>> -> memref<80xi32, #tpu.memory_space<vmem>>
      %dma_start3A_575 = arith.constant 0 : i32
      %dma_start3A_576 = arith.constant 0 : i32
      %dma_start3A_577 = tpu.memref_slice %arg5[%dma_start3A_575, %dma_start3A_576] : memref<10000x136xf32, #tpu.memory_space<hbm>> -> memref<10000x136xf32, #tpu.memory_space<hbm>>
      tpu.enqueue_indirect_dma source(%dma_start3A_577 : memref<10000x136xf32, #tpu.memory_space<hbm>>) target(%arg15 : memref<80x136xf32, #tpu.memory_space<vmem>>) offsets(%dma_start3A_574 : memref<80xi32, #tpu.memory_space<vmem>>) semaphore(%arg18 : memref<!tpu.dma_semaphore, #tpu.memory_space<semaphore_mem>>)
      %dma_wait3A_578 = arith.constant 12 : i32
      %dma_wait3A_579 = arith.constant 0 : i32
      %dma_wait3A_580 = tpu.memref_slice %arg11[%dma_wait3A_578, %dma_wait3A_579] : memref<25x80xi32, #tpu.memory_space<vmem>> -> memref<1x80xi32, #tpu.memory_space<vmem>>
      %dma_wait3A_581 = tpu.memref_squeeze %dma_wait3A_580 : memref<1x80xi32, #tpu.memory_space<vmem>> -> memref<80xi32, #tpu.memory_space<vmem>>
      %dma_wait3A_582 = arith.constant 0 : i32
      %dma_wait3A_583 = arith.constant 0 : i32
      %dma_wait3A_584 = tpu.memref_slice %arg5[%dma_wait3A_582, %dma_wait3A_583] : memref<10000x136xf32, #tpu.memory_space<hbm>> -> memref<10000x136xf32, #tpu.memory_space<hbm>>
      tpu.wait_indirect_dma semaphore(%arg17 : memref<!tpu.dma_semaphore, #tpu.memory_space<semaphore_mem>>) src(%dma_wait3A_584 : memref<10000x136xf32, #tpu.memory_space<hbm>>) dst(%arg14 : memref<80x136xf32, #tpu.memory_space<vmem>>)
      %dma_start3A_585 = arith.constant 12 : i32
      %dma_start3A_586 = arith.constant 0 : i32
      %dma_start3A_587 = tpu.memref_slice %arg13[%dma_start3A_585, %dma_start3A_586] : memref<25x80xi32, #tpu.memory_space<vmem>> -> memref<1x80xi32, #tpu.memory_space<vmem>>
      %dma_start3A_588 = tpu.memref_squeeze %dma_start3A_587 : memref<1x80xi32, #tpu.memory_space<vmem>> -> memref<80xi32, #tpu.memory_space<vmem>>
      %dma_start3A_589 = arith.constant 0 : i32
      %dma_start3A_590 = arith.constant 0 : i32
      %dma_start3A_591 = tpu.memref_slice %arg10[%dma_start3A_589, %dma_start3A_590] : memref<200x136xf32, #tpu.memory_space<vmem_shared>> -> memref<200x136xf32, #tpu.memory_space<vmem_shared>>
      tpu.enqueue_indirect_dma source(%dma_start3A_591 : memref<200x136xf32, #tpu.memory_space<vmem_shared>>) target(%arg14 : memref<80x136xf32, #tpu.memory_space<vmem>>) offsets(%dma_start3A_588 : memref<80xi32, #tpu.memory_space<vmem>>) semaphore(%arg20 : memref<!tpu.dma_semaphore, #tpu.memory_space<semaphore_mem>>) {add = true}
      %dma_wait3A_592 = arith.constant 12 : i32
      %dma_wait3A_593 = arith.constant 0 : i32
      %dma_wait3A_594 = tpu.memref_slice %arg13[%dma_wait3A_592, %dma_wait3A_593] : memref<25x80xi32, #tpu.memory_space<vmem>> -> memref<1x80xi32, #tpu.memory_space<vmem>>
      %dma_wait3A_595 = tpu.memref_squeeze %dma_wait3A_594 : memref<1x80xi32, #tpu.memory_space<vmem>> -> memref<80xi32, #tpu.memory_space<vmem>>
      %dma_wait3A_596 = arith.constant 0 : i32
      %dma_wait3A_597 = arith.constant 0 : i32
      %dma_wait3A_598 = tpu.memref_slice %arg10[%dma_wait3A_596, %dma_wait3A_597] : memref<200x136xf32, #tpu.memory_space<vmem_shared>> -> memref<200x136xf32, #tpu.memory_space<vmem_shared>>
      tpu.wait_indirect_dma semaphore(%arg20 : memref<!tpu.dma_semaphore, #tpu.memory_space<semaphore_mem>>) src(%dma_wait3A_598 : memref<200x136xf32, #tpu.memory_space<vmem_shared>>) dst(%arg14 : memref<80x136xf32, #tpu.memory_space<vmem>>)
      %dma_start3A_599 = arith.constant 12 : i32
      %dma_start3A_600 = arith.constant 0 : i32
      %dma_start3A_601 = tpu.memref_slice %arg12[%dma_start3A_599, %dma_start3A_600] : memref<25x80xi32, #tpu.memory_space<vmem>> -> memref<1x80xi32, #tpu.memory_space<vmem>>
      %dma_start3A_602 = tpu.memref_squeeze %dma_start3A_601 : memref<1x80xi32, #tpu.memory_space<vmem>> -> memref<80xi32, #tpu.memory_space<vmem>>
      %dma_start3A_603 = arith.constant 0 : i32
      %dma_start3A_604 = arith.constant 0 : i32
      %dma_start3A_605 = tpu.memref_slice %arg9[%dma_start3A_603, %dma_start3A_604] : memref<10000x136xf32, #tpu.memory_space<vmem_shared>> -> memref<10000x136xf32, #tpu.memory_space<vmem_shared>>
      tpu.enqueue_indirect_dma source(%arg14 : memref<80x136xf32, #tpu.memory_space<vmem>>) target(%dma_start3A_605 : memref<10000x136xf32, #tpu.memory_space<vmem_shared>>) offsets(%dma_start3A_602 : memref<80xi32, #tpu.memory_space<vmem>>) semaphore(%arg23 : memref<!tpu.dma_semaphore, #tpu.memory_space<semaphore_mem>>) {add = true}
      %dma_wait3A_606 = arith.constant 0 : i32
      %dma_wait3A_607 = arith.constant 0 : i32
      %dma_wait3A_608 = tpu.memref_slice %arg12[%dma_wait3A_606, %dma_wait3A_607] : memref<25x80xi32, #tpu.memory_space<vmem>> -> memref<1x80xi32, #tpu.memory_space<vmem>>
      %dma_wait3A_609 = tpu.memref_squeeze %dma_wait3A_608 : memref<1x80xi32, #tpu.memory_space<vmem>> -> memref<80xi32, #tpu.memory_space<vmem>>
      %dma_wait3A_610 = arith.constant 0 : i32
      %dma_wait3A_611 = arith.constant 0 : i32
      %dma_wait3A_612 = tpu.memref_slice %arg9[%dma_wait3A_610, %dma_wait3A_611] : memref<10000x136xf32, #tpu.memory_space<vmem_shared>> -> memref<10000x136xf32, #tpu.memory_space<vmem_shared>>
      tpu.wait_indirect_dma semaphore(%arg25 : memref<!tpu.dma_semaphore, #tpu.memory_space<semaphore_mem>>) src(%arg14 : memref<80x136xf32, #tpu.memory_space<vmem>>) dst(%dma_wait3A_612 : memref<10000x136xf32, #tpu.memory_space<vmem_shared>>)
      %dma_start3A_613 = arith.constant 14 : i32
      %dma_start3A_614 = arith.constant 0 : i32
      %dma_start3A_615 = tpu.memref_slice %arg11[%dma_start3A_613, %dma_start3A_614] : memref<25x80xi32, #tpu.memory_space<vmem>> -> memref<1x80xi32, #tpu.memory_space<vmem>>
      %dma_start3A_616 = tpu.memref_squeeze %dma_start3A_615 : memref<1x80xi32, #tpu.memory_space<vmem>> -> memref<80xi32, #tpu.memory_space<vmem>>
      %dma_start3A_617 = arith.constant 0 : i32
      %dma_start3A_618 = arith.constant 0 : i32
      %dma_start3A_619 = tpu.memref_slice %arg5[%dma_start3A_617, %dma_start3A_618] : memref<10000x136xf32, #tpu.memory_space<hbm>> -> memref<10000x136xf32, #tpu.memory_space<hbm>>
      tpu.enqueue_indirect_dma source(%dma_start3A_619 : memref<10000x136xf32, #tpu.memory_space<hbm>>) target(%arg16 : memref<80x136xf32, #tpu.memory_space<vmem>>) offsets(%dma_start3A_616 : memref<80xi32, #tpu.memory_space<vmem>>) semaphore(%arg19 : memref<!tpu.dma_semaphore, #tpu.memory_space<semaphore_mem>>)
      %dma_wait3A_620 = arith.constant 13 : i32
      %dma_wait3A_621 = arith.constant 0 : i32
      %dma_wait3A_622 = tpu.memref_slice %arg11[%dma_wait3A_620, %dma_wait3A_621] : memref<25x80xi32, #tpu.memory_space<vmem>> -> memref<1x80xi32, #tpu.memory_space<vmem>>
      %dma_wait3A_623 = tpu.memref_squeeze %dma_wait3A_622 : memref<1x80xi32, #tpu.memory_space<vmem>> -> memref<80xi32, #tpu.memory_space<vmem>>
      %dma_wait3A_624 = arith.constant 0 : i32
      %dma_wait3A_625 = arith.constant 0 : i32
      %dma_wait3A_626 = tpu.memref_slice %arg5[%dma_wait3A_624, %dma_wait3A_625] : memref<10000x136xf32, #tpu.memory_space<hbm>> -> memref<10000x136xf32, #tpu.memory_space<hbm>>
      tpu.wait_indirect_dma semaphore(%arg18 : memref<!tpu.dma_semaphore, #tpu.memory_space<semaphore_mem>>) src(%dma_wait3A_626 : memref<10000x136xf32, #tpu.memory_space<hbm>>) dst(%arg15 : memref<80x136xf32, #tpu.memory_space<vmem>>)
      %dma_start3A_627 = arith.constant 13 : i32
      %dma_start3A_628 = arith.constant 0 : i32
      %dma_start3A_629 = tpu.memref_slice %arg13[%dma_start3A_627, %dma_start3A_628] : memref<25x80xi32, #tpu.memory_space<vmem>> -> memref<1x80xi32, #tpu.memory_space<vmem>>
      %dma_start3A_630 = tpu.memref_squeeze %dma_start3A_629 : memref<1x80xi32, #tpu.memory_space<vmem>> -> memref<80xi32, #tpu.memory_space<vmem>>
      %dma_start3A_631 = arith.constant 0 : i32
      %dma_start3A_632 = arith.constant 0 : i32
      %dma_start3A_633 = tpu.memref_slice %arg10[%dma_start3A_631, %dma_start3A_632] : memref<200x136xf32, #tpu.memory_space<vmem_shared>> -> memref<200x136xf32, #tpu.memory_space<vmem_shared>>
      tpu.enqueue_indirect_dma source(%dma_start3A_633 : memref<200x136xf32, #tpu.memory_space<vmem_shared>>) target(%arg15 : memref<80x136xf32, #tpu.memory_space<vmem>>) offsets(%dma_start3A_630 : memref<80xi32, #tpu.memory_space<vmem>>) semaphore(%arg21 : memref<!tpu.dma_semaphore, #tpu.memory_space<semaphore_mem>>) {add = true}
      %dma_wait3A_634 = arith.constant 13 : i32
      %dma_wait3A_635 = arith.constant 0 : i32
      %dma_wait3A_636 = tpu.memref_slice %arg13[%dma_wait3A_634, %dma_wait3A_635] : memref<25x80xi32, #tpu.memory_space<vmem>> -> memref<1x80xi32, #tpu.memory_space<vmem>>
      %dma_wait3A_637 = tpu.memref_squeeze %dma_wait3A_636 : memref<1x80xi32, #tpu.memory_space<vmem>> -> memref<80xi32, #tpu.memory_space<vmem>>
      %dma_wait3A_638 = arith.constant 0 : i32
      %dma_wait3A_639 = arith.constant 0 : i32
      %dma_wait3A_640 = tpu.memref_slice %arg10[%dma_wait3A_638, %dma_wait3A_639] : memref<200x136xf32, #tpu.memory_space<vmem_shared>> -> memref<200x136xf32, #tpu.memory_space<vmem_shared>>
      tpu.wait_indirect_dma semaphore(%arg21 : memref<!tpu.dma_semaphore, #tpu.memory_space<semaphore_mem>>) src(%dma_wait3A_640 : memref<200x136xf32, #tpu.memory_space<vmem_shared>>) dst(%arg15 : memref<80x136xf32, #tpu.memory_space<vmem>>)
      %dma_start3A_641 = arith.constant 13 : i32
      %dma_start3A_642 = arith.constant 0 : i32
      %dma_start3A_643 = tpu.memref_slice %arg12[%dma_start3A_641, %dma_start3A_642] : memref<25x80xi32, #tpu.memory_space<vmem>> -> memref<1x80xi32, #tpu.memory_space<vmem>>
      %dma_start3A_644 = tpu.memref_squeeze %dma_start3A_643 : memref<1x80xi32, #tpu.memory_space<vmem>> -> memref<80xi32, #tpu.memory_space<vmem>>
      %dma_start3A_645 = arith.constant 0 : i32
      %dma_start3A_646 = arith.constant 0 : i32
      %dma_start3A_647 = tpu.memref_slice %arg9[%dma_start3A_645, %dma_start3A_646] : memref<10000x136xf32, #tpu.memory_space<vmem_shared>> -> memref<10000x136xf32, #tpu.memory_space<vmem_shared>>
      tpu.enqueue_indirect_dma source(%arg15 : memref<80x136xf32, #tpu.memory_space<vmem>>) target(%dma_start3A_647 : memref<10000x136xf32, #tpu.memory_space<vmem_shared>>) offsets(%dma_start3A_644 : memref<80xi32, #tpu.memory_space<vmem>>) semaphore(%arg24 : memref<!tpu.dma_semaphore, #tpu.memory_space<semaphore_mem>>) {add = true}
      %dma_wait3A_648 = arith.constant 0 : i32
      %dma_wait3A_649 = arith.constant 0 : i32
      %dma_wait3A_650 = tpu.memref_slice %arg12[%dma_wait3A_648, %dma_wait3A_649] : memref<25x80xi32, #tpu.memory_space<vmem>> -> memref<1x80xi32, #tpu.memory_space<vmem>>
      %dma_wait3A_651 = tpu.memref_squeeze %dma_wait3A_650 : memref<1x80xi32, #tpu.memory_space<vmem>> -> memref<80xi32, #tpu.memory_space<vmem>>
      %dma_wait3A_652 = arith.constant 0 : i32
      %dma_wait3A_653 = arith.constant 0 : i32
      %dma_wait3A_654 = tpu.memref_slice %arg9[%dma_wait3A_652, %dma_wait3A_653] : memref<10000x136xf32, #tpu.memory_space<vmem_shared>> -> memref<10000x136xf32, #tpu.memory_space<vmem_shared>>
      tpu.wait_indirect_dma semaphore(%arg23 : memref<!tpu.dma_semaphore, #tpu.memory_space<semaphore_mem>>) src(%arg14 : memref<80x136xf32, #tpu.memory_space<vmem>>) dst(%dma_wait3A_654 : memref<10000x136xf32, #tpu.memory_space<vmem_shared>>)
      %dma_start3A_655 = arith.constant 15 : i32
      %dma_start3A_656 = arith.constant 0 : i32
      %dma_start3A_657 = tpu.memref_slice %arg11[%dma_start3A_655, %dma_start3A_656] : memref<25x80xi32, #tpu.memory_space<vmem>> -> memref<1x80xi32, #tpu.memory_space<vmem>>
      %dma_start3A_658 = tpu.memref_squeeze %dma_start3A_657 : memref<1x80xi32, #tpu.memory_space<vmem>> -> memref<80xi32, #tpu.memory_space<vmem>>
      %dma_start3A_659 = arith.constant 0 : i32
      %dma_start3A_660 = arith.constant 0 : i32
      %dma_start3A_661 = tpu.memref_slice %arg5[%dma_start3A_659, %dma_start3A_660] : memref<10000x136xf32, #tpu.memory_space<hbm>> -> memref<10000x136xf32, #tpu.memory_space<hbm>>
      tpu.enqueue_indirect_dma source(%dma_start3A_661 : memref<10000x136xf32, #tpu.memory_space<hbm>>) target(%arg14 : memref<80x136xf32, #tpu.memory_space<vmem>>) offsets(%dma_start3A_658 : memref<80xi32, #tpu.memory_space<vmem>>) semaphore(%arg17 : memref<!tpu.dma_semaphore, #tpu.memory_space<semaphore_mem>>)
      %dma_wait3A_662 = arith.constant 14 : i32
      %dma_wait3A_663 = arith.constant 0 : i32
      %dma_wait3A_664 = tpu.memref_slice %arg11[%dma_wait3A_662, %dma_wait3A_663] : memref<25x80xi32, #tpu.memory_space<vmem>> -> memref<1x80xi32, #tpu.memory_space<vmem>>
      %dma_wait3A_665 = tpu.memref_squeeze %dma_wait3A_664 : memref<1x80xi32, #tpu.memory_space<vmem>> -> memref<80xi32, #tpu.memory_space<vmem>>
      %dma_wait3A_666 = arith.constant 0 : i32
      %dma_wait3A_667 = arith.constant 0 : i32
      %dma_wait3A_668 = tpu.memref_slice %arg5[%dma_wait3A_666, %dma_wait3A_667] : memref<10000x136xf32, #tpu.memory_space<hbm>> -> memref<10000x136xf32, #tpu.memory_space<hbm>>
      tpu.wait_indirect_dma semaphore(%arg19 : memref<!tpu.dma_semaphore, #tpu.memory_space<semaphore_mem>>) src(%dma_wait3A_668 : memref<10000x136xf32, #tpu.memory_space<hbm>>) dst(%arg16 : memref<80x136xf32, #tpu.memory_space<vmem>>)
      %dma_start3A_669 = arith.constant 14 : i32
      %dma_start3A_670 = arith.constant 0 : i32
      %dma_start3A_671 = tpu.memref_slice %arg13[%dma_start3A_669, %dma_start3A_670] : memref<25x80xi32, #tpu.memory_space<vmem>> -> memref<1x80xi32, #tpu.memory_space<vmem>>
      %dma_start3A_672 = tpu.memref_squeeze %dma_start3A_671 : memref<1x80xi32, #tpu.memory_space<vmem>> -> memref<80xi32, #tpu.memory_space<vmem>>
      %dma_start3A_673 = arith.constant 0 : i32
      %dma_start3A_674 = arith.constant 0 : i32
      %dma_start3A_675 = tpu.memref_slice %arg10[%dma_start3A_673, %dma_start3A_674] : memref<200x136xf32, #tpu.memory_space<vmem_shared>> -> memref<200x136xf32, #tpu.memory_space<vmem_shared>>
      tpu.enqueue_indirect_dma source(%dma_start3A_675 : memref<200x136xf32, #tpu.memory_space<vmem_shared>>) target(%arg16 : memref<80x136xf32, #tpu.memory_space<vmem>>) offsets(%dma_start3A_672 : memref<80xi32, #tpu.memory_space<vmem>>) semaphore(%arg22 : memref<!tpu.dma_semaphore, #tpu.memory_space<semaphore_mem>>) {add = true}
      %dma_wait3A_676 = arith.constant 14 : i32
      %dma_wait3A_677 = arith.constant 0 : i32
      %dma_wait3A_678 = tpu.memref_slice %arg13[%dma_wait3A_676, %dma_wait3A_677] : memref<25x80xi32, #tpu.memory_space<vmem>> -> memref<1x80xi32, #tpu.memory_space<vmem>>
      %dma_wait3A_679 = tpu.memref_squeeze %dma_wait3A_678 : memref<1x80xi32, #tpu.memory_space<vmem>> -> memref<80xi32, #tpu.memory_space<vmem>>
      %dma_wait3A_680 = arith.constant 0 : i32
      %dma_wait3A_681 = arith.constant 0 : i32
      %dma_wait3A_682 = tpu.memref_slice %arg10[%dma_wait3A_680, %dma_wait3A_681] : memref<200x136xf32, #tpu.memory_space<vmem_shared>> -> memref<200x136xf32, #tpu.memory_space<vmem_shared>>
      tpu.wait_indirect_dma semaphore(%arg22 : memref<!tpu.dma_semaphore, #tpu.memory_space<semaphore_mem>>) src(%dma_wait3A_682 : memref<200x136xf32, #tpu.memory_space<vmem_shared>>) dst(%arg16 : memref<80x136xf32, #tpu.memory_space<vmem>>)
      %dma_start3A_683 = arith.constant 14 : i32
      %dma_start3A_684 = arith.constant 0 : i32
      %dma_start3A_685 = tpu.memref_slice %arg12[%dma_start3A_683, %dma_start3A_684] : memref<25x80xi32, #tpu.memory_space<vmem>> -> memref<1x80xi32, #tpu.memory_space<vmem>>
      %dma_start3A_686 = tpu.memref_squeeze %dma_start3A_685 : memref<1x80xi32, #tpu.memory_space<vmem>> -> memref<80xi32, #tpu.memory_space<vmem>>
      %dma_start3A_687 = arith.constant 0 : i32
      %dma_start3A_688 = arith.constant 0 : i32
      %dma_start3A_689 = tpu.memref_slice %arg9[%dma_start3A_687, %dma_start3A_688] : memref<10000x136xf32, #tpu.memory_space<vmem_shared>> -> memref<10000x136xf32, #tpu.memory_space<vmem_shared>>
      tpu.enqueue_indirect_dma source(%arg16 : memref<80x136xf32, #tpu.memory_space<vmem>>) target(%dma_start3A_689 : memref<10000x136xf32, #tpu.memory_space<vmem_shared>>) offsets(%dma_start3A_686 : memref<80xi32, #tpu.memory_space<vmem>>) semaphore(%arg25 : memref<!tpu.dma_semaphore, #tpu.memory_space<semaphore_mem>>) {add = true}
      %dma_wait3A_690 = arith.constant 0 : i32
      %dma_wait3A_691 = arith.constant 0 : i32
      %dma_wait3A_692 = tpu.memref_slice %arg12[%dma_wait3A_690, %dma_wait3A_691] : memref<25x80xi32, #tpu.memory_space<vmem>> -> memref<1x80xi32, #tpu.memory_space<vmem>>
      %dma_wait3A_693 = tpu.memref_squeeze %dma_wait3A_692 : memref<1x80xi32, #tpu.memory_space<vmem>> -> memref<80xi32, #tpu.memory_space<vmem>>
      %dma_wait3A_694 = arith.constant 0 : i32
      %dma_wait3A_695 = arith.constant 0 : i32
      %dma_wait3A_696 = tpu.memref_slice %arg9[%dma_wait3A_694, %dma_wait3A_695] : memref<10000x136xf32, #tpu.memory_space<vmem_shared>> -> memref<10000x136xf32, #tpu.memory_space<vmem_shared>>
      tpu.wait_indirect_dma semaphore(%arg24 : memref<!tpu.dma_semaphore, #tpu.memory_space<semaphore_mem>>) src(%arg14 : memref<80x136xf32, #tpu.memory_space<vmem>>) dst(%dma_wait3A_696 : memref<10000x136xf32, #tpu.memory_space<vmem_shared>>)
      %dma_start3A_697 = arith.constant 16 : i32
      %dma_start3A_698 = arith.constant 0 : i32
      %dma_start3A_699 = tpu.memref_slice %arg11[%dma_start3A_697, %dma_start3A_698] : memref<25x80xi32, #tpu.memory_space<vmem>> -> memref<1x80xi32, #tpu.memory_space<vmem>>
      %dma_start3A_700 = tpu.memref_squeeze %dma_start3A_699 : memref<1x80xi32, #tpu.memory_space<vmem>> -> memref<80xi32, #tpu.memory_space<vmem>>
      %dma_start3A_701 = arith.constant 0 : i32
      %dma_start3A_702 = arith.constant 0 : i32
      %dma_start3A_703 = tpu.memref_slice %arg5[%dma_start3A_701, %dma_start3A_702] : memref<10000x136xf32, #tpu.memory_space<hbm>> -> memref<10000x136xf32, #tpu.memory_space<hbm>>
      tpu.enqueue_indirect_dma source(%dma_start3A_703 : memref<10000x136xf32, #tpu.memory_space<hbm>>) target(%arg15 : memref<80x136xf32, #tpu.memory_space<vmem>>) offsets(%dma_start3A_700 : memref<80xi32, #tpu.memory_space<vmem>>) semaphore(%arg18 : memref<!tpu.dma_semaphore, #tpu.memory_space<semaphore_mem>>)
      %dma_wait3A_704 = arith.constant 15 : i32
      %dma_wait3A_705 = arith.constant 0 : i32
      %dma_wait3A_706 = tpu.memref_slice %arg11[%dma_wait3A_704, %dma_wait3A_705] : memref<25x80xi32, #tpu.memory_space<vmem>> -> memref<1x80xi32, #tpu.memory_space<vmem>>
      %dma_wait3A_707 = tpu.memref_squeeze %dma_wait3A_706 : memref<1x80xi32, #tpu.memory_space<vmem>> -> memref<80xi32, #tpu.memory_space<vmem>>
      %dma_wait3A_708 = arith.constant 0 : i32
      %dma_wait3A_709 = arith.constant 0 : i32
      %dma_wait3A_710 = tpu.memref_slice %arg5[%dma_wait3A_708, %dma_wait3A_709] : memref<10000x136xf32, #tpu.memory_space<hbm>> -> memref<10000x136xf32, #tpu.memory_space<hbm>>
      tpu.wait_indirect_dma semaphore(%arg17 : memref<!tpu.dma_semaphore, #tpu.memory_space<semaphore_mem>>) src(%dma_wait3A_710 : memref<10000x136xf32, #tpu.memory_space<hbm>>) dst(%arg14 : memref<80x136xf32, #tpu.memory_space<vmem>>)
      %dma_start3A_711 = arith.constant 15 : i32
      %dma_start3A_712 = arith.constant 0 : i32
      %dma_start3A_713 = tpu.memref_slice %arg13[%dma_start3A_711, %dma_start3A_712] : memref<25x80xi32, #tpu.memory_space<vmem>> -> memref<1x80xi32, #tpu.memory_space<vmem>>
      %dma_start3A_714 = tpu.memref_squeeze %dma_start3A_713 : memref<1x80xi32, #tpu.memory_space<vmem>> -> memref<80xi32, #tpu.memory_space<vmem>>
      %dma_start3A_715 = arith.constant 0 : i32
      %dma_start3A_716 = arith.constant 0 : i32
      %dma_start3A_717 = tpu.memref_slice %arg10[%dma_start3A_715, %dma_start3A_716] : memref<200x136xf32, #tpu.memory_space<vmem_shared>> -> memref<200x136xf32, #tpu.memory_space<vmem_shared>>
      tpu.enqueue_indirect_dma source(%dma_start3A_717 : memref<200x136xf32, #tpu.memory_space<vmem_shared>>) target(%arg14 : memref<80x136xf32, #tpu.memory_space<vmem>>) offsets(%dma_start3A_714 : memref<80xi32, #tpu.memory_space<vmem>>) semaphore(%arg20 : memref<!tpu.dma_semaphore, #tpu.memory_space<semaphore_mem>>) {add = true}
      %dma_wait3A_718 = arith.constant 15 : i32
      %dma_wait3A_719 = arith.constant 0 : i32
      %dma_wait3A_720 = tpu.memref_slice %arg13[%dma_wait3A_718, %dma_wait3A_719] : memref<25x80xi32, #tpu.memory_space<vmem>> -> memref<1x80xi32, #tpu.memory_space<vmem>>
      %dma_wait3A_721 = tpu.memref_squeeze %dma_wait3A_720 : memref<1x80xi32, #tpu.memory_space<vmem>> -> memref<80xi32, #tpu.memory_space<vmem>>
      %dma_wait3A_722 = arith.constant 0 : i32
      %dma_wait3A_723 = arith.constant 0 : i32
      %dma_wait3A_724 = tpu.memref_slice %arg10[%dma_wait3A_722, %dma_wait3A_723] : memref<200x136xf32, #tpu.memory_space<vmem_shared>> -> memref<200x136xf32, #tpu.memory_space<vmem_shared>>
      tpu.wait_indirect_dma semaphore(%arg20 : memref<!tpu.dma_semaphore, #tpu.memory_space<semaphore_mem>>) src(%dma_wait3A_724 : memref<200x136xf32, #tpu.memory_space<vmem_shared>>) dst(%arg14 : memref<80x136xf32, #tpu.memory_space<vmem>>)
      %dma_start3A_725 = arith.constant 15 : i32
      %dma_start3A_726 = arith.constant 0 : i32
      %dma_start3A_727 = tpu.memref_slice %arg12[%dma_start3A_725, %dma_start3A_726] : memref<25x80xi32, #tpu.memory_space<vmem>> -> memref<1x80xi32, #tpu.memory_space<vmem>>
      %dma_start3A_728 = tpu.memref_squeeze %dma_start3A_727 : memref<1x80xi32, #tpu.memory_space<vmem>> -> memref<80xi32, #tpu.memory_space<vmem>>
      %dma_start3A_729 = arith.constant 0 : i32
      %dma_start3A_730 = arith.constant 0 : i32
      %dma_start3A_731 = tpu.memref_slice %arg9[%dma_start3A_729, %dma_start3A_730] : memref<10000x136xf32, #tpu.memory_space<vmem_shared>> -> memref<10000x136xf32, #tpu.memory_space<vmem_shared>>
      tpu.enqueue_indirect_dma source(%arg14 : memref<80x136xf32, #tpu.memory_space<vmem>>) target(%dma_start3A_731 : memref<10000x136xf32, #tpu.memory_space<vmem_shared>>) offsets(%dma_start3A_728 : memref<80xi32, #tpu.memory_space<vmem>>) semaphore(%arg23 : memref<!tpu.dma_semaphore, #tpu.memory_space<semaphore_mem>>) {add = true}
      %dma_wait3A_732 = arith.constant 0 : i32
      %dma_wait3A_733 = arith.constant 0 : i32
      %dma_wait3A_734 = tpu.memref_slice %arg12[%dma_wait3A_732, %dma_wait3A_733] : memref<25x80xi32, #tpu.memory_space<vmem>> -> memref<1x80xi32, #tpu.memory_space<vmem>>
      %dma_wait3A_735 = tpu.memref_squeeze %dma_wait3A_734 : memref<1x80xi32, #tpu.memory_space<vmem>> -> memref<80xi32, #tpu.memory_space<vmem>>
      %dma_wait3A_736 = arith.constant 0 : i32
      %dma_wait3A_737 = arith.constant 0 : i32
      %dma_wait3A_738 = tpu.memref_slice %arg9[%dma_wait3A_736, %dma_wait3A_737] : memref<10000x136xf32, #tpu.memory_space<vmem_shared>> -> memref<10000x136xf32, #tpu.memory_space<vmem_shared>>
      tpu.wait_indirect_dma semaphore(%arg25 : memref<!tpu.dma_semaphore, #tpu.memory_space<semaphore_mem>>) src(%arg14 : memref<80x136xf32, #tpu.memory_space<vmem>>) dst(%dma_wait3A_738 : memref<10000x136xf32, #tpu.memory_space<vmem_shared>>)
      %dma_start3A_739 = arith.constant 17 : i32
      %dma_start3A_740 = arith.constant 0 : i32
      %dma_start3A_741 = tpu.memref_slice %arg11[%dma_start3A_739, %dma_start3A_740] : memref<25x80xi32, #tpu.memory_space<vmem>> -> memref<1x80xi32, #tpu.memory_space<vmem>>
      %dma_start3A_742 = tpu.memref_squeeze %dma_start3A_741 : memref<1x80xi32, #tpu.memory_space<vmem>> -> memref<80xi32, #tpu.memory_space<vmem>>
      %dma_start3A_743 = arith.constant 0 : i32
      %dma_start3A_744 = arith.constant 0 : i32
      %dma_start3A_745 = tpu.memref_slice %arg5[%dma_start3A_743, %dma_start3A_744] : memref<10000x136xf32, #tpu.memory_space<hbm>> -> memref<10000x136xf32, #tpu.memory_space<hbm>>
      tpu.enqueue_indirect_dma source(%dma_start3A_745 : memref<10000x136xf32, #tpu.memory_space<hbm>>) target(%arg16 : memref<80x136xf32, #tpu.memory_space<vmem>>) offsets(%dma_start3A_742 : memref<80xi32, #tpu.memory_space<vmem>>) semaphore(%arg19 : memref<!tpu.dma_semaphore, #tpu.memory_space<semaphore_mem>>)
      %dma_wait3A_746 = arith.constant 16 : i32
      %dma_wait3A_747 = arith.constant 0 : i32
      %dma_wait3A_748 = tpu.memref_slice %arg11[%dma_wait3A_746, %dma_wait3A_747] : memref<25x80xi32, #tpu.memory_space<vmem>> -> memref<1x80xi32, #tpu.memory_space<vmem>>
      %dma_wait3A_749 = tpu.memref_squeeze %dma_wait3A_748 : memref<1x80xi32, #tpu.memory_space<vmem>> -> memref<80xi32, #tpu.memory_space<vmem>>
      %dma_wait3A_750 = arith.constant 0 : i32
      %dma_wait3A_751 = arith.constant 0 : i32
      %dma_wait3A_752 = tpu.memref_slice %arg5[%dma_wait3A_750, %dma_wait3A_751] : memref<10000x136xf32, #tpu.memory_space<hbm>> -> memref<10000x136xf32, #tpu.memory_space<hbm>>
      tpu.wait_indirect_dma semaphore(%arg18 : memref<!tpu.dma_semaphore, #tpu.memory_space<semaphore_mem>>) src(%dma_wait3A_752 : memref<10000x136xf32, #tpu.memory_space<hbm>>) dst(%arg15 : memref<80x136xf32, #tpu.memory_space<vmem>>)
      %dma_start3A_753 = arith.constant 16 : i32
      %dma_start3A_754 = arith.constant 0 : i32
      %dma_start3A_755 = tpu.memref_slice %arg13[%dma_start3A_753, %dma_start3A_754] : memref<25x80xi32, #tpu.memory_space<vmem>> -> memref<1x80xi32, #tpu.memory_space<vmem>>
      %dma_start3A_756 = tpu.memref_squeeze %dma_start3A_755 : memref<1x80xi32, #tpu.memory_space<vmem>> -> memref<80xi32, #tpu.memory_space<vmem>>
      %dma_start3A_757 = arith.constant 0 : i32
      %dma_start3A_758 = arith.constant 0 : i32
      %dma_start3A_759 = tpu.memref_slice %arg10[%dma_start3A_757, %dma_start3A_758] : memref<200x136xf32, #tpu.memory_space<vmem_shared>> -> memref<200x136xf32, #tpu.memory_space<vmem_shared>>
      tpu.enqueue_indirect_dma source(%dma_start3A_759 : memref<200x136xf32, #tpu.memory_space<vmem_shared>>) target(%arg15 : memref<80x136xf32, #tpu.memory_space<vmem>>) offsets(%dma_start3A_756 : memref<80xi32, #tpu.memory_space<vmem>>) semaphore(%arg21 : memref<!tpu.dma_semaphore, #tpu.memory_space<semaphore_mem>>) {add = true}
      %dma_wait3A_760 = arith.constant 16 : i32
      %dma_wait3A_761 = arith.constant 0 : i32
      %dma_wait3A_762 = tpu.memref_slice %arg13[%dma_wait3A_760, %dma_wait3A_761] : memref<25x80xi32, #tpu.memory_space<vmem>> -> memref<1x80xi32, #tpu.memory_space<vmem>>
      %dma_wait3A_763 = tpu.memref_squeeze %dma_wait3A_762 : memref<1x80xi32, #tpu.memory_space<vmem>> -> memref<80xi32, #tpu.memory_space<vmem>>
      %dma_wait3A_764 = arith.constant 0 : i32
      %dma_wait3A_765 = arith.constant 0 : i32
      %dma_wait3A_766 = tpu.memref_slice %arg10[%dma_wait3A_764, %dma_wait3A_765] : memref<200x136xf32, #tpu.memory_space<vmem_shared>> -> memref<200x136xf32, #tpu.memory_space<vmem_shared>>
      tpu.wait_indirect_dma semaphore(%arg21 : memref<!tpu.dma_semaphore, #tpu.memory_space<semaphore_mem>>) src(%dma_wait3A_766 : memref<200x136xf32, #tpu.memory_space<vmem_shared>>) dst(%arg15 : memref<80x136xf32, #tpu.memory_space<vmem>>)
      %dma_start3A_767 = arith.constant 16 : i32
      %dma_start3A_768 = arith.constant 0 : i32
      %dma_start3A_769 = tpu.memref_slice %arg12[%dma_start3A_767, %dma_start3A_768] : memref<25x80xi32, #tpu.memory_space<vmem>> -> memref<1x80xi32, #tpu.memory_space<vmem>>
      %dma_start3A_770 = tpu.memref_squeeze %dma_start3A_769 : memref<1x80xi32, #tpu.memory_space<vmem>> -> memref<80xi32, #tpu.memory_space<vmem>>
      %dma_start3A_771 = arith.constant 0 : i32
      %dma_start3A_772 = arith.constant 0 : i32
      %dma_start3A_773 = tpu.memref_slice %arg9[%dma_start3A_771, %dma_start3A_772] : memref<10000x136xf32, #tpu.memory_space<vmem_shared>> -> memref<10000x136xf32, #tpu.memory_space<vmem_shared>>
      tpu.enqueue_indirect_dma source(%arg15 : memref<80x136xf32, #tpu.memory_space<vmem>>) target(%dma_start3A_773 : memref<10000x136xf32, #tpu.memory_space<vmem_shared>>) offsets(%dma_start3A_770 : memref<80xi32, #tpu.memory_space<vmem>>) semaphore(%arg24 : memref<!tpu.dma_semaphore, #tpu.memory_space<semaphore_mem>>) {add = true}
      %dma_wait3A_774 = arith.constant 0 : i32
      %dma_wait3A_775 = arith.constant 0 : i32
      %dma_wait3A_776 = tpu.memref_slice %arg12[%dma_wait3A_774, %dma_wait3A_775] : memref<25x80xi32, #tpu.memory_space<vmem>> -> memref<1x80xi32, #tpu.memory_space<vmem>>
      %dma_wait3A_777 = tpu.memref_squeeze %dma_wait3A_776 : memref<1x80xi32, #tpu.memory_space<vmem>> -> memref<80xi32, #tpu.memory_space<vmem>>
      %dma_wait3A_778 = arith.constant 0 : i32
      %dma_wait3A_779 = arith.constant 0 : i32
      %dma_wait3A_780 = tpu.memref_slice %arg9[%dma_wait3A_778, %dma_wait3A_779] : memref<10000x136xf32, #tpu.memory_space<vmem_shared>> -> memref<10000x136xf32, #tpu.memory_space<vmem_shared>>
      tpu.wait_indirect_dma semaphore(%arg23 : memref<!tpu.dma_semaphore, #tpu.memory_space<semaphore_mem>>) src(%arg14 : memref<80x136xf32, #tpu.memory_space<vmem>>) dst(%dma_wait3A_780 : memref<10000x136xf32, #tpu.memory_space<vmem_shared>>)
      %dma_start3A_781 = arith.constant 18 : i32
      %dma_start3A_782 = arith.constant 0 : i32
      %dma_start3A_783 = tpu.memref_slice %arg11[%dma_start3A_781, %dma_start3A_782] : memref<25x80xi32, #tpu.memory_space<vmem>> -> memref<1x80xi32, #tpu.memory_space<vmem>>
      %dma_start3A_784 = tpu.memref_squeeze %dma_start3A_783 : memref<1x80xi32, #tpu.memory_space<vmem>> -> memref<80xi32, #tpu.memory_space<vmem>>
      %dma_start3A_785 = arith.constant 0 : i32
      %dma_start3A_786 = arith.constant 0 : i32
      %dma_start3A_787 = tpu.memref_slice %arg5[%dma_start3A_785, %dma_start3A_786] : memref<10000x136xf32, #tpu.memory_space<hbm>> -> memref<10000x136xf32, #tpu.memory_space<hbm>>
      tpu.enqueue_indirect_dma source(%dma_start3A_787 : memref<10000x136xf32, #tpu.memory_space<hbm>>) target(%arg14 : memref<80x136xf32, #tpu.memory_space<vmem>>) offsets(%dma_start3A_784 : memref<80xi32, #tpu.memory_space<vmem>>) semaphore(%arg17 : memref<!tpu.dma_semaphore, #tpu.memory_space<semaphore_mem>>)
      %dma_wait3A_788 = arith.constant 17 : i32
      %dma_wait3A_789 = arith.constant 0 : i32
      %dma_wait3A_790 = tpu.memref_slice %arg11[%dma_wait3A_788, %dma_wait3A_789] : memref<25x80xi32, #tpu.memory_space<vmem>> -> memref<1x80xi32, #tpu.memory_space<vmem>>
      %dma_wait3A_791 = tpu.memref_squeeze %dma_wait3A_790 : memref<1x80xi32, #tpu.memory_space<vmem>> -> memref<80xi32, #tpu.memory_space<vmem>>
      %dma_wait3A_792 = arith.constant 0 : i32
      %dma_wait3A_793 = arith.constant 0 : i32
      %dma_wait3A_794 = tpu.memref_slice %arg5[%dma_wait3A_792, %dma_wait3A_793] : memref<10000x136xf32, #tpu.memory_space<hbm>> -> memref<10000x136xf32, #tpu.memory_space<hbm>>
      tpu.wait_indirect_dma semaphore(%arg19 : memref<!tpu.dma_semaphore, #tpu.memory_space<semaphore_mem>>) src(%dma_wait3A_794 : memref<10000x136xf32, #tpu.memory_space<hbm>>) dst(%arg16 : memref<80x136xf32, #tpu.memory_space<vmem>>)
      %dma_start3A_795 = arith.constant 17 : i32
      %dma_start3A_796 = arith.constant 0 : i32
      %dma_start3A_797 = tpu.memref_slice %arg13[%dma_start3A_795, %dma_start3A_796] : memref<25x80xi32, #tpu.memory_space<vmem>> -> memref<1x80xi32, #tpu.memory_space<vmem>>
      %dma_start3A_798 = tpu.memref_squeeze %dma_start3A_797 : memref<1x80xi32, #tpu.memory_space<vmem>> -> memref<80xi32, #tpu.memory_space<vmem>>
      %dma_start3A_799 = arith.constant 0 : i32
      %dma_start3A_800 = arith.constant 0 : i32
      %dma_start3A_801 = tpu.memref_slice %arg10[%dma_start3A_799, %dma_start3A_800] : memref<200x136xf32, #tpu.memory_space<vmem_shared>> -> memref<200x136xf32, #tpu.memory_space<vmem_shared>>
      tpu.enqueue_indirect_dma source(%dma_start3A_801 : memref<200x136xf32, #tpu.memory_space<vmem_shared>>) target(%arg16 : memref<80x136xf32, #tpu.memory_space<vmem>>) offsets(%dma_start3A_798 : memref<80xi32, #tpu.memory_space<vmem>>) semaphore(%arg22 : memref<!tpu.dma_semaphore, #tpu.memory_space<semaphore_mem>>) {add = true}
      %dma_wait3A_802 = arith.constant 17 : i32
      %dma_wait3A_803 = arith.constant 0 : i32
      %dma_wait3A_804 = tpu.memref_slice %arg13[%dma_wait3A_802, %dma_wait3A_803] : memref<25x80xi32, #tpu.memory_space<vmem>> -> memref<1x80xi32, #tpu.memory_space<vmem>>
      %dma_wait3A_805 = tpu.memref_squeeze %dma_wait3A_804 : memref<1x80xi32, #tpu.memory_space<vmem>> -> memref<80xi32, #tpu.memory_space<vmem>>
      %dma_wait3A_806 = arith.constant 0 : i32
      %dma_wait3A_807 = arith.constant 0 : i32
      %dma_wait3A_808 = tpu.memref_slice %arg10[%dma_wait3A_806, %dma_wait3A_807] : memref<200x136xf32, #tpu.memory_space<vmem_shared>> -> memref<200x136xf32, #tpu.memory_space<vmem_shared>>
      tpu.wait_indirect_dma semaphore(%arg22 : memref<!tpu.dma_semaphore, #tpu.memory_space<semaphore_mem>>) src(%dma_wait3A_808 : memref<200x136xf32, #tpu.memory_space<vmem_shared>>) dst(%arg16 : memref<80x136xf32, #tpu.memory_space<vmem>>)
      %dma_start3A_809 = arith.constant 17 : i32
      %dma_start3A_810 = arith.constant 0 : i32
      %dma_start3A_811 = tpu.memref_slice %arg12[%dma_start3A_809, %dma_start3A_810] : memref<25x80xi32, #tpu.memory_space<vmem>> -> memref<1x80xi32, #tpu.memory_space<vmem>>
      %dma_start3A_812 = tpu.memref_squeeze %dma_start3A_811 : memref<1x80xi32, #tpu.memory_space<vmem>> -> memref<80xi32, #tpu.memory_space<vmem>>
      %dma_start3A_813 = arith.constant 0 : i32
      %dma_start3A_814 = arith.constant 0 : i32
      %dma_start3A_815 = tpu.memref_slice %arg9[%dma_start3A_813, %dma_start3A_814] : memref<10000x136xf32, #tpu.memory_space<vmem_shared>> -> memref<10000x136xf32, #tpu.memory_space<vmem_shared>>
      tpu.enqueue_indirect_dma source(%arg16 : memref<80x136xf32, #tpu.memory_space<vmem>>) target(%dma_start3A_815 : memref<10000x136xf32, #tpu.memory_space<vmem_shared>>) offsets(%dma_start3A_812 : memref<80xi32, #tpu.memory_space<vmem>>) semaphore(%arg25 : memref<!tpu.dma_semaphore, #tpu.memory_space<semaphore_mem>>) {add = true}
      %dma_wait3A_816 = arith.constant 0 : i32
      %dma_wait3A_817 = arith.constant 0 : i32
      %dma_wait3A_818 = tpu.memref_slice %arg12[%dma_wait3A_816, %dma_wait3A_817] : memref<25x80xi32, #tpu.memory_space<vmem>> -> memref<1x80xi32, #tpu.memory_space<vmem>>
      %dma_wait3A_819 = tpu.memref_squeeze %dma_wait3A_818 : memref<1x80xi32, #tpu.memory_space<vmem>> -> memref<80xi32, #tpu.memory_space<vmem>>
      %dma_wait3A_820 = arith.constant 0 : i32
      %dma_wait3A_821 = arith.constant 0 : i32
      %dma_wait3A_822 = tpu.memref_slice %arg9[%dma_wait3A_820, %dma_wait3A_821] : memref<10000x136xf32, #tpu.memory_space<vmem_shared>> -> memref<10000x136xf32, #tpu.memory_space<vmem_shared>>
      tpu.wait_indirect_dma semaphore(%arg24 : memref<!tpu.dma_semaphore, #tpu.memory_space<semaphore_mem>>) src(%arg14 : memref<80x136xf32, #tpu.memory_space<vmem>>) dst(%dma_wait3A_822 : memref<10000x136xf32, #tpu.memory_space<vmem_shared>>)
      %dma_start3A_823 = arith.constant 19 : i32
      %dma_start3A_824 = arith.constant 0 : i32
      %dma_start3A_825 = tpu.memref_slice %arg11[%dma_start3A_823, %dma_start3A_824] : memref<25x80xi32, #tpu.memory_space<vmem>> -> memref<1x80xi32, #tpu.memory_space<vmem>>
      %dma_start3A_826 = tpu.memref_squeeze %dma_start3A_825 : memref<1x80xi32, #tpu.memory_space<vmem>> -> memref<80xi32, #tpu.memory_space<vmem>>
      %dma_start3A_827 = arith.constant 0 : i32
      %dma_start3A_828 = arith.constant 0 : i32
      %dma_start3A_829 = tpu.memref_slice %arg5[%dma_start3A_827, %dma_start3A_828] : memref<10000x136xf32, #tpu.memory_space<hbm>> -> memref<10000x136xf32, #tpu.memory_space<hbm>>
      tpu.enqueue_indirect_dma source(%dma_start3A_829 : memref<10000x136xf32, #tpu.memory_space<hbm>>) target(%arg15 : memref<80x136xf32, #tpu.memory_space<vmem>>) offsets(%dma_start3A_826 : memref<80xi32, #tpu.memory_space<vmem>>) semaphore(%arg18 : memref<!tpu.dma_semaphore, #tpu.memory_space<semaphore_mem>>)
      %dma_wait3A_830 = arith.constant 18 : i32
      %dma_wait3A_831 = arith.constant 0 : i32
      %dma_wait3A_832 = tpu.memref_slice %arg11[%dma_wait3A_830, %dma_wait3A_831] : memref<25x80xi32, #tpu.memory_space<vmem>> -> memref<1x80xi32, #tpu.memory_space<vmem>>
      %dma_wait3A_833 = tpu.memref_squeeze %dma_wait3A_832 : memref<1x80xi32, #tpu.memory_space<vmem>> -> memref<80xi32, #tpu.memory_space<vmem>>
      %dma_wait3A_834 = arith.constant 0 : i32
      %dma_wait3A_835 = arith.constant 0 : i32
      %dma_wait3A_836 = tpu.memref_slice %arg5[%dma_wait3A_834, %dma_wait3A_835] : memref<10000x136xf32, #tpu.memory_space<hbm>> -> memref<10000x136xf32, #tpu.memory_space<hbm>>
      tpu.wait_indirect_dma semaphore(%arg17 : memref<!tpu.dma_semaphore, #tpu.memory_space<semaphore_mem>>) src(%dma_wait3A_836 : memref<10000x136xf32, #tpu.memory_space<hbm>>) dst(%arg14 : memref<80x136xf32, #tpu.memory_space<vmem>>)
      %dma_start3A_837 = arith.constant 18 : i32
      %dma_start3A_838 = arith.constant 0 : i32
      %dma_start3A_839 = tpu.memref_slice %arg13[%dma_start3A_837, %dma_start3A_838] : memref<25x80xi32, #tpu.memory_space<vmem>> -> memref<1x80xi32, #tpu.memory_space<vmem>>
      %dma_start3A_840 = tpu.memref_squeeze %dma_start3A_839 : memref<1x80xi32, #tpu.memory_space<vmem>> -> memref<80xi32, #tpu.memory_space<vmem>>
      %dma_start3A_841 = arith.constant 0 : i32
      %dma_start3A_842 = arith.constant 0 : i32
      %dma_start3A_843 = tpu.memref_slice %arg10[%dma_start3A_841, %dma_start3A_842] : memref<200x136xf32, #tpu.memory_space<vmem_shared>> -> memref<200x136xf32, #tpu.memory_space<vmem_shared>>
      tpu.enqueue_indirect_dma source(%dma_start3A_843 : memref<200x136xf32, #tpu.memory_space<vmem_shared>>) target(%arg14 : memref<80x136xf32, #tpu.memory_space<vmem>>) offsets(%dma_start3A_840 : memref<80xi32, #tpu.memory_space<vmem>>) semaphore(%arg20 : memref<!tpu.dma_semaphore, #tpu.memory_space<semaphore_mem>>) {add = true}
      %dma_wait3A_844 = arith.constant 18 : i32
      %dma_wait3A_845 = arith.constant 0 : i32
      %dma_wait3A_846 = tpu.memref_slice %arg13[%dma_wait3A_844, %dma_wait3A_845] : memref<25x80xi32, #tpu.memory_space<vmem>> -> memref<1x80xi32, #tpu.memory_space<vmem>>
      %dma_wait3A_847 = tpu.memref_squeeze %dma_wait3A_846 : memref<1x80xi32, #tpu.memory_space<vmem>> -> memref<80xi32, #tpu.memory_space<vmem>>
      %dma_wait3A_848 = arith.constant 0 : i32
      %dma_wait3A_849 = arith.constant 0 : i32
      %dma_wait3A_850 = tpu.memref_slice %arg10[%dma_wait3A_848, %dma_wait3A_849] : memref<200x136xf32, #tpu.memory_space<vmem_shared>> -> memref<200x136xf32, #tpu.memory_space<vmem_shared>>
      tpu.wait_indirect_dma semaphore(%arg20 : memref<!tpu.dma_semaphore, #tpu.memory_space<semaphore_mem>>) src(%dma_wait3A_850 : memref<200x136xf32, #tpu.memory_space<vmem_shared>>) dst(%arg14 : memref<80x136xf32, #tpu.memory_space<vmem>>)
      %dma_start3A_851 = arith.constant 18 : i32
      %dma_start3A_852 = arith.constant 0 : i32
      %dma_start3A_853 = tpu.memref_slice %arg12[%dma_start3A_851, %dma_start3A_852] : memref<25x80xi32, #tpu.memory_space<vmem>> -> memref<1x80xi32, #tpu.memory_space<vmem>>
      %dma_start3A_854 = tpu.memref_squeeze %dma_start3A_853 : memref<1x80xi32, #tpu.memory_space<vmem>> -> memref<80xi32, #tpu.memory_space<vmem>>
      %dma_start3A_855 = arith.constant 0 : i32
      %dma_start3A_856 = arith.constant 0 : i32
      %dma_start3A_857 = tpu.memref_slice %arg9[%dma_start3A_855, %dma_start3A_856] : memref<10000x136xf32, #tpu.memory_space<vmem_shared>> -> memref<10000x136xf32, #tpu.memory_space<vmem_shared>>
      tpu.enqueue_indirect_dma source(%arg14 : memref<80x136xf32, #tpu.memory_space<vmem>>) target(%dma_start3A_857 : memref<10000x136xf32, #tpu.memory_space<vmem_shared>>) offsets(%dma_start3A_854 : memref<80xi32, #tpu.memory_space<vmem>>) semaphore(%arg23 : memref<!tpu.dma_semaphore, #tpu.memory_space<semaphore_mem>>) {add = true}
      %dma_wait3A_858 = arith.constant 0 : i32
      %dma_wait3A_859 = arith.constant 0 : i32
      %dma_wait3A_860 = tpu.memref_slice %arg12[%dma_wait3A_858, %dma_wait3A_859] : memref<25x80xi32, #tpu.memory_space<vmem>> -> memref<1x80xi32, #tpu.memory_space<vmem>>
      %dma_wait3A_861 = tpu.memref_squeeze %dma_wait3A_860 : memref<1x80xi32, #tpu.memory_space<vmem>> -> memref<80xi32, #tpu.memory_space<vmem>>
      %dma_wait3A_862 = arith.constant 0 : i32
      %dma_wait3A_863 = arith.constant 0 : i32
      %dma_wait3A_864 = tpu.memref_slice %arg9[%dma_wait3A_862, %dma_wait3A_863] : memref<10000x136xf32, #tpu.memory_space<vmem_shared>> -> memref<10000x136xf32, #tpu.memory_space<vmem_shared>>
      tpu.wait_indirect_dma semaphore(%arg25 : memref<!tpu.dma_semaphore, #tpu.memory_space<semaphore_mem>>) src(%arg14 : memref<80x136xf32, #tpu.memory_space<vmem>>) dst(%dma_wait3A_864 : memref<10000x136xf32, #tpu.memory_space<vmem_shared>>)
      %dma_start3A_865 = arith.constant 20 : i32
      %dma_start3A_866 = arith.constant 0 : i32
      %dma_start3A_867 = tpu.memref_slice %arg11[%dma_start3A_865, %dma_start3A_866] : memref<25x80xi32, #tpu.memory_space<vmem>> -> memref<1x80xi32, #tpu.memory_space<vmem>>
      %dma_start3A_868 = tpu.memref_squeeze %dma_start3A_867 : memref<1x80xi32, #tpu.memory_space<vmem>> -> memref<80xi32, #tpu.memory_space<vmem>>
      %dma_start3A_869 = arith.constant 0 : i32
      %dma_start3A_870 = arith.constant 0 : i32
      %dma_start3A_871 = tpu.memref_slice %arg5[%dma_start3A_869, %dma_start3A_870] : memref<10000x136xf32, #tpu.memory_space<hbm>> -> memref<10000x136xf32, #tpu.memory_space<hbm>>
      tpu.enqueue_indirect_dma source(%dma_start3A_871 : memref<10000x136xf32, #tpu.memory_space<hbm>>) target(%arg16 : memref<80x136xf32, #tpu.memory_space<vmem>>) offsets(%dma_start3A_868 : memref<80xi32, #tpu.memory_space<vmem>>) semaphore(%arg19 : memref<!tpu.dma_semaphore, #tpu.memory_space<semaphore_mem>>)
      %dma_wait3A_872 = arith.constant 19 : i32
      %dma_wait3A_873 = arith.constant 0 : i32
      %dma_wait3A_874 = tpu.memref_slice %arg11[%dma_wait3A_872, %dma_wait3A_873] : memref<25x80xi32, #tpu.memory_space<vmem>> -> memref<1x80xi32, #tpu.memory_space<vmem>>
      %dma_wait3A_875 = tpu.memref_squeeze %dma_wait3A_874 : memref<1x80xi32, #tpu.memory_space<vmem>> -> memref<80xi32, #tpu.memory_space<vmem>>
      %dma_wait3A_876 = arith.constant 0 : i32
      %dma_wait3A_877 = arith.constant 0 : i32
      %dma_wait3A_878 = tpu.memref_slice %arg5[%dma_wait3A_876, %dma_wait3A_877] : memref<10000x136xf32, #tpu.memory_space<hbm>> -> memref<10000x136xf32, #tpu.memory_space<hbm>>
      tpu.wait_indirect_dma semaphore(%arg18 : memref<!tpu.dma_semaphore, #tpu.memory_space<semaphore_mem>>) src(%dma_wait3A_878 : memref<10000x136xf32, #tpu.memory_space<hbm>>) dst(%arg15 : memref<80x136xf32, #tpu.memory_space<vmem>>)
      %dma_start3A_879 = arith.constant 19 : i32
      %dma_start3A_880 = arith.constant 0 : i32
      %dma_start3A_881 = tpu.memref_slice %arg13[%dma_start3A_879, %dma_start3A_880] : memref<25x80xi32, #tpu.memory_space<vmem>> -> memref<1x80xi32, #tpu.memory_space<vmem>>
      %dma_start3A_882 = tpu.memref_squeeze %dma_start3A_881 : memref<1x80xi32, #tpu.memory_space<vmem>> -> memref<80xi32, #tpu.memory_space<vmem>>
      %dma_start3A_883 = arith.constant 0 : i32
      %dma_start3A_884 = arith.constant 0 : i32
      %dma_start3A_885 = tpu.memref_slice %arg10[%dma_start3A_883, %dma_start3A_884] : memref<200x136xf32, #tpu.memory_space<vmem_shared>> -> memref<200x136xf32, #tpu.memory_space<vmem_shared>>
      tpu.enqueue_indirect_dma source(%dma_start3A_885 : memref<200x136xf32, #tpu.memory_space<vmem_shared>>) target(%arg15 : memref<80x136xf32, #tpu.memory_space<vmem>>) offsets(%dma_start3A_882 : memref<80xi32, #tpu.memory_space<vmem>>) semaphore(%arg21 : memref<!tpu.dma_semaphore, #tpu.memory_space<semaphore_mem>>) {add = true}
      %dma_wait3A_886 = arith.constant 19 : i32
      %dma_wait3A_887 = arith.constant 0 : i32
      %dma_wait3A_888 = tpu.memref_slice %arg13[%dma_wait3A_886, %dma_wait3A_887] : memref<25x80xi32, #tpu.memory_space<vmem>> -> memref<1x80xi32, #tpu.memory_space<vmem>>
      %dma_wait3A_889 = tpu.memref_squeeze %dma_wait3A_888 : memref<1x80xi32, #tpu.memory_space<vmem>> -> memref<80xi32, #tpu.memory_space<vmem>>
      %dma_wait3A_890 = arith.constant 0 : i32
      %dma_wait3A_891 = arith.constant 0 : i32
      %dma_wait3A_892 = tpu.memref_slice %arg10[%dma_wait3A_890, %dma_wait3A_891] : memref<200x136xf32, #tpu.memory_space<vmem_shared>> -> memref<200x136xf32, #tpu.memory_space<vmem_shared>>
      tpu.wait_indirect_dma semaphore(%arg21 : memref<!tpu.dma_semaphore, #tpu.memory_space<semaphore_mem>>) src(%dma_wait3A_892 : memref<200x136xf32, #tpu.memory_space<vmem_shared>>) dst(%arg15 : memref<80x136xf32, #tpu.memory_space<vmem>>)
      %dma_start3A_893 = arith.constant 19 : i32
      %dma_start3A_894 = arith.constant 0 : i32
      %dma_start3A_895 = tpu.memref_slice %arg12[%dma_start3A_893, %dma_start3A_894] : memref<25x80xi32, #tpu.memory_space<vmem>> -> memref<1x80xi32, #tpu.memory_space<vmem>>
      %dma_start3A_896 = tpu.memref_squeeze %dma_start3A_895 : memref<1x80xi32, #tpu.memory_space<vmem>> -> memref<80xi32, #tpu.memory_space<vmem>>
      %dma_start3A_897 = arith.constant 0 : i32
      %dma_start3A_898 = arith.constant 0 : i32
      %dma_start3A_899 = tpu.memref_slice %arg9[%dma_start3A_897, %dma_start3A_898] : memref<10000x136xf32, #tpu.memory_space<vmem_shared>> -> memref<10000x136xf32, #tpu.memory_space<vmem_shared>>
      tpu.enqueue_indirect_dma source(%arg15 : memref<80x136xf32, #tpu.memory_space<vmem>>) target(%dma_start3A_899 : memref<10000x136xf32, #tpu.memory_space<vmem_shared>>) offsets(%dma_start3A_896 : memref<80xi32, #tpu.memory_space<vmem>>) semaphore(%arg24 : memref<!tpu.dma_semaphore, #tpu.memory_space<semaphore_mem>>) {add = true}
      %dma_wait3A_900 = arith.constant 0 : i32
      %dma_wait3A_901 = arith.constant 0 : i32
      %dma_wait3A_902 = tpu.memref_slice %arg12[%dma_wait3A_900, %dma_wait3A_901] : memref<25x80xi32, #tpu.memory_space<vmem>> -> memref<1x80xi32, #tpu.memory_space<vmem>>
      %dma_wait3A_903 = tpu.memref_squeeze %dma_wait3A_902 : memref<1x80xi32, #tpu.memory_space<vmem>> -> memref<80xi32, #tpu.memory_space<vmem>>
      %dma_wait3A_904 = arith.constant 0 : i32
      %dma_wait3A_905 = arith.constant 0 : i32
      %dma_wait3A_906 = tpu.memref_slice %arg9[%dma_wait3A_904, %dma_wait3A_905] : memref<10000x136xf32, #tpu.memory_space<vmem_shared>> -> memref<10000x136xf32, #tpu.memory_space<vmem_shared>>
      tpu.wait_indirect_dma semaphore(%arg23 : memref<!tpu.dma_semaphore, #tpu.memory_space<semaphore_mem>>) src(%arg14 : memref<80x136xf32, #tpu.memory_space<vmem>>) dst(%dma_wait3A_906 : memref<10000x136xf32, #tpu.memory_space<vmem_shared>>)
      %dma_start3A_907 = arith.constant 21 : i32
      %dma_start3A_908 = arith.constant 0 : i32
      %dma_start3A_909 = tpu.memref_slice %arg11[%dma_start3A_907, %dma_start3A_908] : memref<25x80xi32, #tpu.memory_space<vmem>> -> memref<1x80xi32, #tpu.memory_space<vmem>>
      %dma_start3A_910 = tpu.memref_squeeze %dma_start3A_909 : memref<1x80xi32, #tpu.memory_space<vmem>> -> memref<80xi32, #tpu.memory_space<vmem>>
      %dma_start3A_911 = arith.constant 0 : i32
      %dma_start3A_912 = arith.constant 0 : i32
      %dma_start3A_913 = tpu.memref_slice %arg5[%dma_start3A_911, %dma_start3A_912] : memref<10000x136xf32, #tpu.memory_space<hbm>> -> memref<10000x136xf32, #tpu.memory_space<hbm>>
      tpu.enqueue_indirect_dma source(%dma_start3A_913 : memref<10000x136xf32, #tpu.memory_space<hbm>>) target(%arg14 : memref<80x136xf32, #tpu.memory_space<vmem>>) offsets(%dma_start3A_910 : memref<80xi32, #tpu.memory_space<vmem>>) semaphore(%arg17 : memref<!tpu.dma_semaphore, #tpu.memory_space<semaphore_mem>>)
      %dma_wait3A_914 = arith.constant 20 : i32
      %dma_wait3A_915 = arith.constant 0 : i32
      %dma_wait3A_916 = tpu.memref_slice %arg11[%dma_wait3A_914, %dma_wait3A_915] : memref<25x80xi32, #tpu.memory_space<vmem>> -> memref<1x80xi32, #tpu.memory_space<vmem>>
      %dma_wait3A_917 = tpu.memref_squeeze %dma_wait3A_916 : memref<1x80xi32, #tpu.memory_space<vmem>> -> memref<80xi32, #tpu.memory_space<vmem>>
      %dma_wait3A_918 = arith.constant 0 : i32
      %dma_wait3A_919 = arith.constant 0 : i32
      %dma_wait3A_920 = tpu.memref_slice %arg5[%dma_wait3A_918, %dma_wait3A_919] : memref<10000x136xf32, #tpu.memory_space<hbm>> -> memref<10000x136xf32, #tpu.memory_space<hbm>>
      tpu.wait_indirect_dma semaphore(%arg19 : memref<!tpu.dma_semaphore, #tpu.memory_space<semaphore_mem>>) src(%dma_wait3A_920 : memref<10000x136xf32, #tpu.memory_space<hbm>>) dst(%arg16 : memref<80x136xf32, #tpu.memory_space<vmem>>)
      %dma_start3A_921 = arith.constant 20 : i32
      %dma_start3A_922 = arith.constant 0 : i32
      %dma_start3A_923 = tpu.memref_slice %arg13[%dma_start3A_921, %dma_start3A_922] : memref<25x80xi32, #tpu.memory_space<vmem>> -> memref<1x80xi32, #tpu.memory_space<vmem>>
      %dma_start3A_924 = tpu.memref_squeeze %dma_start3A_923 : memref<1x80xi32, #tpu.memory_space<vmem>> -> memref<80xi32, #tpu.memory_space<vmem>>
      %dma_start3A_925 = arith.constant 0 : i32
      %dma_start3A_926 = arith.constant 0 : i32
      %dma_start3A_927 = tpu.memref_slice %arg10[%dma_start3A_925, %dma_start3A_926] : memref<200x136xf32, #tpu.memory_space<vmem_shared>> -> memref<200x136xf32, #tpu.memory_space<vmem_shared>>
      tpu.enqueue_indirect_dma source(%dma_start3A_927 : memref<200x136xf32, #tpu.memory_space<vmem_shared>>) target(%arg16 : memref<80x136xf32, #tpu.memory_space<vmem>>) offsets(%dma_start3A_924 : memref<80xi32, #tpu.memory_space<vmem>>) semaphore(%arg22 : memref<!tpu.dma_semaphore, #tpu.memory_space<semaphore_mem>>) {add = true}
      %dma_wait3A_928 = arith.constant 20 : i32
      %dma_wait3A_929 = arith.constant 0 : i32
      %dma_wait3A_930 = tpu.memref_slice %arg13[%dma_wait3A_928, %dma_wait3A_929] : memref<25x80xi32, #tpu.memory_space<vmem>> -> memref<1x80xi32, #tpu.memory_space<vmem>>
      %dma_wait3A_931 = tpu.memref_squeeze %dma_wait3A_930 : memref<1x80xi32, #tpu.memory_space<vmem>> -> memref<80xi32, #tpu.memory_space<vmem>>
      %dma_wait3A_932 = arith.constant 0 : i32
      %dma_wait3A_933 = arith.constant 0 : i32
      %dma_wait3A_934 = tpu.memref_slice %arg10[%dma_wait3A_932, %dma_wait3A_933] : memref<200x136xf32, #tpu.memory_space<vmem_shared>> -> memref<200x136xf32, #tpu.memory_space<vmem_shared>>
      tpu.wait_indirect_dma semaphore(%arg22 : memref<!tpu.dma_semaphore, #tpu.memory_space<semaphore_mem>>) src(%dma_wait3A_934 : memref<200x136xf32, #tpu.memory_space<vmem_shared>>) dst(%arg16 : memref<80x136xf32, #tpu.memory_space<vmem>>)
      %dma_start3A_935 = arith.constant 20 : i32
      %dma_start3A_936 = arith.constant 0 : i32
      %dma_start3A_937 = tpu.memref_slice %arg12[%dma_start3A_935, %dma_start3A_936] : memref<25x80xi32, #tpu.memory_space<vmem>> -> memref<1x80xi32, #tpu.memory_space<vmem>>
      %dma_start3A_938 = tpu.memref_squeeze %dma_start3A_937 : memref<1x80xi32, #tpu.memory_space<vmem>> -> memref<80xi32, #tpu.memory_space<vmem>>
      %dma_start3A_939 = arith.constant 0 : i32
      %dma_start3A_940 = arith.constant 0 : i32
      %dma_start3A_941 = tpu.memref_slice %arg9[%dma_start3A_939, %dma_start3A_940] : memref<10000x136xf32, #tpu.memory_space<vmem_shared>> -> memref<10000x136xf32, #tpu.memory_space<vmem_shared>>
      tpu.enqueue_indirect_dma source(%arg16 : memref<80x136xf32, #tpu.memory_space<vmem>>) target(%dma_start3A_941 : memref<10000x136xf32, #tpu.memory_space<vmem_shared>>) offsets(%dma_start3A_938 : memref<80xi32, #tpu.memory_space<vmem>>) semaphore(%arg25 : memref<!tpu.dma_semaphore, #tpu.memory_space<semaphore_mem>>) {add = true}
      %dma_wait3A_942 = arith.constant 0 : i32
      %dma_wait3A_943 = arith.constant 0 : i32
      %dma_wait3A_944 = tpu.memref_slice %arg12[%dma_wait3A_942, %dma_wait3A_943] : memref<25x80xi32, #tpu.memory_space<vmem>> -> memref<1x80xi32, #tpu.memory_space<vmem>>
      %dma_wait3A_945 = tpu.memref_squeeze %dma_wait3A_944 : memref<1x80xi32, #tpu.memory_space<vmem>> -> memref<80xi32, #tpu.memory_space<vmem>>
      %dma_wait3A_946 = arith.constant 0 : i32
      %dma_wait3A_947 = arith.constant 0 : i32
      %dma_wait3A_948 = tpu.memref_slice %arg9[%dma_wait3A_946, %dma_wait3A_947] : memref<10000x136xf32, #tpu.memory_space<vmem_shared>> -> memref<10000x136xf32, #tpu.memory_space<vmem_shared>>
      tpu.wait_indirect_dma semaphore(%arg24 : memref<!tpu.dma_semaphore, #tpu.memory_space<semaphore_mem>>) src(%arg14 : memref<80x136xf32, #tpu.memory_space<vmem>>) dst(%dma_wait3A_948 : memref<10000x136xf32, #tpu.memory_space<vmem_shared>>)
      %dma_start3A_949 = arith.constant 22 : i32
      %dma_start3A_950 = arith.constant 0 : i32
      %dma_start3A_951 = tpu.memref_slice %arg11[%dma_start3A_949, %dma_start3A_950] : memref<25x80xi32, #tpu.memory_space<vmem>> -> memref<1x80xi32, #tpu.memory_space<vmem>>
      %dma_start3A_952 = tpu.memref_squeeze %dma_start3A_951 : memref<1x80xi32, #tpu.memory_space<vmem>> -> memref<80xi32, #tpu.memory_space<vmem>>
      %dma_start3A_953 = arith.constant 0 : i32
      %dma_start3A_954 = arith.constant 0 : i32
      %dma_start3A_955 = tpu.memref_slice %arg5[%dma_start3A_953, %dma_start3A_954] : memref<10000x136xf32, #tpu.memory_space<hbm>> -> memref<10000x136xf32, #tpu.memory_space<hbm>>
      tpu.enqueue_indirect_dma source(%dma_start3A_955 : memref<10000x136xf32, #tpu.memory_space<hbm>>) target(%arg15 : memref<80x136xf32, #tpu.memory_space<vmem>>) offsets(%dma_start3A_952 : memref<80xi32, #tpu.memory_space<vmem>>) semaphore(%arg18 : memref<!tpu.dma_semaphore, #tpu.memory_space<semaphore_mem>>)
      %dma_wait3A_956 = arith.constant 21 : i32
      %dma_wait3A_957 = arith.constant 0 : i32
      %dma_wait3A_958 = tpu.memref_slice %arg11[%dma_wait3A_956, %dma_wait3A_957] : memref<25x80xi32, #tpu.memory_space<vmem>> -> memref<1x80xi32, #tpu.memory_space<vmem>>
      %dma_wait3A_959 = tpu.memref_squeeze %dma_wait3A_958 : memref<1x80xi32, #tpu.memory_space<vmem>> -> memref<80xi32, #tpu.memory_space<vmem>>
      %dma_wait3A_960 = arith.constant 0 : i32
      %dma_wait3A_961 = arith.constant 0 : i32
      %dma_wait3A_962 = tpu.memref_slice %arg5[%dma_wait3A_960, %dma_wait3A_961] : memref<10000x136xf32, #tpu.memory_space<hbm>> -> memref<10000x136xf32, #tpu.memory_space<hbm>>
      tpu.wait_indirect_dma semaphore(%arg17 : memref<!tpu.dma_semaphore, #tpu.memory_space<semaphore_mem>>) src(%dma_wait3A_962 : memref<10000x136xf32, #tpu.memory_space<hbm>>) dst(%arg14 : memref<80x136xf32, #tpu.memory_space<vmem>>)
      %dma_start3A_963 = arith.constant 21 : i32
      %dma_start3A_964 = arith.constant 0 : i32
      %dma_start3A_965 = tpu.memref_slice %arg13[%dma_start3A_963, %dma_start3A_964] : memref<25x80xi32, #tpu.memory_space<vmem>> -> memref<1x80xi32, #tpu.memory_space<vmem>>
      %dma_start3A_966 = tpu.memref_squeeze %dma_start3A_965 : memref<1x80xi32, #tpu.memory_space<vmem>> -> memref<80xi32, #tpu.memory_space<vmem>>
      %dma_start3A_967 = arith.constant 0 : i32
      %dma_start3A_968 = arith.constant 0 : i32
      %dma_start3A_969 = tpu.memref_slice %arg10[%dma_start3A_967, %dma_start3A_968] : memref<200x136xf32, #tpu.memory_space<vmem_shared>> -> memref<200x136xf32, #tpu.memory_space<vmem_shared>>
      tpu.enqueue_indirect_dma source(%dma_start3A_969 : memref<200x136xf32, #tpu.memory_space<vmem_shared>>) target(%arg14 : memref<80x136xf32, #tpu.memory_space<vmem>>) offsets(%dma_start3A_966 : memref<80xi32, #tpu.memory_space<vmem>>) semaphore(%arg20 : memref<!tpu.dma_semaphore, #tpu.memory_space<semaphore_mem>>) {add = true}
      %dma_wait3A_970 = arith.constant 21 : i32
      %dma_wait3A_971 = arith.constant 0 : i32
      %dma_wait3A_972 = tpu.memref_slice %arg13[%dma_wait3A_970, %dma_wait3A_971] : memref<25x80xi32, #tpu.memory_space<vmem>> -> memref<1x80xi32, #tpu.memory_space<vmem>>
      %dma_wait3A_973 = tpu.memref_squeeze %dma_wait3A_972 : memref<1x80xi32, #tpu.memory_space<vmem>> -> memref<80xi32, #tpu.memory_space<vmem>>
      %dma_wait3A_974 = arith.constant 0 : i32
      %dma_wait3A_975 = arith.constant 0 : i32
      %dma_wait3A_976 = tpu.memref_slice %arg10[%dma_wait3A_974, %dma_wait3A_975] : memref<200x136xf32, #tpu.memory_space<vmem_shared>> -> memref<200x136xf32, #tpu.memory_space<vmem_shared>>
      tpu.wait_indirect_dma semaphore(%arg20 : memref<!tpu.dma_semaphore, #tpu.memory_space<semaphore_mem>>) src(%dma_wait3A_976 : memref<200x136xf32, #tpu.memory_space<vmem_shared>>) dst(%arg14 : memref<80x136xf32, #tpu.memory_space<vmem>>)
      %dma_start3A_977 = arith.constant 21 : i32
      %dma_start3A_978 = arith.constant 0 : i32
      %dma_start3A_979 = tpu.memref_slice %arg12[%dma_start3A_977, %dma_start3A_978] : memref<25x80xi32, #tpu.memory_space<vmem>> -> memref<1x80xi32, #tpu.memory_space<vmem>>
      %dma_start3A_980 = tpu.memref_squeeze %dma_start3A_979 : memref<1x80xi32, #tpu.memory_space<vmem>> -> memref<80xi32, #tpu.memory_space<vmem>>
      %dma_start3A_981 = arith.constant 0 : i32
      %dma_start3A_982 = arith.constant 0 : i32
      %dma_start3A_983 = tpu.memref_slice %arg9[%dma_start3A_981, %dma_start3A_982] : memref<10000x136xf32, #tpu.memory_space<vmem_shared>> -> memref<10000x136xf32, #tpu.memory_space<vmem_shared>>
      tpu.enqueue_indirect_dma source(%arg14 : memref<80x136xf32, #tpu.memory_space<vmem>>) target(%dma_start3A_983 : memref<10000x136xf32, #tpu.memory_space<vmem_shared>>) offsets(%dma_start3A_980 : memref<80xi32, #tpu.memory_space<vmem>>) semaphore(%arg23 : memref<!tpu.dma_semaphore, #tpu.memory_space<semaphore_mem>>) {add = true}
      %dma_wait3A_984 = arith.constant 0 : i32
      %dma_wait3A_985 = arith.constant 0 : i32
      %dma_wait3A_986 = tpu.memref_slice %arg12[%dma_wait3A_984, %dma_wait3A_985] : memref<25x80xi32, #tpu.memory_space<vmem>> -> memref<1x80xi32, #tpu.memory_space<vmem>>
      %dma_wait3A_987 = tpu.memref_squeeze %dma_wait3A_986 : memref<1x80xi32, #tpu.memory_space<vmem>> -> memref<80xi32, #tpu.memory_space<vmem>>
      %dma_wait3A_988 = arith.constant 0 : i32
      %dma_wait3A_989 = arith.constant 0 : i32
      %dma_wait3A_990 = tpu.memref_slice %arg9[%dma_wait3A_988, %dma_wait3A_989] : memref<10000x136xf32, #tpu.memory_space<vmem_shared>> -> memref<10000x136xf32, #tpu.memory_space<vmem_shared>>
      tpu.wait_indirect_dma semaphore(%arg25 : memref<!tpu.dma_semaphore, #tpu.memory_space<semaphore_mem>>) src(%arg14 : memref<80x136xf32, #tpu.memory_space<vmem>>) dst(%dma_wait3A_990 : memref<10000x136xf32, #tpu.memory_space<vmem_shared>>)
      %dma_start3A_991 = arith.constant 23 : i32
      %dma_start3A_992 = arith.constant 0 : i32
      %dma_start3A_993 = tpu.memref_slice %arg11[%dma_start3A_991, %dma_start3A_992] : memref<25x80xi32, #tpu.memory_space<vmem>> -> memref<1x80xi32, #tpu.memory_space<vmem>>
      %dma_start3A_994 = tpu.memref_squeeze %dma_start3A_993 : memref<1x80xi32, #tpu.memory_space<vmem>> -> memref<80xi32, #tpu.memory_space<vmem>>
      %dma_start3A_995 = arith.constant 0 : i32
      %dma_start3A_996 = arith.constant 0 : i32
      %dma_start3A_997 = tpu.memref_slice %arg5[%dma_start3A_995, %dma_start3A_996] : memref<10000x136xf32, #tpu.memory_space<hbm>> -> memref<10000x136xf32, #tpu.memory_space<hbm>>
      tpu.enqueue_indirect_dma source(%dma_start3A_997 : memref<10000x136xf32, #tpu.memory_space<hbm>>) target(%arg16 : memref<80x136xf32, #tpu.memory_space<vmem>>) offsets(%dma_start3A_994 : memref<80xi32, #tpu.memory_space<vmem>>) semaphore(%arg19 : memref<!tpu.dma_semaphore, #tpu.memory_space<semaphore_mem>>)
      %dma_wait3A_998 = arith.constant 22 : i32
      %dma_wait3A_999 = arith.constant 0 : i32
      %dma_wait3A_1000 = tpu.memref_slice %arg11[%dma_wait3A_998, %dma_wait3A_999] : memref<25x80xi32, #tpu.memory_space<vmem>> -> memref<1x80xi32, #tpu.memory_space<vmem>>
      %dma_wait3A_1001 = tpu.memref_squeeze %dma_wait3A_1000 : memref<1x80xi32, #tpu.memory_space<vmem>> -> memref<80xi32, #tpu.memory_space<vmem>>
      %dma_wait3A_1002 = arith.constant 0 : i32
      %dma_wait3A_1003 = arith.constant 0 : i32
      %dma_wait3A_1004 = tpu.memref_slice %arg5[%dma_wait3A_1002, %dma_wait3A_1003] : memref<10000x136xf32, #tpu.memory_space<hbm>> -> memref<10000x136xf32, #tpu.memory_space<hbm>>
      tpu.wait_indirect_dma semaphore(%arg18 : memref<!tpu.dma_semaphore, #tpu.memory_space<semaphore_mem>>) src(%dma_wait3A_1004 : memref<10000x136xf32, #tpu.memory_space<hbm>>) dst(%arg15 : memref<80x136xf32, #tpu.memory_space<vmem>>)
      %dma_start3A_1005 = arith.constant 22 : i32
      %dma_start3A_1006 = arith.constant 0 : i32
      %dma_start3A_1007 = tpu.memref_slice %arg13[%dma_start3A_1005, %dma_start3A_1006] : memref<25x80xi32, #tpu.memory_space<vmem>> -> memref<1x80xi32, #tpu.memory_space<vmem>>
      %dma_start3A_1008 = tpu.memref_squeeze %dma_start3A_1007 : memref<1x80xi32, #tpu.memory_space<vmem>> -> memref<80xi32, #tpu.memory_space<vmem>>
      %dma_start3A_1009 = arith.constant 0 : i32
      %dma_start3A_1010 = arith.constant 0 : i32
      %dma_start3A_1011 = tpu.memref_slice %arg10[%dma_start3A_1009, %dma_start3A_1010] : memref<200x136xf32, #tpu.memory_space<vmem_shared>> -> memref<200x136xf32, #tpu.memory_space<vmem_shared>>
      tpu.enqueue_indirect_dma source(%dma_start3A_1011 : memref<200x136xf32, #tpu.memory_space<vmem_shared>>) target(%arg15 : memref<80x136xf32, #tpu.memory_space<vmem>>) offsets(%dma_start3A_1008 : memref<80xi32, #tpu.memory_space<vmem>>) semaphore(%arg21 : memref<!tpu.dma_semaphore, #tpu.memory_space<semaphore_mem>>) {add = true}
      %dma_wait3A_1012 = arith.constant 22 : i32
      %dma_wait3A_1013 = arith.constant 0 : i32
      %dma_wait3A_1014 = tpu.memref_slice %arg13[%dma_wait3A_1012, %dma_wait3A_1013] : memref<25x80xi32, #tpu.memory_space<vmem>> -> memref<1x80xi32, #tpu.memory_space<vmem>>
      %dma_wait3A_1015 = tpu.memref_squeeze %dma_wait3A_1014 : memref<1x80xi32, #tpu.memory_space<vmem>> -> memref<80xi32, #tpu.memory_space<vmem>>
      %dma_wait3A_1016 = arith.constant 0 : i32
      %dma_wait3A_1017 = arith.constant 0 : i32
      %dma_wait3A_1018 = tpu.memref_slice %arg10[%dma_wait3A_1016, %dma_wait3A_1017] : memref<200x136xf32, #tpu.memory_space<vmem_shared>> -> memref<200x136xf32, #tpu.memory_space<vmem_shared>>
      tpu.wait_indirect_dma semaphore(%arg21 : memref<!tpu.dma_semaphore, #tpu.memory_space<semaphore_mem>>) src(%dma_wait3A_1018 : memref<200x136xf32, #tpu.memory_space<vmem_shared>>) dst(%arg15 : memref<80x136xf32, #tpu.memory_space<vmem>>)
      %dma_start3A_1019 = arith.constant 22 : i32
      %dma_start3A_1020 = arith.constant 0 : i32
      %dma_start3A_1021 = tpu.memref_slice %arg12[%dma_start3A_1019, %dma_start3A_1020] : memref<25x80xi32, #tpu.memory_space<vmem>> -> memref<1x80xi32, #tpu.memory_space<vmem>>
      %dma_start3A_1022 = tpu.memref_squeeze %dma_start3A_1021 : memref<1x80xi32, #tpu.memory_space<vmem>> -> memref<80xi32, #tpu.memory_space<vmem>>
      %dma_start3A_1023 = arith.constant 0 : i32
      %dma_start3A_1024 = arith.constant 0 : i32
      %dma_start3A_1025 = tpu.memref_slice %arg9[%dma_start3A_1023, %dma_start3A_1024] : memref<10000x136xf32, #tpu.memory_space<vmem_shared>> -> memref<10000x136xf32, #tpu.memory_space<vmem_shared>>
      tpu.enqueue_indirect_dma source(%arg15 : memref<80x136xf32, #tpu.memory_space<vmem>>) target(%dma_start3A_1025 : memref<10000x136xf32, #tpu.memory_space<vmem_shared>>) offsets(%dma_start3A_1022 : memref<80xi32, #tpu.memory_space<vmem>>) semaphore(%arg24 : memref<!tpu.dma_semaphore, #tpu.memory_space<semaphore_mem>>) {add = true}
      %dma_wait3A_1026 = arith.constant 0 : i32
      %dma_wait3A_1027 = arith.constant 0 : i32
      %dma_wait3A_1028 = tpu.memref_slice %arg12[%dma_wait3A_1026, %dma_wait3A_1027] : memref<25x80xi32, #tpu.memory_space<vmem>> -> memref<1x80xi32, #tpu.memory_space<vmem>>
      %dma_wait3A_1029 = tpu.memref_squeeze %dma_wait3A_1028 : memref<1x80xi32, #tpu.memory_space<vmem>> -> memref<80xi32, #tpu.memory_space<vmem>>
      %dma_wait3A_1030 = arith.constant 0 : i32
      %dma_wait3A_1031 = arith.constant 0 : i32
      %dma_wait3A_1032 = tpu.memref_slice %arg9[%dma_wait3A_1030, %dma_wait3A_1031] : memref<10000x136xf32, #tpu.memory_space<vmem_shared>> -> memref<10000x136xf32, #tpu.memory_space<vmem_shared>>
      tpu.wait_indirect_dma semaphore(%arg23 : memref<!tpu.dma_semaphore, #tpu.memory_space<semaphore_mem>>) src(%arg14 : memref<80x136xf32, #tpu.memory_space<vmem>>) dst(%dma_wait3A_1032 : memref<10000x136xf32, #tpu.memory_space<vmem_shared>>)
      %dma_start3A_1033 = arith.constant 24 : i32
      %dma_start3A_1034 = arith.constant 0 : i32
      %dma_start3A_1035 = tpu.memref_slice %arg11[%dma_start3A_1033, %dma_start3A_1034] : memref<25x80xi32, #tpu.memory_space<vmem>> -> memref<1x80xi32, #tpu.memory_space<vmem>>
      %dma_start3A_1036 = tpu.memref_squeeze %dma_start3A_1035 : memref<1x80xi32, #tpu.memory_space<vmem>> -> memref<80xi32, #tpu.memory_space<vmem>>
      %dma_start3A_1037 = arith.constant 0 : i32
      %dma_start3A_1038 = arith.constant 0 : i32
      %dma_start3A_1039 = tpu.memref_slice %arg5[%dma_start3A_1037, %dma_start3A_1038] : memref<10000x136xf32, #tpu.memory_space<hbm>> -> memref<10000x136xf32, #tpu.memory_space<hbm>>
      tpu.enqueue_indirect_dma source(%dma_start3A_1039 : memref<10000x136xf32, #tpu.memory_space<hbm>>) target(%arg14 : memref<80x136xf32, #tpu.memory_space<vmem>>) offsets(%dma_start3A_1036 : memref<80xi32, #tpu.memory_space<vmem>>) semaphore(%arg17 : memref<!tpu.dma_semaphore, #tpu.memory_space<semaphore_mem>>)
      %dma_wait3A_1040 = arith.constant 23 : i32
      %dma_wait3A_1041 = arith.constant 0 : i32
      %dma_wait3A_1042 = tpu.memref_slice %arg11[%dma_wait3A_1040, %dma_wait3A_1041] : memref<25x80xi32, #tpu.memory_space<vmem>> -> memref<1x80xi32, #tpu.memory_space<vmem>>
      %dma_wait3A_1043 = tpu.memref_squeeze %dma_wait3A_1042 : memref<1x80xi32, #tpu.memory_space<vmem>> -> memref<80xi32, #tpu.memory_space<vmem>>
      %dma_wait3A_1044 = arith.constant 0 : i32
      %dma_wait3A_1045 = arith.constant 0 : i32
      %dma_wait3A_1046 = tpu.memref_slice %arg5[%dma_wait3A_1044, %dma_wait3A_1045] : memref<10000x136xf32, #tpu.memory_space<hbm>> -> memref<10000x136xf32, #tpu.memory_space<hbm>>
      tpu.wait_indirect_dma semaphore(%arg19 : memref<!tpu.dma_semaphore, #tpu.memory_space<semaphore_mem>>) src(%dma_wait3A_1046 : memref<10000x136xf32, #tpu.memory_space<hbm>>) dst(%arg16 : memref<80x136xf32, #tpu.memory_space<vmem>>)
      %dma_start3A_1047 = arith.constant 23 : i32
      %dma_start3A_1048 = arith.constant 0 : i32
      %dma_start3A_1049 = tpu.memref_slice %arg13[%dma_start3A_1047, %dma_start3A_1048] : memref<25x80xi32, #tpu.memory_space<vmem>> -> memref<1x80xi32, #tpu.memory_space<vmem>>
      %dma_start3A_1050 = tpu.memref_squeeze %dma_start3A_1049 : memref<1x80xi32, #tpu.memory_space<vmem>> -> memref<80xi32, #tpu.memory_space<vmem>>
      %dma_start3A_1051 = arith.constant 0 : i32
      %dma_start3A_1052 = arith.constant 0 : i32
      %dma_start3A_1053 = tpu.memref_slice %arg10[%dma_start3A_1051, %dma_start3A_1052] : memref<200x136xf32, #tpu.memory_space<vmem_shared>> -> memref<200x136xf32, #tpu.memory_space<vmem_shared>>
      tpu.enqueue_indirect_dma source(%dma_start3A_1053 : memref<200x136xf32, #tpu.memory_space<vmem_shared>>) target(%arg16 : memref<80x136xf32, #tpu.memory_space<vmem>>) offsets(%dma_start3A_1050 : memref<80xi32, #tpu.memory_space<vmem>>) semaphore(%arg22 : memref<!tpu.dma_semaphore, #tpu.memory_space<semaphore_mem>>) {add = true}
      %dma_wait3A_1054 = arith.constant 23 : i32
      %dma_wait3A_1055 = arith.constant 0 : i32
      %dma_wait3A_1056 = tpu.memref_slice %arg13[%dma_wait3A_1054, %dma_wait3A_1055] : memref<25x80xi32, #tpu.memory_space<vmem>> -> memref<1x80xi32, #tpu.memory_space<vmem>>
      %dma_wait3A_1057 = tpu.memref_squeeze %dma_wait3A_1056 : memref<1x80xi32, #tpu.memory_space<vmem>> -> memref<80xi32, #tpu.memory_space<vmem>>
      %dma_wait3A_1058 = arith.constant 0 : i32
      %dma_wait3A_1059 = arith.constant 0 : i32
      %dma_wait3A_1060 = tpu.memref_slice %arg10[%dma_wait3A_1058, %dma_wait3A_1059] : memref<200x136xf32, #tpu.memory_space<vmem_shared>> -> memref<200x136xf32, #tpu.memory_space<vmem_shared>>
      tpu.wait_indirect_dma semaphore(%arg22 : memref<!tpu.dma_semaphore, #tpu.memory_space<semaphore_mem>>) src(%dma_wait3A_1060 : memref<200x136xf32, #tpu.memory_space<vmem_shared>>) dst(%arg16 : memref<80x136xf32, #tpu.memory_space<vmem>>)
      %dma_start3A_1061 = arith.constant 23 : i32
      %dma_start3A_1062 = arith.constant 0 : i32
      %dma_start3A_1063 = tpu.memref_slice %arg12[%dma_start3A_1061, %dma_start3A_1062] : memref<25x80xi32, #tpu.memory_space<vmem>> -> memref<1x80xi32, #tpu.memory_space<vmem>>
      %dma_start3A_1064 = tpu.memref_squeeze %dma_start3A_1063 : memref<1x80xi32, #tpu.memory_space<vmem>> -> memref<80xi32, #tpu.memory_space<vmem>>
      %dma_start3A_1065 = arith.constant 0 : i32
      %dma_start3A_1066 = arith.constant 0 : i32
      %dma_start3A_1067 = tpu.memref_slice %arg9[%dma_start3A_1065, %dma_start3A_1066] : memref<10000x136xf32, #tpu.memory_space<vmem_shared>> -> memref<10000x136xf32, #tpu.memory_space<vmem_shared>>
      tpu.enqueue_indirect_dma source(%arg16 : memref<80x136xf32, #tpu.memory_space<vmem>>) target(%dma_start3A_1067 : memref<10000x136xf32, #tpu.memory_space<vmem_shared>>) offsets(%dma_start3A_1064 : memref<80xi32, #tpu.memory_space<vmem>>) semaphore(%arg25 : memref<!tpu.dma_semaphore, #tpu.memory_space<semaphore_mem>>) {add = true}
      %dma_wait3A_1068 = arith.constant 0 : i32
      %dma_wait3A_1069 = arith.constant 0 : i32
      %dma_wait3A_1070 = tpu.memref_slice %arg12[%dma_wait3A_1068, %dma_wait3A_1069] : memref<25x80xi32, #tpu.memory_space<vmem>> -> memref<1x80xi32, #tpu.memory_space<vmem>>
      %dma_wait3A_1071 = tpu.memref_squeeze %dma_wait3A_1070 : memref<1x80xi32, #tpu.memory_space<vmem>> -> memref<80xi32, #tpu.memory_space<vmem>>
      %dma_wait3A_1072 = arith.constant 0 : i32
      %dma_wait3A_1073 = arith.constant 0 : i32
      %dma_wait3A_1074 = tpu.memref_slice %arg9[%dma_wait3A_1072, %dma_wait3A_1073] : memref<10000x136xf32, #tpu.memory_space<vmem_shared>> -> memref<10000x136xf32, #tpu.memory_space<vmem_shared>>
      tpu.wait_indirect_dma semaphore(%arg24 : memref<!tpu.dma_semaphore, #tpu.memory_space<semaphore_mem>>) src(%arg14 : memref<80x136xf32, #tpu.memory_space<vmem>>) dst(%dma_wait3A_1074 : memref<10000x136xf32, #tpu.memory_space<vmem_shared>>)
      %dma_wait3A_1075 = arith.constant 24 : i32
      %dma_wait3A_1076 = arith.constant 0 : i32
      %dma_wait3A_1077 = tpu.memref_slice %arg11[%dma_wait3A_1075, %dma_wait3A_1076] : memref<25x80xi32, #tpu.memory_space<vmem>> -> memref<1x80xi32, #tpu.memory_space<vmem>>
      %dma_wait3A_1078 = tpu.memref_squeeze %dma_wait3A_1077 : memref<1x80xi32, #tpu.memory_space<vmem>> -> memref<80xi32, #tpu.memory_space<vmem>>
      %dma_wait3A_1079 = arith.constant 0 : i32
      %dma_wait3A_1080 = arith.constant 0 : i32
      %dma_wait3A_1081 = tpu.memref_slice %arg5[%dma_wait3A_1079, %dma_wait3A_1080] : memref<10000x136xf32, #tpu.memory_space<hbm>> -> memref<10000x136xf32, #tpu.memory_space<hbm>>
      tpu.wait_indirect_dma semaphore(%arg17 : memref<!tpu.dma_semaphore, #tpu.memory_space<semaphore_mem>>) src(%dma_wait3A_1081 : memref<10000x136xf32, #tpu.memory_space<hbm>>) dst(%arg14 : memref<80x136xf32, #tpu.memory_space<vmem>>)
      %dma_start3A_1082 = arith.constant 24 : i32
      %dma_start3A_1083 = arith.constant 0 : i32
      %dma_start3A_1084 = tpu.memref_slice %arg13[%dma_start3A_1082, %dma_start3A_1083] : memref<25x80xi32, #tpu.memory_space<vmem>> -> memref<1x80xi32, #tpu.memory_space<vmem>>
      %dma_start3A_1085 = tpu.memref_squeeze %dma_start3A_1084 : memref<1x80xi32, #tpu.memory_space<vmem>> -> memref<80xi32, #tpu.memory_space<vmem>>
      %dma_start3A_1086 = arith.constant 0 : i32
      %dma_start3A_1087 = arith.constant 0 : i32
      %dma_start3A_1088 = tpu.memref_slice %arg10[%dma_start3A_1086, %dma_start3A_1087] : memref<200x136xf32, #tpu.memory_space<vmem_shared>> -> memref<200x136xf32, #tpu.memory_space<vmem_shared>>
      tpu.enqueue_indirect_dma source(%dma_start3A_1088 : memref<200x136xf32, #tpu.memory_space<vmem_shared>>) target(%arg14 : memref<80x136xf32, #tpu.memory_space<vmem>>) offsets(%dma_start3A_1085 : memref<80xi32, #tpu.memory_space<vmem>>) semaphore(%arg20 : memref<!tpu.dma_semaphore, #tpu.memory_space<semaphore_mem>>) {add = true}
      %dma_wait3A_1089 = arith.constant 24 : i32
      %dma_wait3A_1090 = arith.constant 0 : i32
      %dma_wait3A_1091 = tpu.memref_slice %arg13[%dma_wait3A_1089, %dma_wait3A_1090] : memref<25x80xi32, #tpu.memory_space<vmem>> -> memref<1x80xi32, #tpu.memory_space<vmem>>
      %dma_wait3A_1092 = tpu.memref_squeeze %dma_wait3A_1091 : memref<1x80xi32, #tpu.memory_space<vmem>> -> memref<80xi32, #tpu.memory_space<vmem>>
      %dma_wait3A_1093 = arith.constant 0 : i32
      %dma_wait3A_1094 = arith.constant 0 : i32
      %dma_wait3A_1095 = tpu.memref_slice %arg10[%dma_wait3A_1093, %dma_wait3A_1094] : memref<200x136xf32, #tpu.memory_space<vmem_shared>> -> memref<200x136xf32, #tpu.memory_space<vmem_shared>>
      tpu.wait_indirect_dma semaphore(%arg20 : memref<!tpu.dma_semaphore, #tpu.memory_space<semaphore_mem>>) src(%dma_wait3A_1095 : memref<200x136xf32, #tpu.memory_space<vmem_shared>>) dst(%arg14 : memref<80x136xf32, #tpu.memory_space<vmem>>)
      %dma_start3A_1096 = arith.constant 24 : i32
      %dma_start3A_1097 = arith.constant 0 : i32
      %dma_start3A_1098 = tpu.memref_slice %arg12[%dma_start3A_1096, %dma_start3A_1097] : memref<25x80xi32, #tpu.memory_space<vmem>> -> memref<1x80xi32, #tpu.memory_space<vmem>>
      %dma_start3A_1099 = tpu.memref_squeeze %dma_start3A_1098 : memref<1x80xi32, #tpu.memory_space<vmem>> -> memref<80xi32, #tpu.memory_space<vmem>>
      %dma_start3A_1100 = arith.constant 0 : i32
      %dma_start3A_1101 = arith.constant 0 : i32
      %dma_start3A_1102 = tpu.memref_slice %arg9[%dma_start3A_1100, %dma_start3A_1101] : memref<10000x136xf32, #tpu.memory_space<vmem_shared>> -> memref<10000x136xf32, #tpu.memory_space<vmem_shared>>
      tpu.enqueue_indirect_dma source(%arg14 : memref<80x136xf32, #tpu.memory_space<vmem>>) target(%dma_start3A_1102 : memref<10000x136xf32, #tpu.memory_space<vmem_shared>>) offsets(%dma_start3A_1099 : memref<80xi32, #tpu.memory_space<vmem>>) semaphore(%arg23 : memref<!tpu.dma_semaphore, #tpu.memory_space<semaphore_mem>>) {add = true}
      %dma_wait3A_1103 = arith.constant 0 : i32
      %dma_wait3A_1104 = arith.constant 0 : i32
      %dma_wait3A_1105 = tpu.memref_slice %arg12[%dma_wait3A_1103, %dma_wait3A_1104] : memref<25x80xi32, #tpu.memory_space<vmem>> -> memref<1x80xi32, #tpu.memory_space<vmem>>
      %dma_wait3A_1106 = tpu.memref_squeeze %dma_wait3A_1105 : memref<1x80xi32, #tpu.memory_space<vmem>> -> memref<80xi32, #tpu.memory_space<vmem>>
      %dma_wait3A_1107 = arith.constant 0 : i32
      %dma_wait3A_1108 = arith.constant 0 : i32
      %dma_wait3A_1109 = tpu.memref_slice %arg9[%dma_wait3A_1107, %dma_wait3A_1108] : memref<10000x136xf32, #tpu.memory_space<vmem_shared>> -> memref<10000x136xf32, #tpu.memory_space<vmem_shared>>
      tpu.wait_indirect_dma semaphore(%arg25 : memref<!tpu.dma_semaphore, #tpu.memory_space<semaphore_mem>>) src(%arg14 : memref<80x136xf32, #tpu.memory_space<vmem>>) dst(%dma_wait3A_1109 : memref<10000x136xf32, #tpu.memory_space<vmem_shared>>)
      %dma_wait3A_1110 = arith.constant 0 : i32
      %dma_wait3A_1111 = arith.constant 0 : i32
      %dma_wait3A_1112 = tpu.memref_slice %arg12[%dma_wait3A_1110, %dma_wait3A_1111] : memref<25x80xi32, #tpu.memory_space<vmem>> -> memref<1x80xi32, #tpu.memory_space<vmem>>
      %dma_wait3A_1113 = tpu.memref_squeeze %dma_wait3A_1112 : memref<1x80xi32, #tpu.memory_space<vmem>> -> memref<80xi32, #tpu.memory_space<vmem>>
      %dma_wait3A_1114 = arith.constant 0 : i32
      %dma_wait3A_1115 = arith.constant 0 : i32
      %dma_wait3A_1116 = tpu.memref_slice %arg9[%dma_wait3A_1114, %dma_wait3A_1115] : memref<10000x136xf32, #tpu.memory_space<vmem_shared>> -> memref<10000x136xf32, #tpu.memory_space<vmem_shared>>
      tpu.wait_indirect_dma semaphore(%arg23 : memref<!tpu.dma_semaphore, #tpu.memory_space<semaphore_mem>>) src(%arg14 : memref<80x136xf32, #tpu.memory_space<vmem>>) dst(%dma_wait3A_1116 : memref<10000x136xf32, #tpu.memory_space<vmem_shared>>)
    }
    %scan3A_51 = arith.constant 5 : i32
    %barrier3A_52 = arith.constant 0 : index
    tpu.barrier barrier_id(%barrier3A_52)
    %eq3A_53 = arith.constant 0 : i32
    %eq3A_54 = arith.cmpi eq, %arg0, %eq3A_53 : i32
    %convert_element_type3A_55 = arith.extui %eq3A_54 : i1 to i32
    %cond3A_56 = arith.constant 0 : i32
    %cond3A_57 = arith.cmpi ne, %convert_element_type3A_55, %cond3A_56 : i32
    scf.if %cond3A_57 {
      %mul3A_63 = arith.constant 625 : i32
      %mul3A_64 = arith.muli %arg1, %mul3A_63 : i32
      %mul3A_65 = arith.constant 625 : i32
      %mul3A_66 = arith.muli %arg1, %mul3A_65 : i32
      "tpu.region"() ({
        %run_scoped3A = tpu.sem_alloc : memref<!tpu.dma_semaphore, #tpu.memory_space<semaphore_mem>>
        %dma_start3A = arith.constant 0 : i32
        %dma_start3A_67 = tpu.memref_slice %arg7[%mul3A_66, %dma_start3A] : memref<10000x136xf32, #tpu.memory_space<hbm>> -> memref<625x136xf32, #tpu.memory_space<hbm>>
        %dma_start3A_68 = arith.constant 0 : i32
        %dma_start3A_69 = tpu.memref_slice %arg9[%mul3A_64, %dma_start3A_68] : memref<10000x136xf32, #tpu.memory_space<vmem_shared>> -> memref<625x136xf32, #tpu.memory_space<vmem_shared>>
        tpu.enqueue_dma source(%dma_start3A_69 : memref<625x136xf32, #tpu.memory_space<vmem_shared>>) target(%dma_start3A_67 : memref<625x136xf32, #tpu.memory_space<hbm>>) target_semaphore(%run_scoped3A : memref<!tpu.dma_semaphore, #tpu.memory_space<semaphore_mem>>)
        %dma_wait3A = arith.constant 0 : i32
        %dma_wait3A_70 = tpu.memref_slice %arg7[%mul3A_66, %dma_wait3A] : memref<10000x136xf32, #tpu.memory_space<hbm>> -> memref<625x136xf32, #tpu.memory_space<hbm>>
        %dma_wait3A_71 = arith.constant 0 : i32
        %dma_wait3A_72 = tpu.memref_slice %arg9[%mul3A_64, %dma_wait3A_71] : memref<10000x136xf32, #tpu.memory_space<vmem_shared>> -> memref<625x136xf32, #tpu.memory_space<vmem_shared>>
        tpu.wait_dma2 semaphore(%run_scoped3A : memref<!tpu.dma_semaphore, #tpu.memory_space<semaphore_mem>>) src(%dma_wait3A_72 : memref<625x136xf32, #tpu.memory_space<vmem_shared>>) dst(%dma_wait3A_70 : memref<625x136xf32, #tpu.memory_space<hbm>>)
        tpu.yield
      }) : () -> ()
    } else {
    }
    %eq3A_58 = arith.constant 1 : i32
    %eq3A_59 = arith.cmpi eq, %arg0, %eq3A_58 : i32
    %convert_element_type3A_60 = arith.extui %eq3A_59 : i1 to i32
    %cond3A_61 = arith.constant 0 : i32
    %cond3A_62 = arith.cmpi ne, %convert_element_type3A_60, %cond3A_61 : i32
    scf.if %cond3A_62 {
      %mul3A_63 = arith.constant 625 : i32
      %mul3A_64 = arith.muli %arg1, %mul3A_63 : i32
      %mul3A_65 = arith.constant 625 : i32
      %mul3A_66 = arith.muli %arg1, %mul3A_65 : i32
      "tpu.region"() ({
        %run_scoped3A = tpu.sem_alloc : memref<!tpu.dma_semaphore, #tpu.memory_space<semaphore_mem>>
        %dma_start3A = arith.constant 0 : i32
        %dma_start3A_67 = tpu.memref_slice %arg8[%mul3A_66, %dma_start3A] : memref<10000x136xf32, #tpu.memory_space<hbm>> -> memref<625x136xf32, #tpu.memory_space<hbm>>
        %dma_start3A_68 = arith.constant 0 : i32
        %dma_start3A_69 = tpu.memref_slice %arg9[%mul3A_64, %dma_start3A_68] : memref<10000x136xf32, #tpu.memory_space<vmem_shared>> -> memref<625x136xf32, #tpu.memory_space<vmem_shared>>
        tpu.enqueue_dma source(%dma_start3A_69 : memref<625x136xf32, #tpu.memory_space<vmem_shared>>) target(%dma_start3A_67 : memref<625x136xf32, #tpu.memory_space<hbm>>) target_semaphore(%run_scoped3A : memref<!tpu.dma_semaphore, #tpu.memory_space<semaphore_mem>>)
        %dma_wait3A = arith.constant 0 : i32
        %dma_wait3A_70 = tpu.memref_slice %arg8[%mul3A_66, %dma_wait3A] : memref<10000x136xf32, #tpu.memory_space<hbm>> -> memref<625x136xf32, #tpu.memory_space<hbm>>
        %dma_wait3A_71 = arith.constant 0 : i32
        %dma_wait3A_72 = tpu.memref_slice %arg9[%mul3A_64, %dma_wait3A_71] : memref<10000x136xf32, #tpu.memory_space<vmem_shared>> -> memref<625x136xf32, #tpu.memory_space<vmem_shared>>
        tpu.wait_dma2 semaphore(%run_scoped3A : memref<!tpu.dma_semaphore, #tpu.memory_space<semaphore_mem>>) src(%dma_wait3A_72 : memref<625x136xf32, #tpu.memory_space<vmem_shared>>) dst(%dma_wait3A_70 : memref<625x136xf32, #tpu.memory_space<hbm>>)
        tpu.yield
      }) : () -> ()
    } else {
    }
    return
  }
}

module attributes {stable_mosaic.version = 14 : i64} {
  func.func @_matmul_body(%arg0: memref<2048x128xf32, #tpu.memory_space<vmem>>, %arg1: memref<128x128xf32, #tpu.memory_space<vmem>>, %arg2: memref<2048x128xf32, #tpu.memory_space<vmem>>) attributes {dimension_semantics = [], scalar_prefetch = 0 : i64, scratch_operands = 0 : i64, tpu.core_type = #tpu.core_type<tc>} {
    %get3A = arith.constant 0 : index
    %get3A_0 = arith.constant 0 : index
    %get3A_1 = vector.load %arg0[%get3A, %get3A_0] : memref<2048x128xf32, #tpu.memory_space<vmem>>, vector<2048x128xf32>
    %get3A_2 = arith.constant 0 : index
    %get3A_3 = arith.constant 0 : index
    %get3A_4 = vector.load %arg1[%get3A_2, %get3A_3] : memref<128x128xf32, #tpu.memory_space<vmem>>, vector<128x128xf32>
    %dot_general3A = arith.constant dense<0.000000e+00> : vector<2048x128xf32>
    %dot_general3A_5 = tpu.matmul %get3A_1, %get3A_4, %dot_general3A {dimension_numbers = #tpu.dot_dimension_numbers<[1], [0], [0], [1], [0, 0, 1, 1], [], []>, transpose_lhs_hint = false} : vector<2048x128xf32>, vector<128x128xf32>, vector<2048x128xf32> -> vector<2048x128xf32>
    %tanh3A = math.tanh %dot_general3A_5 : vector<2048x128xf32>
    %swap3A = arith.constant 0 : index
    %swap3A_6 = arith.constant 0 : index
    %swap3A_7 = vector.load %arg2[%swap3A, %swap3A_6] : memref<2048x128xf32, #tpu.memory_space<vmem>>, vector<2048x128xf32>
    tpu.vector_store %arg2[%swap3A, %swap3A_6], %tanh3A {strides = array<i32>} : memref<2048x128xf32, #tpu.memory_space<vmem>>, vector<2048x128xf32>,
    return
  }
}

</mosaic_0001>

<sc_bundles>
// kernel: kernel.5.cloned.1.call-start
scs
__scs_entry_jumppad:
0x0: {  	(pc) =	sbr.rel $0x88, $3  }
0x1: {  	(tag) =	ssettag $0x0;
	lr =	simm.s32 $0x1  }
0x2: {  	[smem:$0x3F9B] =	sst lr;
	_ =	strace $0xD0000000  }
0x3: {  	_ = 	snop  }
0x4: {  	_ = 	snop  }
0x5: {  	_ = 	snop  }
0x6: {  	_ = 	snop  }
0x7: {  	_ = 	snop  }
__scs_overlays_trampoline_lowered:
0x8: {  	[smem:$0x3FAA] =	sst s0  }
0x9: {  	[smem:$0x3FAB] =	sst s1  }
0xa: {  	[smem:$0x3FAC] =	sst s2  }
0xb: {  	[smem:$0x3FAD] =	sst s3  }
0xc: {  	[smem:$0x3FAE] =	sst s4  }
0xd: {  	[smem:$0x3FAF] =	sst s5  }
0xe: {  	[smem:$0x3FB0] =	sst s6  }
0xf: {  	[smem:$0x3FB1] =	sst s7  }
0x10: {  	[smem:$0x3FB2] =	sst s8  }
0x11: {  	[smem:$0x3FB3] =	sst s9;
	s0 =	simm.s32 @!p0 $0x0  }
0x12: {  	s1 =	sld [smem:$0x3F99];
	s0 =	simm.s32 @p0 $0x1  }
0x13: {  	[smem:$0x3FB4] =	sst s0;
	s0 =	simm.s32 @!p1 $0x0  }
0x14: {  	s2 =	sld [smem:$0x3F98];
	s0 =	simm.s32 @p1 $0x1  }
0x15: {  	[smem:$0x3FB5] =	sst s0;
	s0 =	simm.s32 @!p2 $0x0  }
0x16: {  	s3 =	sld [smem:$0x3FDB];
	s0 =	simm.s32 @p2 $0x1  }
0x17: {  	s4 =	simm.s32 $0x1BF5;
	[smem:$0x3FB7] =	sst s0  }
0x18: {  	s0 =	sld [smem:$0x3F9A];
	_ =	swait.ge [sflag:s4], $0x0  }
0x19: {  	s7 =	sld [smem:$0x3F9B]  }
0x1a: {  	s8 =	sadd.s32 $0xFFFFE003, lr  }
0x1b: {  	s9 =	sadd.s32 $0xFFFFFEF7, lr;
	s5 =	simm.s32 $0xFFFFFFFF;
	p2 =	slt.u32 s8, $0xFFFFF086  }
0x1c: {  	p1 =	slt.u32 s9, $0xF7A;
	s5 =	simm.s32 @!p2 $0x0  }
0x1d: {  	s5 =	simm.s32 @p1 $0x1;
	p0 =	seq.s32 s7, s2  }
0x1e: {  	s7 =	smul.u32 @!p0 $0xF7A, s2;
	p2 =	seq.s32 @!p0 s5, $0x0  }
0x1f: {  	s9 =	smul.u32 $0xF7A, s1;
	s8 =	simm.s32 @!p0 $0x1BF5;
	p2 =	por !p2, p0  }
0x20: {  	[sflag:s8] =	ssyncset.s32 @!p0 $0xFFFFF086;
	s6 =	sadd.s32 @!p0 s3, s7;
	s7 =	simm.s32 @!p0 $0x108  }
0x21: {  	s3 =	sadd.s32 s3, s9;
	s6 =	sadd.s32 @!p0 $0x88, s6;
	s7 =	simm.s32 @p2 $0x1082  }
0x22: {  	[simem:s7], [sflag:s8] =	dma.local @!p0 [hbm:s6], $0xF7A  }
0x23: {  	s9 =	sor.u32 $0xD0000000, s2;
	s6 =	simm.s32 $0x108;
	_ =	swait.ge @!p0 [sflag:s8], $0x0  }
0x24: {  	s3 =	sadd.s32 $0x88, s3;
	s6 =	simm.s32 @!p1 $0x1082;
	[sflag:s4] =	ssyncset.s32 $0xFFFFF086  }
0x25: {  	[simem:s6], [sflag:s4] =	dma.local [hbm:s3], $0xF7A  }
0x26: {  	[smem:$0x3F9B] =	sst s1;
	(tag) =	ssettag s2;
	_ =	strace s9  }
0x27: {  	s1 =	sld [smem:$0x3FAB]  }
0x28: {  	s2 =	sld [smem:$0x3FAC]  }
0x29: {  	s4 =	sld [smem:$0x3FAE]  }
0x2a: {  	p0 =	seq.s32 s5, $0x0;
	s5 =	sld [smem:$0x3FAF]  }
0x2b: {  	s6 =	sld [smem:$0x3FB0]  }
0x2c: {  	s7 =	sld [smem:$0x3FB1]  }
0x2d: {  	s3 =	simm.s32 $0x108;
	s8 =	sld [smem:$0x3FB2]  }
0x2e: {  	s3 =	simm.s32 @!p0 $0x1082;
	s9 =	sld [smem:$0x3FB3]  }
0x2f: {  	lr =	sadd.s32 s0, s3;
	s0 =	sld [smem:$0x3FAA]  }
0x30: {  	s3 =	sld [smem:$0x3FAD]  }
0x31: {  	[smem:$0x3FB6] =	sst s10  }
0x32: {  	s10 =	sld [smem:$0x3FB4];
	_ =	sdelay $0x3  }
0x33: {  	p0 =	seq.s32 s10, $0x1;
	s10 =	sld [smem:$0x3FB6];
	_ =	sdelay $0x3  }
0x34: {  	[smem:$0x3FB6] =	sst s10  }
0x35: {  	s10 =	sld [smem:$0x3FB5];
	_ =	sdelay $0x3  }
0x36: {  	p1 =	seq.s32 s10, $0x1;
	s10 =	sld [smem:$0x3FB6];
	_ =	sdelay $0x3  }
0x37: {  	[smem:$0x3FB6] =	sst s10  }
0x38: {  	s10 =	sld [smem:$0x3FB7]  }
0x39: {  	_ = 	snop;
	(pc) =	sbr.ind lr, $3  }
0x3a: {  	_ = 	snop  }
0x3b: {  	_ = 	snop  }
0x3c: {  	p2 =	seq.s32 s10, $0x1;
	s10 =	sld [smem:$0x3FB6]  }
0x3d: {  	_ =	shalt  }
0x3e: {  	_ =	shalt  }
0x3f: {  	_ =	shalt  }
0x40: {  	_ =	shalt  }
0x41: {  	_ =	shalt  }
0x42: {  	_ =	shalt  }
0x43: {  	_ =	shalt  }
0x44: {  	_ =	shalt  }
0x45: {  	_ =	shalt  }
0x46: {  	_ =	shalt  }
0x47: {  	_ =	shalt  }
0x48: {  	_ =	shalt  }
0x49: {  	_ =	shalt  }
0x4a: {  	_ =	shalt  }
0x4b: {  	_ =	shalt  }
0x4c: {  	_ =	shalt  }
0x4d: {  	_ =	shalt  }
0x4e: {  	_ =	shalt  }
0x4f: {  	_ =	shalt  }
0x50: {  	_ =	shalt  }
0x51: {  	_ =	shalt  }
0x52: {  	_ =	shalt  }
0x53: {  	_ =	shalt  }
0x54: {  	_ =	shalt  }
0x55: {  	_ =	shalt  }
0x56: {  	_ =	shalt  }
0x57: {  	_ =	shalt  }
0x58: {  	_ =	shalt  }
0x59: {  	_ =	shalt  }
0x5a: {  	_ =	shalt  }
0x5b: {  	_ =	shalt  }
0x5c: {  	_ =	shalt  }
0x5d: {  	_ =	shalt  }
0x5e: {  	_ =	shalt  }
0x5f: {  	_ =	shalt  }
0x60: {  	_ =	shalt  }
0x61: {  	_ =	shalt  }
0x62: {  	_ =	shalt  }
0x63: {  	_ =	shalt  }
0x64: {  	_ =	shalt  }
0x65: {  	_ =	shalt  }
0x66: {  	_ =	shalt  }
0x67: {  	_ =	shalt  }
0x68: {  	_ =	shalt  }
0x69: {  	_ =	shalt  }
0x6a: {  	_ =	shalt  }
0x6b: {  	_ =	shalt  }
0x6c: {  	_ =	shalt  }
0x6d: {  	_ =	shalt  }
0x6e: {  	_ =	shalt  }
0x6f: {  	_ =	shalt  }
0x70: {  	_ =	shalt  }
0x71: {  	_ =	shalt  }
0x72: {  	_ =	shalt  }
0x73: {  	_ =	shalt  }
0x74: {  	_ =	shalt  }
0x75: {  	_ =	shalt  }
0x76: {  	_ =	shalt  }
0x77: {  	_ =	shalt  }
0x78: {  	_ =	shalt  }
0x79: {  	_ =	shalt  }
0x7a: {  	_ =	shalt  }
0x7b: {  	_ =	shalt  }
0x7c: {  	_ =	shalt  }
0x7d: {  	_ =	shalt  }
0x7e: {  	_ =	shalt  }
0x7f: {  	_ =	shalt  }
0x80: {  	_ =	shalt  }
0x81: {  	_ =	shalt  }
0x82: {  	_ =	shalt  }
0x83: {  	_ =	shalt  }
0x84: {  	_ =	shalt  }
0x85: {  	_ =	shalt  }
0x86: {  	_ =	shalt  }
0x87: {  	_ =	shalt  }
.Lfunc_end0:
.L_simem_size_0:
called_computation_lowered:
.L_overlay_start_0:
0x88: {  	s2 =	sld [smem:$0x3FD9]  }
0x89: {  	s3 =	sld [smem:$0x3FFE];
	_ =	sdelay $0x1  }
0x8a: {  	s1 =	srdreg.scid  }
0x8b: {  	s0 =	sand.u32 $0x1, s1  }
0x8c: {  	s17 =	sshll.u32 s0, $0xA;
	s2 =	sadd.s32 s3, s2  }
0x8d: {  	s2 =	sadd.s32 s2, s17  }
0x8e: {  	[smem:$0x3FC2] =	sst s2  }
0x8f: {  	_ = 	snop  }
0x90: {  	s2 =	sld [smem:$0x3FC8]  }
0x91: {  	s18 =	sld [smem:$0x3FD0];
	(tm) =	ssettm $0x1  }
0x92: {  	s4 =	sld [smem:$0x3FFB];
	_ =	sdelay $0x3  }
0x93: {  	_ =	strace s4  }
0x94: {  	s4 =	sld [smem:$0x3FFC];
	_ =	sdelay $0x3  }
0x95: {  	_ =	strace s4  }
0x96: {  	s4 =	sld [smem:$0x3FFD];
	_ =	sdelay $0x3  }
0x97: {  	_ =	strace s4  }
0x98: {  	_ =	strace $0x8FFFFFFF  }
0x99: {  	s19 =	sld [smem:$0x3FDB];
	_ =	sdelay $0x1  }
0x9a: {  	s5 =	simm.s32 $_scs_section_size  }
0x9b: {  	s6 =	simm.s32 $_size__tile_overlayer_lowered;
	s7 =	simm.s32 $_tile_overlayer_lowered  }
0x9c: {  	s22 =	simm.s32 $0x1BFF;
	s21 =	sshll.u32 s7, $0x1;
	s4 =	sadd.s32 s5, s19  }
0x9d: {  	s8 =	simm.s32 $0x0;
	s20 =	sshll.u32 s6, $0x1;
	s6 =	sadd.s32 s21, s4  }
0x9e: {  	[timem:s8], [sflag:s22] =	dma.local [hbm:s6], s20  }
0x9f: {  	_ =	swait.ge [sflag:s22], s20  }
0xa0: {  	s5 =	ssub.s32 $0x0, s20;
	[sflag:s22] =	ssyncset.done $0x0  }
0xa1: {  	[sflag:s22] =	ssyncadd.s32 s5;
	_ =	sdelay $0x1  }
0xa2: {  	s23 =	simm.s32 $0x1B8B  }
0xa3: {  	_ =	swait.ge [sflag:s23], $0x1  }
0xa4: {  	[sflag:s23] =	ssyncset.done $0x0  }
0xa5: {  	s25 =	simm.s32 $0x1B8E;
	s24 =	sld [smem:$0x3FFE];
	[sflag:s23] =	ssyncadd.s32 $0xFFFFFFFF  }
0xa6: {  	s26 =	simm.s32 $execute0_lowered;
	[smem:$0x3FD2] =	sst s25  }
0xa7: {  	s6 =	sshll.u32 s26, $0x1;
	_ =	strace $0x80000046;
	[dreg:$0x1] =	wrdreg $0xFFFFFFFF  }
0xa8: {  	s28 =	simm.s32 $_size_execute0_lowered;
	s4 =	sadd.s32 s4, s6;
	[dreg:$0x0] =	wrdreg $0x0  }
0xa9: {  	s6 =	sshll.u32 s28, $0x1;
	[dreg:$0x2] =	wrdreg s4  }
0xaa: {  	[dreg:$0x3] =	wrdreg s6  }
0xab: {  	[dreg:$0x4] =	wrdreg $0xC0  }
0xac: {  	_ =	task [dreg:s8], $0x5FFFF  }
0xad: {  	[dreg:$0x1] =	wrdreg $0xFFFFFFFF  }
0xae: {  	[dreg:$0x0] =	wrdreg $0x60  }
0xaf: {  	[dreg:$0x2] =	wrdreg s24  }
0xb0: {  	[dreg:$0x3] =	wrdreg s2  }
0xb1: {  	[dreg:$0x4] =	wrdreg s18  }
0xb2: {  	[dreg:$0x5] =	wrdreg $0x0  }
0xb3: {  	[dreg:$0x6] =	wrdreg $0x14C080  }
0xb4: {  	[dreg:$0x7] =	wrdreg $0x9  }
0xb5: {  	_ =	task.clear_ibuf [dreg:s8], $0x8FFFF;
	_ =	strace $0x90000046  }
0xb6: {  	s29 =	simm.s32 $0x9;
	_ =	strace $0x80000048  }
0xb7: {  	_ =	swait.ge [sflag:s29], $0x1  }
0xb8: {  	[sflag:s29] =	ssyncadd.s32 $0xFFFFFFFF  }
0xb9: {  	_ =	strace $0x90000048  }
0xba: {  	_ =	sfence  }
0xbb: {  	s30 =	sld [smem:$0x0];
	_ =	sdelay $0x2  }
0xbc: {  	s31 =	sshll.u32 s1, $0xD;
	s1 =	sshrl.u32 s1, $0x2  }
0xbd: {  	s3 =	sand.u32 $0x4000, s31;
	s1 =	sadd.s32 s1, s30  }
0xbe: {  	s0 =	sor.u32 s3, s0;
	s1 =	sshll.u32 s1, $0x11  }
0xbf: {  	s0 =	sor.u32 s1, s0  }
0xc0: {  	s0 =	sadd.s32 $0x8F2B, s0  }
0xc1: {  	[sflag:s0] =	ssyncadd.remote.s32 $0x1  }
0xc2: {  	_ =	sfence.sel $0xFFFF  }
0xc3: {  	[dreg:$0x0] =	wrdreg $0xFFFFFFFF;
	(pc) =	sbr.abs _section_cstart, $3  }
0xc4: {  	[dreg:$0x1] =	wrdreg $0xFFFFFFFF  }
0xc5: {  	_ =	task.clear_ibuf [dreg:s8], $0x2FFFF;
	_ =	strace $0x9FFFFFFF  }
0xc6: {  	(tm) =	ssettm $0x7FFFFFFF  }
0xc7: {  	_ =	shalt  }
tec
execute0_lowered:
.L_overlay_start_1:
0x0: {  	(tag) =	ssettag $0x1  }
0x1: {  	s0 =	rddreg [dreg:$0x0]  }
0x2: {  	s2 =	rddreg [dreg:$0x1]  }
0x3: {  	s3 =	rddreg [dreg:$0x3]  }
0x4: {  	s4 =	rddreg [dreg:$0x4];
	s5 =	simm.s32 $0x0  }
0x5: {  	s21 =	simm.s32 $0x15300;
	[smem:$0x7FF] =	sst s5  }
0x6: {  	s22 =	simm.s32 $0x15350;
	_ =	strace $0x80000047;
	[dreg:$0x9] =	wrdreg s21  }
0x7: {  	s23 =	simm.s32 $0x162A0;
	[dreg:$0xa] =	wrdreg s22  }
0x8: {  	s24 =	simm.s32 $0x15AD0;
	[dreg:$0xb] =	wrdreg s23  }
0x9: {  	s25 =	simm.s32 $0x153A0;
	[dreg:$0xc] =	wrdreg s24  }
0xa: {  	s26 =	simm.s32 $0x162F0;
	[dreg:$0xd] =	wrdreg s25  }
0xb: {  	s10 =	simm.s32 $0x15440;
	[dreg:$0xe] =	wrdreg s26  }
0xc: {  	s12 =	simm.s32 $0x16390;
	[dreg:$0x13] =	wrdreg s10  }
0xd: {  	s13 =	simm.s32 $0x15BC0;
	[dreg:$0x14] =	wrdreg s12  }
0xe: {  	s14 =	simm.s32 $0x15490;
	[dreg:$0x15] =	wrdreg s13  }
0xf: {  	s15 =	simm.s32 $0x163E0;
	[dreg:$0x16] =	wrdreg s14  }
0x10: {  	s16 =	simm.s32 $0x15C10;
	[dreg:$0x17] =	wrdreg s15  }
0x11: {  	s17 =	simm.s32 $0x154E0;
	[dreg:$0x18] =	wrdreg s16  }
0x12: {  	s18 =	simm.s32 $0x16430;
	[dreg:$0x19] =	wrdreg s17  }
0x13: {  	s19 =	simm.s32 $0x15C60;
	[dreg:$0x1a] =	wrdreg s18  }
0x14: {  	[dreg:$0x1b] =	wrdreg s19;
	s21 =	simm.s32 $0x16480  }
0x15: {  	s22 =	simm.s32 $0x15CB0;
	[dreg:$0x1d] =	wrdreg s21  }
0x16: {  	s23 =	simm.s32 $0x15580;
	[dreg:$0x1e] =	wrdreg s22  }
0x17: {  	s24 =	simm.s32 $0x164D0;
	[dreg:$0x1f] =	wrdreg s23  }
0x18: {  	s25 =	simm.s32 $0x15D00;
	[smem:$0x7C8] =	sst s24  }
0x19: {  	s26 =	simm.s32 $0x155D0;
	[smem:$0x7C9] =	sst s25  }
0x1a: {  	s10 =	simm.s32 $0x15DA0;
	[smem:$0x7CA] =	sst s26  }
0x1b: {  	s12 =	simm.s32 $0x15670;
	[smem:$0x7CF] =	sst s10  }
0x1c: {  	s13 =	simm.s32 $0x165C0;
	[smem:$0x7D0] =	sst s12  }
0x1d: {  	s14 =	simm.s32 $0x15DF0;
	[smem:$0x7D1] =	sst s13  }
0x1e: {  	s11 =	stileid.u32;
	s15 =	simm.s32 $0x156C0;
	[smem:$0x7D2] =	sst s14  }
0x1f: {  	s6 =	smul.u32 $0x9C4, s11;
	s16 =	simm.s32 $0x16610;
	[smem:$0x7D3] =	sst s15  }
0x20: {  	s17 =	simm.s32 $0x15E40;
	[smem:$0x7D4] =	sst s16  }
0x21: {  	s18 =	simm.s32 $0x15710;
	s8 =	sadd.s32 s6, s0;
	[smem:$0x7D5] =	sst s17  }
0x22: {  	s2 =	sadd.s32 s6, s2;
	s6 =	simm.s32 $0x15B20;
	[smem:$0x7D6] =	sst s18  }
0x23: {  	s22 =	simm.s32 $0x15E90;
	[dreg:$0xf] =	wrdreg s6  }
0x24: {  	s23 =	simm.s32 $0x15760;
	[smem:$0x7D8] =	sst s22  }
0x25: {  	s24 =	simm.s32 $0x166B0;
	[smem:$0x7D9] =	sst s23  }
0x26: {  	s25 =	simm.s32 $0x15EE0;
	[smem:$0x7DA] =	sst s24  }
0x27: {  	s1 =	srdreg.scid;
	s12 =	simm.s32 $0x16700;
	[smem:$0x7DC] =	sst s25  }
0x28: {  	s1 =	sand.u32 $0x1, s1;
	s13 =	simm.s32 $0x15F30;
	[smem:$0x7DE] =	sst s12  }
0x29: {  	s7 =	smul.u32 $0x4E2, s1;
	s15 =	simm.s32 $0x15800;
	[smem:$0x7E0] =	sst s13  }
0x2a: {  	s17 =	simm.s32 $0x16750;
	[smem:$0x7E2] =	sst s15  }
0x2b: {  	s2 =	sadd.s32 s7, s2;
	[smem:$0x7E4] =	sst s17  }
0x2c: {  	s8 =	sadd.s32 s7, s8;
	s7 =	simm.s32 $0x153F0;
	[dreg:$0x7] =	wrdreg s2  }
0x2d: {  	s6 =	simm.s32 $0x16520;
	[dreg:$0x10] =	wrdreg s7  }
0x2e: {  	s23 =	simm.s32 $0x167A0;
	[smem:$0x7CB] =	sst s6  }
0x2f: {  	s25 =	simm.s32 $0x15FD0;
	[smem:$0x7EA] =	sst s23  }
0x30: {  	s13 =	simm.s32 $0x16020;
	[smem:$0x7EC] =	sst s25  }
0x31: {  	s15 =	simm.s32 $0x158F0;
	[smem:$0x7F0] =	sst s13  }
0x32: {  	s17 =	simm.s32 $0x16070;
	[smem:$0x7F1] =	sst s15  }
0x33: {  	s9 =	sadd.s32 $0xA800, s8;
	[smem:$0x7F3] =	sst s17  }
0x34: {  	s20 =	sadd.s32 $0xA00, s8;
	[dreg:$0x6] =	wrdreg s9  }
0x35: {  	s28 =	simm.s32 $0x2;
	s8 =	simm.s32 $0x16340;
	[dreg:$0x8] =	wrdreg s20  }
0x36: {  	s29 =	simm.s32 $0x5;
	s7 =	simm.s32 $0x15D50;
	[dreg:$0x11] =	wrdreg s8  }
0x37: {  	s30 =	simm.s32 $0x7;
	s23 =	simm.s32 $0x16110;
	[smem:$0x7CC] =	sst s7  }
0x38: {  	s31 =	simm.s32 $0x3;
	s25 =	simm.s32 $0x16930;
	[smem:$0x7FA] =	sst s23  }
0x39: {  	s19 =	ssub.s32 $0x2, s1;
	s9 =	simm.s32 $0x15B70;
	[smem:$0x7FC] =	sst s25  }
0x3a: {  	p0 =	seq.s32 s1, $0x1;
	s20 =	simm.s32 $0x15530;
	[dreg:$0x12] =	wrdreg s9  }
0x3b: {  	s10 =	smul.u32 $0x53020, s11;
	s8 =	simm.s32 $0x15620;
	[dreg:$0x1c] =	wrdreg s20  }
0x3c: {  	s1 =	simm.s32 $0x9;
	s7 =	simm.s32 $0x157B0;
	[smem:$0x7CD] =	sst s8  }
0x3d: {  	s10 =	sshrl.u32 s10, $0x2;
	s9 =	simm.s32 $0x16570;
	[smem:$0x7DD] =	sst s7  }
0x3e: {  	s10 =	sadd.s32 s10, s3;
	s20 =	simm.s32 $0x16660;
	[smem:$0x7CE] =	sst s9  }
0x3f: {  	s21 =	sshrl.u32 s19, $0x1;
	s14 =	sadd.s32 $0x2A80, s10;
	[smem:$0x7D7] =	sst s20  }
0x40: {  	s6 =	sadd.s32 $0x14600, s0;
	s16 =	sadd.s32 $0x5500, s10;
	[smem:$0x7DF] =	sst s14  }
0x41: {  	s17 =	simm.s32 $0x16A20;
	s18 =	sadd.s32 $0x7F80, s10;
	[smem:$0x7E1] =	sst s16  }
0x42: {  	s8 =	ssub.s32 s19, s21;
	s19 =	simm.s32 $0x15F80;
	[smem:$0x7E3] =	sst s18  }
0x43: {  	s2 =	simm.s32 $0x6;
	s22 =	sadd.s32 $0xD480, s10;
	[smem:$0x7E6] =	sst s19  }
0x44: {  	s13 =	simm.s32 $0x0;
	s21 =	simm.s32 $0x15850;
	[smem:$0x7E7] =	sst s22  }
0x45: {  	s23 =	simm.s32 $0x194A0;
	s24 =	sadd.s32 $0xFF00, s10;
	[smem:$0x7E8] =	sst s21  }
0x46: {  	s25 =	simm.s32 $0x4;
	s7 =	simm.s32 $0x158A0;
	[smem:$0x7E9] =	sst s24  }
0x47: {  	s9 =	smul.u32 $0x14C08, s11;
	s20 =	sadd.s32 $0xAA00, s10;
	[smem:$0x7ED] =	sst s7  }
0x48: {  	s14 =	smax.u32 s8, $0x1;
	s8 =	simm.s32 $0x67A00;
	[smem:$0x7E5] =	sst s20  }
0x49: {  	s16 =	simm.s32 $0x16840;
	s18 =	simm.s32 $0x15940;
	[smem:$0x7EF] =	sst s14  }
0x4a: {  	s19 =	simm.s32 $0x16890;
	s21 =	simm.s32 $0x15990;
	[smem:$0x7F2] =	sst s16  }
0x4b: {  	s22 =	simm.s32 $0x168E0;
	s24 =	simm.s32 $0x159E0;
	[smem:$0x7F5] =	sst s18  }
0x4c: {  	s8 =	simm.s32 @!p0 $0x3E000;
	p0 =	sne.s32 s11, $0x0;
	[smem:$0x7F6] =	sst s19  }
0x4d: {  	s20 =	simm.s32 $0x160C0;
	s18 =	simm.s32 $0xA;
	[smem:$0x7F8] =	sst s21  }
0x4e: {  	s19 =	simm.s32 $0x152B0;
	[smem:$0x7F9] =	sst s22;
	s21 =	simm.s32 $0x15A80  }
0x4f: {  	[smem:$0x7FB] =	sst s24;
	s22 =	simm.s32 $0x50;
	s24 =	simm.s32 $0x1  }
0x50: {  	s11 =	simm.s32 $0x169D0;
	s26 =	sadd.s32 s9, s3;
	s12 =	sshrl.u32 s9, $0x3  }
0x51: {  	s0 =	sadd.s32 s8, s0;
	[smem:$0x7F7] =	sst s20;
	s20 =	simm.s32 $0x16250  }
0x52: {  	s8 =	simm.s32 $0x15A30;
	[smem:$0x7DB] =	sst s26;
	s26 =	sadd.s32 $0x12980, s10  }
0x53: {  	s9 =	simm.s32 $0x16980;
	s10 =	simm.s32 $0x167F0;
	[smem:$0x7EB] =	sst s26  }
0x54: {  	s0 =	sadd.s32 s0, s12;
	s12 =	simm.s32 $0x16200;
	[smem:$0x7EE] =	sst s10  }
0x55: {  	[smem:$0x7F4] =	sst s0;
	s26 =	simm.s32 $0x16160;
	s0 =	simm.s32 $0x8  }
0x56: {  	v0 =	vimm.f32 $0.0e+00;
	v1 =	vimm.s32 $0x0;
	s10 =	simm.s32 $0x161B0;
	[smem:$0x7FD] =	sst s26;
	s26 =	simm.s32 $0x1BF20  }
.LBB2_1:
0x57: {  	s14 =	simm.s32 $0x0  }
0x58: {  	s15 =	simm.s32 $0x220;
	[tilespmem:s14+$0x16A90] =	vst v0  }
.LBB2_2:
0x59: {  	p1 =	sne.s32 s15, $0xA7E0;
	[tilespmem:s14+$0x16A98] =	vst v0  }
0x5a: {  	[tilespmem:s14+$0x16A20] =	vst v0  }
0x5b: {  	[tilespmem:s14+$0x16A30] =	vst v0  }
0x5c: {  	[tilespmem:s14+$0x16A40] =	vst v0  }
.Ltmp0:
0x5d: {  	[tilespmem:s14+$0x16A50] =	vst v0;
	(pc) =	sbr.rel @p1 .LBB2_2-.Ltmp0, $4  }
0x5e: {  	[tilespmem:s14+$0x16A60] =	vst v0  }
0x5f: {  	[tilespmem:s14+$0x16A70] =	vst v0  }
0x60: {  	[tilespmem:s14+$0x16A80] =	vst v0;
	s14 =	sshra.s32 s15, $0x2  }
0x61: {  	s15 =	sadd.s32 $0x220, s15;
	[tilespmem:s14+$0x16A90] =	vst v0  }
0x62: {  	[tilespmem:s14+$0x16A98] =	vst v0  }
0x63: {  	[tilespmem:s14+$0x16A20] =	vst v0  }
0x64: {  	[tilespmem:s14+$0x16A30] =	vst v0  }
0x65: {  	[tilespmem:s14+$0x16A40] =	vst v0  }
0x66: {  	[tilespmem:s14+$0x16A50] =	vst v0  }
0x67: {  	[tilespmem:s14+$0x16A60] =	vst v0  }
0x68: {  	[tilespmem:s14+$0x16A70] =	vst v0  }
0x69: {  	[tilespmem:s14+$0x16A80] =	vst v0;
	s15 =	simm.s32 $0x140;
	s14 =	simm.s32 $0x0  }
.LBB2_4:
0x6a: {  	p1 =	sne.s32 s15, $0x1E00;
	[tilespmem:s14+$0x15AC0] =	vst v1;
	s16 =	smov.u32 s15;
	s15 =	sadd.s32 $0x140, s15  }
.Ltmp1:
0x6b: {  	[tilespmem:s14+$0x15AB0] =	vst v1;
	(pc) =	sbr.rel @p1 .LBB2_4-.Ltmp1, $4  }
0x6c: {  	[tilespmem:s14+$0x15AA0] =	vst v1  }
0x6d: {  	[tilespmem:s14+$0x15A80] =	vst v1  }
0x6e: {  	[tilespmem:s14+$0x15A90] =	vst v1  }
0x6f: {  	s14 =	sshra.s32 s16, $0x2  }
0x70: {  	[tilespmem:s14+$0x15AC0] =	vst v1  }
0x71: {  	[tilespmem:s14+$0x15AB0] =	vst v1  }
0x72: {  	[tilespmem:s14+$0x15AA0] =	vst v1;
	s7 =	sld [smem:$0x7DB]  }
0x73: {  	[tilespmem:s14+$0x15A80] =	vst v1  }
0x74: {  	[tilespmem:s14+$0x15A90] =	vst v1  }
0x75: {  	[spmem:s7] =	stream.linear.scatter [tilespmem:s17], [sflag:$0xA], $0x2A80, $0x38;
	[tilespmem:$0x1E9A0] =	vst v63  }
0x76: {  	_ =	swait.ge [sflag:s18], $0x2A80  }
0x77: {  	s15 =	sld [smem:$0x7DF]  }
0x78: {  	[sflag:s18] =	ssyncset.done $0x0  }
0x79: {  	[sflag:s18] =	ssyncadd.s32 $0xFFFFD580  }
0x7a: {  	[spmem:s15] =	stream.linear.scatter [tilespmem:s17], [sflag:$0xA], $0x2A80, $0x38;
	[tilespmem:$0x1E9A0] =	vst v63  }
0x7b: {  	_ =	swait.ge [sflag:s18], $0x2A80  }
0x7c: {  	s16 =	sld [smem:$0x7E1]  }
0x7d: {  	[sflag:s18] =	ssyncset.done $0x0  }
0x7e: {  	[sflag:s18] =	ssyncadd.s32 $0xFFFFD580  }
0x7f: {  	[spmem:s16] =	stream.linear.scatter [tilespmem:s17], [sflag:$0xA], $0x2A80, $0x38;
	[tilespmem:$0x1E9A0] =	vst v63  }
0x80: {  	_ =	swait.ge [sflag:s18], $0x2A80  }
0x81: {  	s14 =	sld [smem:$0x7E3]  }
0x82: {  	[sflag:s18] =	ssyncset.done $0x0  }
0x83: {  	[sflag:s18] =	ssyncadd.s32 $0xFFFFD580  }
0x84: {  	[spmem:s14] =	stream.linear.scatter [tilespmem:s17], [sflag:$0xA], $0x2A80, $0x38;
	[tilespmem:$0x1E9A0] =	vst v63  }
0x85: {  	_ =	swait.ge [sflag:s18], $0x2A80  }
0x86: {  	s15 =	sld [smem:$0x7E5]  }
0x87: {  	[sflag:s18] =	ssyncset.done $0x0  }
0x88: {  	[sflag:s18] =	ssyncadd.s32 $0xFFFFD580  }
0x89: {  	[spmem:s15] =	stream.linear.scatter [tilespmem:s17], [sflag:$0xA], $0x2A80, $0x38;
	[tilespmem:$0x1E9A0] =	vst v63  }
0x8a: {  	_ =	swait.ge [sflag:s18], $0x2A80  }
0x8b: {  	s16 =	sld [smem:$0x7E7]  }
0x8c: {  	[sflag:s18] =	ssyncset.done $0x0  }
0x8d: {  	[sflag:s18] =	ssyncadd.s32 $0xFFFFD580  }
0x8e: {  	[spmem:s16] =	stream.linear.scatter [tilespmem:s17], [sflag:$0xA], $0x2A80, $0x38;
	[tilespmem:$0x1E9A0] =	vst v63  }
0x8f: {  	_ =	swait.ge [sflag:s18], $0x2A80  }
0x90: {  	s14 =	sld [smem:$0x7E9]  }
0x91: {  	[sflag:s18] =	ssyncset.done $0x0  }
0x92: {  	[sflag:s18] =	ssyncadd.s32 $0xFFFFD580  }
0x93: {  	[spmem:s14] =	stream.linear.scatter [tilespmem:s17], [sflag:$0xA], $0x2A80, $0x38;
	[tilespmem:$0x1E9A0] =	vst v63  }
0x94: {  	_ =	swait.ge [sflag:s18], $0x2A80  }
0x95: {  	s15 =	sld [smem:$0x7EB]  }
0x96: {  	[sflag:s18] =	ssyncset.done $0x0  }
0x97: {  	[sflag:s18] =	ssyncadd.s32 $0xFFFFD580  }
0x98: {  	[spmem:s15] =	stream.linear.scatter [tilespmem:s17], [sflag:$0xA], $0x2288, $0x38;
	[tilespmem:$0x1E9A0] =	vst v63  }
0x99: {  	_ =	swait.ge [sflag:s18], $0x2288  }
0x9a: {  	[sflag:s18] =	ssyncset.done $0x0  }
0x9b: {  	[sflag:s18] =	ssyncadd.s32 $0xFFFFDD78  }
0x9c: {  	s14 =	sshrl.u32 @!p0 s4, $0x3;
	s15 =	simm.s32 @!p0 $0x1C0A;
	s7 =	rddreg [dreg:$0x2]  }
0x9d: {  	[spmem:s14], [sflag:s15] =	dma.local @!p0 [hbm:s7], $0xD48  }
0x9e: {  	s14 =	simm.s32 @!p0 $0xA  }
0x9f: {  	_ =	swait.ge @!p0 [sflag:s14], $0xD48  }
0xa0: {  	[sflag:s14] =	ssyncset.done @!p0 $0x0  }
0xa1: {  	[sflag:s14] =	ssyncadd.s32 @!p0 $0xFFFFF2B8  }
0xa2: {  	[bflag:$0x0] =	sbarrier.arrive $0xFFFF  }
0xa3: {  	s16 =	rddreg [dreg:$0x6]  }
0xa4: {  	s14 =	sadd.s32 $0x0, s16  }
0xa5: {  	[tilespmem:s19], [sflag:$0xA] =	stream.linear.gather [hbm4b:s14+s5], $0x7D0, $0x38;
	[tilespmem:$0x1E9A0] =	vst v63  }
0xa6: {  	_ =	swait.ge [sflag:s18], $0x7D0  }
0xa7: {  	s7 =	rddreg [dreg:$0x7];
	[sflag:s18] =	ssyncset.done $0x0  }
0xa8: {  	[sflag:s18] =	ssyncadd.s32 $0xFFFFF830;
	s14 =	sadd.s32 $0x0, s7  }
0xa9: {  	[tilespmem:s20], [sflag:$0xA] =	stream.linear.gather [hbm4b:s14+s5], $0x7D0, $0x38;
	[tilespmem:$0x1E9A0] =	vst v63  }
0xaa: {  	_ =	swait.ge [sflag:s18], $0x7D0  }
0xab: {  	s15 =	rddreg [dreg:$0x8];
	[sflag:s18] =	ssyncset.done $0x0  }
0xac: {  	[sflag:s18] =	ssyncadd.s32 $0xFFFFF830;
	s14 =	sadd.s32 $0x0, s15  }
0xad: {  	[tilespmem:s21], [sflag:$0xA] =	stream.linear.gather [hbm4b:s14+s5], $0x7D0, $0x38;
	[tilespmem:$0x1E9A0] =	vst v63  }
0xae: {  	_ =	swait.ge [sflag:s18], $0x7D0  }
0xaf: {  	[sflag:s18] =	ssyncset.done $0x0  }
0xb0: {  	[sflag:s18] =	ssyncadd.s32 $0xFFFFF830  }
0xb1: {  	[tilespmem:s17], [sflag:$0x1] =	stream.indirect.gather [hbm4b:s6+s22], $0x88, s19, s22, $0xb8;
	[tilespmem:$0x1E9A0] =	vst v63  }
0xb2: {  	s16 =	rddreg [dreg:$0x9]  }
0xb3: {  	[tilespmem:s23], [sflag:$0x2] =	stream.indirect.gather [hbm4b:s6+s22], $0x88, s16, s22, $0xb8;
	[tilespmem:$0x1E9A0] =	vst v63  }
0xb4: {  	_ =	swait.ge [sflag:s24], $0x2A80  }
0xb5: {  	[sflag:s24] =	ssyncset.done $0x0  }
0xb6: {  	[sflag:s24] =	ssyncadd.s32 $0xFFFFD580  }
0xb7: {  	[tilespmem:s17], [sflag:$0x4] =	stream.indirect.gather.add.f32 [spmem:s4], $0x88, s20, s22, $0xb8;
	[tilespmem:$0x1E9A0] =	vst v63  }
0xb8: {  	_ =	swait.ge [sflag:s25], $0x2A80  }
0xb9: {  	[sflag:s25] =	ssyncset.done $0x0  }
0xba: {  	[sflag:s25] =	ssyncadd.s32 $0xFFFFD580  }
0xbb: {  	[spmem:s3] =	stream.indirect.scatter.add.f32 [tilespmem:s17], [sflag:$0x7], $0x88, s21, s22, $0xb8;
	[tilespmem:$0x1E9A0] =	vst v63  }
0xbc: {  	s7 =	rddreg [dreg:$0xa]  }
0xbd: {  	[tilespmem:s26], [sflag:$0x3] =	stream.indirect.gather [hbm4b:s6+s22], $0x88, s7, s22, $0xb8;
	[tilespmem:$0x1E9A0] =	vst v63  }
0xbe: {  	_ =	swait.ge [sflag:s28], $0x2A80  }
0xbf: {  	[sflag:s28] =	ssyncset.done $0x0  }
0xc0: {  	s15 =	rddreg [dreg:$0xb];
	[sflag:s28] =	ssyncadd.s32 $0xFFFFD580  }
0xc1: {  	[tilespmem:s23], [sflag:$0x5] =	stream.indirect.gather.add.f32 [spmem:s4], $0x88, s15, s22, $0xb8;
	[tilespmem:$0x1E9A0] =	vst v63  }
0xc2: {  	_ =	swait.ge [sflag:s29], $0x2A80  }
0xc3: {  	[sflag:s29] =	ssyncset.done $0x0  }
0xc4: {  	s16 =	rddreg [dreg:$0xc];
	[sflag:s29] =	ssyncadd.s32 $0xFFFFD580  }
0xc5: {  	[spmem:s3] =	stream.indirect.scatter.add.f32 [tilespmem:s23], [sflag:$0x8], $0x88, s16, s22, $0xb8;
	[tilespmem:$0x1E9A0] =	vst v63  }
0xc6: {  	_ =	swait.ge [sflag:s30], $0x2A80  }
0xc7: {  	[sflag:s30] =	ssyncset.done $0x0  }
0xc8: {  	s7 =	rddreg [dreg:$0xd];
	[sflag:s30] =	ssyncadd.s32 $0xFFFFD580  }
0xc9: {  	[tilespmem:s17], [sflag:$0x1] =	stream.indirect.gather [hbm4b:s6+s22], $0x88, s7, s22, $0xb8;
	[tilespmem:$0x1E9A0] =	vst v63  }
0xca: {  	_ =	swait.ge [sflag:s31], $0x2A80  }
0xcb: {  	[sflag:s31] =	ssyncset.done $0x0  }
0xcc: {  	s15 =	rddreg [dreg:$0xe];
	[sflag:s31] =	ssyncadd.s32 $0xFFFFD580  }
0xcd: {  	[tilespmem:s26], [sflag:$0x6] =	stream.indirect.gather.add.f32 [spmem:s4], $0x88, s15, s22, $0xb8;
	[tilespmem:$0x1E9A0] =	vst v63  }
0xce: {  	_ =	swait.ge [sflag:s2], $0x2A80  }
0xcf: {  	[sflag:s2] =	ssyncset.done $0x0  }
0xd0: {  	s16 =	rddreg [dreg:$0xf];
	[sflag:s2] =	ssyncadd.s32 $0xFFFFD580  }
0xd1: {  	[spmem:s3] =	stream.indirect.scatter.add.f32 [tilespmem:s26], [sflag:$0x9], $0x88, s16, s22, $0xb8;
	[tilespmem:$0x1E9A0] =	vst v63  }
0xd2: {  	_ =	swait.ge [sflag:s0], $0x2A80  }
0xd3: {  	[sflag:s0] =	ssyncset.done $0x0  }
0xd4: {  	s7 =	rddreg [dreg:$0x10];
	[sflag:s0] =	ssyncadd.s32 $0xFFFFD580  }
0xd5: {  	[tilespmem:s23], [sflag:$0x2] =	stream.indirect.gather [hbm4b:s6+s22], $0x88, s7, s22, $0xb8;
	[tilespmem:$0x1E9A0] =	vst v63  }
0xd6: {  	_ =	swait.ge [sflag:s24], $0x2A80  }
0xd7: {  	[sflag:s24] =	ssyncset.done $0x0  }
0xd8: {  	s15 =	rddreg [dreg:$0x11];
	[sflag:s24] =	ssyncadd.s32 $0xFFFFD580  }
0xd9: {  	[tilespmem:s17], [sflag:$0x4] =	stream.indirect.gather.add.f32 [spmem:s4], $0x88, s15, s22, $0xb8;
	[tilespmem:$0x1E9A0] =	vst v63  }
0xda: {  	_ =	swait.ge [sflag:s25], $0x2A80  }
0xdb: {  	[sflag:s25] =	ssyncset.done $0x0  }
0xdc: {  	s16 =	rddreg [dreg:$0x12];
	[sflag:s25] =	ssyncadd.s32 $0xFFFFD580  }
0xdd: {  	[spmem:s3] =	stream.indirect.scatter.add.f32 [tilespmem:s17], [sflag:$0x7], $0x88, s16, s22, $0xb8;
	[tilespmem:$0x1E9A0] =	vst v63  }
0xde: {  	_ =	swait.ge [sflag:s1], $0x2A80  }
0xdf: {  	[sflag:s1] =	ssyncset.done $0x0  }
0xe0: {  	s7 =	rddreg [dreg:$0x13];
	[sflag:s1] =	ssyncadd.s32 $0xFFFFD580  }
0xe1: {  	[tilespmem:s26], [sflag:$0x3] =	stream.indirect.gather [hbm4b:s6+s22], $0x88, s7, s22, $0xb8;
	[tilespmem:$0x1E9A0] =	vst v63  }
0xe2: {  	_ =	swait.ge [sflag:s28], $0x2A80  }
0xe3: {  	[sflag:s28] =	ssyncset.done $0x0  }
0xe4: {  	s15 =	rddreg [dreg:$0x14];
	[sflag:s28] =	ssyncadd.s32 $0xFFFFD580  }
0xe5: {  	[tilespmem:s23], [sflag:$0x5] =	stream.indirect.gather.add.f32 [spmem:s4], $0x88, s15, s22, $0xb8;
	[tilespmem:$0x1E9A0] =	vst v63  }
0xe6: {  	_ =	swait.ge [sflag:s29], $0x2A80  }
0xe7: {  	[sflag:s29] =	ssyncset.done $0x0  }
0xe8: {  	s16 =	rddreg [dreg:$0x15];
	[sflag:s29] =	ssyncadd.s32 $0xFFFFD580  }
0xe9: {  	[spmem:s3] =	stream.indirect.scatter.add.f32 [tilespmem:s23], [sflag:$0x8], $0x88, s16, s22, $0xb8;
	[tilespmem:$0x1E9A0] =	vst v63  }
0xea: {  	_ =	swait.ge [sflag:s30], $0x2A80  }
0xeb: {  	[sflag:s30] =	ssyncset.done $0x0  }
0xec: {  	s7 =	rddreg [dreg:$0x16];
	[sflag:s30] =	ssyncadd.s32 $0xFFFFD580  }
0xed: {  	[tilespmem:s17], [sflag:$0x1] =	stream.indirect.gather [hbm4b:s6+s22], $0x88, s7, s22, $0xb8;
	[tilespmem:$0x1E9A0] =	vst v63  }
0xee: {  	_ =	swait.ge [sflag:s31], $0x2A80  }
0xef: {  	[sflag:s31] =	ssyncset.done $0x0  }
0xf0: {  	s15 =	rddreg [dreg:$0x17];
	[sflag:s31] =	ssyncadd.s32 $0xFFFFD580  }
0xf1: {  	[tilespmem:s26], [sflag:$0x6] =	stream.indirect.gather.add.f32 [spmem:s4], $0x88, s15, s22, $0xb8;
	[tilespmem:$0x1E9A0] =	vst v63  }
0xf2: {  	_ =	swait.ge [sflag:s2], $0x2A80  }
0xf3: {  	[sflag:s2] =	ssyncset.done $0x0  }
0xf4: {  	s16 =	rddreg [dreg:$0x18];
	[sflag:s2] =	ssyncadd.s32 $0xFFFFD580  }
0xf5: {  	[spmem:s3] =	stream.indirect.scatter.add.f32 [tilespmem:s26], [sflag:$0x9], $0x88, s16, s22, $0xb8;
	[tilespmem:$0x1E9A0] =	vst v63  }
0xf6: {  	_ =	swait.ge [sflag:s0], $0x2A80  }
0xf7: {  	[sflag:s0] =	ssyncset.done $0x0  }
0xf8: {  	s7 =	rddreg [dreg:$0x19];
	[sflag:s0] =	ssyncadd.s32 $0xFFFFD580  }
0xf9: {  	[tilespmem:s23], [sflag:$0x2] =	stream.indirect.gather [hbm4b:s6+s22], $0x88, s7, s22, $0xb8;
	[tilespmem:$0x1E9A0] =	vst v63  }
0xfa: {  	_ =	swait.ge [sflag:s24], $0x2A80  }
0xfb: {  	[sflag:s24] =	ssyncset.done $0x0  }
0xfc: {  	s15 =	rddreg [dreg:$0x1a];
	[sflag:s24] =	ssyncadd.s32 $0xFFFFD580  }
0xfd: {  	[tilespmem:s17], [sflag:$0x4] =	stream.indirect.gather.add.f32 [spmem:s4], $0x88, s15, s22, $0xb8;
	[tilespmem:$0x1E9A0] =	vst v63  }
0xfe: {  	_ =	swait.ge [sflag:s25], $0x2A80  }
0xff: {  	[sflag:s25] =	ssyncset.done $0x0  }
0x100: {  	s16 =	rddreg [dreg:$0x1b];
	[sflag:s25] =	ssyncadd.s32 $0xFFFFD580  }
0x101: {  	[spmem:s3] =	stream.indirect.scatter.add.f32 [tilespmem:s17], [sflag:$0x7], $0x88, s16, s22, $0xb8;
	[tilespmem:$0x1E9A0] =	vst v63  }
0x102: {  	_ =	swait.ge [sflag:s1], $0x2A80  }
0x103: {  	[sflag:s1] =	ssyncset.done $0x0  }
0x104: {  	s7 =	rddreg [dreg:$0x1c];
	[sflag:s1] =	ssyncadd.s32 $0xFFFFD580  }
0x105: {  	[tilespmem:s26], [sflag:$0x3] =	stream.indirect.gather [hbm4b:s6+s22], $0x88, s7, s22, $0xb8;
	[tilespmem:$0x1E9A0] =	vst v63  }
0x106: {  	_ =	swait.ge [sflag:s28], $0x2A80  }
0x107: {  	[sflag:s28] =	ssyncset.done $0x0  }
0x108: {  	s15 =	rddreg [dreg:$0x1d];
	[sflag:s28] =	ssyncadd.s32 $0xFFFFD580  }
0x109: {  	[tilespmem:s23], [sflag:$0x5] =	stream.indirect.gather.add.f32 [spmem:s4], $0x88, s15, s22, $0xb8;
	[tilespmem:$0x1E9A0] =	vst v63  }
0x10a: {  	_ =	swait.ge [sflag:s29], $0x2A80  }
0x10b: {  	[sflag:s29] =	ssyncset.done $0x0  }
0x10c: {  	s16 =	rddreg [dreg:$0x1e];
	[sflag:s29] =	ssyncadd.s32 $0xFFFFD580  }
0x10d: {  	[spmem:s3] =	stream.indirect.scatter.add.f32 [tilespmem:s23], [sflag:$0x8], $0x88, s16, s22, $0xb8;
	[tilespmem:$0x1E9A0] =	vst v63  }
0x10e: {  	_ =	swait.ge [sflag:s30], $0x2A80  }
0x10f: {  	[sflag:s30] =	ssyncset.done $0x0  }
0x110: {  	s7 =	rddreg [dreg:$0x1f];
	[sflag:s30] =	ssyncadd.s32 $0xFFFFD580  }
0x111: {  	[tilespmem:s17], [sflag:$0x1] =	stream.indirect.gather [hbm4b:s6+s22], $0x88, s7, s22, $0xb8;
	[tilespmem:$0x1E9A0] =	vst v63  }
0x112: {  	_ =	swait.ge [sflag:s31], $0x2A80  }
0x113: {  	s15 =	sld [smem:$0x7C8]  }
0x114: {  	[sflag:s31] =	ssyncset.done $0x0  }
0x115: {  	[sflag:s31] =	ssyncadd.s32 $0xFFFFD580  }
0x116: {  	[tilespmem:s26], [sflag:$0x6] =	stream.indirect.gather.add.f32 [spmem:s4], $0x88, s15, s22, $0xb8;
	[tilespmem:$0x1E9A0] =	vst v63  }
0x117: {  	_ =	swait.ge [sflag:s2], $0x2A80  }
0x118: {  	s16 =	sld [smem:$0x7C9]  }
0x119: {  	[sflag:s2] =	ssyncset.done $0x0  }
0x11a: {  	[sflag:s2] =	ssyncadd.s32 $0xFFFFD580  }
0x11b: {  	[spmem:s3] =	stream.indirect.scatter.add.f32 [tilespmem:s26], [sflag:$0x9], $0x88, s16, s22, $0xb8;
	[tilespmem:$0x1E9A0] =	vst v63  }
0x11c: {  	_ =	swait.ge [sflag:s0], $0x2A80  }
0x11d: {  	s7 =	sld [smem:$0x7CA]  }
0x11e: {  	[sflag:s0] =	ssyncset.done $0x0  }
0x11f: {  	[sflag:s0] =	ssyncadd.s32 $0xFFFFD580  }
0x120: {  	[tilespmem:s23], [sflag:$0x2] =	stream.indirect.gather [hbm4b:s6+s22], $0x88, s7, s22, $0xb8;
	[tilespmem:$0x1E9A0] =	vst v63  }
0x121: {  	_ =	swait.ge [sflag:s24], $0x2A80  }
0x122: {  	s15 =	sld [smem:$0x7CB]  }
0x123: {  	[sflag:s24] =	ssyncset.done $0x0  }
0x124: {  	[sflag:s24] =	ssyncadd.s32 $0xFFFFD580  }
0x125: {  	[tilespmem:s17], [sflag:$0x4] =	stream.indirect.gather.add.f32 [spmem:s4], $0x88, s15, s22, $0xb8;
	[tilespmem:$0x1E9A0] =	vst v63  }
0x126: {  	_ =	swait.ge [sflag:s25], $0x2A80  }
0x127: {  	s16 =	sld [smem:$0x7CC]  }
0x128: {  	[sflag:s25] =	ssyncset.done $0x0  }
0x129: {  	[sflag:s25] =	ssyncadd.s32 $0xFFFFD580  }
0x12a: {  	[spmem:s3] =	stream.indirect.scatter.add.f32 [tilespmem:s17], [sflag:$0x7], $0x88, s16, s22, $0xb8;
	[tilespmem:$0x1E9A0] =	vst v63  }
0x12b: {  	_ =	swait.ge [sflag:s1], $0x2A80  }
0x12c: {  	s7 =	sld [smem:$0x7CD]  }
0x12d: {  	[sflag:s1] =	ssyncset.done $0x0  }
0x12e: {  	[sflag:s1] =	ssyncadd.s32 $0xFFFFD580  }
0x12f: {  	[tilespmem:s26], [sflag:$0x3] =	stream.indirect.gather [hbm4b:s6+s22], $0x88, s7, s22, $0xb8;
	[tilespmem:$0x1E9A0] =	vst v63  }
0x130: {  	_ =	swait.ge [sflag:s28], $0x2A80  }
0x131: {  	s15 =	sld [smem:$0x7CE]  }
0x132: {  	[sflag:s28] =	ssyncset.done $0x0  }
0x133: {  	[sflag:s28] =	ssyncadd.s32 $0xFFFFD580  }
0x134: {  	[tilespmem:s23], [sflag:$0x5] =	stream.indirect.gather.add.f32 [spmem:s4], $0x88, s15, s22, $0xb8;
	[tilespmem:$0x1E9A0] =	vst v63  }
0x135: {  	_ =	swait.ge [sflag:s29], $0x2A80  }
0x136: {  	s16 =	sld [smem:$0x7CF]  }
0x137: {  	[sflag:s29] =	ssyncset.done $0x0  }
0x138: {  	[sflag:s29] =	ssyncadd.s32 $0xFFFFD580  }
0x139: {  	[spmem:s3] =	stream.indirect.scatter.add.f32 [tilespmem:s23], [sflag:$0x8], $0x88, s16, s22, $0xb8;
	[tilespmem:$0x1E9A0] =	vst v63  }
0x13a: {  	_ =	swait.ge [sflag:s30], $0x2A80  }
0x13b: {  	s7 =	sld [smem:$0x7D0]  }
0x13c: {  	[sflag:s30] =	ssyncset.done $0x0  }
0x13d: {  	[sflag:s30] =	ssyncadd.s32 $0xFFFFD580  }
0x13e: {  	[tilespmem:s17], [sflag:$0x1] =	stream.indirect.gather [hbm4b:s6+s22], $0x88, s7, s22, $0xb8;
	[tilespmem:$0x1E9A0] =	vst v63  }
0x13f: {  	_ =	swait.ge [sflag:s31], $0x2A80  }
0x140: {  	s15 =	sld [smem:$0x7D1]  }
0x141: {  	[sflag:s31] =	ssyncset.done $0x0  }
0x142: {  	[sflag:s31] =	ssyncadd.s32 $0xFFFFD580  }
0x143: {  	[tilespmem:s26], [sflag:$0x6] =	stream.indirect.gather.add.f32 [spmem:s4], $0x88, s15, s22, $0xb8;
	[tilespmem:$0x1E9A0] =	vst v63  }
0x144: {  	_ =	swait.ge [sflag:s2], $0x2A80  }
0x145: {  	s16 =	sld [smem:$0x7D2]  }
0x146: {  	[sflag:s2] =	ssyncset.done $0x0  }
0x147: {  	[sflag:s2] =	ssyncadd.s32 $0xFFFFD580  }
0x148: {  	[spmem:s3] =	stream.indirect.scatter.add.f32 [tilespmem:s26], [sflag:$0x9], $0x88, s16, s22, $0xb8;
	[tilespmem:$0x1E9A0] =	vst v63  }
0x149: {  	_ =	swait.ge [sflag:s0], $0x2A80  }
0x14a: {  	s7 =	sld [smem:$0x7D3]  }
0x14b: {  	[sflag:s0] =	ssyncset.done $0x0  }
0x14c: {  	[sflag:s0] =	ssyncadd.s32 $0xFFFFD580  }
0x14d: {  	[tilespmem:s23], [sflag:$0x2] =	stream.indirect.gather [hbm4b:s6+s22], $0x88, s7, s22, $0xb8;
	[tilespmem:$0x1E9A0] =	vst v63  }
0x14e: {  	_ =	swait.ge [sflag:s24], $0x2A80  }
0x14f: {  	s15 =	sld [smem:$0x7D4]  }
0x150: {  	[sflag:s24] =	ssyncset.done $0x0  }
0x151: {  	[sflag:s24] =	ssyncadd.s32 $0xFFFFD580  }
0x152: {  	[tilespmem:s17], [sflag:$0x4] =	stream.indirect.gather.add.f32 [spmem:s4], $0x88, s15, s22, $0xb8;
	[tilespmem:$0x1E9A0] =	vst v63  }
0x153: {  	_ =	swait.ge [sflag:s25], $0x2A80  }
0x154: {  	s16 =	sld [smem:$0x7D5]  }
0x155: {  	[sflag:s25] =	ssyncset.done $0x0  }
0x156: {  	[sflag:s25] =	ssyncadd.s32 $0xFFFFD580  }
0x157: {  	[spmem:s3] =	stream.indirect.scatter.add.f32 [tilespmem:s17], [sflag:$0x7], $0x88, s16, s22, $0xb8;
	[tilespmem:$0x1E9A0] =	vst v63  }
0x158: {  	_ =	swait.ge [sflag:s1], $0x2A80  }
0x159: {  	s7 =	sld [smem:$0x7D6]  }
0x15a: {  	[sflag:s1] =	ssyncset.done $0x0  }
0x15b: {  	[sflag:s1] =	ssyncadd.s32 $0xFFFFD580  }
0x15c: {  	[tilespmem:s26], [sflag:$0x3] =	stream.indirect.gather [hbm4b:s6+s22], $0x88, s7, s22, $0xb8;
	[tilespmem:$0x1E9A0] =	vst v63  }
0x15d: {  	_ =	swait.ge [sflag:s28], $0x2A80  }
0x15e: {  	s15 =	sld [smem:$0x7D7]  }
0x15f: {  	[sflag:s28] =	ssyncset.done $0x0  }
0x160: {  	[sflag:s28] =	ssyncadd.s32 $0xFFFFD580  }
0x161: {  	[tilespmem:s23], [sflag:$0x5] =	stream.indirect.gather.add.f32 [spmem:s4], $0x88, s15, s22, $0xb8;
	[tilespmem:$0x1E9A0] =	vst v63  }
0x162: {  	_ =	swait.ge [sflag:s29], $0x2A80  }
0x163: {  	s16 =	sld [smem:$0x7D8]  }
0x164: {  	[sflag:s29] =	ssyncset.done $0x0  }
0x165: {  	[sflag:s29] =	ssyncadd.s32 $0xFFFFD580  }
0x166: {  	[spmem:s3] =	stream.indirect.scatter.add.f32 [tilespmem:s23], [sflag:$0x8], $0x88, s16, s22, $0xb8;
	[tilespmem:$0x1E9A0] =	vst v63  }
0x167: {  	_ =	swait.ge [sflag:s30], $0x2A80  }
0x168: {  	s7 =	sld [smem:$0x7D9]  }
0x169: {  	[sflag:s30] =	ssyncset.done $0x0  }
0x16a: {  	[sflag:s30] =	ssyncadd.s32 $0xFFFFD580  }
0x16b: {  	[tilespmem:s17], [sflag:$0x1] =	stream.indirect.gather [hbm4b:s6+s22], $0x88, s7, s22, $0xb8;
	[tilespmem:$0x1E9A0] =	vst v63  }
0x16c: {  	_ =	swait.ge [sflag:s31], $0x2A80  }
0x16d: {  	s15 =	sld [smem:$0x7DA]  }
0x16e: {  	[sflag:s31] =	ssyncset.done $0x0  }
0x16f: {  	[sflag:s31] =	ssyncadd.s32 $0xFFFFD580  }
0x170: {  	[tilespmem:s26], [sflag:$0x6] =	stream.indirect.gather.add.f32 [spmem:s4], $0x88, s15, s22, $0xb8;
	[tilespmem:$0x1E9A0] =	vst v63  }
0x171: {  	_ =	swait.ge [sflag:s2], $0x2A80  }
0x172: {  	s16 =	sld [smem:$0x7DC]  }
0x173: {  	[sflag:s2] =	ssyncset.done $0x0  }
0x174: {  	[sflag:s2] =	ssyncadd.s32 $0xFFFFD580  }
0x175: {  	[spmem:s3] =	stream.indirect.scatter.add.f32 [tilespmem:s26], [sflag:$0x9], $0x88, s16, s22, $0xb8;
	[tilespmem:$0x1E9A0] =	vst v63  }
0x176: {  	_ =	swait.ge [sflag:s0], $0x2A80  }
0x177: {  	s7 =	sld [smem:$0x7DD]  }
0x178: {  	[sflag:s0] =	ssyncset.done $0x0  }
0x179: {  	[sflag:s0] =	ssyncadd.s32 $0xFFFFD580  }
0x17a: {  	[tilespmem:s23], [sflag:$0x2] =	stream.indirect.gather [hbm4b:s6+s22], $0x88, s7, s22, $0xb8;
	[tilespmem:$0x1E9A0] =	vst v63  }
0x17b: {  	_ =	swait.ge [sflag:s24], $0x2A80  }
0x17c: {  	s15 =	sld [smem:$0x7DE]  }
0x17d: {  	[sflag:s24] =	ssyncset.done $0x0  }
0x17e: {  	[sflag:s24] =	ssyncadd.s32 $0xFFFFD580  }
0x17f: {  	[tilespmem:s17], [sflag:$0x4] =	stream.indirect.gather.add.f32 [spmem:s4], $0x88, s15, s22, $0xb8;
	[tilespmem:$0x1E9A0] =	vst v63  }
0x180: {  	_ =	swait.ge [sflag:s25], $0x2A80  }
0x181: {  	s16 =	sld [smem:$0x7E0]  }
0x182: {  	[sflag:s25] =	ssyncset.done $0x0  }
0x183: {  	[sflag:s25] =	ssyncadd.s32 $0xFFFFD580  }
0x184: {  	[spmem:s3] =	stream.indirect.scatter.add.f32 [tilespmem:s17], [sflag:$0x7], $0x88, s16, s22, $0xb8;
	[tilespmem:$0x1E9A0] =	vst v63  }
0x185: {  	_ =	swait.ge [sflag:s1], $0x2A80  }
0x186: {  	s7 =	sld [smem:$0x7E2]  }
0x187: {  	[sflag:s1] =	ssyncset.done $0x0  }
0x188: {  	[sflag:s1] =	ssyncadd.s32 $0xFFFFD580  }
0x189: {  	[tilespmem:s26], [sflag:$0x3] =	stream.indirect.gather [hbm4b:s6+s22], $0x88, s7, s22, $0xb8;
	[tilespmem:$0x1E9A0] =	vst v63  }
0x18a: {  	_ =	swait.ge [sflag:s28], $0x2A80  }
0x18b: {  	s15 =	sld [smem:$0x7E4]  }
0x18c: {  	[sflag:s28] =	ssyncset.done $0x0  }
0x18d: {  	[sflag:s28] =	ssyncadd.s32 $0xFFFFD580  }
0x18e: {  	[tilespmem:s23], [sflag:$0x5] =	stream.indirect.gather.add.f32 [spmem:s4], $0x88, s15, s22, $0xb8;
	[tilespmem:$0x1E9A0] =	vst v63  }
0x18f: {  	_ =	swait.ge [sflag:s29], $0x2A80  }
0x190: {  	s16 =	sld [smem:$0x7E6]  }
0x191: {  	[sflag:s29] =	ssyncset.done $0x0  }
0x192: {  	[sflag:s29] =	ssyncadd.s32 $0xFFFFD580  }
0x193: {  	[spmem:s3] =	stream.indirect.scatter.add.f32 [tilespmem:s23], [sflag:$0x8], $0x88, s16, s22, $0xb8;
	[tilespmem:$0x1E9A0] =	vst v63  }
0x194: {  	_ =	swait.ge [sflag:s30], $0x2A80  }
0x195: {  	s7 =	sld [smem:$0x7E8]  }
0x196: {  	[sflag:s30] =	ssyncset.done $0x0  }
0x197: {  	[sflag:s30] =	ssyncadd.s32 $0xFFFFD580  }
0x198: {  	[tilespmem:s17], [sflag:$0x1] =	stream.indirect.gather [hbm4b:s6+s22], $0x88, s7, s22, $0xb8;
	[tilespmem:$0x1E9A0] =	vst v63  }
0x199: {  	_ =	swait.ge [sflag:s31], $0x2A80  }
0x19a: {  	s15 =	sld [smem:$0x7EA]  }
0x19b: {  	[sflag:s31] =	ssyncset.done $0x0  }
0x19c: {  	[sflag:s31] =	ssyncadd.s32 $0xFFFFD580  }
0x19d: {  	[tilespmem:s26], [sflag:$0x6] =	stream.indirect.gather.add.f32 [spmem:s4], $0x88, s15, s22, $0xb8;
	[tilespmem:$0x1E9A0] =	vst v63  }
0x19e: {  	_ =	swait.ge [sflag:s2], $0x2A80  }
0x19f: {  	s16 =	sld [smem:$0x7EC]  }
0x1a0: {  	[sflag:s2] =	ssyncset.done $0x0  }
0x1a1: {  	[sflag:s2] =	ssyncadd.s32 $0xFFFFD580  }
0x1a2: {  	[spmem:s3] =	stream.indirect.scatter.add.f32 [tilespmem:s26], [sflag:$0x9], $0x88, s16, s22, $0xb8;
	[tilespmem:$0x1E9A0] =	vst v63  }
0x1a3: {  	_ =	swait.ge [sflag:s0], $0x2A80  }
0x1a4: {  	s7 =	sld [smem:$0x7ED]  }
0x1a5: {  	[sflag:s0] =	ssyncset.done $0x0  }
0x1a6: {  	[sflag:s0] =	ssyncadd.s32 $0xFFFFD580  }
0x1a7: {  	[tilespmem:s23], [sflag:$0x2] =	stream.indirect.gather [hbm4b:s6+s22], $0x88, s7, s22, $0xb8;
	[tilespmem:$0x1E9A0] =	vst v63  }
0x1a8: {  	_ =	swait.ge [sflag:s24], $0x2A80  }
0x1a9: {  	s15 =	sld [smem:$0x7EE]  }
0x1aa: {  	[sflag:s24] =	ssyncset.done $0x0  }
0x1ab: {  	[sflag:s24] =	ssyncadd.s32 $0xFFFFD580  }
0x1ac: {  	[tilespmem:s17], [sflag:$0x4] =	stream.indirect.gather.add.f32 [spmem:s4], $0x88, s15, s22, $0xb8;
	[tilespmem:$0x1E9A0] =	vst v63  }
0x1ad: {  	_ =	swait.ge [sflag:s25], $0x2A80  }
0x1ae: {  	s16 =	sld [smem:$0x7F0]  }
0x1af: {  	[sflag:s25] =	ssyncset.done $0x0  }
0x1b0: {  	[sflag:s25] =	ssyncadd.s32 $0xFFFFD580  }
0x1b1: {  	[spmem:s3] =	stream.indirect.scatter.add.f32 [tilespmem:s17], [sflag:$0x7], $0x88, s16, s22, $0xb8;
	[tilespmem:$0x1E9A0] =	vst v63  }
0x1b2: {  	_ =	swait.ge [sflag:s1], $0x2A80  }
0x1b3: {  	s7 =	sld [smem:$0x7F1]  }
0x1b4: {  	[sflag:s1] =	ssyncset.done $0x0  }
0x1b5: {  	[sflag:s1] =	ssyncadd.s32 $0xFFFFD580  }
0x1b6: {  	[tilespmem:s26], [sflag:$0x3] =	stream.indirect.gather [hbm4b:s6+s22], $0x88, s7, s22, $0xb8;
	[tilespmem:$0x1E9A0] =	vst v63  }
0x1b7: {  	_ =	swait.ge [sflag:s28], $0x2A80  }
0x1b8: {  	s15 =	sld [smem:$0x7F2]  }
0x1b9: {  	[sflag:s28] =	ssyncset.done $0x0  }
0x1ba: {  	[sflag:s28] =	ssyncadd.s32 $0xFFFFD580  }
0x1bb: {  	[tilespmem:s23], [sflag:$0x5] =	stream.indirect.gather.add.f32 [spmem:s4], $0x88, s15, s22, $0xb8;
	[tilespmem:$0x1E9A0] =	vst v63  }
0x1bc: {  	_ =	swait.ge [sflag:s29], $0x2A80  }
0x1bd: {  	s16 =	sld [smem:$0x7F3]  }
0x1be: {  	[sflag:s29] =	ssyncset.done $0x0  }
0x1bf: {  	[sflag:s29] =	ssyncadd.s32 $0xFFFFD580  }
0x1c0: {  	[spmem:s3] =	stream.indirect.scatter.add.f32 [tilespmem:s23], [sflag:$0x8], $0x88, s16, s22, $0xb8;
	[tilespmem:$0x1E9A0] =	vst v63  }
0x1c1: {  	_ =	swait.ge [sflag:s30], $0x2A80  }
0x1c2: {  	s7 =	sld [smem:$0x7F5]  }
0x1c3: {  	[sflag:s30] =	ssyncset.done $0x0  }
0x1c4: {  	[sflag:s30] =	ssyncadd.s32 $0xFFFFD580  }
0x1c5: {  	[tilespmem:s17], [sflag:$0x1] =	stream.indirect.gather [hbm4b:s6+s22], $0x88, s7, s22, $0xb8;
	[tilespmem:$0x1E9A0] =	vst v63  }
0x1c6: {  	_ =	swait.ge [sflag:s31], $0x2A80  }
0x1c7: {  	s15 =	sld [smem:$0x7F6]  }
0x1c8: {  	[sflag:s31] =	ssyncset.done $0x0  }
0x1c9: {  	[sflag:s31] =	ssyncadd.s32 $0xFFFFD580  }
0x1ca: {  	[tilespmem:s26], [sflag:$0x6] =	stream.indirect.gather.add.f32 [spmem:s4], $0x88, s15, s22, $0xb8;
	[tilespmem:$0x1E9A0] =	vst v63  }
0x1cb: {  	_ =	swait.ge [sflag:s2], $0x2A80  }
0x1cc: {  	s16 =	sld [smem:$0x7F7]  }
0x1cd: {  	[sflag:s2] =	ssyncset.done $0x0  }
0x1ce: {  	[sflag:s2] =	ssyncadd.s32 $0xFFFFD580  }
0x1cf: {  	[spmem:s3] =	stream.indirect.scatter.add.f32 [tilespmem:s26], [sflag:$0x9], $0x88, s16, s22, $0xb8;
	[tilespmem:$0x1E9A0] =	vst v63  }
0x1d0: {  	_ =	swait.ge [sflag:s0], $0x2A80  }
0x1d1: {  	s7 =	sld [smem:$0x7F8]  }
0x1d2: {  	[sflag:s0] =	ssyncset.done $0x0  }
0x1d3: {  	[sflag:s0] =	ssyncadd.s32 $0xFFFFD580  }
0x1d4: {  	[tilespmem:s23], [sflag:$0x2] =	stream.indirect.gather [hbm4b:s6+s22], $0x88, s7, s22, $0xb8;
	[tilespmem:$0x1E9A0] =	vst v63  }
0x1d5: {  	_ =	swait.ge [sflag:s24], $0x2A80  }
0x1d6: {  	s15 =	sld [smem:$0x7F9]  }
0x1d7: {  	[sflag:s24] =	ssyncset.done $0x0  }
0x1d8: {  	[sflag:s24] =	ssyncadd.s32 $0xFFFFD580  }
0x1d9: {  	[tilespmem:s17], [sflag:$0x4] =	stream.indirect.gather.add.f32 [spmem:s4], $0x88, s15, s22, $0xb8;
	[tilespmem:$0x1E9A0] =	vst v63  }
0x1da: {  	_ =	swait.ge [sflag:s25], $0x2A80  }
0x1db: {  	s16 =	sld [smem:$0x7FA]  }
0x1dc: {  	[sflag:s25] =	ssyncset.done $0x0  }
0x1dd: {  	[sflag:s25] =	ssyncadd.s32 $0xFFFFD580  }
0x1de: {  	[spmem:s3] =	stream.indirect.scatter.add.f32 [tilespmem:s17], [sflag:$0x7], $0x88, s16, s22, $0xb8;
	[tilespmem:$0x1E9A0] =	vst v63  }
0x1df: {  	_ =	swait.ge [sflag:s1], $0x2A80  }
0x1e0: {  	s7 =	sld [smem:$0x7FB]  }
0x1e1: {  	[sflag:s1] =	ssyncset.done $0x0  }
0x1e2: {  	[sflag:s1] =	ssyncadd.s32 $0xFFFFD580  }
0x1e3: {  	[tilespmem:s26], [sflag:$0x3] =	stream.indirect.gather [hbm4b:s6+s22], $0x88, s7, s22, $0xb8;
	[tilespmem:$0x1E9A0] =	vst v63  }
0x1e4: {  	_ =	swait.ge [sflag:s28], $0x2A80  }
0x1e5: {  	s15 =	sld [smem:$0x7FC]  }
0x1e6: {  	[sflag:s28] =	ssyncset.done $0x0  }
0x1e7: {  	[sflag:s28] =	ssyncadd.s32 $0xFFFFD580  }
0x1e8: {  	[tilespmem:s23], [sflag:$0x5] =	stream.indirect.gather.add.f32 [spmem:s4], $0x88, s15, s22, $0xb8;
	[tilespmem:$0x1E9A0] =	vst v63  }
0x1e9: {  	_ =	swait.ge [sflag:s29], $0x2A80  }
0x1ea: {  	s16 =	sld [smem:$0x7FD]  }
0x1eb: {  	[sflag:s29] =	ssyncset.done $0x0  }
0x1ec: {  	[sflag:s29] =	ssyncadd.s32 $0xFFFFD580  }
0x1ed: {  	[spmem:s3] =	stream.indirect.scatter.add.f32 [tilespmem:s23], [sflag:$0x8], $0x88, s16, s22, $0xb8;
	[tilespmem:$0x1E9A0] =	vst v63  }
0x1ee: {  	_ =	swait.ge [sflag:s30], $0x2A80  }
0x1ef: {  	[sflag:s30] =	ssyncset.done $0x0  }
0x1f0: {  	[sflag:s30] =	ssyncadd.s32 $0xFFFFD580  }
0x1f1: {  	[tilespmem:s17], [sflag:$0x1] =	stream.indirect.gather [hbm4b:s6+s22], $0x88, s8, s22, $0xb8;
	[tilespmem:$0x1E9A0] =	vst v63  }
0x1f2: {  	_ =	swait.ge [sflag:s31], $0x2A80  }
0x1f3: {  	[sflag:s31] =	ssyncset.done $0x0  }
0x1f4: {  	[sflag:s31] =	ssyncadd.s32 $0xFFFFD580  }
0x1f5: {  	[tilespmem:s26], [sflag:$0x6] =	stream.indirect.gather.add.f32 [spmem:s4], $0x88, s9, s22, $0xb8;
	[tilespmem:$0x1E9A0] =	vst v63  }
0x1f6: {  	_ =	swait.ge [sflag:s2], $0x2A80  }
0x1f7: {  	[sflag:s2] =	ssyncset.done $0x0  }
0x1f8: {  	[sflag:s2] =	ssyncadd.s32 $0xFFFFD580  }
0x1f9: {  	[spmem:s3] =	stream.indirect.scatter.add.f32 [tilespmem:s26], [sflag:$0x9], $0x88, s10, s22, $0xb8;
	[tilespmem:$0x1E9A0] =	vst v63  }
0x1fa: {  	_ =	swait.ge [sflag:s0], $0x2A80  }
0x1fb: {  	[sflag:s0] =	ssyncset.done $0x0  }
0x1fc: {  	[sflag:s0] =	ssyncadd.s32 $0xFFFFD580  }
0x1fd: {  	_ =	swait.ge [sflag:s24], $0x2A80  }
0x1fe: {  	[sflag:s24] =	ssyncset.done $0x0  }
0x1ff: {  	[sflag:s24] =	ssyncadd.s32 $0xFFFFD580  }
0x200: {  	[tilespmem:s17], [sflag:$0x4] =	stream.indirect.gather.add.f32 [spmem:s4], $0x88, s11, s22, $0xb8;
	[tilespmem:$0x1E9A0] =	vst v63  }
0x201: {  	_ =	swait.ge [sflag:s25], $0x2A80  }
0x202: {  	[sflag:s25] =	ssyncset.done $0x0  }
0x203: {  	[sflag:s25] =	ssyncadd.s32 $0xFFFFD580  }
0x204: {  	[spmem:s3] =	stream.indirect.scatter.add.f32 [tilespmem:s17], [sflag:$0x7], $0x88, s12, s22, $0xb8;
	[tilespmem:$0x1E9A0] =	vst v63  }
0x205: {  	_ =	swait.ge [sflag:s1], $0x2A80  }
0x206: {  	[sflag:s1] =	ssyncset.done $0x0  }
0x207: {  	[sflag:s1] =	ssyncadd.s32 $0xFFFFD580  }
0x208: {  	s14 =	simm.s32 $0xFA;
	_ =	swait.ge [sflag:s30], $0x2A80  }
0x209: {  	s15 =	simm.s32 $0x1F4;
	s16 =	rddreg [dreg:$0x6];
	[sflag:s30] =	ssyncset.done $0x0  }
.LBB2_6:
0x20a: {  	[sflag:s30] =	ssyncadd.s32 $0xFFFFD580;
	s16 =	sadd.s32 s14, s16  }
0x20b: {  	[tilespmem:s19], [sflag:$0xA] =	stream.linear.gather [hbm4b:s16+s5], $0x7D0, $0x38;
	[tilespmem:$0x1E9A0] =	vst v63  }
0x20c: {  	_ =	swait.ge [sflag:s18], $0x7D0  }
0x20d: {  	s16 =	rddreg [dreg:$0x7];
	[sflag:s18] =	ssyncset.done $0x0  }
0x20e: {  	[sflag:s18] =	ssyncadd.s32 $0xFFFFF830;
	s16 =	sadd.s32 s14, s16  }
0x20f: {  	[tilespmem:s20], [sflag:$0xA] =	stream.linear.gather [hbm4b:s16+s5], $0x7D0, $0x38;
	[tilespmem:$0x1E9A0] =	vst v63  }
0x210: {  	_ =	swait.ge [sflag:s18], $0x7D0  }
0x211: {  	s16 =	rddreg [dreg:$0x8];
	[sflag:s18] =	ssyncset.done $0x0  }
0x212: {  	[sflag:s18] =	ssyncadd.s32 $0xFFFFF830;
	s16 =	sadd.s32 s14, s16  }
0x213: {  	[tilespmem:s21], [sflag:$0xA] =	stream.linear.gather [hbm4b:s16+s5], $0x7D0, $0x38;
	[tilespmem:$0x1E9A0] =	vst v63  }
0x214: {  	_ =	swait.ge [sflag:s18], $0x7D0  }
0x215: {  	[sflag:s18] =	ssyncset.done $0x0  }
0x216: {  	[sflag:s18] =	ssyncadd.s32 $0xFFFFF830  }
0x217: {  	[tilespmem:s17], [sflag:$0x1] =	stream.indirect.gather [hbm4b:s6+s22], $0x88, s19, s22, $0xb8;
	[tilespmem:$0x1E9A0] =	vst v63  }
0x218: {  	s16 =	rddreg [dreg:$0x9]  }
0x219: {  	[tilespmem:s23], [sflag:$0x2] =	stream.indirect.gather [hbm4b:s6+s22], $0x88, s16, s22, $0xb8;
	[tilespmem:$0x1E9A0] =	vst v63  }
0x21a: {  	_ =	swait.ge [sflag:s24], $0x2A80  }
0x21b: {  	[sflag:s24] =	ssyncset.done $0x0  }
0x21c: {  	[sflag:s24] =	ssyncadd.s32 $0xFFFFD580  }
0x21d: {  	[tilespmem:s17], [sflag:$0x4] =	stream.indirect.gather.add.f32 [spmem:s4], $0x88, s20, s22, $0xb8;
	[tilespmem:$0x1E9A0] =	vst v63  }
0x21e: {  	_ =	swait.ge [sflag:s25], $0x2A80  }
0x21f: {  	[sflag:s25] =	ssyncset.done $0x0  }
0x220: {  	[sflag:s25] =	ssyncadd.s32 $0xFFFFD580  }
0x221: {  	[spmem:s3] =	stream.indirect.scatter.add.f32 [tilespmem:s17], [sflag:$0x7], $0x88, s21, s22, $0xb8;
	[tilespmem:$0x1E9A0] =	vst v63  }
0x222: {  	s16 =	rddreg [dreg:$0xa]  }
0x223: {  	[tilespmem:s26], [sflag:$0x3] =	stream.indirect.gather [hbm4b:s6+s22], $0x88, s16, s22, $0xb8;
	[tilespmem:$0x1E9A0] =	vst v63  }
0x224: {  	_ =	swait.ge [sflag:s28], $0x2A80  }
0x225: {  	[sflag:s28] =	ssyncset.done $0x0  }
0x226: {  	s16 =	rddreg [dreg:$0xb];
	[sflag:s28] =	ssyncadd.s32 $0xFFFFD580  }
0x227: {  	[tilespmem:s23], [sflag:$0x5] =	stream.indirect.gather.add.f32 [spmem:s4], $0x88, s16, s22, $0xb8;
	[tilespmem:$0x1E9A0] =	vst v63  }
0x228: {  	_ =	swait.ge [sflag:s29], $0x2A80  }
0x229: {  	[sflag:s29] =	ssyncset.done $0x0  }
0x22a: {  	s16 =	rddreg [dreg:$0xc];
	[sflag:s29] =	ssyncadd.s32 $0xFFFFD580  }
0x22b: {  	[spmem:s3] =	stream.indirect.scatter.add.f32 [tilespmem:s23], [sflag:$0x8], $0x88, s16, s22, $0xb8;
	[tilespmem:$0x1E9A0] =	vst v63  }
0x22c: {  	_ =	swait.ge [sflag:s30], $0x2A80  }
0x22d: {  	[sflag:s30] =	ssyncset.done $0x0  }
0x22e: {  	s16 =	rddreg [dreg:$0xd];
	[sflag:s30] =	ssyncadd.s32 $0xFFFFD580  }
0x22f: {  	[tilespmem:s17], [sflag:$0x1] =	stream.indirect.gather [hbm4b:s6+s22], $0x88, s16, s22, $0xb8;
	[tilespmem:$0x1E9A0] =	vst v63  }
0x230: {  	_ =	swait.ge [sflag:s31], $0x2A80  }
0x231: {  	[sflag:s31] =	ssyncset.done $0x0  }
0x232: {  	s16 =	rddreg [dreg:$0xe];
	[sflag:s31] =	ssyncadd.s32 $0xFFFFD580  }
0x233: {  	[tilespmem:s26], [sflag:$0x6] =	stream.indirect.gather.add.f32 [spmem:s4], $0x88, s16, s22, $0xb8;
	[tilespmem:$0x1E9A0] =	vst v63  }
0x234: {  	_ =	swait.ge [sflag:s2], $0x2A80  }
0x235: {  	[sflag:s2] =	ssyncset.done $0x0  }
0x236: {  	s16 =	rddreg [dreg:$0xf];
	[sflag:s2] =	ssyncadd.s32 $0xFFFFD580  }
0x237: {  	[spmem:s3] =	stream.indirect.scatter.add.f32 [tilespmem:s26], [sflag:$0x9], $0x88, s16, s22, $0xb8;
	[tilespmem:$0x1E9A0] =	vst v63  }
0x238: {  	_ =	swait.ge [sflag:s0], $0x2A80  }
0x239: {  	[sflag:s0] =	ssyncset.done $0x0  }
0x23a: {  	s16 =	rddreg [dreg:$0x10];
	[sflag:s0] =	ssyncadd.s32 $0xFFFFD580  }
0x23b: {  	[tilespmem:s23], [sflag:$0x2] =	stream.indirect.gather [hbm4b:s6+s22], $0x88, s16, s22, $0xb8;
	[tilespmem:$0x1E9A0] =	vst v63  }
0x23c: {  	_ =	swait.ge [sflag:s24], $0x2A80  }
0x23d: {  	[sflag:s24] =	ssyncset.done $0x0  }
0x23e: {  	s16 =	rddreg [dreg:$0x11];
	[sflag:s24] =	ssyncadd.s32 $0xFFFFD580  }
0x23f: {  	[tilespmem:s17], [sflag:$0x4] =	stream.indirect.gather.add.f32 [spmem:s4], $0x88, s16, s22, $0xb8;
	[tilespmem:$0x1E9A0] =	vst v63  }
0x240: {  	_ =	swait.ge [sflag:s25], $0x2A80  }
0x241: {  	[sflag:s25] =	ssyncset.done $0x0  }
0x242: {  	s16 =	rddreg [dreg:$0x12];
	[sflag:s25] =	ssyncadd.s32 $0xFFFFD580  }
0x243: {  	[spmem:s3] =	stream.indirect.scatter.add.f32 [tilespmem:s17], [sflag:$0x7], $0x88, s16, s22, $0xb8;
	[tilespmem:$0x1E9A0] =	vst v63  }
0x244: {  	_ =	swait.ge [sflag:s1], $0x2A80  }
0x245: {  	[sflag:s1] =	ssyncset.done $0x0  }
0x246: {  	s16 =	rddreg [dreg:$0x13];
	[sflag:s1] =	ssyncadd.s32 $0xFFFFD580  }
0x247: {  	[tilespmem:s26], [sflag:$0x3] =	stream.indirect.gather [hbm4b:s6+s22], $0x88, s16, s22, $0xb8;
	[tilespmem:$0x1E9A0] =	vst v63  }
0x248: {  	_ =	swait.ge [sflag:s28], $0x2A80  }
0x249: {  	[sflag:s28] =	ssyncset.done $0x0  }
0x24a: {  	s16 =	rddreg [dreg:$0x14];
	[sflag:s28] =	ssyncadd.s32 $0xFFFFD580  }
0x24b: {  	[tilespmem:s23], [sflag:$0x5] =	stream.indirect.gather.add.f32 [spmem:s4], $0x88, s16, s22, $0xb8;
	[tilespmem:$0x1E9A0] =	vst v63  }
0x24c: {  	_ =	swait.ge [sflag:s29], $0x2A80  }
0x24d: {  	[sflag:s29] =	ssyncset.done $0x0  }
0x24e: {  	s16 =	rddreg [dreg:$0x15];
	[sflag:s29] =	ssyncadd.s32 $0xFFFFD580  }
0x24f: {  	[spmem:s3] =	stream.indirect.scatter.add.f32 [tilespmem:s23], [sflag:$0x8], $0x88, s16, s22, $0xb8;
	[tilespmem:$0x1E9A0] =	vst v63  }
0x250: {  	_ =	swait.ge [sflag:s30], $0x2A80  }
0x251: {  	[sflag:s30] =	ssyncset.done $0x0  }
0x252: {  	s16 =	rddreg [dreg:$0x16];
	[sflag:s30] =	ssyncadd.s32 $0xFFFFD580  }
0x253: {  	[tilespmem:s17], [sflag:$0x1] =	stream.indirect.gather [hbm4b:s6+s22], $0x88, s16, s22, $0xb8;
	[tilespmem:$0x1E9A0] =	vst v63  }
0x254: {  	_ =	swait.ge [sflag:s31], $0x2A80  }
0x255: {  	[sflag:s31] =	ssyncset.done $0x0  }
0x256: {  	s16 =	rddreg [dreg:$0x17];
	[sflag:s31] =	ssyncadd.s32 $0xFFFFD580  }
0x257: {  	[tilespmem:s26], [sflag:$0x6] =	stream.indirect.gather.add.f32 [spmem:s4], $0x88, s16, s22, $0xb8;
	[tilespmem:$0x1E9A0] =	vst v63  }
0x258: {  	_ =	swait.ge [sflag:s2], $0x2A80  }
0x259: {  	[sflag:s2] =	ssyncset.done $0x0  }
0x25a: {  	s16 =	rddreg [dreg:$0x18];
	[sflag:s2] =	ssyncadd.s32 $0xFFFFD580  }
0x25b: {  	[spmem:s3] =	stream.indirect.scatter.add.f32 [tilespmem:s26], [sflag:$0x9], $0x88, s16, s22, $0xb8;
	[tilespmem:$0x1E9A0] =	vst v63  }
0x25c: {  	_ =	swait.ge [sflag:s0], $0x2A80  }
0x25d: {  	[sflag:s0] =	ssyncset.done $0x0  }
0x25e: {  	s16 =	rddreg [dreg:$0x19];
	[sflag:s0] =	ssyncadd.s32 $0xFFFFD580  }
0x25f: {  	[tilespmem:s23], [sflag:$0x2] =	stream.indirect.gather [hbm4b:s6+s22], $0x88, s16, s22, $0xb8;
	[tilespmem:$0x1E9A0] =	vst v63  }
0x260: {  	_ =	swait.ge [sflag:s24], $0x2A80  }
0x261: {  	[sflag:s24] =	ssyncset.done $0x0  }
0x262: {  	s16 =	rddreg [dreg:$0x1a];
	[sflag:s24] =	ssyncadd.s32 $0xFFFFD580  }
0x263: {  	[tilespmem:s17], [sflag:$0x4] =	stream.indirect.gather.add.f32 [spmem:s4], $0x88, s16, s22, $0xb8;
	[tilespmem:$0x1E9A0] =	vst v63  }
0x264: {  	_ =	swait.ge [sflag:s25], $0x2A80  }
0x265: {  	[sflag:s25] =	ssyncset.done $0x0  }
0x266: {  	s16 =	rddreg [dreg:$0x1b];
	[sflag:s25] =	ssyncadd.s32 $0xFFFFD580  }
0x267: {  	[spmem:s3] =	stream.indirect.scatter.add.f32 [tilespmem:s17], [sflag:$0x7], $0x88, s16, s22, $0xb8;
	[tilespmem:$0x1E9A0] =	vst v63  }
0x268: {  	_ =	swait.ge [sflag:s1], $0x2A80  }
0x269: {  	[sflag:s1] =	ssyncset.done $0x0  }
0x26a: {  	s16 =	rddreg [dreg:$0x1c];
	[sflag:s1] =	ssyncadd.s32 $0xFFFFD580  }
0x26b: {  	[tilespmem:s26], [sflag:$0x3] =	stream.indirect.gather [hbm4b:s6+s22], $0x88, s16, s22, $0xb8;
	[tilespmem:$0x1E9A0] =	vst v63  }
0x26c: {  	_ =	swait.ge [sflag:s28], $0x2A80  }
0x26d: {  	[sflag:s28] =	ssyncset.done $0x0  }
0x26e: {  	s16 =	rddreg [dreg:$0x1d];
	[sflag:s28] =	ssyncadd.s32 $0xFFFFD580  }
0x26f: {  	[tilespmem:s23], [sflag:$0x5] =	stream.indirect.gather.add.f32 [spmem:s4], $0x88, s16, s22, $0xb8;
	[tilespmem:$0x1E9A0] =	vst v63  }
0x270: {  	_ =	swait.ge [sflag:s29], $0x2A80  }
0x271: {  	[sflag:s29] =	ssyncset.done $0x0  }
0x272: {  	s16 =	rddreg [dreg:$0x1e];
	[sflag:s29] =	ssyncadd.s32 $0xFFFFD580  }
0x273: {  	[spmem:s3] =	stream.indirect.scatter.add.f32 [tilespmem:s23], [sflag:$0x8], $0x88, s16, s22, $0xb8;
	[tilespmem:$0x1E9A0] =	vst v63  }
0x274: {  	_ =	swait.ge [sflag:s30], $0x2A80  }
0x275: {  	[sflag:s30] =	ssyncset.done $0x0  }
0x276: {  	s16 =	rddreg [dreg:$0x1f];
	[sflag:s30] =	ssyncadd.s32 $0xFFFFD580  }
0x277: {  	[tilespmem:s17], [sflag:$0x1] =	stream.indirect.gather [hbm4b:s6+s22], $0x88, s16, s22, $0xb8;
	[tilespmem:$0x1E9A0] =	vst v63  }
0x278: {  	_ =	swait.ge [sflag:s31], $0x2A80  }
0x279: {  	s16 =	sld [smem:$0x7C8]  }
0x27a: {  	[sflag:s31] =	ssyncset.done $0x0  }
0x27b: {  	[sflag:s31] =	ssyncadd.s32 $0xFFFFD580  }
0x27c: {  	[tilespmem:s26], [sflag:$0x6] =	stream.indirect.gather.add.f32 [spmem:s4], $0x88, s16, s22, $0xb8;
	[tilespmem:$0x1E9A0] =	vst v63  }
0x27d: {  	_ =	swait.ge [sflag:s2], $0x2A80  }
0x27e: {  	s16 =	sld [smem:$0x7C9]  }
0x27f: {  	[sflag:s2] =	ssyncset.done $0x0  }
0x280: {  	[sflag:s2] =	ssyncadd.s32 $0xFFFFD580  }
0x281: {  	[spmem:s3] =	stream.indirect.scatter.add.f32 [tilespmem:s26], [sflag:$0x9], $0x88, s16, s22, $0xb8;
	[tilespmem:$0x1E9A0] =	vst v63  }
0x282: {  	_ =	swait.ge [sflag:s0], $0x2A80  }
0x283: {  	s16 =	sld [smem:$0x7CA]  }
0x284: {  	[sflag:s0] =	ssyncset.done $0x0  }
0x285: {  	[sflag:s0] =	ssyncadd.s32 $0xFFFFD580  }
0x286: {  	[tilespmem:s23], [sflag:$0x2] =	stream.indirect.gather [hbm4b:s6+s22], $0x88, s16, s22, $0xb8;
	[tilespmem:$0x1E9A0] =	vst v63  }
0x287: {  	_ =	swait.ge [sflag:s24], $0x2A80  }
0x288: {  	s16 =	sld [smem:$0x7CB]  }
0x289: {  	[sflag:s24] =	ssyncset.done $0x0  }
0x28a: {  	[sflag:s24] =	ssyncadd.s32 $0xFFFFD580  }
0x28b: {  	[tilespmem:s17], [sflag:$0x4] =	stream.indirect.gather.add.f32 [spmem:s4], $0x88, s16, s22, $0xb8;
	[tilespmem:$0x1E9A0] =	vst v63  }
0x28c: {  	_ =	swait.ge [sflag:s25], $0x2A80  }
0x28d: {  	s16 =	sld [smem:$0x7CC]  }
0x28e: {  	[sflag:s25] =	ssyncset.done $0x0  }
0x28f: {  	[sflag:s25] =	ssyncadd.s32 $0xFFFFD580  }
0x290: {  	[spmem:s3] =	stream.indirect.scatter.add.f32 [tilespmem:s17], [sflag:$0x7], $0x88, s16, s22, $0xb8;
	[tilespmem:$0x1E9A0] =	vst v63  }
0x291: {  	_ =	swait.ge [sflag:s1], $0x2A80  }
0x292: {  	s16 =	sld [smem:$0x7CD]  }
0x293: {  	[sflag:s1] =	ssyncset.done $0x0  }
0x294: {  	[sflag:s1] =	ssyncadd.s32 $0xFFFFD580  }
0x295: {  	[tilespmem:s26], [sflag:$0x3] =	stream.indirect.gather [hbm4b:s6+s22], $0x88, s16, s22, $0xb8;
	[tilespmem:$0x1E9A0] =	vst v63  }
0x296: {  	_ =	swait.ge [sflag:s28], $0x2A80  }
0x297: {  	s16 =	sld [smem:$0x7CE]  }
0x298: {  	[sflag:s28] =	ssyncset.done $0x0  }
0x299: {  	[sflag:s28] =	ssyncadd.s32 $0xFFFFD580  }
0x29a: {  	[tilespmem:s23], [sflag:$0x5] =	stream.indirect.gather.add.f32 [spmem:s4], $0x88, s16, s22, $0xb8;
	[tilespmem:$0x1E9A0] =	vst v63  }
0x29b: {  	_ =	swait.ge [sflag:s29], $0x2A80  }
0x29c: {  	s16 =	sld [smem:$0x7CF]  }
0x29d: {  	[sflag:s29] =	ssyncset.done $0x0  }
0x29e: {  	[sflag:s29] =	ssyncadd.s32 $0xFFFFD580  }
0x29f: {  	[spmem:s3] =	stream.indirect.scatter.add.f32 [tilespmem:s23], [sflag:$0x8], $0x88, s16, s22, $0xb8;
	[tilespmem:$0x1E9A0] =	vst v63  }
0x2a0: {  	_ =	swait.ge [sflag:s30], $0x2A80  }
0x2a1: {  	s16 =	sld [smem:$0x7D0]  }
0x2a2: {  	[sflag:s30] =	ssyncset.done $0x0  }
0x2a3: {  	[sflag:s30] =	ssyncadd.s32 $0xFFFFD580  }
0x2a4: {  	[tilespmem:s17], [sflag:$0x1] =	stream.indirect.gather [hbm4b:s6+s22], $0x88, s16, s22, $0xb8;
	[tilespmem:$0x1E9A0] =	vst v63  }
0x2a5: {  	_ =	swait.ge [sflag:s31], $0x2A80  }
0x2a6: {  	s16 =	sld [smem:$0x7D1]  }
0x2a7: {  	[sflag:s31] =	ssyncset.done $0x0  }
0x2a8: {  	[sflag:s31] =	ssyncadd.s32 $0xFFFFD580  }
0x2a9: {  	[tilespmem:s26], [sflag:$0x6] =	stream.indirect.gather.add.f32 [spmem:s4], $0x88, s16, s22, $0xb8;
	[tilespmem:$0x1E9A0] =	vst v63  }
0x2aa: {  	_ =	swait.ge [sflag:s2], $0x2A80  }
0x2ab: {  	s16 =	sld [smem:$0x7D2]  }
0x2ac: {  	[sflag:s2] =	ssyncset.done $0x0  }
0x2ad: {  	[sflag:s2] =	ssyncadd.s32 $0xFFFFD580  }
0x2ae: {  	[spmem:s3] =	stream.indirect.scatter.add.f32 [tilespmem:s26], [sflag:$0x9], $0x88, s16, s22, $0xb8;
	[tilespmem:$0x1E9A0] =	vst v63  }
0x2af: {  	_ =	swait.ge [sflag:s0], $0x2A80  }
0x2b0: {  	s16 =	sld [smem:$0x7D3]  }
0x2b1: {  	[sflag:s0] =	ssyncset.done $0x0  }
0x2b2: {  	[sflag:s0] =	ssyncadd.s32 $0xFFFFD580  }
0x2b3: {  	[tilespmem:s23], [sflag:$0x2] =	stream.indirect.gather [hbm4b:s6+s22], $0x88, s16, s22, $0xb8;
	[tilespmem:$0x1E9A0] =	vst v63  }
0x2b4: {  	_ =	swait.ge [sflag:s24], $0x2A80  }
0x2b5: {  	s16 =	sld [smem:$0x7D4]  }
0x2b6: {  	[sflag:s24] =	ssyncset.done $0x0  }
0x2b7: {  	[sflag:s24] =	ssyncadd.s32 $0xFFFFD580  }
0x2b8: {  	[tilespmem:s17], [sflag:$0x4] =	stream.indirect.gather.add.f32 [spmem:s4], $0x88, s16, s22, $0xb8;
	[tilespmem:$0x1E9A0] =	vst v63  }
0x2b9: {  	_ =	swait.ge [sflag:s25], $0x2A80  }
0x2ba: {  	s16 =	sld [smem:$0x7D5]  }
0x2bb: {  	[sflag:s25] =	ssyncset.done $0x0  }
0x2bc: {  	[sflag:s25] =	ssyncadd.s32 $0xFFFFD580  }
0x2bd: {  	[spmem:s3] =	stream.indirect.scatter.add.f32 [tilespmem:s17], [sflag:$0x7], $0x88, s16, s22, $0xb8;
	[tilespmem:$0x1E9A0] =	vst v63  }
0x2be: {  	_ =	swait.ge [sflag:s1], $0x2A80  }
0x2bf: {  	s16 =	sld [smem:$0x7D6]  }
0x2c0: {  	[sflag:s1] =	ssyncset.done $0x0  }
0x2c1: {  	[sflag:s1] =	ssyncadd.s32 $0xFFFFD580  }
0x2c2: {  	[tilespmem:s26], [sflag:$0x3] =	stream.indirect.gather [hbm4b:s6+s22], $0x88, s16, s22, $0xb8;
	[tilespmem:$0x1E9A0] =	vst v63  }
0x2c3: {  	_ =	swait.ge [sflag:s28], $0x2A80  }
0x2c4: {  	s16 =	sld [smem:$0x7D7]  }
0x2c5: {  	[sflag:s28] =	ssyncset.done $0x0  }
0x2c6: {  	[sflag:s28] =	ssyncadd.s32 $0xFFFFD580  }
0x2c7: {  	[tilespmem:s23], [sflag:$0x5] =	stream.indirect.gather.add.f32 [spmem:s4], $0x88, s16, s22, $0xb8;
	[tilespmem:$0x1E9A0] =	vst v63  }
0x2c8: {  	_ =	swait.ge [sflag:s29], $0x2A80  }
0x2c9: {  	s16 =	sld [smem:$0x7D8]  }
0x2ca: {  	[sflag:s29] =	ssyncset.done $0x0  }
0x2cb: {  	[sflag:s29] =	ssyncadd.s32 $0xFFFFD580  }
0x2cc: {  	[spmem:s3] =	stream.indirect.scatter.add.f32 [tilespmem:s23], [sflag:$0x8], $0x88, s16, s22, $0xb8;
	[tilespmem:$0x1E9A0] =	vst v63  }
0x2cd: {  	_ =	swait.ge [sflag:s30], $0x2A80  }
0x2ce: {  	s16 =	sld [smem:$0x7D9]  }
0x2cf: {  	[sflag:s30] =	ssyncset.done $0x0  }
0x2d0: {  	[sflag:s30] =	ssyncadd.s32 $0xFFFFD580  }
0x2d1: {  	[tilespmem:s17], [sflag:$0x1] =	stream.indirect.gather [hbm4b:s6+s22], $0x88, s16, s22, $0xb8;
	[tilespmem:$0x1E9A0] =	vst v63  }
0x2d2: {  	_ =	swait.ge [sflag:s31], $0x2A80  }
0x2d3: {  	s16 =	sld [smem:$0x7DA]  }
0x2d4: {  	[sflag:s31] =	ssyncset.done $0x0  }
0x2d5: {  	[sflag:s31] =	ssyncadd.s32 $0xFFFFD580  }
0x2d6: {  	[tilespmem:s26], [sflag:$0x6] =	stream.indirect.gather.add.f32 [spmem:s4], $0x88, s16, s22, $0xb8;
	[tilespmem:$0x1E9A0] =	vst v63  }
0x2d7: {  	_ =	swait.ge [sflag:s2], $0x2A80  }
0x2d8: {  	s16 =	sld [smem:$0x7DC]  }
0x2d9: {  	[sflag:s2] =	ssyncset.done $0x0  }
0x2da: {  	[sflag:s2] =	ssyncadd.s32 $0xFFFFD580  }
0x2db: {  	[spmem:s3] =	stream.indirect.scatter.add.f32 [tilespmem:s26], [sflag:$0x9], $0x88, s16, s22, $0xb8;
	[tilespmem:$0x1E9A0] =	vst v63  }
0x2dc: {  	_ =	swait.ge [sflag:s0], $0x2A80  }
0x2dd: {  	s16 =	sld [smem:$0x7DD]  }
0x2de: {  	[sflag:s0] =	ssyncset.done $0x0  }
0x2df: {  	[sflag:s0] =	ssyncadd.s32 $0xFFFFD580  }
0x2e0: {  	[tilespmem:s23], [sflag:$0x2] =	stream.indirect.gather [hbm4b:s6+s22], $0x88, s16, s22, $0xb8;
	[tilespmem:$0x1E9A0] =	vst v63  }
0x2e1: {  	_ =	swait.ge [sflag:s24], $0x2A80  }
0x2e2: {  	s16 =	sld [smem:$0x7DE]  }
0x2e3: {  	[sflag:s24] =	ssyncset.done $0x0  }
0x2e4: {  	[sflag:s24] =	ssyncadd.s32 $0xFFFFD580  }
0x2e5: {  	[tilespmem:s17], [sflag:$0x4] =	stream.indirect.gather.add.f32 [spmem:s4], $0x88, s16, s22, $0xb8;
	[tilespmem:$0x1E9A0] =	vst v63  }
0x2e6: {  	_ =	swait.ge [sflag:s25], $0x2A80  }
0x2e7: {  	s16 =	sld [smem:$0x7E0]  }
0x2e8: {  	[sflag:s25] =	ssyncset.done $0x0  }
0x2e9: {  	[sflag:s25] =	ssyncadd.s32 $0xFFFFD580  }
0x2ea: {  	[spmem:s3] =	stream.indirect.scatter.add.f32 [tilespmem:s17], [sflag:$0x7], $0x88, s16, s22, $0xb8;
	[tilespmem:$0x1E9A0] =	vst v63  }
0x2eb: {  	_ =	swait.ge [sflag:s1], $0x2A80  }
0x2ec: {  	s16 =	sld [smem:$0x7E2]  }
0x2ed: {  	[sflag:s1] =	ssyncset.done $0x0  }
0x2ee: {  	[sflag:s1] =	ssyncadd.s32 $0xFFFFD580  }
0x2ef: {  	[tilespmem:s26], [sflag:$0x3] =	stream.indirect.gather [hbm4b:s6+s22], $0x88, s16, s22, $0xb8;
	[tilespmem:$0x1E9A0] =	vst v63  }
0x2f0: {  	_ =	swait.ge [sflag:s28], $0x2A80  }
0x2f1: {  	s16 =	sld [smem:$0x7E4]  }
0x2f2: {  	[sflag:s28] =	ssyncset.done $0x0  }
0x2f3: {  	[sflag:s28] =	ssyncadd.s32 $0xFFFFD580  }
0x2f4: {  	[tilespmem:s23], [sflag:$0x5] =	stream.indirect.gather.add.f32 [spmem:s4], $0x88, s16, s22, $0xb8;
	[tilespmem:$0x1E9A0] =	vst v63  }
0x2f5: {  	_ =	swait.ge [sflag:s29], $0x2A80  }
0x2f6: {  	s16 =	sld [smem:$0x7E6]  }
0x2f7: {  	[sflag:s29] =	ssyncset.done $0x0  }
0x2f8: {  	[sflag:s29] =	ssyncadd.s32 $0xFFFFD580  }
0x2f9: {  	[spmem:s3] =	stream.indirect.scatter.add.f32 [tilespmem:s23], [sflag:$0x8], $0x88, s16, s22, $0xb8;
	[tilespmem:$0x1E9A0] =	vst v63  }
0x2fa: {  	_ =	swait.ge [sflag:s30], $0x2A80  }
0x2fb: {  	s16 =	sld [smem:$0x7E8]  }
0x2fc: {  	[sflag:s30] =	ssyncset.done $0x0  }
0x2fd: {  	[sflag:s30] =	ssyncadd.s32 $0xFFFFD580  }
0x2fe: {  	[tilespmem:s17], [sflag:$0x1] =	stream.indirect.gather [hbm4b:s6+s22], $0x88, s16, s22, $0xb8;
	[tilespmem:$0x1E9A0] =	vst v63  }
0x2ff: {  	_ =	swait.ge [sflag:s31], $0x2A80  }
0x300: {  	s16 =	sld [smem:$0x7EA]  }
0x301: {  	[sflag:s31] =	ssyncset.done $0x0  }
0x302: {  	[sflag:s31] =	ssyncadd.s32 $0xFFFFD580  }
0x303: {  	[tilespmem:s26], [sflag:$0x6] =	stream.indirect.gather.add.f32 [spmem:s4], $0x88, s16, s22, $0xb8;
	[tilespmem:$0x1E9A0] =	vst v63  }
0x304: {  	_ =	swait.ge [sflag:s2], $0x2A80  }
0x305: {  	s16 =	sld [smem:$0x7EC]  }
0x306: {  	[sflag:s2] =	ssyncset.done $0x0  }
0x307: {  	[sflag:s2] =	ssyncadd.s32 $0xFFFFD580  }
0x308: {  	[spmem:s3] =	stream.indirect.scatter.add.f32 [tilespmem:s26], [sflag:$0x9], $0x88, s16, s22, $0xb8;
	[tilespmem:$0x1E9A0] =	vst v63  }
0x309: {  	_ =	swait.ge [sflag:s0], $0x2A80  }
0x30a: {  	s16 =	sld [smem:$0x7ED]  }
0x30b: {  	[sflag:s0] =	ssyncset.done $0x0  }
0x30c: {  	[sflag:s0] =	ssyncadd.s32 $0xFFFFD580  }
0x30d: {  	[tilespmem:s23], [sflag:$0x2] =	stream.indirect.gather [hbm4b:s6+s22], $0x88, s16, s22, $0xb8;
	[tilespmem:$0x1E9A0] =	vst v63  }
0x30e: {  	_ =	swait.ge [sflag:s24], $0x2A80  }
0x30f: {  	s16 =	sld [smem:$0x7EE]  }
0x310: {  	[sflag:s24] =	ssyncset.done $0x0  }
0x311: {  	[sflag:s24] =	ssyncadd.s32 $0xFFFFD580  }
0x312: {  	[tilespmem:s17], [sflag:$0x4] =	stream.indirect.gather.add.f32 [spmem:s4], $0x88, s16, s22, $0xb8;
	[tilespmem:$0x1E9A0] =	vst v63  }
0x313: {  	_ =	swait.ge [sflag:s25], $0x2A80  }
0x314: {  	s16 =	sld [smem:$0x7F0]  }
0x315: {  	[sflag:s25] =	ssyncset.done $0x0  }
0x316: {  	[sflag:s25] =	ssyncadd.s32 $0xFFFFD580  }
0x317: {  	[spmem:s3] =	stream.indirect.scatter.add.f32 [tilespmem:s17], [sflag:$0x7], $0x88, s16, s22, $0xb8;
	[tilespmem:$0x1E9A0] =	vst v63  }
0x318: {  	_ =	swait.ge [sflag:s1], $0x2A80  }
0x319: {  	s16 =	sld [smem:$0x7F1]  }
0x31a: {  	[sflag:s1] =	ssyncset.done $0x0  }
0x31b: {  	[sflag:s1] =	ssyncadd.s32 $0xFFFFD580  }
0x31c: {  	[tilespmem:s26], [sflag:$0x3] =	stream.indirect.gather [hbm4b:s6+s22], $0x88, s16, s22, $0xb8;
	[tilespmem:$0x1E9A0] =	vst v63  }
0x31d: {  	_ =	swait.ge [sflag:s28], $0x2A80  }
0x31e: {  	s16 =	sld [smem:$0x7F2]  }
0x31f: {  	[sflag:s28] =	ssyncset.done $0x0  }
0x320: {  	[sflag:s28] =	ssyncadd.s32 $0xFFFFD580  }
0x321: {  	[tilespmem:s23], [sflag:$0x5] =	stream.indirect.gather.add.f32 [spmem:s4], $0x88, s16, s22, $0xb8;
	[tilespmem:$0x1E9A0] =	vst v63  }
0x322: {  	_ =	swait.ge [sflag:s29], $0x2A80  }
0x323: {  	s16 =	sld [smem:$0x7F3]  }
0x324: {  	[sflag:s29] =	ssyncset.done $0x0  }
0x325: {  	[sflag:s29] =	ssyncadd.s32 $0xFFFFD580  }
0x326: {  	[spmem:s3] =	stream.indirect.scatter.add.f32 [tilespmem:s23], [sflag:$0x8], $0x88, s16, s22, $0xb8;
	[tilespmem:$0x1E9A0] =	vst v63  }
0x327: {  	_ =	swait.ge [sflag:s30], $0x2A80  }
0x328: {  	s16 =	sld [smem:$0x7F5]  }
0x329: {  	[sflag:s30] =	ssyncset.done $0x0  }
0x32a: {  	[sflag:s30] =	ssyncadd.s32 $0xFFFFD580  }
0x32b: {  	[tilespmem:s17], [sflag:$0x1] =	stream.indirect.gather [hbm4b:s6+s22], $0x88, s16, s22, $0xb8;
	[tilespmem:$0x1E9A0] =	vst v63  }
0x32c: {  	_ =	swait.ge [sflag:s31], $0x2A80  }
0x32d: {  	s16 =	sld [smem:$0x7F6]  }
0x32e: {  	[sflag:s31] =	ssyncset.done $0x0  }
0x32f: {  	[sflag:s31] =	ssyncadd.s32 $0xFFFFD580  }
0x330: {  	[tilespmem:s26], [sflag:$0x6] =	stream.indirect.gather.add.f32 [spmem:s4], $0x88, s16, s22, $0xb8;
	[tilespmem:$0x1E9A0] =	vst v63  }
0x331: {  	_ =	swait.ge [sflag:s2], $0x2A80  }
0x332: {  	s16 =	sld [smem:$0x7F7]  }
0x333: {  	[sflag:s2] =	ssyncset.done $0x0  }
0x334: {  	[sflag:s2] =	ssyncadd.s32 $0xFFFFD580  }
0x335: {  	[spmem:s3] =	stream.indirect.scatter.add.f32 [tilespmem:s26], [sflag:$0x9], $0x88, s16, s22, $0xb8;
	[tilespmem:$0x1E9A0] =	vst v63  }
0x336: {  	_ =	swait.ge [sflag:s0], $0x2A80  }
0x337: {  	s16 =	sld [smem:$0x7F8]  }
0x338: {  	[sflag:s0] =	ssyncset.done $0x0  }
0x339: {  	[sflag:s0] =	ssyncadd.s32 $0xFFFFD580  }
0x33a: {  	[tilespmem:s23], [sflag:$0x2] =	stream.indirect.gather [hbm4b:s6+s22], $0x88, s16, s22, $0xb8;
	[tilespmem:$0x1E9A0] =	vst v63  }
0x33b: {  	_ =	swait.ge [sflag:s24], $0x2A80  }
0x33c: {  	s16 =	sld [smem:$0x7F9]  }
0x33d: {  	[sflag:s24] =	ssyncset.done $0x0  }
0x33e: {  	[sflag:s24] =	ssyncadd.s32 $0xFFFFD580  }
0x33f: {  	[tilespmem:s17], [sflag:$0x4] =	stream.indirect.gather.add.f32 [spmem:s4], $0x88, s16, s22, $0xb8;
	[tilespmem:$0x1E9A0] =	vst v63  }
0x340: {  	_ =	swait.ge [sflag:s25], $0x2A80  }
0x341: {  	s16 =	sld [smem:$0x7FA]  }
0x342: {  	[sflag:s25] =	ssyncset.done $0x0  }
0x343: {  	[sflag:s25] =	ssyncadd.s32 $0xFFFFD580  }
0x344: {  	[spmem:s3] =	stream.indirect.scatter.add.f32 [tilespmem:s17], [sflag:$0x7], $0x88, s16, s22, $0xb8;
	[tilespmem:$0x1E9A0] =	vst v63  }
0x345: {  	_ =	swait.ge [sflag:s1], $0x2A80  }
0x346: {  	s16 =	sld [smem:$0x7FB]  }
0x347: {  	[sflag:s1] =	ssyncset.done $0x0  }
0x348: {  	[sflag:s1] =	ssyncadd.s32 $0xFFFFD580  }
0x349: {  	[tilespmem:s26], [sflag:$0x3] =	stream.indirect.gather [hbm4b:s6+s22], $0x88, s16, s22, $0xb8;
	[tilespmem:$0x1E9A0] =	vst v63  }
0x34a: {  	_ =	swait.ge [sflag:s28], $0x2A80  }
0x34b: {  	s16 =	sld [smem:$0x7FC]  }
0x34c: {  	[sflag:s28] =	ssyncset.done $0x0  }
0x34d: {  	[sflag:s28] =	ssyncadd.s32 $0xFFFFD580  }
0x34e: {  	[tilespmem:s23], [sflag:$0x5] =	stream.indirect.gather.add.f32 [spmem:s4], $0x88, s16, s22, $0xb8;
	[tilespmem:$0x1E9A0] =	vst v63  }
0x34f: {  	_ =	swait.ge [sflag:s29], $0x2A80  }
0x350: {  	s16 =	sld [smem:$0x7FD]  }
0x351: {  	[sflag:s29] =	ssyncset.done $0x0  }
0x352: {  	[sflag:s29] =	ssyncadd.s32 $0xFFFFD580  }
0x353: {  	[spmem:s3] =	stream.indirect.scatter.add.f32 [tilespmem:s23], [sflag:$0x8], $0x88, s16, s22, $0xb8;
	[tilespmem:$0x1E9A0] =	vst v63  }
0x354: {  	_ =	swait.ge [sflag:s30], $0x2A80  }
0x355: {  	[sflag:s30] =	ssyncset.done $0x0  }
0x356: {  	[sflag:s30] =	ssyncadd.s32 $0xFFFFD580  }
0x357: {  	[tilespmem:s17], [sflag:$0x1] =	stream.indirect.gather [hbm4b:s6+s22], $0x88, s8, s22, $0xb8;
	[tilespmem:$0x1E9A0] =	vst v63  }
0x358: {  	_ =	swait.ge [sflag:s31], $0x2A80  }
0x359: {  	[sflag:s31] =	ssyncset.done $0x0  }
0x35a: {  	[sflag:s31] =	ssyncadd.s32 $0xFFFFD580  }
0x35b: {  	[tilespmem:s26], [sflag:$0x6] =	stream.indirect.gather.add.f32 [spmem:s4], $0x88, s9, s22, $0xb8;
	[tilespmem:$0x1E9A0] =	vst v63  }
0x35c: {  	_ =	swait.ge [sflag:s2], $0x2A80  }
0x35d: {  	[sflag:s2] =	ssyncset.done $0x0  }
0x35e: {  	[sflag:s2] =	ssyncadd.s32 $0xFFFFD580  }
0x35f: {  	[spmem:s3] =	stream.indirect.scatter.add.f32 [tilespmem:s26], [sflag:$0x9], $0x88, s10, s22, $0xb8;
	[tilespmem:$0x1E9A0] =	vst v63  }
0x360: {  	_ =	swait.ge [sflag:s0], $0x2A80  }
0x361: {  	[sflag:s0] =	ssyncset.done $0x0  }
0x362: {  	[sflag:s0] =	ssyncadd.s32 $0xFFFFD580  }
0x363: {  	_ =	swait.ge [sflag:s24], $0x2A80  }
0x364: {  	[sflag:s24] =	ssyncset.done $0x0  }
0x365: {  	[sflag:s24] =	ssyncadd.s32 $0xFFFFD580  }
0x366: {  	[tilespmem:s17], [sflag:$0x4] =	stream.indirect.gather.add.f32 [spmem:s4], $0x88, s11, s22, $0xb8;
	[tilespmem:$0x1E9A0] =	vst v63  }
0x367: {  	_ =	swait.ge [sflag:s25], $0x2A80  }
0x368: {  	[sflag:s25] =	ssyncset.done $0x0  }
0x369: {  	p1 =	sne.s32 s15, $0x3E8;
	[sflag:s25] =	ssyncadd.s32 $0xFFFFD580  }
0x36a: {  	[spmem:s3] =	stream.indirect.scatter.add.f32 [tilespmem:s17], [sflag:$0x7], $0x88, s12, s22, $0xb8;
	[tilespmem:$0x1E9A0] =	vst v63  }
.Ltmp2:
0x36b: {  	_ =	swait.ge [sflag:s1], $0x2A80;
	(pc) =	sbr.rel @p1 .LBB2_6-.Ltmp2, $4  }
0x36c: {  	[sflag:s1] =	ssyncset.done $0x0  }
0x36d: {  	[sflag:s1] =	ssyncadd.s32 $0xFFFFD580  }
0x36e: {  	s7 =	smov.u32 s15;
	s15 =	sadd.s32 $0xFA, s15;
	_ =	swait.ge [sflag:s30], $0x2A80  }
0x36f: {  	s14 =	smov.u32 s7;
	s16 =	rddreg [dreg:$0x6];
	[sflag:s30] =	ssyncset.done $0x0  }
0x370: {  	[sflag:s30] =	ssyncadd.s32 $0xFFFFD580;
	s7 =	sadd.s32 s14, s16  }
0x371: {  	[tilespmem:s19], [sflag:$0xA] =	stream.linear.gather [hbm4b:s7+s5], $0x7D0, $0x38;
	[tilespmem:$0x1E9A0] =	vst v63  }
0x372: {  	_ =	swait.ge [sflag:s18], $0x7D0  }
0x373: {  	s16 =	rddreg [dreg:$0x7];
	[sflag:s18] =	ssyncset.done $0x0  }
0x374: {  	[sflag:s18] =	ssyncadd.s32 $0xFFFFF830;
	s7 =	sadd.s32 s14, s16  }
0x375: {  	[tilespmem:s20], [sflag:$0xA] =	stream.linear.gather [hbm4b:s7+s5], $0x7D0, $0x38;
	[tilespmem:$0x1E9A0] =	vst v63  }
0x376: {  	_ =	swait.ge [sflag:s18], $0x7D0  }
0x377: {  	s15 =	rddreg [dreg:$0x8];
	[sflag:s18] =	ssyncset.done $0x0  }
0x378: {  	[sflag:s18] =	ssyncadd.s32 $0xFFFFF830;
	s7 =	sadd.s32 s14, s15  }
0x379: {  	[tilespmem:s21], [sflag:$0xA] =	stream.linear.gather [hbm4b:s7+s5], $0x7D0, $0x38;
	[tilespmem:$0x1E9A0] =	vst v63  }
0x37a: {  	_ =	swait.ge [sflag:s18], $0x7D0  }
0x37b: {  	[sflag:s18] =	ssyncset.done $0x0  }
0x37c: {  	[sflag:s18] =	ssyncadd.s32 $0xFFFFF830  }
0x37d: {  	[tilespmem:s17], [sflag:$0x1] =	stream.indirect.gather [hbm4b:s6+s22], $0x88, s19, s22, $0xb8;
	[tilespmem:$0x1E9A0] =	vst v63  }
0x37e: {  	s16 =	rddreg [dreg:$0x9]  }
0x37f: {  	[tilespmem:s23], [sflag:$0x2] =	stream.indirect.gather [hbm4b:s6+s22], $0x88, s16, s22, $0xb8;
	[tilespmem:$0x1E9A0] =	vst v63  }
0x380: {  	_ =	swait.ge [sflag:s24], $0x2A80  }
0x381: {  	[sflag:s24] =	ssyncset.done $0x0  }
0x382: {  	[sflag:s24] =	ssyncadd.s32 $0xFFFFD580  }
0x383: {  	[tilespmem:s17], [sflag:$0x4] =	stream.indirect.gather.add.f32 [spmem:s4], $0x88, s20, s22, $0xb8;
	[tilespmem:$0x1E9A0] =	vst v63  }
0x384: {  	_ =	swait.ge [sflag:s25], $0x2A80  }
0x385: {  	[sflag:s25] =	ssyncset.done $0x0  }
0x386: {  	[sflag:s25] =	ssyncadd.s32 $0xFFFFD580  }
0x387: {  	[spmem:s3] =	stream.indirect.scatter.add.f32 [tilespmem:s17], [sflag:$0x7], $0x88, s21, s22, $0xb8;
	[tilespmem:$0x1E9A0] =	vst v63  }
0x388: {  	s14 =	rddreg [dreg:$0xa]  }
0x389: {  	[tilespmem:s26], [sflag:$0x3] =	stream.indirect.gather [hbm4b:s6+s22], $0x88, s14, s22, $0xb8;
	[tilespmem:$0x1E9A0] =	vst v63  }
0x38a: {  	_ =	swait.ge [sflag:s28], $0x2A80  }
0x38b: {  	[sflag:s28] =	ssyncset.done $0x0  }
0x38c: {  	s15 =	rddreg [dreg:$0xb];
	[sflag:s28] =	ssyncadd.s32 $0xFFFFD580  }
0x38d: {  	[tilespmem:s23], [sflag:$0x5] =	stream.indirect.gather.add.f32 [spmem:s4], $0x88, s15, s22, $0xb8;
	[tilespmem:$0x1E9A0] =	vst v63  }
0x38e: {  	_ =	swait.ge [sflag:s29], $0x2A80  }
0x38f: {  	[sflag:s29] =	ssyncset.done $0x0  }
0x390: {  	s16 =	rddreg [dreg:$0xc];
	[sflag:s29] =	ssyncadd.s32 $0xFFFFD580  }
0x391: {  	[spmem:s3] =	stream.indirect.scatter.add.f32 [tilespmem:s23], [sflag:$0x8], $0x88, s16, s22, $0xb8;
	[tilespmem:$0x1E9A0] =	vst v63  }
0x392: {  	_ =	swait.ge [sflag:s30], $0x2A80  }
0x393: {  	[sflag:s30] =	ssyncset.done $0x0  }
0x394: {  	s14 =	rddreg [dreg:$0xd];
	[sflag:s30] =	ssyncadd.s32 $0xFFFFD580  }
0x395: {  	[tilespmem:s17], [sflag:$0x1] =	stream.indirect.gather [hbm4b:s6+s22], $0x88, s14, s22, $0xb8;
	[tilespmem:$0x1E9A0] =	vst v63  }
0x396: {  	_ =	swait.ge [sflag:s31], $0x2A80  }
0x397: {  	[sflag:s31] =	ssyncset.done $0x0  }
0x398: {  	s15 =	rddreg [dreg:$0xe];
	[sflag:s31] =	ssyncadd.s32 $0xFFFFD580  }
0x399: {  	[tilespmem:s26], [sflag:$0x6] =	stream.indirect.gather.add.f32 [spmem:s4], $0x88, s15, s22, $0xb8;
	[tilespmem:$0x1E9A0] =	vst v63  }
0x39a: {  	_ =	swait.ge [sflag:s2], $0x2A80  }
0x39b: {  	[sflag:s2] =	ssyncset.done $0x0  }
0x39c: {  	s16 =	rddreg [dreg:$0xf];
	[sflag:s2] =	ssyncadd.s32 $0xFFFFD580  }
0x39d: {  	[spmem:s3] =	stream.indirect.scatter.add.f32 [tilespmem:s26], [sflag:$0x9], $0x88, s16, s22, $0xb8;
	[tilespmem:$0x1E9A0] =	vst v63  }
0x39e: {  	_ =	swait.ge [sflag:s0], $0x2A80  }
0x39f: {  	[sflag:s0] =	ssyncset.done $0x0  }
0x3a0: {  	s14 =	rddreg [dreg:$0x10];
	[sflag:s0] =	ssyncadd.s32 $0xFFFFD580  }
0x3a1: {  	[tilespmem:s23], [sflag:$0x2] =	stream.indirect.gather [hbm4b:s6+s22], $0x88, s14, s22, $0xb8;
	[tilespmem:$0x1E9A0] =	vst v63  }
0x3a2: {  	_ =	swait.ge [sflag:s24], $0x2A80  }
0x3a3: {  	[sflag:s24] =	ssyncset.done $0x0  }
0x3a4: {  	s15 =	rddreg [dreg:$0x11];
	[sflag:s24] =	ssyncadd.s32 $0xFFFFD580  }
0x3a5: {  	[tilespmem:s17], [sflag:$0x4] =	stream.indirect.gather.add.f32 [spmem:s4], $0x88, s15, s22, $0xb8;
	[tilespmem:$0x1E9A0] =	vst v63  }
0x3a6: {  	_ =	swait.ge [sflag:s25], $0x2A80  }
0x3a7: {  	[sflag:s25] =	ssyncset.done $0x0  }
0x3a8: {  	s16 =	rddreg [dreg:$0x12];
	[sflag:s25] =	ssyncadd.s32 $0xFFFFD580  }
0x3a9: {  	[spmem:s3] =	stream.indirect.scatter.add.f32 [tilespmem:s17], [sflag:$0x7], $0x88, s16, s22, $0xb8;
	[tilespmem:$0x1E9A0] =	vst v63  }
0x3aa: {  	_ =	swait.ge [sflag:s1], $0x2A80  }
0x3ab: {  	[sflag:s1] =	ssyncset.done $0x0  }
0x3ac: {  	s14 =	rddreg [dreg:$0x13];
	[sflag:s1] =	ssyncadd.s32 $0xFFFFD580  }
0x3ad: {  	[tilespmem:s26], [sflag:$0x3] =	stream.indirect.gather [hbm4b:s6+s22], $0x88, s14, s22, $0xb8;
	[tilespmem:$0x1E9A0] =	vst v63  }
0x3ae: {  	_ =	swait.ge [sflag:s28], $0x2A80  }
0x3af: {  	[sflag:s28] =	ssyncset.done $0x0  }
0x3b0: {  	s15 =	rddreg [dreg:$0x14];
	[sflag:s28] =	ssyncadd.s32 $0xFFFFD580  }
0x3b1: {  	[tilespmem:s23], [sflag:$0x5] =	stream.indirect.gather.add.f32 [spmem:s4], $0x88, s15, s22, $0xb8;
	[tilespmem:$0x1E9A0] =	vst v63  }
0x3b2: {  	_ =	swait.ge [sflag:s29], $0x2A80  }
0x3b3: {  	[sflag:s29] =	ssyncset.done $0x0  }
0x3b4: {  	s16 =	rddreg [dreg:$0x15];
	[sflag:s29] =	ssyncadd.s32 $0xFFFFD580  }
0x3b5: {  	[spmem:s3] =	stream.indirect.scatter.add.f32 [tilespmem:s23], [sflag:$0x8], $0x88, s16, s22, $0xb8;
	[tilespmem:$0x1E9A0] =	vst v63  }
0x3b6: {  	_ =	swait.ge [sflag:s30], $0x2A80  }
0x3b7: {  	[sflag:s30] =	ssyncset.done $0x0  }
0x3b8: {  	s14 =	rddreg [dreg:$0x16];
	[sflag:s30] =	ssyncadd.s32 $0xFFFFD580  }
0x3b9: {  	[tilespmem:s17], [sflag:$0x1] =	stream.indirect.gather [hbm4b:s6+s22], $0x88, s14, s22, $0xb8;
	[tilespmem:$0x1E9A0] =	vst v63  }
0x3ba: {  	_ =	swait.ge [sflag:s31], $0x2A80  }
0x3bb: {  	[sflag:s31] =	ssyncset.done $0x0  }
0x3bc: {  	s15 =	rddreg [dreg:$0x17];
	[sflag:s31] =	ssyncadd.s32 $0xFFFFD580  }
0x3bd: {  	[tilespmem:s26], [sflag:$0x6] =	stream.indirect.gather.add.f32 [spmem:s4], $0x88, s15, s22, $0xb8;
	[tilespmem:$0x1E9A0] =	vst v63  }
0x3be: {  	_ =	swait.ge [sflag:s2], $0x2A80  }
0x3bf: {  	[sflag:s2] =	ssyncset.done $0x0  }
0x3c0: {  	s16 =	rddreg [dreg:$0x18];
	[sflag:s2] =	ssyncadd.s32 $0xFFFFD580  }
0x3c1: {  	[spmem:s3] =	stream.indirect.scatter.add.f32 [tilespmem:s26], [sflag:$0x9], $0x88, s16, s22, $0xb8;
	[tilespmem:$0x1E9A0] =	vst v63  }
0x3c2: {  	_ =	swait.ge [sflag:s0], $0x2A80  }
0x3c3: {  	[sflag:s0] =	ssyncset.done $0x0  }
0x3c4: {  	s14 =	rddreg [dreg:$0x19];
	[sflag:s0] =	ssyncadd.s32 $0xFFFFD580  }
0x3c5: {  	[tilespmem:s23], [sflag:$0x2] =	stream.indirect.gather [hbm4b:s6+s22], $0x88, s14, s22, $0xb8;
	[tilespmem:$0x1E9A0] =	vst v63  }
0x3c6: {  	_ =	swait.ge [sflag:s24], $0x2A80  }
0x3c7: {  	[sflag:s24] =	ssyncset.done $0x0  }
0x3c8: {  	s15 =	rddreg [dreg:$0x1a];
	[sflag:s24] =	ssyncadd.s32 $0xFFFFD580  }
0x3c9: {  	[tilespmem:s17], [sflag:$0x4] =	stream.indirect.gather.add.f32 [spmem:s4], $0x88, s15, s22, $0xb8;
	[tilespmem:$0x1E9A0] =	vst v63  }
0x3ca: {  	_ =	swait.ge [sflag:s25], $0x2A80  }
0x3cb: {  	[sflag:s25] =	ssyncset.done $0x0  }
0x3cc: {  	s16 =	rddreg [dreg:$0x1b];
	[sflag:s25] =	ssyncadd.s32 $0xFFFFD580  }
0x3cd: {  	[spmem:s3] =	stream.indirect.scatter.add.f32 [tilespmem:s17], [sflag:$0x7], $0x88, s16, s22, $0xb8;
	[tilespmem:$0x1E9A0] =	vst v63  }
0x3ce: {  	_ =	swait.ge [sflag:s1], $0x2A80  }
0x3cf: {  	[sflag:s1] =	ssyncset.done $0x0  }
0x3d0: {  	s14 =	rddreg [dreg:$0x1c];
	[sflag:s1] =	ssyncadd.s32 $0xFFFFD580  }
0x3d1: {  	[tilespmem:s26], [sflag:$0x3] =	stream.indirect.gather [hbm4b:s6+s22], $0x88, s14, s22, $0xb8;
	[tilespmem:$0x1E9A0] =	vst v63  }
0x3d2: {  	_ =	swait.ge [sflag:s28], $0x2A80  }
0x3d3: {  	[sflag:s28] =	ssyncset.done $0x0  }
0x3d4: {  	s15 =	rddreg [dreg:$0x1d];
	[sflag:s28] =	ssyncadd.s32 $0xFFFFD580  }
0x3d5: {  	[tilespmem:s23], [sflag:$0x5] =	stream.indirect.gather.add.f32 [spmem:s4], $0x88, s15, s22, $0xb8;
	[tilespmem:$0x1E9A0] =	vst v63  }
0x3d6: {  	_ =	swait.ge [sflag:s29], $0x2A80  }
0x3d7: {  	[sflag:s29] =	ssyncset.done $0x0  }
0x3d8: {  	s16 =	rddreg [dreg:$0x1e];
	[sflag:s29] =	ssyncadd.s32 $0xFFFFD580  }
0x3d9: {  	[spmem:s3] =	stream.indirect.scatter.add.f32 [tilespmem:s23], [sflag:$0x8], $0x88, s16, s22, $0xb8;
	[tilespmem:$0x1E9A0] =	vst v63  }
0x3da: {  	_ =	swait.ge [sflag:s30], $0x2A80  }
0x3db: {  	[sflag:s30] =	ssyncset.done $0x0  }
0x3dc: {  	s14 =	rddreg [dreg:$0x1f];
	[sflag:s30] =	ssyncadd.s32 $0xFFFFD580  }
0x3dd: {  	[tilespmem:s17], [sflag:$0x1] =	stream.indirect.gather [hbm4b:s6+s22], $0x88, s14, s22, $0xb8;
	[tilespmem:$0x1E9A0] =	vst v63  }
0x3de: {  	_ =	swait.ge [sflag:s31], $0x2A80  }
0x3df: {  	s15 =	sld [smem:$0x7C8]  }
0x3e0: {  	[sflag:s31] =	ssyncset.done $0x0  }
0x3e1: {  	[sflag:s31] =	ssyncadd.s32 $0xFFFFD580  }
0x3e2: {  	[tilespmem:s26], [sflag:$0x6] =	stream.indirect.gather.add.f32 [spmem:s4], $0x88, s15, s22, $0xb8;
	[tilespmem:$0x1E9A0] =	vst v63  }
0x3e3: {  	_ =	swait.ge [sflag:s2], $0x2A80  }
0x3e4: {  	s16 =	sld [smem:$0x7C9]  }
0x3e5: {  	[sflag:s2] =	ssyncset.done $0x0  }
0x3e6: {  	[sflag:s2] =	ssyncadd.s32 $0xFFFFD580  }
0x3e7: {  	[spmem:s3] =	stream.indirect.scatter.add.f32 [tilespmem:s26], [sflag:$0x9], $0x88, s16, s22, $0xb8;
	[tilespmem:$0x1E9A0] =	vst v63  }
0x3e8: {  	_ =	swait.ge [sflag:s0], $0x2A80  }
0x3e9: {  	s14 =	sld [smem:$0x7CA]  }
0x3ea: {  	[sflag:s0] =	ssyncset.done $0x0  }
0x3eb: {  	[sflag:s0] =	ssyncadd.s32 $0xFFFFD580  }
0x3ec: {  	[tilespmem:s23], [sflag:$0x2] =	stream.indirect.gather [hbm4b:s6+s22], $0x88, s14, s22, $0xb8;
	[tilespmem:$0x1E9A0] =	vst v63  }
0x3ed: {  	_ =	swait.ge [sflag:s24], $0x2A80  }
0x3ee: {  	s15 =	sld [smem:$0x7CB]  }
0x3ef: {  	[sflag:s24] =	ssyncset.done $0x0  }
0x3f0: {  	[sflag:s24] =	ssyncadd.s32 $0xFFFFD580  }
0x3f1: {  	[tilespmem:s17], [sflag:$0x4] =	stream.indirect.gather.add.f32 [spmem:s4], $0x88, s15, s22, $0xb8;
	[tilespmem:$0x1E9A0] =	vst v63  }
0x3f2: {  	_ =	swait.ge [sflag:s25], $0x2A80  }
0x3f3: {  	s16 =	sld [smem:$0x7CC]  }
0x3f4: {  	[sflag:s25] =	ssyncset.done $0x0  }
0x3f5: {  	[sflag:s25] =	ssyncadd.s32 $0xFFFFD580  }
0x3f6: {  	[spmem:s3] =	stream.indirect.scatter.add.f32 [tilespmem:s17], [sflag:$0x7], $0x88, s16, s22, $0xb8;
	[tilespmem:$0x1E9A0] =	vst v63  }
0x3f7: {  	_ =	swait.ge [sflag:s1], $0x2A80  }
0x3f8: {  	s14 =	sld [smem:$0x7CD]  }
0x3f9: {  	[sflag:s1] =	ssyncset.done $0x0  }
0x3fa: {  	[sflag:s1] =	ssyncadd.s32 $0xFFFFD580  }
0x3fb: {  	[tilespmem:s26], [sflag:$0x3] =	stream.indirect.gather [hbm4b:s6+s22], $0x88, s14, s22, $0xb8;
	[tilespmem:$0x1E9A0] =	vst v63  }
0x3fc: {  	_ =	swait.ge [sflag:s28], $0x2A80  }
0x3fd: {  	s15 =	sld [smem:$0x7CE]  }
0x3fe: {  	[sflag:s28] =	ssyncset.done $0x0  }
0x3ff: {  	[sflag:s28] =	ssyncadd.s32 $0xFFFFD580  }
0x400: {  	[tilespmem:s23], [sflag:$0x5] =	stream.indirect.gather.add.f32 [spmem:s4], $0x88, s15, s22, $0xb8;
	[tilespmem:$0x1E9A0] =	vst v63  }
0x401: {  	_ =	swait.ge [sflag:s29], $0x2A80  }
0x402: {  	s16 =	sld [smem:$0x7CF]  }
0x403: {  	[sflag:s29] =	ssyncset.done $0x0  }
0x404: {  	[sflag:s29] =	ssyncadd.s32 $0xFFFFD580  }
0x405: {  	[spmem:s3] =	stream.indirect.scatter.add.f32 [tilespmem:s23], [sflag:$0x8], $0x88, s16, s22, $0xb8;
	[tilespmem:$0x1E9A0] =	vst v63  }
0x406: {  	_ =	swait.ge [sflag:s30], $0x2A80  }
0x407: {  	s14 =	sld [smem:$0x7D0]  }
0x408: {  	[sflag:s30] =	ssyncset.done $0x0  }
0x409: {  	[sflag:s30] =	ssyncadd.s32 $0xFFFFD580  }
0x40a: {  	[tilespmem:s17], [sflag:$0x1] =	stream.indirect.gather [hbm4b:s6+s22], $0x88, s14, s22, $0xb8;
	[tilespmem:$0x1E9A0] =	vst v63  }
0x40b: {  	_ =	swait.ge [sflag:s31], $0x2A80  }
0x40c: {  	s15 =	sld [smem:$0x7D1]  }
0x40d: {  	[sflag:s31] =	ssyncset.done $0x0  }
0x40e: {  	[sflag:s31] =	ssyncadd.s32 $0xFFFFD580  }
0x40f: {  	[tilespmem:s26], [sflag:$0x6] =	stream.indirect.gather.add.f32 [spmem:s4], $0x88, s15, s22, $0xb8;
	[tilespmem:$0x1E9A0] =	vst v63  }
0x410: {  	_ =	swait.ge [sflag:s2], $0x2A80  }
0x411: {  	s16 =	sld [smem:$0x7D2]  }
0x412: {  	[sflag:s2] =	ssyncset.done $0x0  }
0x413: {  	[sflag:s2] =	ssyncadd.s32 $0xFFFFD580  }
0x414: {  	[spmem:s3] =	stream.indirect.scatter.add.f32 [tilespmem:s26], [sflag:$0x9], $0x88, s16, s22, $0xb8;
	[tilespmem:$0x1E9A0] =	vst v63  }
0x415: {  	_ =	swait.ge [sflag:s0], $0x2A80  }
0x416: {  	s14 =	sld [smem:$0x7D3]  }
0x417: {  	[sflag:s0] =	ssyncset.done $0x0  }
0x418: {  	[sflag:s0] =	ssyncadd.s32 $0xFFFFD580  }
0x419: {  	[tilespmem:s23], [sflag:$0x2] =	stream.indirect.gather [hbm4b:s6+s22], $0x88, s14, s22, $0xb8;
	[tilespmem:$0x1E9A0] =	vst v63  }
0x41a: {  	_ =	swait.ge [sflag:s24], $0x2A80  }
0x41b: {  	s15 =	sld [smem:$0x7D4]  }
0x41c: {  	[sflag:s24] =	ssyncset.done $0x0  }
0x41d: {  	[sflag:s24] =	ssyncadd.s32 $0xFFFFD580  }
0x41e: {  	[tilespmem:s17], [sflag:$0x4] =	stream.indirect.gather.add.f32 [spmem:s4], $0x88, s15, s22, $0xb8;
	[tilespmem:$0x1E9A0] =	vst v63  }
0x41f: {  	_ =	swait.ge [sflag:s25], $0x2A80  }
0x420: {  	s16 =	sld [smem:$0x7D5]  }
0x421: {  	[sflag:s25] =	ssyncset.done $0x0  }
0x422: {  	[sflag:s25] =	ssyncadd.s32 $0xFFFFD580  }
0x423: {  	[spmem:s3] =	stream.indirect.scatter.add.f32 [tilespmem:s17], [sflag:$0x7], $0x88, s16, s22, $0xb8;
	[tilespmem:$0x1E9A0] =	vst v63  }
0x424: {  	_ =	swait.ge [sflag:s1], $0x2A80  }
0x425: {  	s14 =	sld [smem:$0x7D6]  }
0x426: {  	[sflag:s1] =	ssyncset.done $0x0  }
0x427: {  	[sflag:s1] =	ssyncadd.s32 $0xFFFFD580  }
0x428: {  	[tilespmem:s26], [sflag:$0x3] =	stream.indirect.gather [hbm4b:s6+s22], $0x88, s14, s22, $0xb8;
	[tilespmem:$0x1E9A0] =	vst v63  }
0x429: {  	_ =	swait.ge [sflag:s28], $0x2A80  }
0x42a: {  	s15 =	sld [smem:$0x7D7]  }
0x42b: {  	[sflag:s28] =	ssyncset.done $0x0  }
0x42c: {  	[sflag:s28] =	ssyncadd.s32 $0xFFFFD580  }
0x42d: {  	[tilespmem:s23], [sflag:$0x5] =	stream.indirect.gather.add.f32 [spmem:s4], $0x88, s15, s22, $0xb8;
	[tilespmem:$0x1E9A0] =	vst v63  }
0x42e: {  	_ =	swait.ge [sflag:s29], $0x2A80  }
0x42f: {  	s16 =	sld [smem:$0x7D8]  }
0x430: {  	[sflag:s29] =	ssyncset.done $0x0  }
0x431: {  	[sflag:s29] =	ssyncadd.s32 $0xFFFFD580  }
0x432: {  	[spmem:s3] =	stream.indirect.scatter.add.f32 [tilespmem:s23], [sflag:$0x8], $0x88, s16, s22, $0xb8;
	[tilespmem:$0x1E9A0] =	vst v63  }
0x433: {  	_ =	swait.ge [sflag:s30], $0x2A80  }
0x434: {  	s14 =	sld [smem:$0x7D9]  }
0x435: {  	[sflag:s30] =	ssyncset.done $0x0  }
0x436: {  	[sflag:s30] =	ssyncadd.s32 $0xFFFFD580  }
0x437: {  	[tilespmem:s17], [sflag:$0x1] =	stream.indirect.gather [hbm4b:s6+s22], $0x88, s14, s22, $0xb8;
	[tilespmem:$0x1E9A0] =	vst v63  }
0x438: {  	_ =	swait.ge [sflag:s31], $0x2A80  }
0x439: {  	s15 =	sld [smem:$0x7DA]  }
0x43a: {  	[sflag:s31] =	ssyncset.done $0x0  }
0x43b: {  	[sflag:s31] =	ssyncadd.s32 $0xFFFFD580  }
0x43c: {  	[tilespmem:s26], [sflag:$0x6] =	stream.indirect.gather.add.f32 [spmem:s4], $0x88, s15, s22, $0xb8;
	[tilespmem:$0x1E9A0] =	vst v63  }
0x43d: {  	_ =	swait.ge [sflag:s2], $0x2A80  }
0x43e: {  	s16 =	sld [smem:$0x7DC]  }
0x43f: {  	[sflag:s2] =	ssyncset.done $0x0  }
0x440: {  	[sflag:s2] =	ssyncadd.s32 $0xFFFFD580  }
0x441: {  	[spmem:s3] =	stream.indirect.scatter.add.f32 [tilespmem:s26], [sflag:$0x9], $0x88, s16, s22, $0xb8;
	[tilespmem:$0x1E9A0] =	vst v63  }
0x442: {  	_ =	swait.ge [sflag:s0], $0x2A80  }
0x443: {  	s14 =	sld [smem:$0x7DD]  }
0x444: {  	[sflag:s0] =	ssyncset.done $0x0  }
0x445: {  	[sflag:s0] =	ssyncadd.s32 $0xFFFFD580  }
0x446: {  	[tilespmem:s23], [sflag:$0x2] =	stream.indirect.gather [hbm4b:s6+s22], $0x88, s14, s22, $0xb8;
	[tilespmem:$0x1E9A0] =	vst v63  }
0x447: {  	_ =	swait.ge [sflag:s24], $0x2A80  }
0x448: {  	s15 =	sld [smem:$0x7DE]  }
0x449: {  	[sflag:s24] =	ssyncset.done $0x0  }
0x44a: {  	[sflag:s24] =	ssyncadd.s32 $0xFFFFD580  }
0x44b: {  	[tilespmem:s17], [sflag:$0x4] =	stream.indirect.gather.add.f32 [spmem:s4], $0x88, s15, s22, $0xb8;
	[tilespmem:$0x1E9A0] =	vst v63  }
0x44c: {  	_ =	swait.ge [sflag:s25], $0x2A80  }
0x44d: {  	s16 =	sld [smem:$0x7E0]  }
0x44e: {  	[sflag:s25] =	ssyncset.done $0x0  }
0x44f: {  	[sflag:s25] =	ssyncadd.s32 $0xFFFFD580  }
0x450: {  	[spmem:s3] =	stream.indirect.scatter.add.f32 [tilespmem:s17], [sflag:$0x7], $0x88, s16, s22, $0xb8;
	[tilespmem:$0x1E9A0] =	vst v63  }
0x451: {  	_ =	swait.ge [sflag:s1], $0x2A80  }
0x452: {  	s14 =	sld [smem:$0x7E2]  }
0x453: {  	[sflag:s1] =	ssyncset.done $0x0  }
0x454: {  	[sflag:s1] =	ssyncadd.s32 $0xFFFFD580  }
0x455: {  	[tilespmem:s26], [sflag:$0x3] =	stream.indirect.gather [hbm4b:s6+s22], $0x88, s14, s22, $0xb8;
	[tilespmem:$0x1E9A0] =	vst v63  }
0x456: {  	_ =	swait.ge [sflag:s28], $0x2A80  }
0x457: {  	s15 =	sld [smem:$0x7E4]  }
0x458: {  	[sflag:s28] =	ssyncset.done $0x0  }
0x459: {  	[sflag:s28] =	ssyncadd.s32 $0xFFFFD580  }
0x45a: {  	[tilespmem:s23], [sflag:$0x5] =	stream.indirect.gather.add.f32 [spmem:s4], $0x88, s15, s22, $0xb8;
	[tilespmem:$0x1E9A0] =	vst v63  }
0x45b: {  	_ =	swait.ge [sflag:s29], $0x2A80  }
0x45c: {  	s16 =	sld [smem:$0x7E6]  }
0x45d: {  	[sflag:s29] =	ssyncset.done $0x0  }
0x45e: {  	[sflag:s29] =	ssyncadd.s32 $0xFFFFD580  }
0x45f: {  	[spmem:s3] =	stream.indirect.scatter.add.f32 [tilespmem:s23], [sflag:$0x8], $0x88, s16, s22, $0xb8;
	[tilespmem:$0x1E9A0] =	vst v63  }
0x460: {  	_ =	swait.ge [sflag:s30], $0x2A80  }
0x461: {  	s14 =	sld [smem:$0x7E8]  }
0x462: {  	[sflag:s30] =	ssyncset.done $0x0  }
0x463: {  	[sflag:s30] =	ssyncadd.s32 $0xFFFFD580  }
0x464: {  	[tilespmem:s17], [sflag:$0x1] =	stream.indirect.gather [hbm4b:s6+s22], $0x88, s14, s22, $0xb8;
	[tilespmem:$0x1E9A0] =	vst v63  }
0x465: {  	_ =	swait.ge [sflag:s31], $0x2A80  }
0x466: {  	s15 =	sld [smem:$0x7EA]  }
0x467: {  	[sflag:s31] =	ssyncset.done $0x0  }
0x468: {  	[sflag:s31] =	ssyncadd.s32 $0xFFFFD580  }
0x469: {  	[tilespmem:s26], [sflag:$0x6] =	stream.indirect.gather.add.f32 [spmem:s4], $0x88, s15, s22, $0xb8;
	[tilespmem:$0x1E9A0] =	vst v63  }
0x46a: {  	_ =	swait.ge [sflag:s2], $0x2A80  }
0x46b: {  	s16 =	sld [smem:$0x7EC]  }
0x46c: {  	[sflag:s2] =	ssyncset.done $0x0  }
0x46d: {  	[sflag:s2] =	ssyncadd.s32 $0xFFFFD580  }
0x46e: {  	[spmem:s3] =	stream.indirect.scatter.add.f32 [tilespmem:s26], [sflag:$0x9], $0x88, s16, s22, $0xb8;
	[tilespmem:$0x1E9A0] =	vst v63  }
0x46f: {  	_ =	swait.ge [sflag:s0], $0x2A80  }
0x470: {  	s14 =	sld [smem:$0x7ED]  }
0x471: {  	[sflag:s0] =	ssyncset.done $0x0  }
0x472: {  	[sflag:s0] =	ssyncadd.s32 $0xFFFFD580  }
0x473: {  	[tilespmem:s23], [sflag:$0x2] =	stream.indirect.gather [hbm4b:s6+s22], $0x88, s14, s22, $0xb8;
	[tilespmem:$0x1E9A0] =	vst v63  }
0x474: {  	_ =	swait.ge [sflag:s24], $0x2A80  }
0x475: {  	s15 =	sld [smem:$0x7EE]  }
0x476: {  	[sflag:s24] =	ssyncset.done $0x0  }
0x477: {  	[sflag:s24] =	ssyncadd.s32 $0xFFFFD580  }
0x478: {  	[tilespmem:s17], [sflag:$0x4] =	stream.indirect.gather.add.f32 [spmem:s4], $0x88, s15, s22, $0xb8;
	[tilespmem:$0x1E9A0] =	vst v63  }
0x479: {  	_ =	swait.ge [sflag:s25], $0x2A80  }
0x47a: {  	s16 =	sld [smem:$0x7F0]  }
0x47b: {  	[sflag:s25] =	ssyncset.done $0x0  }
0x47c: {  	[sflag:s25] =	ssyncadd.s32 $0xFFFFD580  }
0x47d: {  	[spmem:s3] =	stream.indirect.scatter.add.f32 [tilespmem:s17], [sflag:$0x7], $0x88, s16, s22, $0xb8;
	[tilespmem:$0x1E9A0] =	vst v63  }
0x47e: {  	_ =	swait.ge [sflag:s1], $0x2A80  }
0x47f: {  	s14 =	sld [smem:$0x7F1]  }
0x480: {  	[sflag:s1] =	ssyncset.done $0x0  }
0x481: {  	[sflag:s1] =	ssyncadd.s32 $0xFFFFD580  }
0x482: {  	[tilespmem:s26], [sflag:$0x3] =	stream.indirect.gather [hbm4b:s6+s22], $0x88, s14, s22, $0xb8;
	[tilespmem:$0x1E9A0] =	vst v63  }
0x483: {  	_ =	swait.ge [sflag:s28], $0x2A80  }
0x484: {  	s15 =	sld [smem:$0x7F2]  }
0x485: {  	[sflag:s28] =	ssyncset.done $0x0  }
0x486: {  	[sflag:s28] =	ssyncadd.s32 $0xFFFFD580  }
0x487: {  	[tilespmem:s23], [sflag:$0x5] =	stream.indirect.gather.add.f32 [spmem:s4], $0x88, s15, s22, $0xb8;
	[tilespmem:$0x1E9A0] =	vst v63  }
0x488: {  	_ =	swait.ge [sflag:s29], $0x2A80  }
0x489: {  	s16 =	sld [smem:$0x7F3]  }
0x48a: {  	[sflag:s29] =	ssyncset.done $0x0  }
0x48b: {  	[sflag:s29] =	ssyncadd.s32 $0xFFFFD580  }
0x48c: {  	[spmem:s3] =	stream.indirect.scatter.add.f32 [tilespmem:s23], [sflag:$0x8], $0x88, s16, s22, $0xb8;
	[tilespmem:$0x1E9A0] =	vst v63  }
0x48d: {  	_ =	swait.ge [sflag:s30], $0x2A80  }
0x48e: {  	s14 =	sld [smem:$0x7F5]  }
0x48f: {  	[sflag:s30] =	ssyncset.done $0x0  }
0x490: {  	[sflag:s30] =	ssyncadd.s32 $0xFFFFD580  }
0x491: {  	[tilespmem:s17], [sflag:$0x1] =	stream.indirect.gather [hbm4b:s6+s22], $0x88, s14, s22, $0xb8;
	[tilespmem:$0x1E9A0] =	vst v63  }
0x492: {  	_ =	swait.ge [sflag:s31], $0x2A80  }
0x493: {  	s15 =	sld [smem:$0x7F6]  }
0x494: {  	[sflag:s31] =	ssyncset.done $0x0  }
0x495: {  	[sflag:s31] =	ssyncadd.s32 $0xFFFFD580  }
0x496: {  	[tilespmem:s26], [sflag:$0x6] =	stream.indirect.gather.add.f32 [spmem:s4], $0x88, s15, s22, $0xb8;
	[tilespmem:$0x1E9A0] =	vst v63  }
0x497: {  	_ =	swait.ge [sflag:s2], $0x2A80  }
0x498: {  	s16 =	sld [smem:$0x7F7]  }
0x499: {  	[sflag:s2] =	ssyncset.done $0x0  }
0x49a: {  	[sflag:s2] =	ssyncadd.s32 $0xFFFFD580  }
0x49b: {  	[spmem:s3] =	stream.indirect.scatter.add.f32 [tilespmem:s26], [sflag:$0x9], $0x88, s16, s22, $0xb8;
	[tilespmem:$0x1E9A0] =	vst v63  }
0x49c: {  	_ =	swait.ge [sflag:s0], $0x2A80  }
0x49d: {  	s14 =	sld [smem:$0x7F8]  }
0x49e: {  	[sflag:s0] =	ssyncset.done $0x0  }
0x49f: {  	[sflag:s0] =	ssyncadd.s32 $0xFFFFD580  }
0x4a0: {  	[tilespmem:s23], [sflag:$0x2] =	stream.indirect.gather [hbm4b:s6+s22], $0x88, s14, s22, $0xb8;
	[tilespmem:$0x1E9A0] =	vst v63  }
0x4a1: {  	_ =	swait.ge [sflag:s24], $0x2A80  }
0x4a2: {  	s15 =	sld [smem:$0x7F9]  }
0x4a3: {  	[sflag:s24] =	ssyncset.done $0x0  }
0x4a4: {  	[sflag:s24] =	ssyncadd.s32 $0xFFFFD580  }
0x4a5: {  	[tilespmem:s17], [sflag:$0x4] =	stream.indirect.gather.add.f32 [spmem:s4], $0x88, s15, s22, $0xb8;
	[tilespmem:$0x1E9A0] =	vst v63  }
0x4a6: {  	_ =	swait.ge [sflag:s25], $0x2A80  }
0x4a7: {  	s16 =	sld [smem:$0x7FA]  }
0x4a8: {  	[sflag:s25] =	ssyncset.done $0x0  }
0x4a9: {  	[sflag:s25] =	ssyncadd.s32 $0xFFFFD580  }
0x4aa: {  	[spmem:s3] =	stream.indirect.scatter.add.f32 [tilespmem:s17], [sflag:$0x7], $0x88, s16, s22, $0xb8;
	[tilespmem:$0x1E9A0] =	vst v63  }
0x4ab: {  	_ =	swait.ge [sflag:s1], $0x2A80  }
0x4ac: {  	s14 =	sld [smem:$0x7FB]  }
0x4ad: {  	[sflag:s1] =	ssyncset.done $0x0  }
0x4ae: {  	[sflag:s1] =	ssyncadd.s32 $0xFFFFD580  }
0x4af: {  	[tilespmem:s26], [sflag:$0x3] =	stream.indirect.gather [hbm4b:s6+s22], $0x88, s14, s22, $0xb8;
	[tilespmem:$0x1E9A0] =	vst v63  }
0x4b0: {  	_ =	swait.ge [sflag:s28], $0x2A80  }
0x4b1: {  	s15 =	sld [smem:$0x7FC]  }
0x4b2: {  	[sflag:s28] =	ssyncset.done $0x0  }
0x4b3: {  	[sflag:s28] =	ssyncadd.s32 $0xFFFFD580  }
0x4b4: {  	[tilespmem:s23], [sflag:$0x5] =	stream.indirect.gather.add.f32 [spmem:s4], $0x88, s15, s22, $0xb8;
	[tilespmem:$0x1E9A0] =	vst v63  }
0x4b5: {  	_ =	swait.ge [sflag:s29], $0x2A80  }
0x4b6: {  	s16 =	sld [smem:$0x7FD]  }
0x4b7: {  	[sflag:s29] =	ssyncset.done $0x0  }
0x4b8: {  	[sflag:s29] =	ssyncadd.s32 $0xFFFFD580  }
0x4b9: {  	[spmem:s3] =	stream.indirect.scatter.add.f32 [tilespmem:s23], [sflag:$0x8], $0x88, s16, s22, $0xb8;
	[tilespmem:$0x1E9A0] =	vst v63  }
0x4ba: {  	_ =	swait.ge [sflag:s30], $0x2A80  }
0x4bb: {  	[sflag:s30] =	ssyncset.done $0x0  }
0x4bc: {  	[sflag:s30] =	ssyncadd.s32 $0xFFFFD580  }
0x4bd: {  	[tilespmem:s17], [sflag:$0x1] =	stream.indirect.gather [hbm4b:s6+s22], $0x88, s8, s22, $0xb8;
	[tilespmem:$0x1E9A0] =	vst v63  }
0x4be: {  	_ =	swait.ge [sflag:s31], $0x2A80  }
0x4bf: {  	[sflag:s31] =	ssyncset.done $0x0  }
0x4c0: {  	[sflag:s31] =	ssyncadd.s32 $0xFFFFD580  }
0x4c1: {  	[tilespmem:s26], [sflag:$0x6] =	stream.indirect.gather.add.f32 [spmem:s4], $0x88, s9, s22, $0xb8;
	[tilespmem:$0x1E9A0] =	vst v63  }
0x4c2: {  	_ =	swait.ge [sflag:s2], $0x2A80  }
0x4c3: {  	[sflag:s2] =	ssyncset.done $0x0  }
0x4c4: {  	[sflag:s2] =	ssyncadd.s32 $0xFFFFD580  }
0x4c5: {  	[spmem:s3] =	stream.indirect.scatter.add.f32 [tilespmem:s26], [sflag:$0x9], $0x88, s10, s22, $0xb8;
	[tilespmem:$0x1E9A0] =	vst v63  }
0x4c6: {  	_ =	swait.ge [sflag:s0], $0x2A80  }
0x4c7: {  	[sflag:s0] =	ssyncset.done $0x0  }
0x4c8: {  	[sflag:s0] =	ssyncadd.s32 $0xFFFFD580  }
0x4c9: {  	_ =	swait.ge [sflag:s24], $0x2A80  }
0x4ca: {  	[sflag:s24] =	ssyncset.done $0x0  }
0x4cb: {  	[sflag:s24] =	ssyncadd.s32 $0xFFFFD580  }
0x4cc: {  	[tilespmem:s17], [sflag:$0x4] =	stream.indirect.gather.add.f32 [spmem:s4], $0x88, s11, s22, $0xb8;
	[tilespmem:$0x1E9A0] =	vst v63  }
0x4cd: {  	_ =	swait.ge [sflag:s25], $0x2A80  }
0x4ce: {  	[sflag:s25] =	ssyncset.done $0x0  }
0x4cf: {  	[sflag:s25] =	ssyncadd.s32 $0xFFFFD580  }
0x4d0: {  	[spmem:s3] =	stream.indirect.scatter.add.f32 [tilespmem:s17], [sflag:$0x7], $0x88, s12, s22, $0xb8;
	[tilespmem:$0x1E9A0] =	vst v63  }
0x4d1: {  	_ =	swait.ge [sflag:s1], $0x2A80  }
0x4d2: {  	[sflag:s1] =	ssyncset.done $0x0  }
0x4d3: {  	[sflag:s1] =	ssyncadd.s32 $0xFFFFD580  }
0x4d4: {  	_ =	swait.ge [sflag:s30], $0x2A80  }
0x4d5: {  	[sflag:s30] =	ssyncset.done $0x0  }
0x4d6: {  	[sflag:s30] =	ssyncadd.s32 $0xFFFFD580  }
0x4d7: {  	[bflag:$0x0] =	sbarrier.arrive $0xFFFF  }
0x4d8: {  	s15 =	sld [smem:$0x7DB];
	_ =	sdelay $0x1  }
0x4d9: {  	s14 =	stileid.u32  }
0x4da: {  	s7 =	sshll.u32 s14, $0x6;
	s14 =	sshrl.u32 s15, $0x3;
	s15 =	sld [smem:$0x7F4]  }
0x4db: {  	_ = 	snop  }
0x4dc: {  	s7 =	sor.u32 $0x1C0A, s7  }
0x4dd: {  	[hbm:s15], [sflag:s7] =	dma.local [spmem:s14], $0x2981  }
0x4de: {  	_ =	swait.ge [sflag:s18], $0x2981  }
0x4df: {  	s16 =	sld [smem:$0x7EF];
	_ =	sdelay $0x1  }
0x4e0: {  	s13 =	sadd.s32 $0x1, s13  }
0x4e1: {  	p1 =	sne.s32 s13, s16  }
.Ltmp3:
0x4e2: {  	_ = 	snop;
	(pc) =	sbr.rel @p1 .LBB2_1-.Ltmp3, $3  }
0x4e3: {  	_ =	sdelay $0x1  }
0x4e4: {  	[sflag:s18] =	ssyncset.done $0x0  }
0x4e5: {  	[sflag:s18] =	ssyncadd.s32 $0xFFFFD67F  }
0x4e6: {  	_ =	sfence.sel $0x180000  }
0x4e7: {  	[bflag:$0x0] =	sbarrier.arrive $0xFFFF  }
0x4e8: {  	_ =	strace $0x90000047  }
0x4e9: {  	[bflag:$0x2] =	sbarrier.arrive $0xFFFF  }
0x4ea: {  	s0 =	rddreg [dreg:$0x5]  }
0x4eb: {  	s0 =	sadd.s32 @!p0 $0x100000, s0  }
0x4ec: {  	[sflag:s0] =	ssyncadd.tile.s32 @!p0 $0x1;
	_ =	shalt  }
.Lfunc_end2:
_tile_overlayer_lowered:
.L_overlay_start_2:
0x4ed: {  	(tag) =	ssettag $0x2  }
0x4ee: {  	s0 =	rddreg [dreg:$0x0];
	s2 =	stileid.u32  }
0x4ef: {  	s1 =	rddreg [dreg:$0x1];
	p0 =	sne.s32 s2, $0x0  }
0x4f0: {  	s3 =	rddreg [dreg:$0x2];
	[bflag:$0x3] =	sbarrier.arrive $0xFFFF;
	s2 =	simm.s32 @!p0 $0x1C0A  }
0x4f1: {  	[timem:s3], [sflag:s2] =	dma.local @!p0 [hbm:s0], s1  }
0x4f2: {  	s0 =	simm.s32 @!p0 $0xA  }
0x4f3: {  	_ =	swait.ge @!p0 [sflag:s0], s1  }
0x4f4: {  	s1 =	ssub.s32 @!p0 $0x0, s1;
	[sflag:s0] =	ssyncset.done @!p0 $0x0  }
0x4f5: {  	[sflag:s0] =	ssyncadd.s32 @!p0 s1  }
0x4f6: {  	[bflag:$0x3] =	sbarrier.arrive $0xFFFF  }
0x4f7: {  	_ =	shalt  }

// kernel: kernel.8.cloned.1.call-start
scs
__scs_entry_jumppad:
0x0: {  	(pc) =	sbr.rel $0x88, $3  }
0x1: {  	(tag) =	ssettag $0x0;
	lr =	simm.s32 $0x1  }
0x2: {  	[smem:$0x3F9B] =	sst lr;
	_ =	strace $0xD0000000  }
0x3: {  	_ = 	snop  }
0x4: {  	_ = 	snop  }
0x5: {  	_ = 	snop  }
0x6: {  	_ = 	snop  }
0x7: {  	_ = 	snop  }
__scs_overlays_trampoline_lowered:
0x8: {  	[smem:$0x3FAA] =	sst s0  }
0x9: {  	[smem:$0x3FAB] =	sst s1  }
0xa: {  	[smem:$0x3FAC] =	sst s2  }
0xb: {  	[smem:$0x3FAD] =	sst s3  }
0xc: {  	[smem:$0x3FAE] =	sst s4  }
0xd: {  	[smem:$0x3FAF] =	sst s5  }
0xe: {  	[smem:$0x3FB0] =	sst s6  }
0xf: {  	[smem:$0x3FB1] =	sst s7  }
0x10: {  	[smem:$0x3FB2] =	sst s8  }
0x11: {  	[smem:$0x3FB3] =	sst s9;
	s0 =	simm.s32 @!p0 $0x0  }
0x12: {  	s1 =	sld [smem:$0x3F99];
	s0 =	simm.s32 @p0 $0x1  }
0x13: {  	[smem:$0x3FB4] =	sst s0;
	s0 =	simm.s32 @!p1 $0x0  }
0x14: {  	s2 =	sld [smem:$0x3F98];
	s0 =	simm.s32 @p1 $0x1  }
0x15: {  	[smem:$0x3FB5] =	sst s0;
	s0 =	simm.s32 @!p2 $0x0  }
0x16: {  	s3 =	sld [smem:$0x3FDB];
	s0 =	simm.s32 @p2 $0x1  }
0x17: {  	s4 =	simm.s32 $0x1BF5;
	[smem:$0x3FB7] =	sst s0  }
0x18: {  	s0 =	sld [smem:$0x3F9A];
	_ =	swait.ge [sflag:s4], $0x0  }
0x19: {  	s7 =	sld [smem:$0x3F9B]  }
0x1a: {  	s8 =	sadd.s32 $0xFFFFE003, lr  }
0x1b: {  	s9 =	sadd.s32 $0xFFFFFEF7, lr;
	s5 =	simm.s32 $0xFFFFFFFF;
	p2 =	slt.u32 s8, $0xFFFFF086  }
0x1c: {  	p1 =	slt.u32 s9, $0xF7A;
	s5 =	simm.s32 @!p2 $0x0  }
0x1d: {  	s5 =	simm.s32 @p1 $0x1;
	p0 =	seq.s32 s7, s2  }
0x1e: {  	s7 =	smul.u32 @!p0 $0xF7A, s2;
	p2 =	seq.s32 @!p0 s5, $0x0  }
0x1f: {  	s9 =	smul.u32 $0xF7A, s1;
	s8 =	simm.s32 @!p0 $0x1BF5;
	p2 =	por !p2, p0  }
0x20: {  	[sflag:s8] =	ssyncset.s32 @!p0 $0xFFFFF086;
	s6 =	sadd.s32 @!p0 s3, s7;
	s7 =	simm.s32 @!p0 $0x108  }
0x21: {  	s3 =	sadd.s32 s3, s9;
	s6 =	sadd.s32 @!p0 $0x88, s6;
	s7 =	simm.s32 @p2 $0x1082  }
0x22: {  	[simem:s7], [sflag:s8] =	dma.local @!p0 [hbm:s6], $0xF7A  }
0x23: {  	s9 =	sor.u32 $0xD0000000, s2;
	s6 =	simm.s32 $0x108;
	_ =	swait.ge @!p0 [sflag:s8], $0x0  }
0x24: {  	s3 =	sadd.s32 $0x88, s3;
	s6 =	simm.s32 @!p1 $0x1082;
	[sflag:s4] =	ssyncset.s32 $0xFFFFF086  }
0x25: {  	[simem:s6], [sflag:s4] =	dma.local [hbm:s3], $0xF7A  }
0x26: {  	[smem:$0x3F9B] =	sst s1;
	(tag) =	ssettag s2;
	_ =	strace s9  }
0x27: {  	s1 =	sld [smem:$0x3FAB]  }
0x28: {  	s2 =	sld [smem:$0x3FAC]  }
0x29: {  	s4 =	sld [smem:$0x3FAE]  }
0x2a: {  	p0 =	seq.s32 s5, $0x0;
	s5 =	sld [smem:$0x3FAF]  }
0x2b: {  	s6 =	sld [smem:$0x3FB0]  }
0x2c: {  	s7 =	sld [smem:$0x3FB1]  }
0x2d: {  	s3 =	simm.s32 $0x108;
	s8 =	sld [smem:$0x3FB2]  }
0x2e: {  	s3 =	simm.s32 @!p0 $0x1082;
	s9 =	sld [smem:$0x3FB3]  }
0x2f: {  	lr =	sadd.s32 s0, s3;
	s0 =	sld [smem:$0x3FAA]  }
0x30: {  	s3 =	sld [smem:$0x3FAD]  }
0x31: {  	[smem:$0x3FB6] =	sst s10  }
0x32: {  	s10 =	sld [smem:$0x3FB4];
	_ =	sdelay $0x3  }
0x33: {  	p0 =	seq.s32 s10, $0x1;
	s10 =	sld [smem:$0x3FB6];
	_ =	sdelay $0x3  }
0x34: {  	[smem:$0x3FB6] =	sst s10  }
0x35: {  	s10 =	sld [smem:$0x3FB5];
	_ =	sdelay $0x3  }
0x36: {  	p1 =	seq.s32 s10, $0x1;
	s10 =	sld [smem:$0x3FB6];
	_ =	sdelay $0x3  }
0x37: {  	[smem:$0x3FB6] =	sst s10  }
0x38: {  	s10 =	sld [smem:$0x3FB7]  }
0x39: {  	_ = 	snop;
	(pc) =	sbr.ind lr, $3  }
0x3a: {  	_ = 	snop  }
0x3b: {  	_ = 	snop  }
0x3c: {  	p2 =	seq.s32 s10, $0x1;
	s10 =	sld [smem:$0x3FB6]  }
0x3d: {  	_ =	shalt  }
0x3e: {  	_ =	shalt  }
0x3f: {  	_ =	shalt  }
0x40: {  	_ =	shalt  }
0x41: {  	_ =	shalt  }
0x42: {  	_ =	shalt  }
0x43: {  	_ =	shalt  }
0x44: {  	_ =	shalt  }
0x45: {  	_ =	shalt  }
0x46: {  	_ =	shalt  }
0x47: {  	_ =	shalt  }
0x48: {  	_ =	shalt  }
0x49: {  	_ =	shalt  }
0x4a: {  	_ =	shalt  }
0x4b: {  	_ =	shalt  }
0x4c: {  	_ =	shalt  }
0x4d: {  	_ =	shalt  }
0x4e: {  	_ =	shalt  }
0x4f: {  	_ =	shalt  }
0x50: {  	_ =	shalt  }
0x51: {  	_ =	shalt  }
0x52: {  	_ =	shalt  }
0x53: {  	_ =	shalt  }
0x54: {  	_ =	shalt  }
0x55: {  	_ =	shalt  }
0x56: {  	_ =	shalt  }
0x57: {  	_ =	shalt  }
0x58: {  	_ =	shalt  }
0x59: {  	_ =	shalt  }
0x5a: {  	_ =	shalt  }
0x5b: {  	_ =	shalt  }
0x5c: {  	_ =	shalt  }
0x5d: {  	_ =	shalt  }
0x5e: {  	_ =	shalt  }
0x5f: {  	_ =	shalt  }
0x60: {  	_ =	shalt  }
0x61: {  	_ =	shalt  }
0x62: {  	_ =	shalt  }
0x63: {  	_ =	shalt  }
0x64: {  	_ =	shalt  }
0x65: {  	_ =	shalt  }
0x66: {  	_ =	shalt  }
0x67: {  	_ =	shalt  }
0x68: {  	_ =	shalt  }
0x69: {  	_ =	shalt  }
0x6a: {  	_ =	shalt  }
0x6b: {  	_ =	shalt  }
0x6c: {  	_ =	shalt  }
0x6d: {  	_ =	shalt  }
0x6e: {  	_ =	shalt  }
0x6f: {  	_ =	shalt  }
0x70: {  	_ =	shalt  }
0x71: {  	_ =	shalt  }
0x72: {  	_ =	shalt  }
0x73: {  	_ =	shalt  }
0x74: {  	_ =	shalt  }
0x75: {  	_ =	shalt  }
0x76: {  	_ =	shalt  }
0x77: {  	_ =	shalt  }
0x78: {  	_ =	shalt  }
0x79: {  	_ =	shalt  }
0x7a: {  	_ =	shalt  }
0x7b: {  	_ =	shalt  }
0x7c: {  	_ =	shalt  }
0x7d: {  	_ =	shalt  }
0x7e: {  	_ =	shalt  }
0x7f: {  	_ =	shalt  }
0x80: {  	_ =	shalt  }
0x81: {  	_ =	shalt  }
0x82: {  	_ =	shalt  }
0x83: {  	_ =	shalt  }
0x84: {  	_ =	shalt  }
0x85: {  	_ =	shalt  }
0x86: {  	_ =	shalt  }
0x87: {  	_ =	shalt  }
.Lfunc_end0:
.L_simem_size_0:
called_computation.1_lowered:
.L_overlay_start_0:
0x88: {  	s2 =	sld [smem:$0x3FD9]  }
0x89: {  	s3 =	sld [smem:$0x3FFE];
	_ =	sdelay $0x1  }
0x8a: {  	s1 =	srdreg.scid  }
0x8b: {  	s0 =	sand.u32 $0x1, s1  }
0x8c: {  	s17 =	sshll.u32 s0, $0xA;
	s2 =	sadd.s32 s3, s2  }
0x8d: {  	s2 =	sadd.s32 s2, s17  }
0x8e: {  	[smem:$0x3FC2] =	sst s2  }
0x8f: {  	_ = 	snop  }
0x90: {  	s2 =	sld [smem:$0x3FC7]  }
0x91: {  	s18 =	sld [smem:$0x3FC6]  }
0x92: {  	s4 =	sld [smem:$0x3FD0];
	(tm) =	ssettm $0x1  }
0x93: {  	s5 =	sld [smem:$0x3FFB];
	_ =	sdelay $0x3  }
0x94: {  	_ =	strace s5  }
0x95: {  	s5 =	sld [smem:$0x3FFC];
	_ =	sdelay $0x3  }
0x96: {  	_ =	strace s5  }
0x97: {  	s5 =	sld [smem:$0x3FFD];
	_ =	sdelay $0x3  }
0x98: {  	_ =	strace s5  }
0x99: {  	_ =	strace $0x8FFFFFFF  }
0x9a: {  	s19 =	sld [smem:$0x3FDB];
	_ =	sdelay $0x1  }
0x9b: {  	s6 =	simm.s32 $_scs_section_size  }
0x9c: {  	s7 =	simm.s32 $_size__tile_overlayer_lowered;
	s8 =	simm.s32 $_tile_overlayer_lowered  }
0x9d: {  	s22 =	simm.s32 $0x1BFF;
	s21 =	sshll.u32 s8, $0x1;
	s5 =	sadd.s32 s6, s19  }
0x9e: {  	s9 =	simm.s32 $0x0;
	s20 =	sshll.u32 s7, $0x1;
	s7 =	sadd.s32 s21, s5  }
0x9f: {  	[timem:s9], [sflag:s22] =	dma.local [hbm:s7], s20  }
0xa0: {  	_ =	swait.ge [sflag:s22], s20  }
0xa1: {  	s6 =	ssub.s32 $0x0, s20;
	[sflag:s22] =	ssyncset.done $0x0  }
0xa2: {  	[sflag:s22] =	ssyncadd.s32 s6;
	_ =	sdelay $0x1  }
0xa3: {  	s23 =	simm.s32 $0x1B8B  }
0xa4: {  	_ =	swait.ge [sflag:s23], $0x1  }
0xa5: {  	[sflag:s23] =	ssyncset.done $0x0  }
0xa6: {  	s25 =	simm.s32 $0x1B8E;
	s24 =	sld [smem:$0x3FFE];
	[sflag:s23] =	ssyncadd.s32 $0xFFFFFFFF  }
0xa7: {  	s26 =	simm.s32 $execute0_lowered;
	[smem:$0x3FD2] =	sst s25  }
0xa8: {  	s7 =	sshll.u32 s26, $0x1;
	_ =	strace $0x80000049;
	[dreg:$0x1] =	wrdreg $0xFFFFFFFF  }
0xa9: {  	s28 =	simm.s32 $_size_execute0_lowered;
	s5 =	sadd.s32 s5, s7;
	[dreg:$0x0] =	wrdreg $0x0  }
0xaa: {  	s7 =	sshll.u32 s28, $0x1;
	[dreg:$0x2] =	wrdreg s5  }
0xab: {  	[dreg:$0x3] =	wrdreg s7  }
0xac: {  	[dreg:$0x4] =	wrdreg $0xC0  }
0xad: {  	_ =	task [dreg:s9], $0x5FFFF  }
0xae: {  	[dreg:$0x1] =	wrdreg $0xFFFFFFFF  }
0xaf: {  	[dreg:$0x0] =	wrdreg $0x60  }
0xb0: {  	[dreg:$0x2] =	wrdreg s2  }
0xb1: {  	[dreg:$0x3] =	wrdreg s24  }
0xb2: {  	[dreg:$0x4] =	wrdreg s18  }
0xb3: {  	[dreg:$0x5] =	wrdreg s4  }
0xb4: {  	[dreg:$0x6] =	wrdreg $0x9  }
0xb5: {  	_ =	task.clear_ibuf [dreg:s9], $0x7FFFF;
	_ =	strace $0x90000049  }
0xb6: {  	s29 =	simm.s32 $0x9;
	_ =	strace $0x8000004B  }
0xb7: {  	_ =	swait.ge [sflag:s29], $0x1  }
0xb8: {  	[sflag:s29] =	ssyncadd.s32 $0xFFFFFFFF  }
0xb9: {  	_ =	strace $0x9000004B  }
0xba: {  	_ =	sfence  }
0xbb: {  	s30 =	sld [smem:$0x0];
	_ =	sdelay $0x2  }
0xbc: {  	s31 =	sshll.u32 s1, $0xD;
	s1 =	sshrl.u32 s1, $0x2  }
0xbd: {  	s3 =	sand.u32 $0x4000, s31;
	s1 =	sadd.s32 s1, s30  }
0xbe: {  	s0 =	sor.u32 s3, s0;
	s1 =	sshll.u32 s1, $0x11  }
0xbf: {  	s0 =	sor.u32 s1, s0  }
0xc0: {  	s0 =	sadd.s32 $0x8F2B, s0  }
0xc1: {  	[sflag:s0] =	ssyncadd.remote.s32 $0x1  }
0xc2: {  	_ =	sfence.sel $0xFFFF  }
0xc3: {  	[dreg:$0x0] =	wrdreg $0xFFFFFFFF;
	(pc) =	sbr.abs _section_cstart, $3  }
0xc4: {  	[dreg:$0x1] =	wrdreg $0xFFFFFFFF  }
0xc5: {  	_ =	task.clear_ibuf [dreg:s9], $0x2FFFF;
	_ =	strace $0x9FFFFFFF  }
0xc6: {  	(tm) =	ssettm $0x7FFFFFFF  }
0xc7: {  	_ =	shalt  }
tec
execute0_lowered:
.L_overlay_start_1:
0x0: {  	(tag) =	ssettag $0x1  }
0x1: {  	s6 =	rddreg [dreg:$0x0]  }
0x2: {  	s5 =	rddreg [dreg:$0x1]  }
0x3: {  	s1 =	rddreg [dreg:$0x2]  }
0x4: {  	s7 =	rddreg [dreg:$0x3]  }
0x5: {  	s0 =	rddreg [dreg:$0x4];
	s3 =	simm.s32 $0x0;
	s4 =	srdreg.scid  }
0x6: {  	s2 =	stileid.u32;
	s12 =	simm.s32 $0x4440;
	s13 =	simm.s32 $0x1  }
0x7: {  	s14 =	simm.s32 $0x6440;
	s15 =	simm.s32 $0x0;
	[smem:$0x7FF] =	sst s3  }
0x8: {  	s8 =	sand.u32 $0x1, s4;
	s9 =	sshll.u32 s2, $0x7;
	s4 =	sadd.s32 $0x3E000, s5  }
0x9: {  	s5 =	sadd.s32 $0x67A00, s5;
	s10 =	sshll.u32 s8, $0x6;
	s8 =	ssub.s32 $0x2, s8  }
0xa: {  	_ =	strace $0x8000004A;
	s9 =	sor.u32 s10, s9;
	s31 =	sshrl.u32 s8, $0x1  }
0xb: {  	s10 =	simm.s32 $0x40;
	s11 =	sshrl.u32 s9, $0x3;
	s9 =	sshll.u32 s9, $0x4  }
0xc: {  	s8 =	ssub.s32 s8, s31;
	s6 =	sadd.s32 s6, s11;
	s7 =	sadd.s32 s7, s9  }
0xd: {  	s8 =	smax.u32 s8, $0x1;
	s9 =	simm.s32 $0x2;
	s11 =	simm.s32 $0x2240  }
.LBB2_1:
0xe: {  	[tilespmem:s3], [sflag:$0x2] =	stream.linear.gather [hbm4b:s6+s3], $0x40, $0x38;
	[tilespmem:$0x8440] =	vst v63  }
0xf: {  	_ =	swait.ge [sflag:s9], $0x40  }
0x10: {  	[sflag:s9] =	ssyncset.done $0x0  }
0x11: {  	[sflag:s9] =	ssyncadd.s32 $0xFFFFFFC0  }
0x12: {  	[tilespmem:s10], [sflag:$0x1] =	stream.indirect.gather [hbm4b:s4+s10], $0x88, s3, s10, $0xb8;
	[tilespmem:$0x8440] =	vst v63  }
0x13: {  	_ = 	snop  }
0x14: {  	[tilespmem:s11], [sflag:$0x1] =	stream.indirect.gather [hbm4b:s5+s10], $0x88, s3, s10, $0xb8;
	[tilespmem:$0x8440] =	vst v63  }
0x15: {  	_ = 	snop  }
0x16: {  	v0 =	vmov s3;
	[tilespmem:s12], [sflag:$0x1] =	stream.indirect.gather [hbm4b:s1+s10], $0x80, s3, s10, $0xb8;
	[tilespmem:$0x8440] =	vst v63  }
0x17: {  	v0 =	vmul.u32 $0x88, v0;
	_ =	swait.ge [sflag:s13], $0x2200  }
0x18: {  	[sflag:s13] =	ssyncset.done $0x0  }
0x19: {  	v0 =	vadd.s32 $0x80, v0;
	[sflag:s13] =	ssyncadd.s32 $0xFFFFDE00  }
0x1a: {  	v0 =	vbroadcast v0, $0x0;
	_ =	swait.ge [sflag:s13], $0x2200  }
0x1b: {  	[sflag:s13] =	ssyncset.done $0x0  }
0x1c: {  	[sflag:s13] =	ssyncadd.s32 $0xFFFFDE00  }
0x1d: {  	_ =	swait.ge [sflag:s13], $0x2000  }
0x1e: {  	[sflag:s13] =	ssyncset.done $0x0  }
0x1f: {  	[sflag:s13] =	ssyncadd.s32 $0xFFFFE000  }
0x20: {  	v1 =	vld.idx.msk [tilespmem:v0+s10+$0x0], $0xffff  }
0x21: {  	v0 =	vld.idx.msk [tilespmem:v0+s11+$0x0], $0xffff;
	_ =	sdelay $0x4  }
0x22: {  	v0 =	vadd.f32 v0, v1;
	_ =	sdelay $0x1  }
0x23: {  	v0 =	vmax.f32 v0, $1.000000000e+00  }
0x24: {  	(erf) = vrcp.f32 v0  }
0x25: {  	s16 =	simm.s32 $0x80  }
0x26: {  	s17 =	simm.s32 $0x2280;
	v1 =	vld [tilespmem:s16+$0xFFFFFFC0]  }
0x27: {  	v0 =	vld [tilespmem:s17+$0xFFFFFFC0];
	_ =	sdelay $0x2  }
0x28: {  	s18 =	simm.s32 $0x4480  }
0x29: {  	v2 =	vld [tilespmem:s18+$0xFFFFFFC0]  }
0x2a: {  	v1 =	vadd.f32 v0, v1  }
0x2b: {  	v0 =	vpop (erf)  }
0x2c: {  	v1 =	vmul.f32 v0, v1;
	_ =	sdelay $0x1  }
0x2d: {  	v1 =	vadd.f32 v1, v2  }
0x2e: {  	s20 =	simm.s32 $0x6480  }
0x2f: {  	[tilespmem:s20+$0xFFFFFFC0] =	vst v1  }
0x30: {  	v1 =	vld [tilespmem:s16+$0xFFFFFFD0]  }
0x31: {  	v2 =	vld [tilespmem:s17+$0xFFFFFFD0];
	_ =	sdelay $0x3  }
0x32: {  	v3 =	vld [tilespmem:s18+$0xFFFFFFD0]  }
0x33: {  	v1 =	vadd.f32 v2, v1;
	_ =	sdelay $0x1  }
0x34: {  	v1 =	vmul.f32 v1, v0;
	_ =	sdelay $0x1  }
0x35: {  	v1 =	vadd.f32 v1, v3;
	_ =	sdelay $0x1  }
0x36: {  	[tilespmem:s20+$0xFFFFFFD0] =	vst v1  }
0x37: {  	v1 =	vld [tilespmem:s16+$0xFFFFFFE0]  }
0x38: {  	v2 =	vld [tilespmem:s17+$0xFFFFFFE0];
	_ =	sdelay $0x3  }
0x39: {  	v3 =	vld [tilespmem:s18+$0xFFFFFFE0]  }
0x3a: {  	v1 =	vadd.f32 v2, v1;
	_ =	sdelay $0x1  }
0x3b: {  	v1 =	vmul.f32 v1, v0;
	_ =	sdelay $0x1  }
0x3c: {  	v1 =	vadd.f32 v1, v3;
	_ =	sdelay $0x1  }
0x3d: {  	[tilespmem:s20+$0xFFFFFFE0] =	vst v1  }
0x3e: {  	v1 =	vld [tilespmem:s16+$0xFFFFFFF0]  }
0x3f: {  	v2 =	vld [tilespmem:s17+$0xFFFFFFF0];
	_ =	sdelay $0x3  }
0x40: {  	v3 =	vld [tilespmem:s18+$0xFFFFFFF0]  }
0x41: {  	v1 =	vadd.f32 v2, v1;
	_ =	sdelay $0x1  }
0x42: {  	v1 =	vmul.f32 v1, v0;
	_ =	sdelay $0x1  }
0x43: {  	v1 =	vadd.f32 v1, v3;
	_ =	sdelay $0x1  }
0x44: {  	[tilespmem:s20+$0xFFFFFFF0] =	vst v1  }
0x45: {  	v1 =	vld [tilespmem:s16+$0x0]  }
0x46: {  	v2 =	vld [tilespmem:s17+$0x0];
	_ =	sdelay $0x3  }
0x47: {  	v3 =	vld [tilespmem:s18+$0x0]  }
0x48: {  	v1 =	vadd.f32 v2, v1;
	_ =	sdelay $0x1  }
0x49: {  	v1 =	vmul.f32 v1, v0;
	_ =	sdelay $0x1  }
0x4a: {  	v1 =	vadd.f32 v1, v3;
	_ =	sdelay $0x1  }
0x4b: {  	[tilespmem:s20+$0x0] =	vst v1  }
0x4c: {  	v1 =	vld [tilespmem:s16+$0x10]  }
0x4d: {  	v2 =	vld [tilespmem:s17+$0x10];
	_ =	sdelay $0x3  }
0x4e: {  	v3 =	vld [tilespmem:s18+$0x10]  }
0x4f: {  	v1 =	vadd.f32 v2, v1;
	_ =	sdelay $0x1  }
0x50: {  	v1 =	vmul.f32 v1, v0;
	_ =	sdelay $0x1  }
0x51: {  	v1 =	vadd.f32 v1, v3;
	_ =	sdelay $0x1  }
0x52: {  	[tilespmem:s20+$0x10] =	vst v1  }
0x53: {  	v1 =	vld [tilespmem:s16+$0x20]  }
0x54: {  	v2 =	vld [tilespmem:s17+$0x20];
	_ =	sdelay $0x3  }
0x55: {  	v3 =	vld [tilespmem:s18+$0x20]  }
0x56: {  	v1 =	vadd.f32 v2, v1;
	_ =	sdelay $0x1  }
0x57: {  	v1 =	vmul.f32 v1, v0;
	_ =	sdelay $0x1  }
0x58: {  	v1 =	vadd.f32 v1, v3;
	_ =	sdelay $0x1  }
0x59: {  	[tilespmem:s20+$0x20] =	vst v1  }
0x5a: {  	v1 =	vld [tilespmem:s16+$0x30]  }
0x5b: {  	s19 =	simm.s32 $0x1;
	v3 =	vld [tilespmem:s17+$0x30]  }
0x5c: {  	s23 =	simm.s32 $0x2;
	v4 =	vmov s19;
	s19 =	simm.s32 $0x4500;
	v2 =	vld [tilespmem:s18+$0x30];
	s18 =	simm.s32 $0x6500  }
.LBB2_2:
0x5d: {  	s16 =	sadd.s32 $0x88, s16  }
0x5e: {  	v4 =	vmul.u32 $0x88, v4;
	s17 =	sadd.s32 $0x88, s17;
	s22 =	smov.u32 s23;
	s21 =	sadd.s32 $0x1, s23  }
0x5f: {  	p0 =	sne.s32 s23, $0x3F  }
0x60: {  	v4 =	vadd.s32 $0x80, v4  }
0x61: {  	v4 =	vbroadcast v4, $0x0;
	v1 =	vadd.f32 v3, v1;
	_ =	sdelay $0x1  }
0x62: {  	v0 =	vmul.f32 v1, v0;
	_ =	sdelay $0x1  }
0x63: {  	v0 =	vadd.f32 v0, v2;
	_ =	sdelay $0x1  }
0x64: {  	[tilespmem:s20+$0x30] =	vst v0;
	s20 =	smov.u32 s18  }
0x65: {  	v0 =	vld.idx.msk [tilespmem:v4+s10+$0x0], $0xffff  }
0x66: {  	v1 =	vld.idx.msk [tilespmem:v4+s11+$0x0], $0xffff;
	_ =	sdelay $0x5  }
0x67: {  	v0 =	vadd.f32 v1, v0;
	_ =	sdelay $0x1  }
0x68: {  	v0 =	vmax.f32 v0, $1.000000000e+00  }
0x69: {  	(erf) = vrcp.f32 v0;
	_ =	sdelay $0x1  }
0x6a: {  	v0 =	vld [tilespmem:s17+$0xFFFFFFC0]  }
0x6b: {  	v1 =	vld [tilespmem:s16+$0xFFFFFFC0];
	_ =	sdelay $0x3  }
0x6c: {  	v2 =	vld [tilespmem:s19+$0xFFFFFFC0]  }
0x6d: {  	v1 =	vadd.f32 v0, v1  }
0x6e: {  	v0 =	vpop (erf)  }
0x6f: {  	v1 =	vmul.f32 v0, v1;
	_ =	sdelay $0x1  }
0x70: {  	v1 =	vadd.f32 v1, v2;
	_ =	sdelay $0x1  }
0x71: {  	[tilespmem:s18+$0xFFFFFFC0] =	vst v1  }
0x72: {  	v1 =	vld [tilespmem:s16+$0xFFFFFFD0]  }
0x73: {  	v2 =	vld [tilespmem:s17+$0xFFFFFFD0];
	_ =	sdelay $0x3  }
0x74: {  	v3 =	vld [tilespmem:s19+$0xFFFFFFD0]  }
0x75: {  	v1 =	vadd.f32 v2, v1;
	_ =	sdelay $0x1  }
0x76: {  	v1 =	vmul.f32 v1, v0;
	_ =	sdelay $0x1  }
0x77: {  	v1 =	vadd.f32 v1, v3;
	_ =	sdelay $0x1  }
0x78: {  	[tilespmem:s18+$0xFFFFFFD0] =	vst v1  }
0x79: {  	v1 =	vld [tilespmem:s16+$0xFFFFFFE0]  }
0x7a: {  	v2 =	vld [tilespmem:s17+$0xFFFFFFE0];
	_ =	sdelay $0x3  }
0x7b: {  	v3 =	vld [tilespmem:s19+$0xFFFFFFE0]  }
0x7c: {  	v1 =	vadd.f32 v2, v1;
	_ =	sdelay $0x1  }
0x7d: {  	v1 =	vmul.f32 v1, v0;
	_ =	sdelay $0x1  }
0x7e: {  	v1 =	vadd.f32 v1, v3;
	_ =	sdelay $0x1  }
0x7f: {  	[tilespmem:s18+$0xFFFFFFE0] =	vst v1  }
0x80: {  	v1 =	vld [tilespmem:s16+$0xFFFFFFF0]  }
0x81: {  	v2 =	vld [tilespmem:s17+$0xFFFFFFF0];
	_ =	sdelay $0x3  }
0x82: {  	v3 =	vld [tilespmem:s19+$0xFFFFFFF0]  }
0x83: {  	v1 =	vadd.f32 v2, v1;
	_ =	sdelay $0x1  }
0x84: {  	v1 =	vmul.f32 v1, v0;
	_ =	sdelay $0x1  }
0x85: {  	v1 =	vadd.f32 v1, v3;
	_ =	sdelay $0x1  }
0x86: {  	[tilespmem:s18+$0xFFFFFFF0] =	vst v1  }
0x87: {  	v1 =	vld [tilespmem:s16+$0x0]  }
0x88: {  	v2 =	vld [tilespmem:s17+$0x0];
	_ =	sdelay $0x3  }
0x89: {  	v3 =	vld [tilespmem:s19+$0x0]  }
0x8a: {  	v1 =	vadd.f32 v2, v1;
	_ =	sdelay $0x1  }
0x8b: {  	v1 =	vmul.f32 v1, v0;
	_ =	sdelay $0x1  }
0x8c: {  	v1 =	vadd.f32 v1, v3;
	_ =	sdelay $0x1  }
0x8d: {  	[tilespmem:s18+$0x0] =	vst v1  }
0x8e: {  	v1 =	vld [tilespmem:s16+$0x10]  }
0x8f: {  	v2 =	vld [tilespmem:s17+$0x10]  }
0x90: {  	v3 =	vld [tilespmem:s19+$0x10];
	_ =	sdelay $0x3  }
0x91: {  	v1 =	vadd.f32 v2, v1;
	_ =	sdelay $0x1  }
0x92: {  	v1 =	vmul.f32 v1, v0;
	_ =	sdelay $0x1  }
0x93: {  	v1 =	vadd.f32 v1, v3;
	_ =	sdelay $0x1  }
0x94: {  	[tilespmem:s18+$0x10] =	vst v1  }
0x95: {  	v1 =	vld [tilespmem:s16+$0x20]  }
0x96: {  	v2 =	vld [tilespmem:s17+$0x20]  }
0x97: {  	v3 =	vld [tilespmem:s19+$0x20];
	_ =	sdelay $0x3  }
0x98: {  	v1 =	vadd.f32 v2, v1;
	_ =	sdelay $0x1  }
0x99: {  	v1 =	vmul.f32 v1, v0;
	_ =	sdelay $0x1  }
0x9a: {  	v1 =	vadd.f32 v1, v3  }
.Ltmp0:
0x9b: {  	(pc) =	sbr.rel @p0 .LBB2_2-.Ltmp0, $4  }
0x9c: {  	[tilespmem:s18+$0x20] =	vst v1  }
0x9d: {  	v1 =	vld [tilespmem:s16+$0x30]  }
0x9e: {  	v3 =	vld [tilespmem:s17+$0x30]  }
0x9f: {  	s23 =	smov.u32 s21;
	v4 =	vmov s22;
	s18 =	sadd.s32 $0x80, s18;
	v2 =	vld [tilespmem:s19+$0x30];
	s19 =	sadd.s32 $0x80, s19  }
0xa0: {  	_ = 	snop  }
0xa1: {  	v4 =	vmul.u32 $0x88, v4;
	_ =	sdelay $0x1  }
0xa2: {  	v4 =	vadd.s32 $0x80, v4;
	v1 =	vadd.f32 v3, v1  }
0xa3: {  	v44 =	vbroadcast v4, $0x0  }
0xa4: {  	v0 =	vmul.f32 v1, v0;
	_ =	sdelay $0x1  }
0xa5: {  	v0 =	vadd.f32 v0, v2;
	_ =	sdelay $0x1  }
0xa6: {  	[tilespmem:s20+$0x30] =	vst v0  }
0xa7: {  	v0 =	vld.idx.msk [tilespmem:v44+s10+$0x0], $0xffff  }
0xa8: {  	v45 =	vld.idx.msk [tilespmem:v44+s11+$0x0], $0xffff;
	_ =	sdelay $0x4  }
0xa9: {  	v0 =	vadd.f32 v45, v0;
	_ =	sdelay $0x1  }
0xaa: {  	v0 =	vmax.f32 v0, $1.000000000e+00  }
0xab: {  	(erf) = vrcp.f32 v0  }
0xac: {  	s17 =	sadd.s32 $0x88, s17  }
0xad: {  	s16 =	sadd.s32 $0x88, s16;
	v46 =	vld [tilespmem:s17+$0xFFFFFFC0]  }
0xae: {  	v47 =	vld [tilespmem:s16+$0xFFFFFFC0];
	_ =	sdelay $0x3  }
0xaf: {  	v48 =	vld [tilespmem:s19+$0xFFFFFFC0]  }
0xb0: {  	v0 =	vadd.f32 v46, v47  }
0xb1: {  	v49 =	vpop (erf)  }
0xb2: {  	v0 =	vmul.f32 v49, v0;
	_ =	sdelay $0x1  }
0xb3: {  	v0 =	vadd.f32 v0, v48;
	_ =	sdelay $0x1  }
0xb4: {  	[tilespmem:s18+$0xFFFFFFC0] =	vst v0  }
0xb5: {  	v0 =	vld [tilespmem:s16+$0xFFFFFFD0]  }
0xb6: {  	v50 =	vld [tilespmem:s17+$0xFFFFFFD0];
	_ =	sdelay $0x3  }
0xb7: {  	v51 =	vld [tilespmem:s19+$0xFFFFFFD0]  }
0xb8: {  	v0 =	vadd.f32 v50, v0;
	_ =	sdelay $0x1  }
0xb9: {  	v0 =	vmul.f32 v0, v49;
	_ =	sdelay $0x1  }
0xba: {  	v0 =	vadd.f32 v0, v51;
	_ =	sdelay $0x1  }
0xbb: {  	[tilespmem:s18+$0xFFFFFFD0] =	vst v0  }
0xbc: {  	v0 =	vld [tilespmem:s16+$0xFFFFFFE0]  }
0xbd: {  	v52 =	vld [tilespmem:s17+$0xFFFFFFE0];
	_ =	sdelay $0x3  }
0xbe: {  	v53 =	vld [tilespmem:s19+$0xFFFFFFE0]  }
0xbf: {  	v0 =	vadd.f32 v52, v0;
	_ =	sdelay $0x1  }
0xc0: {  	v0 =	vmul.f32 v0, v49;
	_ =	sdelay $0x1  }
0xc1: {  	v0 =	vadd.f32 v0, v53;
	_ =	sdelay $0x1  }
0xc2: {  	[tilespmem:s18+$0xFFFFFFE0] =	vst v0  }
0xc3: {  	v0 =	vld [tilespmem:s16+$0xFFFFFFF0]  }
0xc4: {  	v54 =	vld [tilespmem:s17+$0xFFFFFFF0];
	_ =	sdelay $0x3  }
0xc5: {  	v55 =	vld [tilespmem:s19+$0xFFFFFFF0]  }
0xc6: {  	v0 =	vadd.f32 v54, v0;
	_ =	sdelay $0x1  }
0xc7: {  	v0 =	vmul.f32 v0, v49;
	_ =	sdelay $0x1  }
0xc8: {  	v0 =	vadd.f32 v0, v55;
	_ =	sdelay $0x1  }
0xc9: {  	[tilespmem:s18+$0xFFFFFFF0] =	vst v0  }
0xca: {  	v0 =	vld [tilespmem:s16+$0x0]  }
0xcb: {  	v56 =	vld [tilespmem:s17+$0x0];
	_ =	sdelay $0x3  }
0xcc: {  	v57 =	vld [tilespmem:s19+$0x0]  }
0xcd: {  	v0 =	vadd.f32 v56, v0;
	_ =	sdelay $0x1  }
0xce: {  	v0 =	vmul.f32 v0, v49;
	_ =	sdelay $0x1  }
0xcf: {  	v0 =	vadd.f32 v0, v57;
	_ =	sdelay $0x1  }
0xd0: {  	[tilespmem:s18+$0x0] =	vst v0  }
0xd1: {  	v0 =	vld [tilespmem:s16+$0x10]  }
0xd2: {  	v58 =	vld [tilespmem:s17+$0x10];
	_ =	sdelay $0x3  }
0xd3: {  	v59 =	vld [tilespmem:s19+$0x10]  }
0xd4: {  	v0 =	vadd.f32 v58, v0;
	_ =	sdelay $0x1  }
0xd5: {  	v0 =	vmul.f32 v0, v49;
	_ =	sdelay $0x1  }
0xd6: {  	v0 =	vadd.f32 v0, v59;
	_ =	sdelay $0x1  }
0xd7: {  	[tilespmem:s18+$0x10] =	vst v0  }
0xd8: {  	v0 =	vld [tilespmem:s16+$0x20]  }
0xd9: {  	v60 =	vld [tilespmem:s17+$0x20];
	_ =	sdelay $0x3  }
0xda: {  	v61 =	vld [tilespmem:s19+$0x20]  }
0xdb: {  	v0 =	vadd.f32 v60, v0;
	_ =	sdelay $0x1  }
0xdc: {  	v0 =	vmul.f32 v0, v49;
	_ =	sdelay $0x1  }
0xdd: {  	v0 =	vadd.f32 v0, v61;
	_ =	sdelay $0x1  }
0xde: {  	[tilespmem:s18+$0x20] =	vst v0  }
0xdf: {  	v0 =	vld [tilespmem:s16+$0x30]  }
0xe0: {  	v62 =	vld [tilespmem:s17+$0x30];
	_ =	sdelay $0x3  }
0xe1: {  	v63 =	vld [tilespmem:s19+$0x30]  }
0xe2: {  	v0 =	vadd.f32 v62, v0;
	_ =	sdelay $0x1  }
0xe3: {  	v0 =	vmul.f32 v0, v49;
	_ =	sdelay $0x1  }
0xe4: {  	s15 =	sadd.s32 $0x1, s15;
	v0 =	vadd.f32 v0, v63  }
0xe5: {  	p0 =	sne.s32 s15, s8  }
.Ltmp1:
0xe6: {  	[tilespmem:s18+$0x30] =	vst v0;
	(pc) =	sbr.rel @p0 .LBB2_1-.Ltmp1, $4  }
0xe7: {  	[hbm4b:s7+s3] =	stream.linear.scatter [tilespmem:s14], [sflag:$0x2], $0x2000, $0x38;
	[tilespmem:$0x8440] =	vst v63  }
0xe8: {  	_ =	swait.ge [sflag:s9], $0x2000  }
0xe9: {  	[sflag:s9] =	ssyncset.done $0x0  }
0xea: {  	[sflag:s9] =	ssyncadd.s32 $0xFFFFE000  }
0xeb: {  	_ =	sfence.sel $0x180000  }
0xec: {  	[bflag:$0x0] =	sbarrier.arrive $0xFFFF  }
0xed: {  	p0 =	sne.s32 s2, $0x0;
	_ =	strace $0x9000004A  }
0xee: {  	s0 =	sadd.s32 @!p0 $0x100000, s0;
	[bflag:$0x2] =	sbarrier.arrive $0xFFFF  }
0xef: {  	[sflag:s0] =	ssyncadd.tile.s32 @!p0 $0x1;
	_ =	shalt  }
.Lfunc_end2:
_tile_overlayer_lowered:
.L_overlay_start_2:
0xf0: {  	(tag) =	ssettag $0x2  }
0xf1: {  	s0 =	rddreg [dreg:$0x0];
	s2 =	stileid.u32  }
0xf2: {  	s1 =	rddreg [dreg:$0x1];
	p0 =	sne.s32 s2, $0x0  }
0xf3: {  	s3 =	rddreg [dreg:$0x2];
	[bflag:$0x3] =	sbarrier.arrive $0xFFFF;
	s2 =	simm.s32 @!p0 $0x1C02  }
0xf4: {  	[timem:s3], [sflag:s2] =	dma.local @!p0 [hbm:s0], s1  }
0xf5: {  	s0 =	simm.s32 @!p0 $0x2  }
0xf6: {  	_ =	swait.ge @!p0 [sflag:s0], s1  }
0xf7: {  	s1 =	ssub.s32 @!p0 $0x0, s1;
	[sflag:s0] =	ssyncset.done @!p0 $0x0  }
0xf8: {  	[sflag:s0] =	ssyncadd.s32 @!p0 s1  }
0xf9: {  	[bflag:$0x3] =	sbarrier.arrive $0xFFFF  }
0xfa: {  	_ =	shalt  }

</sc_bundles>
